<compile_context>
chip_gen: v7x
topology: tpu7x:2x2x1
jax: 0.10.2.dev20260603
libtpu: 0.0.44.dev20260713+nightly
codegen_flags: <defaults>
</compile_context>

<pallas_src>
import functools

import jax
import jax.numpy as jnp
from jax import lax
from jax.experimental import pallas as pl
from jax.experimental.pallas import tpu as pltpu
from jax.experimental.pallas import tpu_sc as plsc

N = 10000
D = 128
DH = D // 2
E = 320000
NC = 2
NS = 16
EW = E // NS
CHUNK = 125
NCHUNK = EW // CHUNK
NBUF = 8
ROWS_MAIN = 624
TAIL_BASE = ROWS_MAIN * NS
TAIL = N - TAIL_BASE


def _spmm_body(g_hbm, col_hbm, row_hbm, zeros_hbm, out_hbm,
               colv, ridx, *rest):
    bufs = rest[:NBUF]
    accum = rest[NBUF]
    gsems = rest[NBUF + 1:2 * NBUF + 1]
    rsems = rest[2 * NBUF + 1:3 * NBUF + 1]
    ssems = rest[3 * NBUF + 1:]
    cid = lax.axis_index("c")
    sid = lax.axis_index("s")
    pltpu.sync_copy(col_hbm.at[sid], colv)
    coff = cid * DH

    def gather_copy(chunk, b):
        return pltpu.make_async_copy(
            g_hbm.at[cid].at[colv.at[chunk]], bufs[b], gsems[b])

    def ridx_copy(chunk, b):
        return pltpu.make_async_copy(row_hbm.at[sid, chunk], ridx.at[b],
                                     rsems[b])

    for b in range(NBUF):
        gather_copy(b, b).start()
        ridx_copy(b, b).start()

    pltpu.sync_copy(zeros_hbm.at[pl.ds(0, ROWS_MAIN)],
                    accum.at[pl.ds(sid * ROWS_MAIN, ROWS_MAIN)])

    @pl.when(sid == NS - 1)
    def _zero_tail():
        pltpu.sync_copy(zeros_hbm.at[pl.ds(0, TAIL)],
                        accum.at[pl.ds(TAIL_BASE, TAIL)])

    plsc.subcore_barrier()

    def scatter_wait(b):
        pltpu.make_async_copy(bufs[b], accum.at[ridx.at[b]], ssems[b]).wait()

    def outer_step(jj, carry):
        for b in range(NBUF):
            chunk = jj * NBUF + b
            gather_copy(chunk, b).wait()
            ridx_copy(chunk, b).wait()
            pltpu.async_copy(bufs[b], accum.at[ridx.at[b]], ssems[b],
                             add=True)
            b2 = (b + NBUF - 2) % NBUF
            nxt = chunk + NBUF - 2

            @pl.when(jnp.logical_and(nxt >= NBUF, nxt < NCHUNK))
            def _prefetch():
                scatter_wait(b2)
                gather_copy(nxt, b2).start()
                ridx_copy(nxt, b2).start()

        return carry

    lax.fori_loop(0, NCHUNK // NBUF, outer_step, 0)
    for b in range(NBUF):
        scatter_wait(b)
    plsc.subcore_barrier()
    pltpu.sync_copy(accum.at[pl.ds(sid * ROWS_MAIN, ROWS_MAIN)],
                    out_hbm.at[pl.ds(sid * ROWS_MAIN, ROWS_MAIN),
                               pl.ds(coff, DH)])

    @pl.when(sid == NS - 1)
    def _export_tail():
        pltpu.sync_copy(accum.at[pl.ds(TAIL_BASE, TAIL)],
                        out_hbm.at[pl.ds(TAIL_BASE, TAIL), pl.ds(coff, DH)])


_spmm = pl.kernel(
    _spmm_body,
    mesh=plsc.VectorSubcoreMesh(core_axis_name="c", subcore_axis_name="s"),
    compiler_params=pltpu.CompilerParams(use_tc_tiling_on_sc=False),
    out_type=jax.ShapeDtypeStruct((N, D), jnp.float32),
    scratch_types=(
        [pltpu.VMEM((NCHUNK, CHUNK), jnp.int32),
         pltpu.VMEM((NBUF, CHUNK), jnp.int32)]
        + [pltpu.VMEM((CHUNK, DH), jnp.float32)] * NBUF
        + [pltpu.VMEM_SHARED((N, DH), jnp.float32)]
        + [pltpu.SemaphoreType.DMA] * (3 * NBUF)
    ),
)

RB = 10000
GRID = N // RB


def _combine_body(include_input, p, h, outh, outg, csum):
    hn = jnp.sign(p[...] + h[...])
    outh[...] = hn
    g = jnp.roll(hn, 1, axis=1)
    outg[...] = jnp.stack([g[:, :DH], g[:, DH:]], axis=0)
    part = jnp.sum(hn, axis=0, keepdims=True)
    if include_input:
        part = part + jnp.sum(h[...], axis=0, keepdims=True)

    @pl.when(pl.program_id(0) == 0)
    def _init():
        csum[...] = part

    @pl.when(pl.program_id(0) != 0)
    def _acc():
        csum[...] = csum[...] + part


def _make_combine(include_input):
    return pl.pallas_call(
        functools.partial(_combine_body, include_input),
        grid=(GRID,),
        in_specs=[pl.BlockSpec((RB, D), lambda i: (i, 0))] * 2,
        out_specs=[pl.BlockSpec((RB, D), lambda i: (i, 0)),
                   pl.BlockSpec((NC, RB, DH), lambda i: (0, i, 0)),
                   pl.BlockSpec((1, D), lambda i: (0, 0))],
        out_shape=[jax.ShapeDtypeStruct((N, D), jnp.float32),
                   jax.ShapeDtypeStruct((NC, N, DH), jnp.float32),
                   jax.ShapeDtypeStruct((1, D), jnp.float32)],
    )


_combine_first = _make_combine(True)
_combine_rest = _make_combine(False)


def _combine_last_body(p, h, csum):
    hn = jnp.sign(p[...] + h[...])
    part = jnp.sum(hn, axis=0, keepdims=True)

    @pl.when(pl.program_id(0) == 0)
    def _init():
        csum[...] = part

    @pl.when(pl.program_id(0) != 0)
    def _acc():
        csum[...] = csum[...] + part


_combine_last = pl.pallas_call(
    _combine_last_body,
    grid=(GRID,),
    in_specs=[pl.BlockSpec((RB, D), lambda i: (i, 0))] * 2,
    out_specs=pl.BlockSpec((1, D), lambda i: (0, 0)),
    out_shape=jax.ShapeDtypeStruct((1, D), jnp.float32),
)


def _prep_body(x, outg):
    g = jnp.roll(x[...], 1, axis=1)
    outg[...] = jnp.stack([g[:, :DH], g[:, DH:]], axis=0)


_prep = pl.pallas_call(
    _prep_body,
    grid=(GRID,),
    in_specs=[pl.BlockSpec((RB, D), lambda i: (i, 0))],
    out_specs=pl.BlockSpec((NC, RB, DH), lambda i: (0, i, 0)),
    out_shape=jax.ShapeDtypeStruct((NC, N, DH), jnp.float32),
)


def kernel(x, edge_index):
    row = edge_index[0].reshape(NS, NCHUNK, CHUNK)
    col = edge_index[1].reshape(NS, NCHUNK, CHUNK)
    zeros = jnp.zeros((ROWS_MAIN, DH), jnp.float32)
    g = _prep(x)
    h = x
    total = None
    for layer in range(3):
        p = _spmm(g, col, row, zeros)
        if layer < 2:
            combine = _combine_first if layer == 0 else _combine_rest
            h, g, csum = combine(p, h)
        else:
            csum = _combine_last(p, h)
        total = csum if total is None else total + csum
    return total.reshape(D)

# --- scband reference (transcript-rebuilt; emitter-appended) ---
"""Pipeline reference for scband-graph-cnn-22239340658851 (READ-ONLY COPY).

The authoritative reference and input builder live on the scoring server;
editing this copy changes nothing except your own understanding.
"""

import jax, jax.numpy as jnp
import numpy as np

N_NODES = 10000
N_EDGES = 320000
D_FEAT = 128
NUM_LAYERS = 4
DELTA = 0
EQUATION = 10


def setup_inputs(seed: int = 0) -> dict:
    key = jax.random.key(seed)
    k1, k2 = jax.random.split(key)
    x = jax.random.normal(k1, (N_NODES, D_FEAT), dtype=jnp.float32)
    edge_index = jax.random.randint(k2, (2, N_EDGES), 0, N_NODES, dtype=jnp.int32)
    return {"x": x, "edge_index": edge_index}


def reference(x, edge_index):
    # GraphCNN.forward with num_layers=4, delta=0, equation=10, neighbor_pooling='sum'
    # torch.sparse Adj[row=edge_index[0], col=edge_index[1]] = 1; spmm(Adj, h):
    # out[row] = sum over edges of h[col]  ->  segment_sum of gathered rows.
    row = edge_index[0]
    col = edge_index[1]
    num_nodes = x.shape[0]
    h = x
    hidden_rep = [h]
    for layer in range(NUM_LAYERS - 1):
        # equation == 10 path: roll features by 1 along feature dim, then neighbor-sum
        rotated = jnp.roll(h, shift=1, axis=1)
        gathered = jnp.take(rotated, col, axis=0)
        pooled = jax.ops.segment_sum(gathered, row, num_segments=num_nodes)
        # delta == 0 -> pooled = pooled + h (no HRR binding)
        pooled = pooled + h
        pooled = jnp.sign(pooled)
        h = pooled
        hidden_rep.append(h)
    all_layers_output = jnp.stack(hidden_rep, axis=0)
    return jnp.sum(jnp.sum(all_layers_output, axis=0), axis=0)

if __name__ == "__main__":
    import jax
    _d = setup_inputs()
    print(jax.jit(kernel)(*tuple(_d.values())))

</pallas_src>

<mosaic_0001>
#map = affine_map<(d0, d1) -> (0, 0, 0)>
#map1 = affine_map<(d0, d1) -> (0, 0)>
module attributes {stable_mosaic.version = 14 : i64} {
  func.func @_spmm_body(%arg0: i32, %arg1: i32, %arg2: memref<2x10000x64xf32, #tpu.memory_space<hbm>>, %arg3: memref<16x160x125xi32, #tpu.memory_space<hbm>>, %arg4: memref<16x160x125xi32, #tpu.memory_space<hbm>>, %arg5: memref<624x64xf32, #tpu.memory_space<hbm>>, %arg6: memref<10000x128xf32, #tpu.memory_space<hbm>>, %arg7: memref<160x125xi32, #tpu.memory_space<vmem>>, %arg8: memref<8x125xi32, #tpu.memory_space<vmem>>, %arg9: memref<125x64xf32, #tpu.memory_space<vmem>>, %arg10: memref<125x64xf32, #tpu.memory_space<vmem>>, %arg11: memref<125x64xf32, #tpu.memory_space<vmem>>, %arg12: memref<125x64xf32, #tpu.memory_space<vmem>>, %arg13: memref<125x64xf32, #tpu.memory_space<vmem>>, %arg14: memref<125x64xf32, #tpu.memory_space<vmem>>, %arg15: memref<125x64xf32, #tpu.memory_space<vmem>>, %arg16: memref<125x64xf32, #tpu.memory_space<vmem>>, %arg17: memref<10000x64xf32, #tpu.memory_space<vmem_shared>>, %arg18: memref<!tpu.dma_semaphore, #tpu.memory_space<semaphore_mem>>, %arg19: memref<!tpu.dma_semaphore, #tpu.memory_space<semaphore_mem>>, %arg20: memref<!tpu.dma_semaphore, #tpu.memory_space<semaphore_mem>>, %arg21: memref<!tpu.dma_semaphore, #tpu.memory_space<semaphore_mem>>, %arg22: memref<!tpu.dma_semaphore, #tpu.memory_space<semaphore_mem>>, %arg23: memref<!tpu.dma_semaphore, #tpu.memory_space<semaphore_mem>>, %arg24: memref<!tpu.dma_semaphore, #tpu.memory_space<semaphore_mem>>, %arg25: memref<!tpu.dma_semaphore, #tpu.memory_space<semaphore_mem>>, %arg26: memref<!tpu.dma_semaphore, #tpu.memory_space<semaphore_mem>>, %arg27: memref<!tpu.dma_semaphore, #tpu.memory_space<semaphore_mem>>, %arg28: memref<!tpu.dma_semaphore, #tpu.memory_space<semaphore_mem>>, %arg29: memref<!tpu.dma_semaphore, #tpu.memory_space<semaphore_mem>>, %arg30: memref<!tpu.dma_semaphore, #tpu.memory_space<semaphore_mem>>, %arg31: memref<!tpu.dma_semaphore, #tpu.memory_space<semaphore_mem>>, %arg32: memref<!tpu.dma_semaphore, #tpu.memory_space<semaphore_mem>>, %arg33: memref<!tpu.dma_semaphore, #tpu.memory_space<semaphore_mem>>, %arg34: memref<!tpu.dma_semaphore, #tpu.memory_space<semaphore_mem>>, %arg35: memref<!tpu.dma_semaphore, #tpu.memory_space<semaphore_mem>>, %arg36: memref<!tpu.dma_semaphore, #tpu.memory_space<semaphore_mem>>, %arg37: memref<!tpu.dma_semaphore, #tpu.memory_space<semaphore_mem>>, %arg38: memref<!tpu.dma_semaphore, #tpu.memory_space<semaphore_mem>>, %arg39: memref<!tpu.dma_semaphore, #tpu.memory_space<semaphore_mem>>, %arg40: memref<!tpu.dma_semaphore, #tpu.memory_space<semaphore_mem>>, %arg41: memref<!tpu.dma_semaphore, #tpu.memory_space<semaphore_mem>>) attributes {dimension_semantics = [#tpu.dimension_semantics<core_parallel>, #tpu.dimension_semantics<subcore_parallel>], iteration_bounds = array<i64: 2, 16>, scalar_prefetch = 0 : i64, scratch_operands = 35 : i64, tpu.core_type = #tpu.core_type<sc_vector_subcore>, window_params = [{transform_indices = #map}, {transform_indices = #map}, {transform_indices = #map}, {transform_indices = #map1}, {transform_indices = #map1}]} {
    "tpu.region"() ({
      %run_scoped3A = tpu.sem_alloc : memref<!tpu.dma_semaphore, #tpu.memory_space<semaphore_mem>>
      %dma_start3A_274 = arith.constant 0 : i32
      %dma_start3A_275 = arith.constant 0 : i32
      %dma_start3A_276 = tpu.memref_slice %arg3[%arg1, %dma_start3A_274, %dma_start3A_275] : memref<16x160x125xi32, #tpu.memory_space<hbm>> -> memref<1x160x125xi32, #tpu.memory_space<hbm>>
      %dma_start3A_277 = tpu.memref_squeeze %dma_start3A_276 : memref<1x160x125xi32, #tpu.memory_space<hbm>> -> memref<160x125xi32, #tpu.memory_space<hbm>>
      %dma_start3A_278 = arith.constant 0 : i32
      %dma_start3A_279 = arith.constant 0 : i32
      %dma_start3A_280 = tpu.memref_slice %arg3[%arg1, %dma_start3A_278, %dma_start3A_279] : memref<16x160x125xi32, #tpu.memory_space<hbm>> -> memref<1x160x125xi32, #tpu.memory_space<hbm>>
      %dma_start3A_281 = tpu.memref_squeeze %dma_start3A_280 : memref<1x160x125xi32, #tpu.memory_space<hbm>> -> memref<160x125xi32, #tpu.memory_space<hbm>>
      tpu.enqueue_dma source(%dma_start3A_281 : memref<160x125xi32, #tpu.memory_space<hbm>>) target(%arg7 : memref<160x125xi32, #tpu.memory_space<vmem>>) target_semaphore(%run_scoped3A : memref<!tpu.dma_semaphore, #tpu.memory_space<semaphore_mem>>)
      %dma_wait3A_282 = arith.constant 0 : i32
      %dma_wait3A_283 = arith.constant 0 : i32
      %dma_wait3A_284 = tpu.memref_slice %arg3[%arg1, %dma_wait3A_282, %dma_wait3A_283] : memref<16x160x125xi32, #tpu.memory_space<hbm>> -> memref<1x160x125xi32, #tpu.memory_space<hbm>>
      %dma_wait3A_285 = tpu.memref_squeeze %dma_wait3A_284 : memref<1x160x125xi32, #tpu.memory_space<hbm>> -> memref<160x125xi32, #tpu.memory_space<hbm>>
      %dma_wait3A_286 = arith.constant 0 : i32
      %dma_wait3A_287 = arith.constant 0 : i32
      %dma_wait3A_288 = tpu.memref_slice %arg3[%arg1, %dma_wait3A_286, %dma_wait3A_287] : memref<16x160x125xi32, #tpu.memory_space<hbm>> -> memref<1x160x125xi32, #tpu.memory_space<hbm>>
      %dma_wait3A_289 = tpu.memref_squeeze %dma_wait3A_288 : memref<1x160x125xi32, #tpu.memory_space<hbm>> -> memref<160x125xi32, #tpu.memory_space<hbm>>
      tpu.wait_dma2 semaphore(%run_scoped3A : memref<!tpu.dma_semaphore, #tpu.memory_space<semaphore_mem>>) src(%dma_wait3A_289 : memref<160x125xi32, #tpu.memory_space<hbm>>) dst(%arg7 : memref<160x125xi32, #tpu.memory_space<vmem>>)
      tpu.yield
    }) : () -> ()
    %mul3A = arith.constant 64 : i32
    %mul3A_0 = arith.muli %arg0, %mul3A : i32
    %dma_start3A = arith.constant 0 : i32
    %dma_start3A_1 = arith.constant 0 : i32
    %dma_start3A_2 = tpu.memref_slice %arg7[%dma_start3A, %dma_start3A_1] : memref<160x125xi32, #tpu.memory_space<vmem>> -> memref<1x125xi32, #tpu.memory_space<vmem>>
    %dma_start3A_3 = tpu.memref_squeeze %dma_start3A_2 : memref<1x125xi32, #tpu.memory_space<vmem>> -> memref<125xi32, #tpu.memory_space<vmem>>
    %dma_start3A_4 = arith.constant 0 : i32
    %dma_start3A_5 = arith.constant 0 : i32
    %dma_start3A_6 = tpu.memref_slice %arg2[%arg0, %dma_start3A_4, %dma_start3A_5] : memref<2x10000x64xf32, #tpu.memory_space<hbm>> -> memref<1x10000x64xf32, #tpu.memory_space<hbm>>
    %dma_start3A_7 = tpu.memref_squeeze %dma_start3A_6 : memref<1x10000x64xf32, #tpu.memory_space<hbm>> -> memref<10000x64xf32, #tpu.memory_space<hbm>>
    %dma_start3A_8 = arith.constant 0 : i32
    %dma_start3A_9 = arith.constant 0 : i32
    %dma_start3A_10 = tpu.memref_slice %dma_start3A_7[%dma_start3A_8, %dma_start3A_9] : memref<10000x64xf32, #tpu.memory_space<hbm>> -> memref<10000x64xf32, #tpu.memory_space<hbm>>
    tpu.enqueue_indirect_dma source(%dma_start3A_10 : memref<10000x64xf32, #tpu.memory_space<hbm>>) target(%arg9 : memref<125x64xf32, #tpu.memory_space<vmem>>) offsets(%dma_start3A_3 : memref<125xi32, #tpu.memory_space<vmem>>) semaphore(%arg18 : memref<!tpu.dma_semaphore, #tpu.memory_space<semaphore_mem>>)
    %dma_start3A_11 = arith.constant 0 : i32
    %dma_start3A_12 = arith.constant 0 : i32
    %dma_start3A_13 = arith.constant 0 : i32
    %dma_start3A_14 = tpu.memref_slice %arg8[%dma_start3A_12, %dma_start3A_13] : memref<8x125xi32, #tpu.memory_space<vmem>> -> memref<1x125xi32, #tpu.memory_space<vmem>>
    %dma_start3A_15 = tpu.memref_squeeze %dma_start3A_14 : memref<1x125xi32, #tpu.memory_space<vmem>> -> memref<125xi32, #tpu.memory_space<vmem>>
    %dma_start3A_16 = arith.constant 0 : i32
    %dma_start3A_17 = tpu.memref_slice %arg4[%arg1, %dma_start3A_11, %dma_start3A_16] : memref<16x160x125xi32, #tpu.memory_space<hbm>> -> memref<1x1x125xi32, #tpu.memory_space<hbm>>
    %dma_start3A_18 = tpu.memref_squeeze %dma_start3A_17 : memref<1x1x125xi32, #tpu.memory_space<hbm>> -> memref<125xi32, #tpu.memory_space<hbm>>
    %dma_start3A_19 = arith.constant 0 : i32
    %dma_start3A_20 = tpu.memref_slice %arg8[%dma_start3A_12, %dma_start3A_19] : memref<8x125xi32, #tpu.memory_space<vmem>> -> memref<1x125xi32, #tpu.memory_space<vmem>>
    %dma_start3A_21 = tpu.memref_squeeze %dma_start3A_20 : memref<1x125xi32, #tpu.memory_space<vmem>> -> memref<125xi32, #tpu.memory_space<vmem>>
    %dma_start3A_22 = arith.constant 0 : i32
    %dma_start3A_23 = tpu.memref_slice %arg4[%arg1, %dma_start3A_11, %dma_start3A_22] : memref<16x160x125xi32, #tpu.memory_space<hbm>> -> memref<1x1x125xi32, #tpu.memory_space<hbm>>
    %dma_start3A_24 = tpu.memref_squeeze %dma_start3A_23 : memref<1x1x125xi32, #tpu.memory_space<hbm>> -> memref<125xi32, #tpu.memory_space<hbm>>
    tpu.enqueue_dma source(%dma_start3A_24 : memref<125xi32, #tpu.memory_space<hbm>>) target(%dma_start3A_21 : memref<125xi32, #tpu.memory_space<vmem>>) target_semaphore(%arg26 : memref<!tpu.dma_semaphore, #tpu.memory_space<semaphore_mem>>)
    %dma_start3A_25 = arith.constant 1 : i32
    %dma_start3A_26 = arith.constant 0 : i32
    %dma_start3A_27 = tpu.memref_slice %arg7[%dma_start3A_25, %dma_start3A_26] : memref<160x125xi32, #tpu.memory_space<vmem>> -> memref<1x125xi32, #tpu.memory_space<vmem>>
    %dma_start3A_28 = tpu.memref_squeeze %dma_start3A_27 : memref<1x125xi32, #tpu.memory_space<vmem>> -> memref<125xi32, #tpu.memory_space<vmem>>
    %dma_start3A_29 = arith.constant 0 : i32
    %dma_start3A_30 = arith.constant 0 : i32
    %dma_start3A_31 = tpu.memref_slice %arg2[%arg0, %dma_start3A_29, %dma_start3A_30] : memref<2x10000x64xf32, #tpu.memory_space<hbm>> -> memref<1x10000x64xf32, #tpu.memory_space<hbm>>
    %dma_start3A_32 = tpu.memref_squeeze %dma_start3A_31 : memref<1x10000x64xf32, #tpu.memory_space<hbm>> -> memref<10000x64xf32, #tpu.memory_space<hbm>>
    %dma_start3A_33 = arith.constant 0 : i32
    %dma_start3A_34 = arith.constant 0 : i32
    %dma_start3A_35 = tpu.memref_slice %dma_start3A_32[%dma_start3A_33, %dma_start3A_34] : memref<10000x64xf32, #tpu.memory_space<hbm>> -> memref<10000x64xf32, #tpu.memory_space<hbm>>
    tpu.enqueue_indirect_dma source(%dma_start3A_35 : memref<10000x64xf32, #tpu.memory_space<hbm>>) target(%arg10 : memref<125x64xf32, #tpu.memory_space<vmem>>) offsets(%dma_start3A_28 : memref<125xi32, #tpu.memory_space<vmem>>) semaphore(%arg19 : memref<!tpu.dma_semaphore, #tpu.memory_space<semaphore_mem>>)
    %dma_start3A_36 = arith.constant 1 : i32
    %dma_start3A_37 = arith.constant 1 : i32
    %dma_start3A_38 = arith.constant 0 : i32
    %dma_start3A_39 = tpu.memref_slice %arg8[%dma_start3A_37, %dma_start3A_38] : memref<8x125xi32, #tpu.memory_space<vmem>> -> memref<1x125xi32, #tpu.memory_space<vmem>>
    %dma_start3A_40 = tpu.memref_squeeze %dma_start3A_39 : memref<1x125xi32, #tpu.memory_space<vmem>> -> memref<125xi32, #tpu.memory_space<vmem>>
    %dma_start3A_41 = arith.constant 0 : i32
    %dma_start3A_42 = tpu.memref_slice %arg4[%arg1, %dma_start3A_36, %dma_start3A_41] : memref<16x160x125xi32, #tpu.memory_space<hbm>> -> memref<1x1x125xi32, #tpu.memory_space<hbm>>
    %dma_start3A_43 = tpu.memref_squeeze %dma_start3A_42 : memref<1x1x125xi32, #tpu.memory_space<hbm>> -> memref<125xi32, #tpu.memory_space<hbm>>
    %dma_start3A_44 = arith.constant 0 : i32
    %dma_start3A_45 = tpu.memref_slice %arg8[%dma_start3A_37, %dma_start3A_44] : memref<8x125xi32, #tpu.memory_space<vmem>> -> memref<1x125xi32, #tpu.memory_space<vmem>>
    %dma_start3A_46 = tpu.memref_squeeze %dma_start3A_45 : memref<1x125xi32, #tpu.memory_space<vmem>> -> memref<125xi32, #tpu.memory_space<vmem>>
    %dma_start3A_47 = arith.constant 0 : i32
    %dma_start3A_48 = tpu.memref_slice %arg4[%arg1, %dma_start3A_36, %dma_start3A_47] : memref<16x160x125xi32, #tpu.memory_space<hbm>> -> memref<1x1x125xi32, #tpu.memory_space<hbm>>
    %dma_start3A_49 = tpu.memref_squeeze %dma_start3A_48 : memref<1x1x125xi32, #tpu.memory_space<hbm>> -> memref<125xi32, #tpu.memory_space<hbm>>
    tpu.enqueue_dma source(%dma_start3A_49 : memref<125xi32, #tpu.memory_space<hbm>>) target(%dma_start3A_46 : memref<125xi32, #tpu.memory_space<vmem>>) target_semaphore(%arg27 : memref<!tpu.dma_semaphore, #tpu.memory_space<semaphore_mem>>)
    %dma_start3A_50 = arith.constant 2 : i32
    %dma_start3A_51 = arith.constant 0 : i32
    %dma_start3A_52 = tpu.memref_slice %arg7[%dma_start3A_50, %dma_start3A_51] : memref<160x125xi32, #tpu.memory_space<vmem>> -> memref<1x125xi32, #tpu.memory_space<vmem>>
    %dma_start3A_53 = tpu.memref_squeeze %dma_start3A_52 : memref<1x125xi32, #tpu.memory_space<vmem>> -> memref<125xi32, #tpu.memory_space<vmem>>
    %dma_start3A_54 = arith.constant 0 : i32
    %dma_start3A_55 = arith.constant 0 : i32
    %dma_start3A_56 = tpu.memref_slice %arg2[%arg0, %dma_start3A_54, %dma_start3A_55] : memref<2x10000x64xf32, #tpu.memory_space<hbm>> -> memref<1x10000x64xf32, #tpu.memory_space<hbm>>
    %dma_start3A_57 = tpu.memref_squeeze %dma_start3A_56 : memref<1x10000x64xf32, #tpu.memory_space<hbm>> -> memref<10000x64xf32, #tpu.memory_space<hbm>>
    %dma_start3A_58 = arith.constant 0 : i32
    %dma_start3A_59 = arith.constant 0 : i32
    %dma_start3A_60 = tpu.memref_slice %dma_start3A_57[%dma_start3A_58, %dma_start3A_59] : memref<10000x64xf32, #tpu.memory_space<hbm>> -> memref<10000x64xf32, #tpu.memory_space<hbm>>
    tpu.enqueue_indirect_dma source(%dma_start3A_60 : memref<10000x64xf32, #tpu.memory_space<hbm>>) target(%arg11 : memref<125x64xf32, #tpu.memory_space<vmem>>) offsets(%dma_start3A_53 : memref<125xi32, #tpu.memory_space<vmem>>) semaphore(%arg20 : memref<!tpu.dma_semaphore, #tpu.memory_space<semaphore_mem>>)
    %dma_start3A_61 = arith.constant 2 : i32
    %dma_start3A_62 = arith.constant 2 : i32
    %dma_start3A_63 = arith.constant 0 : i32
    %dma_start3A_64 = tpu.memref_slice %arg8[%dma_start3A_62, %dma_start3A_63] : memref<8x125xi32, #tpu.memory_space<vmem>> -> memref<1x125xi32, #tpu.memory_space<vmem>>
    %dma_start3A_65 = tpu.memref_squeeze %dma_start3A_64 : memref<1x125xi32, #tpu.memory_space<vmem>> -> memref<125xi32, #tpu.memory_space<vmem>>
    %dma_start3A_66 = arith.constant 0 : i32
    %dma_start3A_67 = tpu.memref_slice %arg4[%arg1, %dma_start3A_61, %dma_start3A_66] : memref<16x160x125xi32, #tpu.memory_space<hbm>> -> memref<1x1x125xi32, #tpu.memory_space<hbm>>
    %dma_start3A_68 = tpu.memref_squeeze %dma_start3A_67 : memref<1x1x125xi32, #tpu.memory_space<hbm>> -> memref<125xi32, #tpu.memory_space<hbm>>
    %dma_start3A_69 = arith.constant 0 : i32
    %dma_start3A_70 = tpu.memref_slice %arg8[%dma_start3A_62, %dma_start3A_69] : memref<8x125xi32, #tpu.memory_space<vmem>> -> memref<1x125xi32, #tpu.memory_space<vmem>>
    %dma_start3A_71 = tpu.memref_squeeze %dma_start3A_70 : memref<1x125xi32, #tpu.memory_space<vmem>> -> memref<125xi32, #tpu.memory_space<vmem>>
    %dma_start3A_72 = arith.constant 0 : i32
    %dma_start3A_73 = tpu.memref_slice %arg4[%arg1, %dma_start3A_61, %dma_start3A_72] : memref<16x160x125xi32, #tpu.memory_space<hbm>> -> memref<1x1x125xi32, #tpu.memory_space<hbm>>
    %dma_start3A_74 = tpu.memref_squeeze %dma_start3A_73 : memref<1x1x125xi32, #tpu.memory_space<hbm>> -> memref<125xi32, #tpu.memory_space<hbm>>
    tpu.enqueue_dma source(%dma_start3A_74 : memref<125xi32, #tpu.memory_space<hbm>>) target(%dma_start3A_71 : memref<125xi32, #tpu.memory_space<vmem>>) target_semaphore(%arg28 : memref<!tpu.dma_semaphore, #tpu.memory_space<semaphore_mem>>)
    %dma_start3A_75 = arith.constant 3 : i32
    %dma_start3A_76 = arith.constant 0 : i32
    %dma_start3A_77 = tpu.memref_slice %arg7[%dma_start3A_75, %dma_start3A_76] : memref<160x125xi32, #tpu.memory_space<vmem>> -> memref<1x125xi32, #tpu.memory_space<vmem>>
    %dma_start3A_78 = tpu.memref_squeeze %dma_start3A_77 : memref<1x125xi32, #tpu.memory_space<vmem>> -> memref<125xi32, #tpu.memory_space<vmem>>
    %dma_start3A_79 = arith.constant 0 : i32
    %dma_start3A_80 = arith.constant 0 : i32
    %dma_start3A_81 = tpu.memref_slice %arg2[%arg0, %dma_start3A_79, %dma_start3A_80] : memref<2x10000x64xf32, #tpu.memory_space<hbm>> -> memref<1x10000x64xf32, #tpu.memory_space<hbm>>
    %dma_start3A_82 = tpu.memref_squeeze %dma_start3A_81 : memref<1x10000x64xf32, #tpu.memory_space<hbm>> -> memref<10000x64xf32, #tpu.memory_space<hbm>>
    %dma_start3A_83 = arith.constant 0 : i32
    %dma_start3A_84 = arith.constant 0 : i32
    %dma_start3A_85 = tpu.memref_slice %dma_start3A_82[%dma_start3A_83, %dma_start3A_84] : memref<10000x64xf32, #tpu.memory_space<hbm>> -> memref<10000x64xf32, #tpu.memory_space<hbm>>
    tpu.enqueue_indirect_dma source(%dma_start3A_85 : memref<10000x64xf32, #tpu.memory_space<hbm>>) target(%arg12 : memref<125x64xf32, #tpu.memory_space<vmem>>) offsets(%dma_start3A_78 : memref<125xi32, #tpu.memory_space<vmem>>) semaphore(%arg21 : memref<!tpu.dma_semaphore, #tpu.memory_space<semaphore_mem>>)
    %dma_start3A_86 = arith.constant 3 : i32
    %dma_start3A_87 = arith.constant 3 : i32
    %dma_start3A_88 = arith.constant 0 : i32
    %dma_start3A_89 = tpu.memref_slice %arg8[%dma_start3A_87, %dma_start3A_88] : memref<8x125xi32, #tpu.memory_space<vmem>> -> memref<1x125xi32, #tpu.memory_space<vmem>>
    %dma_start3A_90 = tpu.memref_squeeze %dma_start3A_89 : memref<1x125xi32, #tpu.memory_space<vmem>> -> memref<125xi32, #tpu.memory_space<vmem>>
    %dma_start3A_91 = arith.constant 0 : i32
    %dma_start3A_92 = tpu.memref_slice %arg4[%arg1, %dma_start3A_86, %dma_start3A_91] : memref<16x160x125xi32, #tpu.memory_space<hbm>> -> memref<1x1x125xi32, #tpu.memory_space<hbm>>
    %dma_start3A_93 = tpu.memref_squeeze %dma_start3A_92 : memref<1x1x125xi32, #tpu.memory_space<hbm>> -> memref<125xi32, #tpu.memory_space<hbm>>
    %dma_start3A_94 = arith.constant 0 : i32
    %dma_start3A_95 = tpu.memref_slice %arg8[%dma_start3A_87, %dma_start3A_94] : memref<8x125xi32, #tpu.memory_space<vmem>> -> memref<1x125xi32, #tpu.memory_space<vmem>>
    %dma_start3A_96 = tpu.memref_squeeze %dma_start3A_95 : memref<1x125xi32, #tpu.memory_space<vmem>> -> memref<125xi32, #tpu.memory_space<vmem>>
    %dma_start3A_97 = arith.constant 0 : i32
    %dma_start3A_98 = tpu.memref_slice %arg4[%arg1, %dma_start3A_86, %dma_start3A_97] : memref<16x160x125xi32, #tpu.memory_space<hbm>> -> memref<1x1x125xi32, #tpu.memory_space<hbm>>
    %dma_start3A_99 = tpu.memref_squeeze %dma_start3A_98 : memref<1x1x125xi32, #tpu.memory_space<hbm>> -> memref<125xi32, #tpu.memory_space<hbm>>
    tpu.enqueue_dma source(%dma_start3A_99 : memref<125xi32, #tpu.memory_space<hbm>>) target(%dma_start3A_96 : memref<125xi32, #tpu.memory_space<vmem>>) target_semaphore(%arg29 : memref<!tpu.dma_semaphore, #tpu.memory_space<semaphore_mem>>)
    %dma_start3A_100 = arith.constant 4 : i32
    %dma_start3A_101 = arith.constant 0 : i32
    %dma_start3A_102 = tpu.memref_slice %arg7[%dma_start3A_100, %dma_start3A_101] : memref<160x125xi32, #tpu.memory_space<vmem>> -> memref<1x125xi32, #tpu.memory_space<vmem>>
    %dma_start3A_103 = tpu.memref_squeeze %dma_start3A_102 : memref<1x125xi32, #tpu.memory_space<vmem>> -> memref<125xi32, #tpu.memory_space<vmem>>
    %dma_start3A_104 = arith.constant 0 : i32
    %dma_start3A_105 = arith.constant 0 : i32
    %dma_start3A_106 = tpu.memref_slice %arg2[%arg0, %dma_start3A_104, %dma_start3A_105] : memref<2x10000x64xf32, #tpu.memory_space<hbm>> -> memref<1x10000x64xf32, #tpu.memory_space<hbm>>
    %dma_start3A_107 = tpu.memref_squeeze %dma_start3A_106 : memref<1x10000x64xf32, #tpu.memory_space<hbm>> -> memref<10000x64xf32, #tpu.memory_space<hbm>>
    %dma_start3A_108 = arith.constant 0 : i32
    %dma_start3A_109 = arith.constant 0 : i32
    %dma_start3A_110 = tpu.memref_slice %dma_start3A_107[%dma_start3A_108, %dma_start3A_109] : memref<10000x64xf32, #tpu.memory_space<hbm>> -> memref<10000x64xf32, #tpu.memory_space<hbm>>
    tpu.enqueue_indirect_dma source(%dma_start3A_110 : memref<10000x64xf32, #tpu.memory_space<hbm>>) target(%arg13 : memref<125x64xf32, #tpu.memory_space<vmem>>) offsets(%dma_start3A_103 : memref<125xi32, #tpu.memory_space<vmem>>) semaphore(%arg22 : memref<!tpu.dma_semaphore, #tpu.memory_space<semaphore_mem>>)
    %dma_start3A_111 = arith.constant 4 : i32
    %dma_start3A_112 = arith.constant 4 : i32
    %dma_start3A_113 = arith.constant 0 : i32
    %dma_start3A_114 = tpu.memref_slice %arg8[%dma_start3A_112, %dma_start3A_113] : memref<8x125xi32, #tpu.memory_space<vmem>> -> memref<1x125xi32, #tpu.memory_space<vmem>>
    %dma_start3A_115 = tpu.memref_squeeze %dma_start3A_114 : memref<1x125xi32, #tpu.memory_space<vmem>> -> memref<125xi32, #tpu.memory_space<vmem>>
    %dma_start3A_116 = arith.constant 0 : i32
    %dma_start3A_117 = tpu.memref_slice %arg4[%arg1, %dma_start3A_111, %dma_start3A_116] : memref<16x160x125xi32, #tpu.memory_space<hbm>> -> memref<1x1x125xi32, #tpu.memory_space<hbm>>
    %dma_start3A_118 = tpu.memref_squeeze %dma_start3A_117 : memref<1x1x125xi32, #tpu.memory_space<hbm>> -> memref<125xi32, #tpu.memory_space<hbm>>
    %dma_start3A_119 = arith.constant 0 : i32
    %dma_start3A_120 = tpu.memref_slice %arg8[%dma_start3A_112, %dma_start3A_119] : memref<8x125xi32, #tpu.memory_space<vmem>> -> memref<1x125xi32, #tpu.memory_space<vmem>>
    %dma_start3A_121 = tpu.memref_squeeze %dma_start3A_120 : memref<1x125xi32, #tpu.memory_space<vmem>> -> memref<125xi32, #tpu.memory_space<vmem>>
    %dma_start3A_122 = arith.constant 0 : i32
    %dma_start3A_123 = tpu.memref_slice %arg4[%arg1, %dma_start3A_111, %dma_start3A_122] : memref<16x160x125xi32, #tpu.memory_space<hbm>> -> memref<1x1x125xi32, #tpu.memory_space<hbm>>
    %dma_start3A_124 = tpu.memref_squeeze %dma_start3A_123 : memref<1x1x125xi32, #tpu.memory_space<hbm>> -> memref<125xi32, #tpu.memory_space<hbm>>
    tpu.enqueue_dma source(%dma_start3A_124 : memref<125xi32, #tpu.memory_space<hbm>>) target(%dma_start3A_121 : memref<125xi32, #tpu.memory_space<vmem>>) target_semaphore(%arg30 : memref<!tpu.dma_semaphore, #tpu.memory_space<semaphore_mem>>)
    %dma_start3A_125 = arith.constant 5 : i32
    %dma_start3A_126 = arith.constant 0 : i32
    %dma_start3A_127 = tpu.memref_slice %arg7[%dma_start3A_125, %dma_start3A_126] : memref<160x125xi32, #tpu.memory_space<vmem>> -> memref<1x125xi32, #tpu.memory_space<vmem>>
    %dma_start3A_128 = tpu.memref_squeeze %dma_start3A_127 : memref<1x125xi32, #tpu.memory_space<vmem>> -> memref<125xi32, #tpu.memory_space<vmem>>
    %dma_start3A_129 = arith.constant 0 : i32
    %dma_start3A_130 = arith.constant 0 : i32
    %dma_start3A_131 = tpu.memref_slice %arg2[%arg0, %dma_start3A_129, %dma_start3A_130] : memref<2x10000x64xf32, #tpu.memory_space<hbm>> -> memref<1x10000x64xf32, #tpu.memory_space<hbm>>
    %dma_start3A_132 = tpu.memref_squeeze %dma_start3A_131 : memref<1x10000x64xf32, #tpu.memory_space<hbm>> -> memref<10000x64xf32, #tpu.memory_space<hbm>>
    %dma_start3A_133 = arith.constant 0 : i32
    %dma_start3A_134 = arith.constant 0 : i32
    %dma_start3A_135 = tpu.memref_slice %dma_start3A_132[%dma_start3A_133, %dma_start3A_134] : memref<10000x64xf32, #tpu.memory_space<hbm>> -> memref<10000x64xf32, #tpu.memory_space<hbm>>
    tpu.enqueue_indirect_dma source(%dma_start3A_135 : memref<10000x64xf32, #tpu.memory_space<hbm>>) target(%arg14 : memref<125x64xf32, #tpu.memory_space<vmem>>) offsets(%dma_start3A_128 : memref<125xi32, #tpu.memory_space<vmem>>) semaphore(%arg23 : memref<!tpu.dma_semaphore, #tpu.memory_space<semaphore_mem>>)
    %dma_start3A_136 = arith.constant 5 : i32
    %dma_start3A_137 = arith.constant 5 : i32
    %dma_start3A_138 = arith.constant 0 : i32
    %dma_start3A_139 = tpu.memref_slice %arg8[%dma_start3A_137, %dma_start3A_138] : memref<8x125xi32, #tpu.memory_space<vmem>> -> memref<1x125xi32, #tpu.memory_space<vmem>>
    %dma_start3A_140 = tpu.memref_squeeze %dma_start3A_139 : memref<1x125xi32, #tpu.memory_space<vmem>> -> memref<125xi32, #tpu.memory_space<vmem>>
    %dma_start3A_141 = arith.constant 0 : i32
    %dma_start3A_142 = tpu.memref_slice %arg4[%arg1, %dma_start3A_136, %dma_start3A_141] : memref<16x160x125xi32, #tpu.memory_space<hbm>> -> memref<1x1x125xi32, #tpu.memory_space<hbm>>
    %dma_start3A_143 = tpu.memref_squeeze %dma_start3A_142 : memref<1x1x125xi32, #tpu.memory_space<hbm>> -> memref<125xi32, #tpu.memory_space<hbm>>
    %dma_start3A_144 = arith.constant 0 : i32
    %dma_start3A_145 = tpu.memref_slice %arg8[%dma_start3A_137, %dma_start3A_144] : memref<8x125xi32, #tpu.memory_space<vmem>> -> memref<1x125xi32, #tpu.memory_space<vmem>>
    %dma_start3A_146 = tpu.memref_squeeze %dma_start3A_145 : memref<1x125xi32, #tpu.memory_space<vmem>> -> memref<125xi32, #tpu.memory_space<vmem>>
    %dma_start3A_147 = arith.constant 0 : i32
    %dma_start3A_148 = tpu.memref_slice %arg4[%arg1, %dma_start3A_136, %dma_start3A_147] : memref<16x160x125xi32, #tpu.memory_space<hbm>> -> memref<1x1x125xi32, #tpu.memory_space<hbm>>
    %dma_start3A_149 = tpu.memref_squeeze %dma_start3A_148 : memref<1x1x125xi32, #tpu.memory_space<hbm>> -> memref<125xi32, #tpu.memory_space<hbm>>
    tpu.enqueue_dma source(%dma_start3A_149 : memref<125xi32, #tpu.memory_space<hbm>>) target(%dma_start3A_146 : memref<125xi32, #tpu.memory_space<vmem>>) target_semaphore(%arg31 : memref<!tpu.dma_semaphore, #tpu.memory_space<semaphore_mem>>)
    %dma_start3A_150 = arith.constant 6 : i32
    %dma_start3A_151 = arith.constant 0 : i32
    %dma_start3A_152 = tpu.memref_slice %arg7[%dma_start3A_150, %dma_start3A_151] : memref<160x125xi32, #tpu.memory_space<vmem>> -> memref<1x125xi32, #tpu.memory_space<vmem>>
    %dma_start3A_153 = tpu.memref_squeeze %dma_start3A_152 : memref<1x125xi32, #tpu.memory_space<vmem>> -> memref<125xi32, #tpu.memory_space<vmem>>
    %dma_start3A_154 = arith.constant 0 : i32
    %dma_start3A_155 = arith.constant 0 : i32
    %dma_start3A_156 = tpu.memref_slice %arg2[%arg0, %dma_start3A_154, %dma_start3A_155] : memref<2x10000x64xf32, #tpu.memory_space<hbm>> -> memref<1x10000x64xf32, #tpu.memory_space<hbm>>
    %dma_start3A_157 = tpu.memref_squeeze %dma_start3A_156 : memref<1x10000x64xf32, #tpu.memory_space<hbm>> -> memref<10000x64xf32, #tpu.memory_space<hbm>>
    %dma_start3A_158 = arith.constant 0 : i32
    %dma_start3A_159 = arith.constant 0 : i32
    %dma_start3A_160 = tpu.memref_slice %dma_start3A_157[%dma_start3A_158, %dma_start3A_159] : memref<10000x64xf32, #tpu.memory_space<hbm>> -> memref<10000x64xf32, #tpu.memory_space<hbm>>
    tpu.enqueue_indirect_dma source(%dma_start3A_160 : memref<10000x64xf32, #tpu.memory_space<hbm>>) target(%arg15 : memref<125x64xf32, #tpu.memory_space<vmem>>) offsets(%dma_start3A_153 : memref<125xi32, #tpu.memory_space<vmem>>) semaphore(%arg24 : memref<!tpu.dma_semaphore, #tpu.memory_space<semaphore_mem>>)
    %dma_start3A_161 = arith.constant 6 : i32
    %dma_start3A_162 = arith.constant 6 : i32
    %dma_start3A_163 = arith.constant 0 : i32
    %dma_start3A_164 = tpu.memref_slice %arg8[%dma_start3A_162, %dma_start3A_163] : memref<8x125xi32, #tpu.memory_space<vmem>> -> memref<1x125xi32, #tpu.memory_space<vmem>>
    %dma_start3A_165 = tpu.memref_squeeze %dma_start3A_164 : memref<1x125xi32, #tpu.memory_space<vmem>> -> memref<125xi32, #tpu.memory_space<vmem>>
    %dma_start3A_166 = arith.constant 0 : i32
    %dma_start3A_167 = tpu.memref_slice %arg4[%arg1, %dma_start3A_161, %dma_start3A_166] : memref<16x160x125xi32, #tpu.memory_space<hbm>> -> memref<1x1x125xi32, #tpu.memory_space<hbm>>
    %dma_start3A_168 = tpu.memref_squeeze %dma_start3A_167 : memref<1x1x125xi32, #tpu.memory_space<hbm>> -> memref<125xi32, #tpu.memory_space<hbm>>
    %dma_start3A_169 = arith.constant 0 : i32
    %dma_start3A_170 = tpu.memref_slice %arg8[%dma_start3A_162, %dma_start3A_169] : memref<8x125xi32, #tpu.memory_space<vmem>> -> memref<1x125xi32, #tpu.memory_space<vmem>>
    %dma_start3A_171 = tpu.memref_squeeze %dma_start3A_170 : memref<1x125xi32, #tpu.memory_space<vmem>> -> memref<125xi32, #tpu.memory_space<vmem>>
    %dma_start3A_172 = arith.constant 0 : i32
    %dma_start3A_173 = tpu.memref_slice %arg4[%arg1, %dma_start3A_161, %dma_start3A_172] : memref<16x160x125xi32, #tpu.memory_space<hbm>> -> memref<1x1x125xi32, #tpu.memory_space<hbm>>
    %dma_start3A_174 = tpu.memref_squeeze %dma_start3A_173 : memref<1x1x125xi32, #tpu.memory_space<hbm>> -> memref<125xi32, #tpu.memory_space<hbm>>
    tpu.enqueue_dma source(%dma_start3A_174 : memref<125xi32, #tpu.memory_space<hbm>>) target(%dma_start3A_171 : memref<125xi32, #tpu.memory_space<vmem>>) target_semaphore(%arg32 : memref<!tpu.dma_semaphore, #tpu.memory_space<semaphore_mem>>)
    %dma_start3A_175 = arith.constant 7 : i32
    %dma_start3A_176 = arith.constant 0 : i32
    %dma_start3A_177 = tpu.memref_slice %arg7[%dma_start3A_175, %dma_start3A_176] : memref<160x125xi32, #tpu.memory_space<vmem>> -> memref<1x125xi32, #tpu.memory_space<vmem>>
    %dma_start3A_178 = tpu.memref_squeeze %dma_start3A_177 : memref<1x125xi32, #tpu.memory_space<vmem>> -> memref<125xi32, #tpu.memory_space<vmem>>
    %dma_start3A_179 = arith.constant 0 : i32
    %dma_start3A_180 = arith.constant 0 : i32
    %dma_start3A_181 = tpu.memref_slice %arg2[%arg0, %dma_start3A_179, %dma_start3A_180] : memref<2x10000x64xf32, #tpu.memory_space<hbm>> -> memref<1x10000x64xf32, #tpu.memory_space<hbm>>
    %dma_start3A_182 = tpu.memref_squeeze %dma_start3A_181 : memref<1x10000x64xf32, #tpu.memory_space<hbm>> -> memref<10000x64xf32, #tpu.memory_space<hbm>>
    %dma_start3A_183 = arith.constant 0 : i32
    %dma_start3A_184 = arith.constant 0 : i32
    %dma_start3A_185 = tpu.memref_slice %dma_start3A_182[%dma_start3A_183, %dma_start3A_184] : memref<10000x64xf32, #tpu.memory_space<hbm>> -> memref<10000x64xf32, #tpu.memory_space<hbm>>
    tpu.enqueue_indirect_dma source(%dma_start3A_185 : memref<10000x64xf32, #tpu.memory_space<hbm>>) target(%arg16 : memref<125x64xf32, #tpu.memory_space<vmem>>) offsets(%dma_start3A_178 : memref<125xi32, #tpu.memory_space<vmem>>) semaphore(%arg25 : memref<!tpu.dma_semaphore, #tpu.memory_space<semaphore_mem>>)
    %dma_start3A_186 = arith.constant 7 : i32
    %dma_start3A_187 = arith.constant 7 : i32
    %dma_start3A_188 = arith.constant 0 : i32
    %dma_start3A_189 = tpu.memref_slice %arg8[%dma_start3A_187, %dma_start3A_188] : memref<8x125xi32, #tpu.memory_space<vmem>> -> memref<1x125xi32, #tpu.memory_space<vmem>>
    %dma_start3A_190 = tpu.memref_squeeze %dma_start3A_189 : memref<1x125xi32, #tpu.memory_space<vmem>> -> memref<125xi32, #tpu.memory_space<vmem>>
    %dma_start3A_191 = arith.constant 0 : i32
    %dma_start3A_192 = tpu.memref_slice %arg4[%arg1, %dma_start3A_186, %dma_start3A_191] : memref<16x160x125xi32, #tpu.memory_space<hbm>> -> memref<1x1x125xi32, #tpu.memory_space<hbm>>
    %dma_start3A_193 = tpu.memref_squeeze %dma_start3A_192 : memref<1x1x125xi32, #tpu.memory_space<hbm>> -> memref<125xi32, #tpu.memory_space<hbm>>
    %dma_start3A_194 = arith.constant 0 : i32
    %dma_start3A_195 = tpu.memref_slice %arg8[%dma_start3A_187, %dma_start3A_194] : memref<8x125xi32, #tpu.memory_space<vmem>> -> memref<1x125xi32, #tpu.memory_space<vmem>>
    %dma_start3A_196 = tpu.memref_squeeze %dma_start3A_195 : memref<1x125xi32, #tpu.memory_space<vmem>> -> memref<125xi32, #tpu.memory_space<vmem>>
    %dma_start3A_197 = arith.constant 0 : i32
    %dma_start3A_198 = tpu.memref_slice %arg4[%arg1, %dma_start3A_186, %dma_start3A_197] : memref<16x160x125xi32, #tpu.memory_space<hbm>> -> memref<1x1x125xi32, #tpu.memory_space<hbm>>
    %dma_start3A_199 = tpu.memref_squeeze %dma_start3A_198 : memref<1x1x125xi32, #tpu.memory_space<hbm>> -> memref<125xi32, #tpu.memory_space<hbm>>
    tpu.enqueue_dma source(%dma_start3A_199 : memref<125xi32, #tpu.memory_space<hbm>>) target(%dma_start3A_196 : memref<125xi32, #tpu.memory_space<vmem>>) target_semaphore(%arg33 : memref<!tpu.dma_semaphore, #tpu.memory_space<semaphore_mem>>)
    %mul3A_200 = arith.constant 624 : i32
    %mul3A_201 = arith.muli %arg1, %mul3A_200 : i32
    "tpu.region"() ({
      %run_scoped3A = tpu.sem_alloc : memref<!tpu.dma_semaphore, #tpu.memory_space<semaphore_mem>>
      %dma_start3A_274 = arith.constant 0 : i32
      %dma_start3A_275 = tpu.memref_slice %arg17[%mul3A_201, %dma_start3A_274] : memref<10000x64xf32, #tpu.memory_space<vmem_shared>> -> memref<624x64xf32, #tpu.memory_space<vmem_shared>>
      %dma_start3A_276 = arith.constant 0 : i32
      %dma_start3A_277 = arith.constant 0 : i32
      %dma_start3A_278 = tpu.memref_slice %arg5[%dma_start3A_276, %dma_start3A_277] : memref<624x64xf32, #tpu.memory_space<hbm>> -> memref<624x64xf32, #tpu.memory_space<hbm>>
      tpu.enqueue_dma source(%dma_start3A_278 : memref<624x64xf32, #tpu.memory_space<hbm>>) target(%dma_start3A_275 : memref<624x64xf32, #tpu.memory_space<vmem_shared>>) target_semaphore(%run_scoped3A : memref<!tpu.dma_semaphore, #tpu.memory_space<semaphore_mem>>)
      %dma_wait3A_279 = arith.constant 0 : i32
      %dma_wait3A_280 = tpu.memref_slice %arg17[%mul3A_201, %dma_wait3A_279] : memref<10000x64xf32, #tpu.memory_space<vmem_shared>> -> memref<624x64xf32, #tpu.memory_space<vmem_shared>>
      %dma_wait3A_281 = arith.constant 0 : i32
      %dma_wait3A_282 = arith.constant 0 : i32
      %dma_wait3A_283 = tpu.memref_slice %arg5[%dma_wait3A_281, %dma_wait3A_282] : memref<624x64xf32, #tpu.memory_space<hbm>> -> memref<624x64xf32, #tpu.memory_space<hbm>>
      tpu.wait_dma2 semaphore(%run_scoped3A : memref<!tpu.dma_semaphore, #tpu.memory_space<semaphore_mem>>) src(%dma_wait3A_283 : memref<624x64xf32, #tpu.memory_space<hbm>>) dst(%dma_wait3A_280 : memref<624x64xf32, #tpu.memory_space<vmem_shared>>)
      tpu.yield
    }) : () -> ()
    %eq3A = arith.constant 15 : i32
    %eq3A_202 = arith.cmpi eq, %arg1, %eq3A : i32
    %convert_element_type3A = arith.extui %eq3A_202 : i1 to i32
    %cond3A = arith.constant 0 : i32
    %cond3A_203 = arith.cmpi ne, %convert_element_type3A, %cond3A : i32
    scf.if %cond3A_203 {
      "tpu.region"() ({
        %run_scoped3A = tpu.sem_alloc : memref<!tpu.dma_semaphore, #tpu.memory_space<semaphore_mem>>
        %dma_start3A_274 = arith.constant 9984 : i32
        %dma_start3A_275 = arith.constant 0 : i32
        %dma_start3A_276 = tpu.memref_slice %arg17[%dma_start3A_274, %dma_start3A_275] : memref<10000x64xf32, #tpu.memory_space<vmem_shared>> -> memref<16x64xf32, #tpu.memory_space<vmem_shared>>
        %dma_start3A_277 = arith.constant 0 : i32
        %dma_start3A_278 = arith.constant 0 : i32
        %dma_start3A_279 = tpu.memref_slice %arg5[%dma_start3A_277, %dma_start3A_278] : memref<624x64xf32, #tpu.memory_space<hbm>> -> memref<16x64xf32, #tpu.memory_space<hbm>>
        tpu.enqueue_dma source(%dma_start3A_279 : memref<16x64xf32, #tpu.memory_space<hbm>>) target(%dma_start3A_276 : memref<16x64xf32, #tpu.memory_space<vmem_shared>>) target_semaphore(%run_scoped3A : memref<!tpu.dma_semaphore, #tpu.memory_space<semaphore_mem>>)
        %dma_wait3A_280 = arith.constant 9984 : i32
        %dma_wait3A_281 = arith.constant 0 : i32
        %dma_wait3A_282 = tpu.memref_slice %arg17[%dma_wait3A_280, %dma_wait3A_281] : memref<10000x64xf32, #tpu.memory_space<vmem_shared>> -> memref<16x64xf32, #tpu.memory_space<vmem_shared>>
        %dma_wait3A_283 = arith.constant 0 : i32
        %dma_wait3A_284 = arith.constant 0 : i32
        %dma_wait3A_285 = tpu.memref_slice %arg5[%dma_wait3A_283, %dma_wait3A_284] : memref<624x64xf32, #tpu.memory_space<hbm>> -> memref<16x64xf32, #tpu.memory_space<hbm>>
        tpu.wait_dma2 semaphore(%run_scoped3A : memref<!tpu.dma_semaphore, #tpu.memory_space<semaphore_mem>>) src(%dma_wait3A_285 : memref<16x64xf32, #tpu.memory_space<hbm>>) dst(%dma_wait3A_282 : memref<16x64xf32, #tpu.memory_space<vmem_shared>>)
        tpu.yield
      }) : () -> ()
    } else {
    }
    %barrier3A = arith.constant 0 : index
    tpu.barrier barrier_id(%barrier3A)
    %scan3A = arith.constant 0 : i32
    %scan3A_204 = arith.constant 0 : i32
    %scan3A_205 = arith.constant 20 : i32
    %scan3A_206 = arith.addi %scan3A_204, %scan3A_205 : i32
    %scan3A_207 = arith.constant 1 : i32
    scf.for %scan3A_274 = %scan3A_204 to %scan3A_206 step %scan3A_207  : i32 {
      %mul3A_275 = arith.constant 8 : i32
      %mul3A_276 = arith.muli %scan3A_274, %mul3A_275 : i32
      %add3A = arith.constant 0 : i32
      %add3A_277 = arith.addi %mul3A_276, %add3A : i32
      %dma_wait3A_278 = arith.constant 0 : i32
      %dma_wait3A_279 = tpu.memref_slice %arg7[%add3A_277, %dma_wait3A_278] : memref<160x125xi32, #tpu.memory_space<vmem>> -> memref<1x125xi32, #tpu.memory_space<vmem>>
      %dma_wait3A_280 = tpu.memref_squeeze %dma_wait3A_279 : memref<1x125xi32, #tpu.memory_space<vmem>> -> memref<125xi32, #tpu.memory_space<vmem>>
      %dma_wait3A_281 = arith.constant 0 : i32
      %dma_wait3A_282 = arith.constant 0 : i32
      %dma_wait3A_283 = tpu.memref_slice %arg2[%arg0, %dma_wait3A_281, %dma_wait3A_282] : memref<2x10000x64xf32, #tpu.memory_space<hbm>> -> memref<1x10000x64xf32, #tpu.memory_space<hbm>>
      %dma_wait3A_284 = tpu.memref_squeeze %dma_wait3A_283 : memref<1x10000x64xf32, #tpu.memory_space<hbm>> -> memref<10000x64xf32, #tpu.memory_space<hbm>>
      %dma_wait3A_285 = arith.constant 0 : i32
      %dma_wait3A_286 = arith.constant 0 : i32
      %dma_wait3A_287 = tpu.memref_slice %dma_wait3A_284[%dma_wait3A_285, %dma_wait3A_286] : memref<10000x64xf32, #tpu.memory_space<hbm>> -> memref<10000x64xf32, #tpu.memory_space<hbm>>
      tpu.wait_indirect_dma semaphore(%arg18 : memref<!tpu.dma_semaphore, #tpu.memory_space<semaphore_mem>>) src(%dma_wait3A_287 : memref<10000x64xf32, #tpu.memory_space<hbm>>) dst(%arg9 : memref<125x64xf32, #tpu.memory_space<vmem>>)
      %dma_wait3A_288 = arith.constant 0 : i32
      %dma_wait3A_289 = arith.constant 0 : i32
      %dma_wait3A_290 = tpu.memref_slice %arg8[%dma_wait3A_288, %dma_wait3A_289] : memref<8x125xi32, #tpu.memory_space<vmem>> -> memref<1x125xi32, #tpu.memory_space<vmem>>
      %dma_wait3A_291 = tpu.memref_squeeze %dma_wait3A_290 : memref<1x125xi32, #tpu.memory_space<vmem>> -> memref<125xi32, #tpu.memory_space<vmem>>
      %dma_wait3A_292 = arith.constant 0 : i32
      %dma_wait3A_293 = tpu.memref_slice %arg4[%arg1, %add3A_277, %dma_wait3A_292] : memref<16x160x125xi32, #tpu.memory_space<hbm>> -> memref<1x1x125xi32, #tpu.memory_space<hbm>>
      %dma_wait3A_294 = tpu.memref_squeeze %dma_wait3A_293 : memref<1x1x125xi32, #tpu.memory_space<hbm>> -> memref<125xi32, #tpu.memory_space<hbm>>
      %dma_wait3A_295 = arith.constant 0 : i32
      %dma_wait3A_296 = tpu.memref_slice %arg8[%dma_wait3A_288, %dma_wait3A_295] : memref<8x125xi32, #tpu.memory_space<vmem>> -> memref<1x125xi32, #tpu.memory_space<vmem>>
      %dma_wait3A_297 = tpu.memref_squeeze %dma_wait3A_296 : memref<1x125xi32, #tpu.memory_space<vmem>> -> memref<125xi32, #tpu.memory_space<vmem>>
      %dma_wait3A_298 = arith.constant 0 : i32
      %dma_wait3A_299 = tpu.memref_slice %arg4[%arg1, %add3A_277, %dma_wait3A_298] : memref<16x160x125xi32, #tpu.memory_space<hbm>> -> memref<1x1x125xi32, #tpu.memory_space<hbm>>
      %dma_wait3A_300 = tpu.memref_squeeze %dma_wait3A_299 : memref<1x1x125xi32, #tpu.memory_space<hbm>> -> memref<125xi32, #tpu.memory_space<hbm>>
      tpu.wait_dma2 semaphore(%arg26 : memref<!tpu.dma_semaphore, #tpu.memory_space<semaphore_mem>>) src(%dma_wait3A_300 : memref<125xi32, #tpu.memory_space<hbm>>) dst(%dma_wait3A_297 : memref<125xi32, #tpu.memory_space<vmem>>)
      %dma_start3A_301 = arith.constant 0 : i32
      %dma_start3A_302 = arith.constant 0 : i32
      %dma_start3A_303 = tpu.memref_slice %arg8[%dma_start3A_301, %dma_start3A_302] : memref<8x125xi32, #tpu.memory_space<vmem>> -> memref<1x125xi32, #tpu.memory_space<vmem>>
      %dma_start3A_304 = tpu.memref_squeeze %dma_start3A_303 : memref<1x125xi32, #tpu.memory_space<vmem>> -> memref<125xi32, #tpu.memory_space<vmem>>
      %dma_start3A_305 = arith.constant 0 : i32
      %dma_start3A_306 = arith.constant 0 : i32
      %dma_start3A_307 = tpu.memref_slice %arg17[%dma_start3A_305, %dma_start3A_306] : memref<10000x64xf32, #tpu.memory_space<vmem_shared>> -> memref<10000x64xf32, #tpu.memory_space<vmem_shared>>
      tpu.enqueue_indirect_dma source(%arg9 : memref<125x64xf32, #tpu.memory_space<vmem>>) target(%dma_start3A_307 : memref<10000x64xf32, #tpu.memory_space<vmem_shared>>) offsets(%dma_start3A_304 : memref<125xi32, #tpu.memory_space<vmem>>) semaphore(%arg34 : memref<!tpu.dma_semaphore, #tpu.memory_space<semaphore_mem>>) {add = true}
      %add3A_308 = arith.constant 8 : i32
      %add3A_309 = arith.addi %add3A_277, %add3A_308 : i32
      %sub3A = arith.constant 2 : i32
      %sub3A_310 = arith.subi %add3A_309, %sub3A : i32
      %ge3A = arith.constant 8 : i32
      %ge3A_311 = arith.cmpi sge, %sub3A_310, %ge3A : i32
      %lt3A = arith.constant 160 : i32
      %lt3A_312 = arith.cmpi slt, %sub3A_310, %lt3A : i32
      %and3A = arith.andi %ge3A_311, %lt3A_312 : i1
      %convert_element_type3A_313 = arith.extui %and3A : i1 to i32
      %cond3A_314 = arith.constant 0 : i32
      %cond3A_315 = arith.cmpi ne, %convert_element_type3A_313, %cond3A_314 : i32
      scf.if %cond3A_315 {
        %dma_wait3A_638 = arith.constant 6 : i32
        %dma_wait3A_639 = arith.constant 0 : i32
        %dma_wait3A_640 = tpu.memref_slice %arg8[%dma_wait3A_638, %dma_wait3A_639] : memref<8x125xi32, #tpu.memory_space<vmem>> -> memref<1x125xi32, #tpu.memory_space<vmem>>
        %dma_wait3A_641 = tpu.memref_squeeze %dma_wait3A_640 : memref<1x125xi32, #tpu.memory_space<vmem>> -> memref<125xi32, #tpu.memory_space<vmem>>
        %dma_wait3A_642 = arith.constant 0 : i32
        %dma_wait3A_643 = arith.constant 0 : i32
        %dma_wait3A_644 = tpu.memref_slice %arg17[%dma_wait3A_642, %dma_wait3A_643] : memref<10000x64xf32, #tpu.memory_space<vmem_shared>> -> memref<10000x64xf32, #tpu.memory_space<vmem_shared>>
        tpu.wait_indirect_dma semaphore(%arg40 : memref<!tpu.dma_semaphore, #tpu.memory_space<semaphore_mem>>) src(%arg15 : memref<125x64xf32, #tpu.memory_space<vmem>>) dst(%dma_wait3A_644 : memref<10000x64xf32, #tpu.memory_space<vmem_shared>>)
        %dma_start3A_645 = arith.constant 0 : i32
        %dma_start3A_646 = tpu.memref_slice %arg7[%sub3A_310, %dma_start3A_645] : memref<160x125xi32, #tpu.memory_space<vmem>> -> memref<1x125xi32, #tpu.memory_space<vmem>>
        %dma_start3A_647 = tpu.memref_squeeze %dma_start3A_646 : memref<1x125xi32, #tpu.memory_space<vmem>> -> memref<125xi32, #tpu.memory_space<vmem>>
        %dma_start3A_648 = arith.constant 0 : i32
        %dma_start3A_649 = arith.constant 0 : i32
        %dma_start3A_650 = tpu.memref_slice %arg2[%arg0, %dma_start3A_648, %dma_start3A_649] : memref<2x10000x64xf32, #tpu.memory_space<hbm>> -> memref<1x10000x64xf32, #tpu.memory_space<hbm>>
        %dma_start3A_651 = tpu.memref_squeeze %dma_start3A_650 : memref<1x10000x64xf32, #tpu.memory_space<hbm>> -> memref<10000x64xf32, #tpu.memory_space<hbm>>
        %dma_start3A_652 = arith.constant 0 : i32
        %dma_start3A_653 = arith.constant 0 : i32
        %dma_start3A_654 = tpu.memref_slice %dma_start3A_651[%dma_start3A_652, %dma_start3A_653] : memref<10000x64xf32, #tpu.memory_space<hbm>> -> memref<10000x64xf32, #tpu.memory_space<hbm>>
        tpu.enqueue_indirect_dma source(%dma_start3A_654 : memref<10000x64xf32, #tpu.memory_space<hbm>>) target(%arg15 : memref<125x64xf32, #tpu.memory_space<vmem>>) offsets(%dma_start3A_647 : memref<125xi32, #tpu.memory_space<vmem>>) semaphore(%arg24 : memref<!tpu.dma_semaphore, #tpu.memory_space<semaphore_mem>>)
        %dma_start3A_655 = arith.constant 6 : i32
        %dma_start3A_656 = arith.constant 0 : i32
        %dma_start3A_657 = tpu.memref_slice %arg8[%dma_start3A_655, %dma_start3A_656] : memref<8x125xi32, #tpu.memory_space<vmem>> -> memref<1x125xi32, #tpu.memory_space<vmem>>
        %dma_start3A_658 = tpu.memref_squeeze %dma_start3A_657 : memref<1x125xi32, #tpu.memory_space<vmem>> -> memref<125xi32, #tpu.memory_space<vmem>>
        %dma_start3A_659 = arith.constant 0 : i32
        %dma_start3A_660 = tpu.memref_slice %arg4[%arg1, %sub3A_310, %dma_start3A_659] : memref<16x160x125xi32, #tpu.memory_space<hbm>> -> memref<1x1x125xi32, #tpu.memory_space<hbm>>
        %dma_start3A_661 = tpu.memref_squeeze %dma_start3A_660 : memref<1x1x125xi32, #tpu.memory_space<hbm>> -> memref<125xi32, #tpu.memory_space<hbm>>
        %dma_start3A_662 = arith.constant 0 : i32
        %dma_start3A_663 = tpu.memref_slice %arg8[%dma_start3A_655, %dma_start3A_662] : memref<8x125xi32, #tpu.memory_space<vmem>> -> memref<1x125xi32, #tpu.memory_space<vmem>>
        %dma_start3A_664 = tpu.memref_squeeze %dma_start3A_663 : memref<1x125xi32, #tpu.memory_space<vmem>> -> memref<125xi32, #tpu.memory_space<vmem>>
        %dma_start3A_665 = arith.constant 0 : i32
        %dma_start3A_666 = tpu.memref_slice %arg4[%arg1, %sub3A_310, %dma_start3A_665] : memref<16x160x125xi32, #tpu.memory_space<hbm>> -> memref<1x1x125xi32, #tpu.memory_space<hbm>>
        %dma_start3A_667 = tpu.memref_squeeze %dma_start3A_666 : memref<1x1x125xi32, #tpu.memory_space<hbm>> -> memref<125xi32, #tpu.memory_space<hbm>>
        tpu.enqueue_dma source(%dma_start3A_667 : memref<125xi32, #tpu.memory_space<hbm>>) target(%dma_start3A_664 : memref<125xi32, #tpu.memory_space<vmem>>) target_semaphore(%arg32 : memref<!tpu.dma_semaphore, #tpu.memory_space<semaphore_mem>>)
      } else {
      }
      %mul3A_316 = arith.constant 8 : i32
      %mul3A_317 = arith.muli %scan3A_274, %mul3A_316 : i32
      %add3A_318 = arith.constant 1 : i32
      %add3A_319 = arith.addi %mul3A_317, %add3A_318 : i32
      %dma_wait3A_320 = arith.constant 0 : i32
      %dma_wait3A_321 = tpu.memref_slice %arg7[%add3A_319, %dma_wait3A_320] : memref<160x125xi32, #tpu.memory_space<vmem>> -> memref<1x125xi32, #tpu.memory_space<vmem>>
      %dma_wait3A_322 = tpu.memref_squeeze %dma_wait3A_321 : memref<1x125xi32, #tpu.memory_space<vmem>> -> memref<125xi32, #tpu.memory_space<vmem>>
      %dma_wait3A_323 = arith.constant 0 : i32
      %dma_wait3A_324 = arith.constant 0 : i32
      %dma_wait3A_325 = tpu.memref_slice %arg2[%arg0, %dma_wait3A_323, %dma_wait3A_324] : memref<2x10000x64xf32, #tpu.memory_space<hbm>> -> memref<1x10000x64xf32, #tpu.memory_space<hbm>>
      %dma_wait3A_326 = tpu.memref_squeeze %dma_wait3A_325 : memref<1x10000x64xf32, #tpu.memory_space<hbm>> -> memref<10000x64xf32, #tpu.memory_space<hbm>>
      %dma_wait3A_327 = arith.constant 0 : i32
      %dma_wait3A_328 = arith.constant 0 : i32
      %dma_wait3A_329 = tpu.memref_slice %dma_wait3A_326[%dma_wait3A_327, %dma_wait3A_328] : memref<10000x64xf32, #tpu.memory_space<hbm>> -> memref<10000x64xf32, #tpu.memory_space<hbm>>
      tpu.wait_indirect_dma semaphore(%arg19 : memref<!tpu.dma_semaphore, #tpu.memory_space<semaphore_mem>>) src(%dma_wait3A_329 : memref<10000x64xf32, #tpu.memory_space<hbm>>) dst(%arg10 : memref<125x64xf32, #tpu.memory_space<vmem>>)
      %dma_wait3A_330 = arith.constant 1 : i32
      %dma_wait3A_331 = arith.constant 0 : i32
      %dma_wait3A_332 = tpu.memref_slice %arg8[%dma_wait3A_330, %dma_wait3A_331] : memref<8x125xi32, #tpu.memory_space<vmem>> -> memref<1x125xi32, #tpu.memory_space<vmem>>
      %dma_wait3A_333 = tpu.memref_squeeze %dma_wait3A_332 : memref<1x125xi32, #tpu.memory_space<vmem>> -> memref<125xi32, #tpu.memory_space<vmem>>
      %dma_wait3A_334 = arith.constant 0 : i32
      %dma_wait3A_335 = tpu.memref_slice %arg4[%arg1, %add3A_319, %dma_wait3A_334] : memref<16x160x125xi32, #tpu.memory_space<hbm>> -> memref<1x1x125xi32, #tpu.memory_space<hbm>>
      %dma_wait3A_336 = tpu.memref_squeeze %dma_wait3A_335 : memref<1x1x125xi32, #tpu.memory_space<hbm>> -> memref<125xi32, #tpu.memory_space<hbm>>
      %dma_wait3A_337 = arith.constant 0 : i32
      %dma_wait3A_338 = tpu.memref_slice %arg8[%dma_wait3A_330, %dma_wait3A_337] : memref<8x125xi32, #tpu.memory_space<vmem>> -> memref<1x125xi32, #tpu.memory_space<vmem>>
      %dma_wait3A_339 = tpu.memref_squeeze %dma_wait3A_338 : memref<1x125xi32, #tpu.memory_space<vmem>> -> memref<125xi32, #tpu.memory_space<vmem>>
      %dma_wait3A_340 = arith.constant 0 : i32
      %dma_wait3A_341 = tpu.memref_slice %arg4[%arg1, %add3A_319, %dma_wait3A_340] : memref<16x160x125xi32, #tpu.memory_space<hbm>> -> memref<1x1x125xi32, #tpu.memory_space<hbm>>
      %dma_wait3A_342 = tpu.memref_squeeze %dma_wait3A_341 : memref<1x1x125xi32, #tpu.memory_space<hbm>> -> memref<125xi32, #tpu.memory_space<hbm>>
      tpu.wait_dma2 semaphore(%arg27 : memref<!tpu.dma_semaphore, #tpu.memory_space<semaphore_mem>>) src(%dma_wait3A_342 : memref<125xi32, #tpu.memory_space<hbm>>) dst(%dma_wait3A_339 : memref<125xi32, #tpu.memory_space<vmem>>)
      %dma_start3A_343 = arith.constant 1 : i32
      %dma_start3A_344 = arith.constant 0 : i32
      %dma_start3A_345 = tpu.memref_slice %arg8[%dma_start3A_343, %dma_start3A_344] : memref<8x125xi32, #tpu.memory_space<vmem>> -> memref<1x125xi32, #tpu.memory_space<vmem>>
      %dma_start3A_346 = tpu.memref_squeeze %dma_start3A_345 : memref<1x125xi32, #tpu.memory_space<vmem>> -> memref<125xi32, #tpu.memory_space<vmem>>
      %dma_start3A_347 = arith.constant 0 : i32
      %dma_start3A_348 = arith.constant 0 : i32
      %dma_start3A_349 = tpu.memref_slice %arg17[%dma_start3A_347, %dma_start3A_348] : memref<10000x64xf32, #tpu.memory_space<vmem_shared>> -> memref<10000x64xf32, #tpu.memory_space<vmem_shared>>
      tpu.enqueue_indirect_dma source(%arg10 : memref<125x64xf32, #tpu.memory_space<vmem>>) target(%dma_start3A_349 : memref<10000x64xf32, #tpu.memory_space<vmem_shared>>) offsets(%dma_start3A_346 : memref<125xi32, #tpu.memory_space<vmem>>) semaphore(%arg35 : memref<!tpu.dma_semaphore, #tpu.memory_space<semaphore_mem>>) {add = true}
      %add3A_350 = arith.constant 8 : i32
      %add3A_351 = arith.addi %add3A_319, %add3A_350 : i32
      %sub3A_352 = arith.constant 2 : i32
      %sub3A_353 = arith.subi %add3A_351, %sub3A_352 : i32
      %ge3A_354 = arith.constant 8 : i32
      %ge3A_355 = arith.cmpi sge, %sub3A_353, %ge3A_354 : i32
      %lt3A_356 = arith.constant 160 : i32
      %lt3A_357 = arith.cmpi slt, %sub3A_353, %lt3A_356 : i32
      %and3A_358 = arith.andi %ge3A_355, %lt3A_357 : i1
      %convert_element_type3A_359 = arith.extui %and3A_358 : i1 to i32
      %cond3A_360 = arith.constant 0 : i32
      %cond3A_361 = arith.cmpi ne, %convert_element_type3A_359, %cond3A_360 : i32
      scf.if %cond3A_361 {
        %dma_wait3A_638 = arith.constant 7 : i32
        %dma_wait3A_639 = arith.constant 0 : i32
        %dma_wait3A_640 = tpu.memref_slice %arg8[%dma_wait3A_638, %dma_wait3A_639] : memref<8x125xi32, #tpu.memory_space<vmem>> -> memref<1x125xi32, #tpu.memory_space<vmem>>
        %dma_wait3A_641 = tpu.memref_squeeze %dma_wait3A_640 : memref<1x125xi32, #tpu.memory_space<vmem>> -> memref<125xi32, #tpu.memory_space<vmem>>
        %dma_wait3A_642 = arith.constant 0 : i32
        %dma_wait3A_643 = arith.constant 0 : i32
        %dma_wait3A_644 = tpu.memref_slice %arg17[%dma_wait3A_642, %dma_wait3A_643] : memref<10000x64xf32, #tpu.memory_space<vmem_shared>> -> memref<10000x64xf32, #tpu.memory_space<vmem_shared>>
        tpu.wait_indirect_dma semaphore(%arg41 : memref<!tpu.dma_semaphore, #tpu.memory_space<semaphore_mem>>) src(%arg16 : memref<125x64xf32, #tpu.memory_space<vmem>>) dst(%dma_wait3A_644 : memref<10000x64xf32, #tpu.memory_space<vmem_shared>>)
        %dma_start3A_645 = arith.constant 0 : i32
        %dma_start3A_646 = tpu.memref_slice %arg7[%sub3A_353, %dma_start3A_645] : memref<160x125xi32, #tpu.memory_space<vmem>> -> memref<1x125xi32, #tpu.memory_space<vmem>>
        %dma_start3A_647 = tpu.memref_squeeze %dma_start3A_646 : memref<1x125xi32, #tpu.memory_space<vmem>> -> memref<125xi32, #tpu.memory_space<vmem>>
        %dma_start3A_648 = arith.constant 0 : i32
        %dma_start3A_649 = arith.constant 0 : i32
        %dma_start3A_650 = tpu.memref_slice %arg2[%arg0, %dma_start3A_648, %dma_start3A_649] : memref<2x10000x64xf32, #tpu.memory_space<hbm>> -> memref<1x10000x64xf32, #tpu.memory_space<hbm>>
        %dma_start3A_651 = tpu.memref_squeeze %dma_start3A_650 : memref<1x10000x64xf32, #tpu.memory_space<hbm>> -> memref<10000x64xf32, #tpu.memory_space<hbm>>
        %dma_start3A_652 = arith.constant 0 : i32
        %dma_start3A_653 = arith.constant 0 : i32
        %dma_start3A_654 = tpu.memref_slice %dma_start3A_651[%dma_start3A_652, %dma_start3A_653] : memref<10000x64xf32, #tpu.memory_space<hbm>> -> memref<10000x64xf32, #tpu.memory_space<hbm>>
        tpu.enqueue_indirect_dma source(%dma_start3A_654 : memref<10000x64xf32, #tpu.memory_space<hbm>>) target(%arg16 : memref<125x64xf32, #tpu.memory_space<vmem>>) offsets(%dma_start3A_647 : memref<125xi32, #tpu.memory_space<vmem>>) semaphore(%arg25 : memref<!tpu.dma_semaphore, #tpu.memory_space<semaphore_mem>>)
        %dma_start3A_655 = arith.constant 7 : i32
        %dma_start3A_656 = arith.constant 0 : i32
        %dma_start3A_657 = tpu.memref_slice %arg8[%dma_start3A_655, %dma_start3A_656] : memref<8x125xi32, #tpu.memory_space<vmem>> -> memref<1x125xi32, #tpu.memory_space<vmem>>
        %dma_start3A_658 = tpu.memref_squeeze %dma_start3A_657 : memref<1x125xi32, #tpu.memory_space<vmem>> -> memref<125xi32, #tpu.memory_space<vmem>>
        %dma_start3A_659 = arith.constant 0 : i32
        %dma_start3A_660 = tpu.memref_slice %arg4[%arg1, %sub3A_353, %dma_start3A_659] : memref<16x160x125xi32, #tpu.memory_space<hbm>> -> memref<1x1x125xi32, #tpu.memory_space<hbm>>
        %dma_start3A_661 = tpu.memref_squeeze %dma_start3A_660 : memref<1x1x125xi32, #tpu.memory_space<hbm>> -> memref<125xi32, #tpu.memory_space<hbm>>
        %dma_start3A_662 = arith.constant 0 : i32
        %dma_start3A_663 = tpu.memref_slice %arg8[%dma_start3A_655, %dma_start3A_662] : memref<8x125xi32, #tpu.memory_space<vmem>> -> memref<1x125xi32, #tpu.memory_space<vmem>>
        %dma_start3A_664 = tpu.memref_squeeze %dma_start3A_663 : memref<1x125xi32, #tpu.memory_space<vmem>> -> memref<125xi32, #tpu.memory_space<vmem>>
        %dma_start3A_665 = arith.constant 0 : i32
        %dma_start3A_666 = tpu.memref_slice %arg4[%arg1, %sub3A_353, %dma_start3A_665] : memref<16x160x125xi32, #tpu.memory_space<hbm>> -> memref<1x1x125xi32, #tpu.memory_space<hbm>>
        %dma_start3A_667 = tpu.memref_squeeze %dma_start3A_666 : memref<1x1x125xi32, #tpu.memory_space<hbm>> -> memref<125xi32, #tpu.memory_space<hbm>>
        tpu.enqueue_dma source(%dma_start3A_667 : memref<125xi32, #tpu.memory_space<hbm>>) target(%dma_start3A_664 : memref<125xi32, #tpu.memory_space<vmem>>) target_semaphore(%arg33 : memref<!tpu.dma_semaphore, #tpu.memory_space<semaphore_mem>>)
      } else {
      }
      %mul3A_362 = arith.constant 8 : i32
      %mul3A_363 = arith.muli %scan3A_274, %mul3A_362 : i32
      %add3A_364 = arith.constant 2 : i32
      %add3A_365 = arith.addi %mul3A_363, %add3A_364 : i32
      %dma_wait3A_366 = arith.constant 0 : i32
      %dma_wait3A_367 = tpu.memref_slice %arg7[%add3A_365, %dma_wait3A_366] : memref<160x125xi32, #tpu.memory_space<vmem>> -> memref<1x125xi32, #tpu.memory_space<vmem>>
      %dma_wait3A_368 = tpu.memref_squeeze %dma_wait3A_367 : memref<1x125xi32, #tpu.memory_space<vmem>> -> memref<125xi32, #tpu.memory_space<vmem>>
      %dma_wait3A_369 = arith.constant 0 : i32
      %dma_wait3A_370 = arith.constant 0 : i32
      %dma_wait3A_371 = tpu.memref_slice %arg2[%arg0, %dma_wait3A_369, %dma_wait3A_370] : memref<2x10000x64xf32, #tpu.memory_space<hbm>> -> memref<1x10000x64xf32, #tpu.memory_space<hbm>>
      %dma_wait3A_372 = tpu.memref_squeeze %dma_wait3A_371 : memref<1x10000x64xf32, #tpu.memory_space<hbm>> -> memref<10000x64xf32, #tpu.memory_space<hbm>>
      %dma_wait3A_373 = arith.constant 0 : i32
      %dma_wait3A_374 = arith.constant 0 : i32
      %dma_wait3A_375 = tpu.memref_slice %dma_wait3A_372[%dma_wait3A_373, %dma_wait3A_374] : memref<10000x64xf32, #tpu.memory_space<hbm>> -> memref<10000x64xf32, #tpu.memory_space<hbm>>
      tpu.wait_indirect_dma semaphore(%arg20 : memref<!tpu.dma_semaphore, #tpu.memory_space<semaphore_mem>>) src(%dma_wait3A_375 : memref<10000x64xf32, #tpu.memory_space<hbm>>) dst(%arg11 : memref<125x64xf32, #tpu.memory_space<vmem>>)
      %dma_wait3A_376 = arith.constant 2 : i32
      %dma_wait3A_377 = arith.constant 0 : i32
      %dma_wait3A_378 = tpu.memref_slice %arg8[%dma_wait3A_376, %dma_wait3A_377] : memref<8x125xi32, #tpu.memory_space<vmem>> -> memref<1x125xi32, #tpu.memory_space<vmem>>
      %dma_wait3A_379 = tpu.memref_squeeze %dma_wait3A_378 : memref<1x125xi32, #tpu.memory_space<vmem>> -> memref<125xi32, #tpu.memory_space<vmem>>
      %dma_wait3A_380 = arith.constant 0 : i32
      %dma_wait3A_381 = tpu.memref_slice %arg4[%arg1, %add3A_365, %dma_wait3A_380] : memref<16x160x125xi32, #tpu.memory_space<hbm>> -> memref<1x1x125xi32, #tpu.memory_space<hbm>>
      %dma_wait3A_382 = tpu.memref_squeeze %dma_wait3A_381 : memref<1x1x125xi32, #tpu.memory_space<hbm>> -> memref<125xi32, #tpu.memory_space<hbm>>
      %dma_wait3A_383 = arith.constant 0 : i32
      %dma_wait3A_384 = tpu.memref_slice %arg8[%dma_wait3A_376, %dma_wait3A_383] : memref<8x125xi32, #tpu.memory_space<vmem>> -> memref<1x125xi32, #tpu.memory_space<vmem>>
      %dma_wait3A_385 = tpu.memref_squeeze %dma_wait3A_384 : memref<1x125xi32, #tpu.memory_space<vmem>> -> memref<125xi32, #tpu.memory_space<vmem>>
      %dma_wait3A_386 = arith.constant 0 : i32
      %dma_wait3A_387 = tpu.memref_slice %arg4[%arg1, %add3A_365, %dma_wait3A_386] : memref<16x160x125xi32, #tpu.memory_space<hbm>> -> memref<1x1x125xi32, #tpu.memory_space<hbm>>
      %dma_wait3A_388 = tpu.memref_squeeze %dma_wait3A_387 : memref<1x1x125xi32, #tpu.memory_space<hbm>> -> memref<125xi32, #tpu.memory_space<hbm>>
      tpu.wait_dma2 semaphore(%arg28 : memref<!tpu.dma_semaphore, #tpu.memory_space<semaphore_mem>>) src(%dma_wait3A_388 : memref<125xi32, #tpu.memory_space<hbm>>) dst(%dma_wait3A_385 : memref<125xi32, #tpu.memory_space<vmem>>)
      %dma_start3A_389 = arith.constant 2 : i32
      %dma_start3A_390 = arith.constant 0 : i32
      %dma_start3A_391 = tpu.memref_slice %arg8[%dma_start3A_389, %dma_start3A_390] : memref<8x125xi32, #tpu.memory_space<vmem>> -> memref<1x125xi32, #tpu.memory_space<vmem>>
      %dma_start3A_392 = tpu.memref_squeeze %dma_start3A_391 : memref<1x125xi32, #tpu.memory_space<vmem>> -> memref<125xi32, #tpu.memory_space<vmem>>
      %dma_start3A_393 = arith.constant 0 : i32
      %dma_start3A_394 = arith.constant 0 : i32
      %dma_start3A_395 = tpu.memref_slice %arg17[%dma_start3A_393, %dma_start3A_394] : memref<10000x64xf32, #tpu.memory_space<vmem_shared>> -> memref<10000x64xf32, #tpu.memory_space<vmem_shared>>
      tpu.enqueue_indirect_dma source(%arg11 : memref<125x64xf32, #tpu.memory_space<vmem>>) target(%dma_start3A_395 : memref<10000x64xf32, #tpu.memory_space<vmem_shared>>) offsets(%dma_start3A_392 : memref<125xi32, #tpu.memory_space<vmem>>) semaphore(%arg36 : memref<!tpu.dma_semaphore, #tpu.memory_space<semaphore_mem>>) {add = true}
      %add3A_396 = arith.constant 8 : i32
      %add3A_397 = arith.addi %add3A_365, %add3A_396 : i32
      %sub3A_398 = arith.constant 2 : i32
      %sub3A_399 = arith.subi %add3A_397, %sub3A_398 : i32
      %ge3A_400 = arith.constant 8 : i32
      %ge3A_401 = arith.cmpi sge, %sub3A_399, %ge3A_400 : i32
      %lt3A_402 = arith.constant 160 : i32
      %lt3A_403 = arith.cmpi slt, %sub3A_399, %lt3A_402 : i32
      %and3A_404 = arith.andi %ge3A_401, %lt3A_403 : i1
      %convert_element_type3A_405 = arith.extui %and3A_404 : i1 to i32
      %cond3A_406 = arith.constant 0 : i32
      %cond3A_407 = arith.cmpi ne, %convert_element_type3A_405, %cond3A_406 : i32
      scf.if %cond3A_407 {
        %dma_wait3A_638 = arith.constant 0 : i32
        %dma_wait3A_639 = arith.constant 0 : i32
        %dma_wait3A_640 = tpu.memref_slice %arg8[%dma_wait3A_638, %dma_wait3A_639] : memref<8x125xi32, #tpu.memory_space<vmem>> -> memref<1x125xi32, #tpu.memory_space<vmem>>
        %dma_wait3A_641 = tpu.memref_squeeze %dma_wait3A_640 : memref<1x125xi32, #tpu.memory_space<vmem>> -> memref<125xi32, #tpu.memory_space<vmem>>
        %dma_wait3A_642 = arith.constant 0 : i32
        %dma_wait3A_643 = arith.constant 0 : i32
        %dma_wait3A_644 = tpu.memref_slice %arg17[%dma_wait3A_642, %dma_wait3A_643] : memref<10000x64xf32, #tpu.memory_space<vmem_shared>> -> memref<10000x64xf32, #tpu.memory_space<vmem_shared>>
        tpu.wait_indirect_dma semaphore(%arg34 : memref<!tpu.dma_semaphore, #tpu.memory_space<semaphore_mem>>) src(%arg9 : memref<125x64xf32, #tpu.memory_space<vmem>>) dst(%dma_wait3A_644 : memref<10000x64xf32, #tpu.memory_space<vmem_shared>>)
        %dma_start3A_645 = arith.constant 0 : i32
        %dma_start3A_646 = tpu.memref_slice %arg7[%sub3A_399, %dma_start3A_645] : memref<160x125xi32, #tpu.memory_space<vmem>> -> memref<1x125xi32, #tpu.memory_space<vmem>>
        %dma_start3A_647 = tpu.memref_squeeze %dma_start3A_646 : memref<1x125xi32, #tpu.memory_space<vmem>> -> memref<125xi32, #tpu.memory_space<vmem>>
        %dma_start3A_648 = arith.constant 0 : i32
        %dma_start3A_649 = arith.constant 0 : i32
        %dma_start3A_650 = tpu.memref_slice %arg2[%arg0, %dma_start3A_648, %dma_start3A_649] : memref<2x10000x64xf32, #tpu.memory_space<hbm>> -> memref<1x10000x64xf32, #tpu.memory_space<hbm>>
        %dma_start3A_651 = tpu.memref_squeeze %dma_start3A_650 : memref<1x10000x64xf32, #tpu.memory_space<hbm>> -> memref<10000x64xf32, #tpu.memory_space<hbm>>
        %dma_start3A_652 = arith.constant 0 : i32
        %dma_start3A_653 = arith.constant 0 : i32
        %dma_start3A_654 = tpu.memref_slice %dma_start3A_651[%dma_start3A_652, %dma_start3A_653] : memref<10000x64xf32, #tpu.memory_space<hbm>> -> memref<10000x64xf32, #tpu.memory_space<hbm>>
        tpu.enqueue_indirect_dma source(%dma_start3A_654 : memref<10000x64xf32, #tpu.memory_space<hbm>>) target(%arg9 : memref<125x64xf32, #tpu.memory_space<vmem>>) offsets(%dma_start3A_647 : memref<125xi32, #tpu.memory_space<vmem>>) semaphore(%arg18 : memref<!tpu.dma_semaphore, #tpu.memory_space<semaphore_mem>>)
        %dma_start3A_655 = arith.constant 0 : i32
        %dma_start3A_656 = arith.constant 0 : i32
        %dma_start3A_657 = tpu.memref_slice %arg8[%dma_start3A_655, %dma_start3A_656] : memref<8x125xi32, #tpu.memory_space<vmem>> -> memref<1x125xi32, #tpu.memory_space<vmem>>
        %dma_start3A_658 = tpu.memref_squeeze %dma_start3A_657 : memref<1x125xi32, #tpu.memory_space<vmem>> -> memref<125xi32, #tpu.memory_space<vmem>>
        %dma_start3A_659 = arith.constant 0 : i32
        %dma_start3A_660 = tpu.memref_slice %arg4[%arg1, %sub3A_399, %dma_start3A_659] : memref<16x160x125xi32, #tpu.memory_space<hbm>> -> memref<1x1x125xi32, #tpu.memory_space<hbm>>
        %dma_start3A_661 = tpu.memref_squeeze %dma_start3A_660 : memref<1x1x125xi32, #tpu.memory_space<hbm>> -> memref<125xi32, #tpu.memory_space<hbm>>
        %dma_start3A_662 = arith.constant 0 : i32
        %dma_start3A_663 = tpu.memref_slice %arg8[%dma_start3A_655, %dma_start3A_662] : memref<8x125xi32, #tpu.memory_space<vmem>> -> memref<1x125xi32, #tpu.memory_space<vmem>>
        %dma_start3A_664 = tpu.memref_squeeze %dma_start3A_663 : memref<1x125xi32, #tpu.memory_space<vmem>> -> memref<125xi32, #tpu.memory_space<vmem>>
        %dma_start3A_665 = arith.constant 0 : i32
        %dma_start3A_666 = tpu.memref_slice %arg4[%arg1, %sub3A_399, %dma_start3A_665] : memref<16x160x125xi32, #tpu.memory_space<hbm>> -> memref<1x1x125xi32, #tpu.memory_space<hbm>>
        %dma_start3A_667 = tpu.memref_squeeze %dma_start3A_666 : memref<1x1x125xi32, #tpu.memory_space<hbm>> -> memref<125xi32, #tpu.memory_space<hbm>>
        tpu.enqueue_dma source(%dma_start3A_667 : memref<125xi32, #tpu.memory_space<hbm>>) target(%dma_start3A_664 : memref<125xi32, #tpu.memory_space<vmem>>) target_semaphore(%arg26 : memref<!tpu.dma_semaphore, #tpu.memory_space<semaphore_mem>>)
      } else {
      }
      %mul3A_408 = arith.constant 8 : i32
      %mul3A_409 = arith.muli %scan3A_274, %mul3A_408 : i32
      %add3A_410 = arith.constant 3 : i32
      %add3A_411 = arith.addi %mul3A_409, %add3A_410 : i32
      %dma_wait3A_412 = arith.constant 0 : i32
      %dma_wait3A_413 = tpu.memref_slice %arg7[%add3A_411, %dma_wait3A_412] : memref<160x125xi32, #tpu.memory_space<vmem>> -> memref<1x125xi32, #tpu.memory_space<vmem>>
      %dma_wait3A_414 = tpu.memref_squeeze %dma_wait3A_413 : memref<1x125xi32, #tpu.memory_space<vmem>> -> memref<125xi32, #tpu.memory_space<vmem>>
      %dma_wait3A_415 = arith.constant 0 : i32
      %dma_wait3A_416 = arith.constant 0 : i32
      %dma_wait3A_417 = tpu.memref_slice %arg2[%arg0, %dma_wait3A_415, %dma_wait3A_416] : memref<2x10000x64xf32, #tpu.memory_space<hbm>> -> memref<1x10000x64xf32, #tpu.memory_space<hbm>>
      %dma_wait3A_418 = tpu.memref_squeeze %dma_wait3A_417 : memref<1x10000x64xf32, #tpu.memory_space<hbm>> -> memref<10000x64xf32, #tpu.memory_space<hbm>>
      %dma_wait3A_419 = arith.constant 0 : i32
      %dma_wait3A_420 = arith.constant 0 : i32
      %dma_wait3A_421 = tpu.memref_slice %dma_wait3A_418[%dma_wait3A_419, %dma_wait3A_420] : memref<10000x64xf32, #tpu.memory_space<hbm>> -> memref<10000x64xf32, #tpu.memory_space<hbm>>
      tpu.wait_indirect_dma semaphore(%arg21 : memref<!tpu.dma_semaphore, #tpu.memory_space<semaphore_mem>>) src(%dma_wait3A_421 : memref<10000x64xf32, #tpu.memory_space<hbm>>) dst(%arg12 : memref<125x64xf32, #tpu.memory_space<vmem>>)
      %dma_wait3A_422 = arith.constant 3 : i32
      %dma_wait3A_423 = arith.constant 0 : i32
      %dma_wait3A_424 = tpu.memref_slice %arg8[%dma_wait3A_422, %dma_wait3A_423] : memref<8x125xi32, #tpu.memory_space<vmem>> -> memref<1x125xi32, #tpu.memory_space<vmem>>
      %dma_wait3A_425 = tpu.memref_squeeze %dma_wait3A_424 : memref<1x125xi32, #tpu.memory_space<vmem>> -> memref<125xi32, #tpu.memory_space<vmem>>
      %dma_wait3A_426 = arith.constant 0 : i32
      %dma_wait3A_427 = tpu.memref_slice %arg4[%arg1, %add3A_411, %dma_wait3A_426] : memref<16x160x125xi32, #tpu.memory_space<hbm>> -> memref<1x1x125xi32, #tpu.memory_space<hbm>>
      %dma_wait3A_428 = tpu.memref_squeeze %dma_wait3A_427 : memref<1x1x125xi32, #tpu.memory_space<hbm>> -> memref<125xi32, #tpu.memory_space<hbm>>
      %dma_wait3A_429 = arith.constant 0 : i32
      %dma_wait3A_430 = tpu.memref_slice %arg8[%dma_wait3A_422, %dma_wait3A_429] : memref<8x125xi32, #tpu.memory_space<vmem>> -> memref<1x125xi32, #tpu.memory_space<vmem>>
      %dma_wait3A_431 = tpu.memref_squeeze %dma_wait3A_430 : memref<1x125xi32, #tpu.memory_space<vmem>> -> memref<125xi32, #tpu.memory_space<vmem>>
      %dma_wait3A_432 = arith.constant 0 : i32
      %dma_wait3A_433 = tpu.memref_slice %arg4[%arg1, %add3A_411, %dma_wait3A_432] : memref<16x160x125xi32, #tpu.memory_space<hbm>> -> memref<1x1x125xi32, #tpu.memory_space<hbm>>
      %dma_wait3A_434 = tpu.memref_squeeze %dma_wait3A_433 : memref<1x1x125xi32, #tpu.memory_space<hbm>> -> memref<125xi32, #tpu.memory_space<hbm>>
      tpu.wait_dma2 semaphore(%arg29 : memref<!tpu.dma_semaphore, #tpu.memory_space<semaphore_mem>>) src(%dma_wait3A_434 : memref<125xi32, #tpu.memory_space<hbm>>) dst(%dma_wait3A_431 : memref<125xi32, #tpu.memory_space<vmem>>)
      %dma_start3A_435 = arith.constant 3 : i32
      %dma_start3A_436 = arith.constant 0 : i32
      %dma_start3A_437 = tpu.memref_slice %arg8[%dma_start3A_435, %dma_start3A_436] : memref<8x125xi32, #tpu.memory_space<vmem>> -> memref<1x125xi32, #tpu.memory_space<vmem>>
      %dma_start3A_438 = tpu.memref_squeeze %dma_start3A_437 : memref<1x125xi32, #tpu.memory_space<vmem>> -> memref<125xi32, #tpu.memory_space<vmem>>
      %dma_start3A_439 = arith.constant 0 : i32
      %dma_start3A_440 = arith.constant 0 : i32
      %dma_start3A_441 = tpu.memref_slice %arg17[%dma_start3A_439, %dma_start3A_440] : memref<10000x64xf32, #tpu.memory_space<vmem_shared>> -> memref<10000x64xf32, #tpu.memory_space<vmem_shared>>
      tpu.enqueue_indirect_dma source(%arg12 : memref<125x64xf32, #tpu.memory_space<vmem>>) target(%dma_start3A_441 : memref<10000x64xf32, #tpu.memory_space<vmem_shared>>) offsets(%dma_start3A_438 : memref<125xi32, #tpu.memory_space<vmem>>) semaphore(%arg37 : memref<!tpu.dma_semaphore, #tpu.memory_space<semaphore_mem>>) {add = true}
      %add3A_442 = arith.constant 8 : i32
      %add3A_443 = arith.addi %add3A_411, %add3A_442 : i32
      %sub3A_444 = arith.constant 2 : i32
      %sub3A_445 = arith.subi %add3A_443, %sub3A_444 : i32
      %ge3A_446 = arith.constant 8 : i32
      %ge3A_447 = arith.cmpi sge, %sub3A_445, %ge3A_446 : i32
      %lt3A_448 = arith.constant 160 : i32
      %lt3A_449 = arith.cmpi slt, %sub3A_445, %lt3A_448 : i32
      %and3A_450 = arith.andi %ge3A_447, %lt3A_449 : i1
      %convert_element_type3A_451 = arith.extui %and3A_450 : i1 to i32
      %cond3A_452 = arith.constant 0 : i32
      %cond3A_453 = arith.cmpi ne, %convert_element_type3A_451, %cond3A_452 : i32
      scf.if %cond3A_453 {
        %dma_wait3A_638 = arith.constant 1 : i32
        %dma_wait3A_639 = arith.constant 0 : i32
        %dma_wait3A_640 = tpu.memref_slice %arg8[%dma_wait3A_638, %dma_wait3A_639] : memref<8x125xi32, #tpu.memory_space<vmem>> -> memref<1x125xi32, #tpu.memory_space<vmem>>
        %dma_wait3A_641 = tpu.memref_squeeze %dma_wait3A_640 : memref<1x125xi32, #tpu.memory_space<vmem>> -> memref<125xi32, #tpu.memory_space<vmem>>
        %dma_wait3A_642 = arith.constant 0 : i32
        %dma_wait3A_643 = arith.constant 0 : i32
        %dma_wait3A_644 = tpu.memref_slice %arg17[%dma_wait3A_642, %dma_wait3A_643] : memref<10000x64xf32, #tpu.memory_space<vmem_shared>> -> memref<10000x64xf32, #tpu.memory_space<vmem_shared>>
        tpu.wait_indirect_dma semaphore(%arg35 : memref<!tpu.dma_semaphore, #tpu.memory_space<semaphore_mem>>) src(%arg10 : memref<125x64xf32, #tpu.memory_space<vmem>>) dst(%dma_wait3A_644 : memref<10000x64xf32, #tpu.memory_space<vmem_shared>>)
        %dma_start3A_645 = arith.constant 0 : i32
        %dma_start3A_646 = tpu.memref_slice %arg7[%sub3A_445, %dma_start3A_645] : memref<160x125xi32, #tpu.memory_space<vmem>> -> memref<1x125xi32, #tpu.memory_space<vmem>>
        %dma_start3A_647 = tpu.memref_squeeze %dma_start3A_646 : memref<1x125xi32, #tpu.memory_space<vmem>> -> memref<125xi32, #tpu.memory_space<vmem>>
        %dma_start3A_648 = arith.constant 0 : i32
        %dma_start3A_649 = arith.constant 0 : i32
        %dma_start3A_650 = tpu.memref_slice %arg2[%arg0, %dma_start3A_648, %dma_start3A_649] : memref<2x10000x64xf32, #tpu.memory_space<hbm>> -> memref<1x10000x64xf32, #tpu.memory_space<hbm>>
        %dma_start3A_651 = tpu.memref_squeeze %dma_start3A_650 : memref<1x10000x64xf32, #tpu.memory_space<hbm>> -> memref<10000x64xf32, #tpu.memory_space<hbm>>
        %dma_start3A_652 = arith.constant 0 : i32
        %dma_start3A_653 = arith.constant 0 : i32
        %dma_start3A_654 = tpu.memref_slice %dma_start3A_651[%dma_start3A_652, %dma_start3A_653] : memref<10000x64xf32, #tpu.memory_space<hbm>> -> memref<10000x64xf32, #tpu.memory_space<hbm>>
        tpu.enqueue_indirect_dma source(%dma_start3A_654 : memref<10000x64xf32, #tpu.memory_space<hbm>>) target(%arg10 : memref<125x64xf32, #tpu.memory_space<vmem>>) offsets(%dma_start3A_647 : memref<125xi32, #tpu.memory_space<vmem>>) semaphore(%arg19 : memref<!tpu.dma_semaphore, #tpu.memory_space<semaphore_mem>>)
        %dma_start3A_655 = arith.constant 1 : i32
        %dma_start3A_656 = arith.constant 0 : i32
        %dma_start3A_657 = tpu.memref_slice %arg8[%dma_start3A_655, %dma_start3A_656] : memref<8x125xi32, #tpu.memory_space<vmem>> -> memref<1x125xi32, #tpu.memory_space<vmem>>
        %dma_start3A_658 = tpu.memref_squeeze %dma_start3A_657 : memref<1x125xi32, #tpu.memory_space<vmem>> -> memref<125xi32, #tpu.memory_space<vmem>>
        %dma_start3A_659 = arith.constant 0 : i32
        %dma_start3A_660 = tpu.memref_slice %arg4[%arg1, %sub3A_445, %dma_start3A_659] : memref<16x160x125xi32, #tpu.memory_space<hbm>> -> memref<1x1x125xi32, #tpu.memory_space<hbm>>
        %dma_start3A_661 = tpu.memref_squeeze %dma_start3A_660 : memref<1x1x125xi32, #tpu.memory_space<hbm>> -> memref<125xi32, #tpu.memory_space<hbm>>
        %dma_start3A_662 = arith.constant 0 : i32
        %dma_start3A_663 = tpu.memref_slice %arg8[%dma_start3A_655, %dma_start3A_662] : memref<8x125xi32, #tpu.memory_space<vmem>> -> memref<1x125xi32, #tpu.memory_space<vmem>>
        %dma_start3A_664 = tpu.memref_squeeze %dma_start3A_663 : memref<1x125xi32, #tpu.memory_space<vmem>> -> memref<125xi32, #tpu.memory_space<vmem>>
        %dma_start3A_665 = arith.constant 0 : i32
        %dma_start3A_666 = tpu.memref_slice %arg4[%arg1, %sub3A_445, %dma_start3A_665] : memref<16x160x125xi32, #tpu.memory_space<hbm>> -> memref<1x1x125xi32, #tpu.memory_space<hbm>>
        %dma_start3A_667 = tpu.memref_squeeze %dma_start3A_666 : memref<1x1x125xi32, #tpu.memory_space<hbm>> -> memref<125xi32, #tpu.memory_space<hbm>>
        tpu.enqueue_dma source(%dma_start3A_667 : memref<125xi32, #tpu.memory_space<hbm>>) target(%dma_start3A_664 : memref<125xi32, #tpu.memory_space<vmem>>) target_semaphore(%arg27 : memref<!tpu.dma_semaphore, #tpu.memory_space<semaphore_mem>>)
      } else {
      }
      %mul3A_454 = arith.constant 8 : i32
      %mul3A_455 = arith.muli %scan3A_274, %mul3A_454 : i32
      %add3A_456 = arith.constant 4 : i32
      %add3A_457 = arith.addi %mul3A_455, %add3A_456 : i32
      %dma_wait3A_458 = arith.constant 0 : i32
      %dma_wait3A_459 = tpu.memref_slice %arg7[%add3A_457, %dma_wait3A_458] : memref<160x125xi32, #tpu.memory_space<vmem>> -> memref<1x125xi32, #tpu.memory_space<vmem>>
      %dma_wait3A_460 = tpu.memref_squeeze %dma_wait3A_459 : memref<1x125xi32, #tpu.memory_space<vmem>> -> memref<125xi32, #tpu.memory_space<vmem>>
      %dma_wait3A_461 = arith.constant 0 : i32
      %dma_wait3A_462 = arith.constant 0 : i32
      %dma_wait3A_463 = tpu.memref_slice %arg2[%arg0, %dma_wait3A_461, %dma_wait3A_462] : memref<2x10000x64xf32, #tpu.memory_space<hbm>> -> memref<1x10000x64xf32, #tpu.memory_space<hbm>>
      %dma_wait3A_464 = tpu.memref_squeeze %dma_wait3A_463 : memref<1x10000x64xf32, #tpu.memory_space<hbm>> -> memref<10000x64xf32, #tpu.memory_space<hbm>>
      %dma_wait3A_465 = arith.constant 0 : i32
      %dma_wait3A_466 = arith.constant 0 : i32
      %dma_wait3A_467 = tpu.memref_slice %dma_wait3A_464[%dma_wait3A_465, %dma_wait3A_466] : memref<10000x64xf32, #tpu.memory_space<hbm>> -> memref<10000x64xf32, #tpu.memory_space<hbm>>
      tpu.wait_indirect_dma semaphore(%arg22 : memref<!tpu.dma_semaphore, #tpu.memory_space<semaphore_mem>>) src(%dma_wait3A_467 : memref<10000x64xf32, #tpu.memory_space<hbm>>) dst(%arg13 : memref<125x64xf32, #tpu.memory_space<vmem>>)
      %dma_wait3A_468 = arith.constant 4 : i32
      %dma_wait3A_469 = arith.constant 0 : i32
      %dma_wait3A_470 = tpu.memref_slice %arg8[%dma_wait3A_468, %dma_wait3A_469] : memref<8x125xi32, #tpu.memory_space<vmem>> -> memref<1x125xi32, #tpu.memory_space<vmem>>
      %dma_wait3A_471 = tpu.memref_squeeze %dma_wait3A_470 : memref<1x125xi32, #tpu.memory_space<vmem>> -> memref<125xi32, #tpu.memory_space<vmem>>
      %dma_wait3A_472 = arith.constant 0 : i32
      %dma_wait3A_473 = tpu.memref_slice %arg4[%arg1, %add3A_457, %dma_wait3A_472] : memref<16x160x125xi32, #tpu.memory_space<hbm>> -> memref<1x1x125xi32, #tpu.memory_space<hbm>>
      %dma_wait3A_474 = tpu.memref_squeeze %dma_wait3A_473 : memref<1x1x125xi32, #tpu.memory_space<hbm>> -> memref<125xi32, #tpu.memory_space<hbm>>
      %dma_wait3A_475 = arith.constant 0 : i32
      %dma_wait3A_476 = tpu.memref_slice %arg8[%dma_wait3A_468, %dma_wait3A_475] : memref<8x125xi32, #tpu.memory_space<vmem>> -> memref<1x125xi32, #tpu.memory_space<vmem>>
      %dma_wait3A_477 = tpu.memref_squeeze %dma_wait3A_476 : memref<1x125xi32, #tpu.memory_space<vmem>> -> memref<125xi32, #tpu.memory_space<vmem>>
      %dma_wait3A_478 = arith.constant 0 : i32
      %dma_wait3A_479 = tpu.memref_slice %arg4[%arg1, %add3A_457, %dma_wait3A_478] : memref<16x160x125xi32, #tpu.memory_space<hbm>> -> memref<1x1x125xi32, #tpu.memory_space<hbm>>
      %dma_wait3A_480 = tpu.memref_squeeze %dma_wait3A_479 : memref<1x1x125xi32, #tpu.memory_space<hbm>> -> memref<125xi32, #tpu.memory_space<hbm>>
      tpu.wait_dma2 semaphore(%arg30 : memref<!tpu.dma_semaphore, #tpu.memory_space<semaphore_mem>>) src(%dma_wait3A_480 : memref<125xi32, #tpu.memory_space<hbm>>) dst(%dma_wait3A_477 : memref<125xi32, #tpu.memory_space<vmem>>)
      %dma_start3A_481 = arith.constant 4 : i32
      %dma_start3A_482 = arith.constant 0 : i32
      %dma_start3A_483 = tpu.memref_slice %arg8[%dma_start3A_481, %dma_start3A_482] : memref<8x125xi32, #tpu.memory_space<vmem>> -> memref<1x125xi32, #tpu.memory_space<vmem>>
      %dma_start3A_484 = tpu.memref_squeeze %dma_start3A_483 : memref<1x125xi32, #tpu.memory_space<vmem>> -> memref<125xi32, #tpu.memory_space<vmem>>
      %dma_start3A_485 = arith.constant 0 : i32
      %dma_start3A_486 = arith.constant 0 : i32
      %dma_start3A_487 = tpu.memref_slice %arg17[%dma_start3A_485, %dma_start3A_486] : memref<10000x64xf32, #tpu.memory_space<vmem_shared>> -> memref<10000x64xf32, #tpu.memory_space<vmem_shared>>
      tpu.enqueue_indirect_dma source(%arg13 : memref<125x64xf32, #tpu.memory_space<vmem>>) target(%dma_start3A_487 : memref<10000x64xf32, #tpu.memory_space<vmem_shared>>) offsets(%dma_start3A_484 : memref<125xi32, #tpu.memory_space<vmem>>) semaphore(%arg38 : memref<!tpu.dma_semaphore, #tpu.memory_space<semaphore_mem>>) {add = true}
      %add3A_488 = arith.constant 8 : i32
      %add3A_489 = arith.addi %add3A_457, %add3A_488 : i32
      %sub3A_490 = arith.constant 2 : i32
      %sub3A_491 = arith.subi %add3A_489, %sub3A_490 : i32
      %ge3A_492 = arith.constant 8 : i32
      %ge3A_493 = arith.cmpi sge, %sub3A_491, %ge3A_492 : i32
      %lt3A_494 = arith.constant 160 : i32
      %lt3A_495 = arith.cmpi slt, %sub3A_491, %lt3A_494 : i32
      %and3A_496 = arith.andi %ge3A_493, %lt3A_495 : i1
      %convert_element_type3A_497 = arith.extui %and3A_496 : i1 to i32
      %cond3A_498 = arith.constant 0 : i32
      %cond3A_499 = arith.cmpi ne, %convert_element_type3A_497, %cond3A_498 : i32
      scf.if %cond3A_499 {
        %dma_wait3A_638 = arith.constant 2 : i32
        %dma_wait3A_639 = arith.constant 0 : i32
        %dma_wait3A_640 = tpu.memref_slice %arg8[%dma_wait3A_638, %dma_wait3A_639] : memref<8x125xi32, #tpu.memory_space<vmem>> -> memref<1x125xi32, #tpu.memory_space<vmem>>
        %dma_wait3A_641 = tpu.memref_squeeze %dma_wait3A_640 : memref<1x125xi32, #tpu.memory_space<vmem>> -> memref<125xi32, #tpu.memory_space<vmem>>
        %dma_wait3A_642 = arith.constant 0 : i32
        %dma_wait3A_643 = arith.constant 0 : i32
        %dma_wait3A_644 = tpu.memref_slice %arg17[%dma_wait3A_642, %dma_wait3A_643] : memref<10000x64xf32, #tpu.memory_space<vmem_shared>> -> memref<10000x64xf32, #tpu.memory_space<vmem_shared>>
        tpu.wait_indirect_dma semaphore(%arg36 : memref<!tpu.dma_semaphore, #tpu.memory_space<semaphore_mem>>) src(%arg11 : memref<125x64xf32, #tpu.memory_space<vmem>>) dst(%dma_wait3A_644 : memref<10000x64xf32, #tpu.memory_space<vmem_shared>>)
        %dma_start3A_645 = arith.constant 0 : i32
        %dma_start3A_646 = tpu.memref_slice %arg7[%sub3A_491, %dma_start3A_645] : memref<160x125xi32, #tpu.memory_space<vmem>> -> memref<1x125xi32, #tpu.memory_space<vmem>>
        %dma_start3A_647 = tpu.memref_squeeze %dma_start3A_646 : memref<1x125xi32, #tpu.memory_space<vmem>> -> memref<125xi32, #tpu.memory_space<vmem>>
        %dma_start3A_648 = arith.constant 0 : i32
        %dma_start3A_649 = arith.constant 0 : i32
        %dma_start3A_650 = tpu.memref_slice %arg2[%arg0, %dma_start3A_648, %dma_start3A_649] : memref<2x10000x64xf32, #tpu.memory_space<hbm>> -> memref<1x10000x64xf32, #tpu.memory_space<hbm>>
        %dma_start3A_651 = tpu.memref_squeeze %dma_start3A_650 : memref<1x10000x64xf32, #tpu.memory_space<hbm>> -> memref<10000x64xf32, #tpu.memory_space<hbm>>
        %dma_start3A_652 = arith.constant 0 : i32
        %dma_start3A_653 = arith.constant 0 : i32
        %dma_start3A_654 = tpu.memref_slice %dma_start3A_651[%dma_start3A_652, %dma_start3A_653] : memref<10000x64xf32, #tpu.memory_space<hbm>> -> memref<10000x64xf32, #tpu.memory_space<hbm>>
        tpu.enqueue_indirect_dma source(%dma_start3A_654 : memref<10000x64xf32, #tpu.memory_space<hbm>>) target(%arg11 : memref<125x64xf32, #tpu.memory_space<vmem>>) offsets(%dma_start3A_647 : memref<125xi32, #tpu.memory_space<vmem>>) semaphore(%arg20 : memref<!tpu.dma_semaphore, #tpu.memory_space<semaphore_mem>>)
        %dma_start3A_655 = arith.constant 2 : i32
        %dma_start3A_656 = arith.constant 0 : i32
        %dma_start3A_657 = tpu.memref_slice %arg8[%dma_start3A_655, %dma_start3A_656] : memref<8x125xi32, #tpu.memory_space<vmem>> -> memref<1x125xi32, #tpu.memory_space<vmem>>
        %dma_start3A_658 = tpu.memref_squeeze %dma_start3A_657 : memref<1x125xi32, #tpu.memory_space<vmem>> -> memref<125xi32, #tpu.memory_space<vmem>>
        %dma_start3A_659 = arith.constant 0 : i32
        %dma_start3A_660 = tpu.memref_slice %arg4[%arg1, %sub3A_491, %dma_start3A_659] : memref<16x160x125xi32, #tpu.memory_space<hbm>> -> memref<1x1x125xi32, #tpu.memory_space<hbm>>
        %dma_start3A_661 = tpu.memref_squeeze %dma_start3A_660 : memref<1x1x125xi32, #tpu.memory_space<hbm>> -> memref<125xi32, #tpu.memory_space<hbm>>
        %dma_start3A_662 = arith.constant 0 : i32
        %dma_start3A_663 = tpu.memref_slice %arg8[%dma_start3A_655, %dma_start3A_662] : memref<8x125xi32, #tpu.memory_space<vmem>> -> memref<1x125xi32, #tpu.memory_space<vmem>>
        %dma_start3A_664 = tpu.memref_squeeze %dma_start3A_663 : memref<1x125xi32, #tpu.memory_space<vmem>> -> memref<125xi32, #tpu.memory_space<vmem>>
        %dma_start3A_665 = arith.constant 0 : i32
        %dma_start3A_666 = tpu.memref_slice %arg4[%arg1, %sub3A_491, %dma_start3A_665] : memref<16x160x125xi32, #tpu.memory_space<hbm>> -> memref<1x1x125xi32, #tpu.memory_space<hbm>>
        %dma_start3A_667 = tpu.memref_squeeze %dma_start3A_666 : memref<1x1x125xi32, #tpu.memory_space<hbm>> -> memref<125xi32, #tpu.memory_space<hbm>>
        tpu.enqueue_dma source(%dma_start3A_667 : memref<125xi32, #tpu.memory_space<hbm>>) target(%dma_start3A_664 : memref<125xi32, #tpu.memory_space<vmem>>) target_semaphore(%arg28 : memref<!tpu.dma_semaphore, #tpu.memory_space<semaphore_mem>>)
      } else {
      }
      %mul3A_500 = arith.constant 8 : i32
      %mul3A_501 = arith.muli %scan3A_274, %mul3A_500 : i32
      %add3A_502 = arith.constant 5 : i32
      %add3A_503 = arith.addi %mul3A_501, %add3A_502 : i32
      %dma_wait3A_504 = arith.constant 0 : i32
      %dma_wait3A_505 = tpu.memref_slice %arg7[%add3A_503, %dma_wait3A_504] : memref<160x125xi32, #tpu.memory_space<vmem>> -> memref<1x125xi32, #tpu.memory_space<vmem>>
      %dma_wait3A_506 = tpu.memref_squeeze %dma_wait3A_505 : memref<1x125xi32, #tpu.memory_space<vmem>> -> memref<125xi32, #tpu.memory_space<vmem>>
      %dma_wait3A_507 = arith.constant 0 : i32
      %dma_wait3A_508 = arith.constant 0 : i32
      %dma_wait3A_509 = tpu.memref_slice %arg2[%arg0, %dma_wait3A_507, %dma_wait3A_508] : memref<2x10000x64xf32, #tpu.memory_space<hbm>> -> memref<1x10000x64xf32, #tpu.memory_space<hbm>>
      %dma_wait3A_510 = tpu.memref_squeeze %dma_wait3A_509 : memref<1x10000x64xf32, #tpu.memory_space<hbm>> -> memref<10000x64xf32, #tpu.memory_space<hbm>>
      %dma_wait3A_511 = arith.constant 0 : i32
      %dma_wait3A_512 = arith.constant 0 : i32
      %dma_wait3A_513 = tpu.memref_slice %dma_wait3A_510[%dma_wait3A_511, %dma_wait3A_512] : memref<10000x64xf32, #tpu.memory_space<hbm>> -> memref<10000x64xf32, #tpu.memory_space<hbm>>
      tpu.wait_indirect_dma semaphore(%arg23 : memref<!tpu.dma_semaphore, #tpu.memory_space<semaphore_mem>>) src(%dma_wait3A_513 : memref<10000x64xf32, #tpu.memory_space<hbm>>) dst(%arg14 : memref<125x64xf32, #tpu.memory_space<vmem>>)
      %dma_wait3A_514 = arith.constant 5 : i32
      %dma_wait3A_515 = arith.constant 0 : i32
      %dma_wait3A_516 = tpu.memref_slice %arg8[%dma_wait3A_514, %dma_wait3A_515] : memref<8x125xi32, #tpu.memory_space<vmem>> -> memref<1x125xi32, #tpu.memory_space<vmem>>
      %dma_wait3A_517 = tpu.memref_squeeze %dma_wait3A_516 : memref<1x125xi32, #tpu.memory_space<vmem>> -> memref<125xi32, #tpu.memory_space<vmem>>
      %dma_wait3A_518 = arith.constant 0 : i32
      %dma_wait3A_519 = tpu.memref_slice %arg4[%arg1, %add3A_503, %dma_wait3A_518] : memref<16x160x125xi32, #tpu.memory_space<hbm>> -> memref<1x1x125xi32, #tpu.memory_space<hbm>>
      %dma_wait3A_520 = tpu.memref_squeeze %dma_wait3A_519 : memref<1x1x125xi32, #tpu.memory_space<hbm>> -> memref<125xi32, #tpu.memory_space<hbm>>
      %dma_wait3A_521 = arith.constant 0 : i32
      %dma_wait3A_522 = tpu.memref_slice %arg8[%dma_wait3A_514, %dma_wait3A_521] : memref<8x125xi32, #tpu.memory_space<vmem>> -> memref<1x125xi32, #tpu.memory_space<vmem>>
      %dma_wait3A_523 = tpu.memref_squeeze %dma_wait3A_522 : memref<1x125xi32, #tpu.memory_space<vmem>> -> memref<125xi32, #tpu.memory_space<vmem>>
      %dma_wait3A_524 = arith.constant 0 : i32
      %dma_wait3A_525 = tpu.memref_slice %arg4[%arg1, %add3A_503, %dma_wait3A_524] : memref<16x160x125xi32, #tpu.memory_space<hbm>> -> memref<1x1x125xi32, #tpu.memory_space<hbm>>
      %dma_wait3A_526 = tpu.memref_squeeze %dma_wait3A_525 : memref<1x1x125xi32, #tpu.memory_space<hbm>> -> memref<125xi32, #tpu.memory_space<hbm>>
      tpu.wait_dma2 semaphore(%arg31 : memref<!tpu.dma_semaphore, #tpu.memory_space<semaphore_mem>>) src(%dma_wait3A_526 : memref<125xi32, #tpu.memory_space<hbm>>) dst(%dma_wait3A_523 : memref<125xi32, #tpu.memory_space<vmem>>)
      %dma_start3A_527 = arith.constant 5 : i32
      %dma_start3A_528 = arith.constant 0 : i32
      %dma_start3A_529 = tpu.memref_slice %arg8[%dma_start3A_527, %dma_start3A_528] : memref<8x125xi32, #tpu.memory_space<vmem>> -> memref<1x125xi32, #tpu.memory_space<vmem>>
      %dma_start3A_530 = tpu.memref_squeeze %dma_start3A_529 : memref<1x125xi32, #tpu.memory_space<vmem>> -> memref<125xi32, #tpu.memory_space<vmem>>
      %dma_start3A_531 = arith.constant 0 : i32
      %dma_start3A_532 = arith.constant 0 : i32
      %dma_start3A_533 = tpu.memref_slice %arg17[%dma_start3A_531, %dma_start3A_532] : memref<10000x64xf32, #tpu.memory_space<vmem_shared>> -> memref<10000x64xf32, #tpu.memory_space<vmem_shared>>
      tpu.enqueue_indirect_dma source(%arg14 : memref<125x64xf32, #tpu.memory_space<vmem>>) target(%dma_start3A_533 : memref<10000x64xf32, #tpu.memory_space<vmem_shared>>) offsets(%dma_start3A_530 : memref<125xi32, #tpu.memory_space<vmem>>) semaphore(%arg39 : memref<!tpu.dma_semaphore, #tpu.memory_space<semaphore_mem>>) {add = true}
      %add3A_534 = arith.constant 8 : i32
      %add3A_535 = arith.addi %add3A_503, %add3A_534 : i32
      %sub3A_536 = arith.constant 2 : i32
      %sub3A_537 = arith.subi %add3A_535, %sub3A_536 : i32
      %ge3A_538 = arith.constant 8 : i32
      %ge3A_539 = arith.cmpi sge, %sub3A_537, %ge3A_538 : i32
      %lt3A_540 = arith.constant 160 : i32
      %lt3A_541 = arith.cmpi slt, %sub3A_537, %lt3A_540 : i32
      %and3A_542 = arith.andi %ge3A_539, %lt3A_541 : i1
      %convert_element_type3A_543 = arith.extui %and3A_542 : i1 to i32
      %cond3A_544 = arith.constant 0 : i32
      %cond3A_545 = arith.cmpi ne, %convert_element_type3A_543, %cond3A_544 : i32
      scf.if %cond3A_545 {
        %dma_wait3A_638 = arith.constant 3 : i32
        %dma_wait3A_639 = arith.constant 0 : i32
        %dma_wait3A_640 = tpu.memref_slice %arg8[%dma_wait3A_638, %dma_wait3A_639] : memref<8x125xi32, #tpu.memory_space<vmem>> -> memref<1x125xi32, #tpu.memory_space<vmem>>
        %dma_wait3A_641 = tpu.memref_squeeze %dma_wait3A_640 : memref<1x125xi32, #tpu.memory_space<vmem>> -> memref<125xi32, #tpu.memory_space<vmem>>
        %dma_wait3A_642 = arith.constant 0 : i32
        %dma_wait3A_643 = arith.constant 0 : i32
        %dma_wait3A_644 = tpu.memref_slice %arg17[%dma_wait3A_642, %dma_wait3A_643] : memref<10000x64xf32, #tpu.memory_space<vmem_shared>> -> memref<10000x64xf32, #tpu.memory_space<vmem_shared>>
        tpu.wait_indirect_dma semaphore(%arg37 : memref<!tpu.dma_semaphore, #tpu.memory_space<semaphore_mem>>) src(%arg12 : memref<125x64xf32, #tpu.memory_space<vmem>>) dst(%dma_wait3A_644 : memref<10000x64xf32, #tpu.memory_space<vmem_shared>>)
        %dma_start3A_645 = arith.constant 0 : i32
        %dma_start3A_646 = tpu.memref_slice %arg7[%sub3A_537, %dma_start3A_645] : memref<160x125xi32, #tpu.memory_space<vmem>> -> memref<1x125xi32, #tpu.memory_space<vmem>>
        %dma_start3A_647 = tpu.memref_squeeze %dma_start3A_646 : memref<1x125xi32, #tpu.memory_space<vmem>> -> memref<125xi32, #tpu.memory_space<vmem>>
        %dma_start3A_648 = arith.constant 0 : i32
        %dma_start3A_649 = arith.constant 0 : i32
        %dma_start3A_650 = tpu.memref_slice %arg2[%arg0, %dma_start3A_648, %dma_start3A_649] : memref<2x10000x64xf32, #tpu.memory_space<hbm>> -> memref<1x10000x64xf32, #tpu.memory_space<hbm>>
        %dma_start3A_651 = tpu.memref_squeeze %dma_start3A_650 : memref<1x10000x64xf32, #tpu.memory_space<hbm>> -> memref<10000x64xf32, #tpu.memory_space<hbm>>
        %dma_start3A_652 = arith.constant 0 : i32
        %dma_start3A_653 = arith.constant 0 : i32
        %dma_start3A_654 = tpu.memref_slice %dma_start3A_651[%dma_start3A_652, %dma_start3A_653] : memref<10000x64xf32, #tpu.memory_space<hbm>> -> memref<10000x64xf32, #tpu.memory_space<hbm>>
        tpu.enqueue_indirect_dma source(%dma_start3A_654 : memref<10000x64xf32, #tpu.memory_space<hbm>>) target(%arg12 : memref<125x64xf32, #tpu.memory_space<vmem>>) offsets(%dma_start3A_647 : memref<125xi32, #tpu.memory_space<vmem>>) semaphore(%arg21 : memref<!tpu.dma_semaphore, #tpu.memory_space<semaphore_mem>>)
        %dma_start3A_655 = arith.constant 3 : i32
        %dma_start3A_656 = arith.constant 0 : i32
        %dma_start3A_657 = tpu.memref_slice %arg8[%dma_start3A_655, %dma_start3A_656] : memref<8x125xi32, #tpu.memory_space<vmem>> -> memref<1x125xi32, #tpu.memory_space<vmem>>
        %dma_start3A_658 = tpu.memref_squeeze %dma_start3A_657 : memref<1x125xi32, #tpu.memory_space<vmem>> -> memref<125xi32, #tpu.memory_space<vmem>>
        %dma_start3A_659 = arith.constant 0 : i32
        %dma_start3A_660 = tpu.memref_slice %arg4[%arg1, %sub3A_537, %dma_start3A_659] : memref<16x160x125xi32, #tpu.memory_space<hbm>> -> memref<1x1x125xi32, #tpu.memory_space<hbm>>
        %dma_start3A_661 = tpu.memref_squeeze %dma_start3A_660 : memref<1x1x125xi32, #tpu.memory_space<hbm>> -> memref<125xi32, #tpu.memory_space<hbm>>
        %dma_start3A_662 = arith.constant 0 : i32
        %dma_start3A_663 = tpu.memref_slice %arg8[%dma_start3A_655, %dma_start3A_662] : memref<8x125xi32, #tpu.memory_space<vmem>> -> memref<1x125xi32, #tpu.memory_space<vmem>>
        %dma_start3A_664 = tpu.memref_squeeze %dma_start3A_663 : memref<1x125xi32, #tpu.memory_space<vmem>> -> memref<125xi32, #tpu.memory_space<vmem>>
        %dma_start3A_665 = arith.constant 0 : i32
        %dma_start3A_666 = tpu.memref_slice %arg4[%arg1, %sub3A_537, %dma_start3A_665] : memref<16x160x125xi32, #tpu.memory_space<hbm>> -> memref<1x1x125xi32, #tpu.memory_space<hbm>>
        %dma_start3A_667 = tpu.memref_squeeze %dma_start3A_666 : memref<1x1x125xi32, #tpu.memory_space<hbm>> -> memref<125xi32, #tpu.memory_space<hbm>>
        tpu.enqueue_dma source(%dma_start3A_667 : memref<125xi32, #tpu.memory_space<hbm>>) target(%dma_start3A_664 : memref<125xi32, #tpu.memory_space<vmem>>) target_semaphore(%arg29 : memref<!tpu.dma_semaphore, #tpu.memory_space<semaphore_mem>>)
      } else {
      }
      %mul3A_546 = arith.constant 8 : i32
      %mul3A_547 = arith.muli %scan3A_274, %mul3A_546 : i32
      %add3A_548 = arith.constant 6 : i32
      %add3A_549 = arith.addi %mul3A_547, %add3A_548 : i32
      %dma_wait3A_550 = arith.constant 0 : i32
      %dma_wait3A_551 = tpu.memref_slice %arg7[%add3A_549, %dma_wait3A_550] : memref<160x125xi32, #tpu.memory_space<vmem>> -> memref<1x125xi32, #tpu.memory_space<vmem>>
      %dma_wait3A_552 = tpu.memref_squeeze %dma_wait3A_551 : memref<1x125xi32, #tpu.memory_space<vmem>> -> memref<125xi32, #tpu.memory_space<vmem>>
      %dma_wait3A_553 = arith.constant 0 : i32
      %dma_wait3A_554 = arith.constant 0 : i32
      %dma_wait3A_555 = tpu.memref_slice %arg2[%arg0, %dma_wait3A_553, %dma_wait3A_554] : memref<2x10000x64xf32, #tpu.memory_space<hbm>> -> memref<1x10000x64xf32, #tpu.memory_space<hbm>>
      %dma_wait3A_556 = tpu.memref_squeeze %dma_wait3A_555 : memref<1x10000x64xf32, #tpu.memory_space<hbm>> -> memref<10000x64xf32, #tpu.memory_space<hbm>>
      %dma_wait3A_557 = arith.constant 0 : i32
      %dma_wait3A_558 = arith.constant 0 : i32
      %dma_wait3A_559 = tpu.memref_slice %dma_wait3A_556[%dma_wait3A_557, %dma_wait3A_558] : memref<10000x64xf32, #tpu.memory_space<hbm>> -> memref<10000x64xf32, #tpu.memory_space<hbm>>
      tpu.wait_indirect_dma semaphore(%arg24 : memref<!tpu.dma_semaphore, #tpu.memory_space<semaphore_mem>>) src(%dma_wait3A_559 : memref<10000x64xf32, #tpu.memory_space<hbm>>) dst(%arg15 : memref<125x64xf32, #tpu.memory_space<vmem>>)
      %dma_wait3A_560 = arith.constant 6 : i32
      %dma_wait3A_561 = arith.constant 0 : i32
      %dma_wait3A_562 = tpu.memref_slice %arg8[%dma_wait3A_560, %dma_wait3A_561] : memref<8x125xi32, #tpu.memory_space<vmem>> -> memref<1x125xi32, #tpu.memory_space<vmem>>
      %dma_wait3A_563 = tpu.memref_squeeze %dma_wait3A_562 : memref<1x125xi32, #tpu.memory_space<vmem>> -> memref<125xi32, #tpu.memory_space<vmem>>
      %dma_wait3A_564 = arith.constant 0 : i32
      %dma_wait3A_565 = tpu.memref_slice %arg4[%arg1, %add3A_549, %dma_wait3A_564] : memref<16x160x125xi32, #tpu.memory_space<hbm>> -> memref<1x1x125xi32, #tpu.memory_space<hbm>>
      %dma_wait3A_566 = tpu.memref_squeeze %dma_wait3A_565 : memref<1x1x125xi32, #tpu.memory_space<hbm>> -> memref<125xi32, #tpu.memory_space<hbm>>
      %dma_wait3A_567 = arith.constant 0 : i32
      %dma_wait3A_568 = tpu.memref_slice %arg8[%dma_wait3A_560, %dma_wait3A_567] : memref<8x125xi32, #tpu.memory_space<vmem>> -> memref<1x125xi32, #tpu.memory_space<vmem>>
      %dma_wait3A_569 = tpu.memref_squeeze %dma_wait3A_568 : memref<1x125xi32, #tpu.memory_space<vmem>> -> memref<125xi32, #tpu.memory_space<vmem>>
      %dma_wait3A_570 = arith.constant 0 : i32
      %dma_wait3A_571 = tpu.memref_slice %arg4[%arg1, %add3A_549, %dma_wait3A_570] : memref<16x160x125xi32, #tpu.memory_space<hbm>> -> memref<1x1x125xi32, #tpu.memory_space<hbm>>
      %dma_wait3A_572 = tpu.memref_squeeze %dma_wait3A_571 : memref<1x1x125xi32, #tpu.memory_space<hbm>> -> memref<125xi32, #tpu.memory_space<hbm>>
      tpu.wait_dma2 semaphore(%arg32 : memref<!tpu.dma_semaphore, #tpu.memory_space<semaphore_mem>>) src(%dma_wait3A_572 : memref<125xi32, #tpu.memory_space<hbm>>) dst(%dma_wait3A_569 : memref<125xi32, #tpu.memory_space<vmem>>)
      %dma_start3A_573 = arith.constant 6 : i32
      %dma_start3A_574 = arith.constant 0 : i32
      %dma_start3A_575 = tpu.memref_slice %arg8[%dma_start3A_573, %dma_start3A_574] : memref<8x125xi32, #tpu.memory_space<vmem>> -> memref<1x125xi32, #tpu.memory_space<vmem>>
      %dma_start3A_576 = tpu.memref_squeeze %dma_start3A_575 : memref<1x125xi32, #tpu.memory_space<vmem>> -> memref<125xi32, #tpu.memory_space<vmem>>
      %dma_start3A_577 = arith.constant 0 : i32
      %dma_start3A_578 = arith.constant 0 : i32
      %dma_start3A_579 = tpu.memref_slice %arg17[%dma_start3A_577, %dma_start3A_578] : memref<10000x64xf32, #tpu.memory_space<vmem_shared>> -> memref<10000x64xf32, #tpu.memory_space<vmem_shared>>
      tpu.enqueue_indirect_dma source(%arg15 : memref<125x64xf32, #tpu.memory_space<vmem>>) target(%dma_start3A_579 : memref<10000x64xf32, #tpu.memory_space<vmem_shared>>) offsets(%dma_start3A_576 : memref<125xi32, #tpu.memory_space<vmem>>) semaphore(%arg40 : memref<!tpu.dma_semaphore, #tpu.memory_space<semaphore_mem>>) {add = true}
      %add3A_580 = arith.constant 8 : i32
      %add3A_581 = arith.addi %add3A_549, %add3A_580 : i32
      %sub3A_582 = arith.constant 2 : i32
      %sub3A_583 = arith.subi %add3A_581, %sub3A_582 : i32
      %ge3A_584 = arith.constant 8 : i32
      %ge3A_585 = arith.cmpi sge, %sub3A_583, %ge3A_584 : i32
      %lt3A_586 = arith.constant 160 : i32
      %lt3A_587 = arith.cmpi slt, %sub3A_583, %lt3A_586 : i32
      %and3A_588 = arith.andi %ge3A_585, %lt3A_587 : i1
      %convert_element_type3A_589 = arith.extui %and3A_588 : i1 to i32
      %cond3A_590 = arith.constant 0 : i32
      %cond3A_591 = arith.cmpi ne, %convert_element_type3A_589, %cond3A_590 : i32
      scf.if %cond3A_591 {
        %dma_wait3A_638 = arith.constant 4 : i32
        %dma_wait3A_639 = arith.constant 0 : i32
        %dma_wait3A_640 = tpu.memref_slice %arg8[%dma_wait3A_638, %dma_wait3A_639] : memref<8x125xi32, #tpu.memory_space<vmem>> -> memref<1x125xi32, #tpu.memory_space<vmem>>
        %dma_wait3A_641 = tpu.memref_squeeze %dma_wait3A_640 : memref<1x125xi32, #tpu.memory_space<vmem>> -> memref<125xi32, #tpu.memory_space<vmem>>
        %dma_wait3A_642 = arith.constant 0 : i32
        %dma_wait3A_643 = arith.constant 0 : i32
        %dma_wait3A_644 = tpu.memref_slice %arg17[%dma_wait3A_642, %dma_wait3A_643] : memref<10000x64xf32, #tpu.memory_space<vmem_shared>> -> memref<10000x64xf32, #tpu.memory_space<vmem_shared>>
        tpu.wait_indirect_dma semaphore(%arg38 : memref<!tpu.dma_semaphore, #tpu.memory_space<semaphore_mem>>) src(%arg13 : memref<125x64xf32, #tpu.memory_space<vmem>>) dst(%dma_wait3A_644 : memref<10000x64xf32, #tpu.memory_space<vmem_shared>>)
        %dma_start3A_645 = arith.constant 0 : i32
        %dma_start3A_646 = tpu.memref_slice %arg7[%sub3A_583, %dma_start3A_645] : memref<160x125xi32, #tpu.memory_space<vmem>> -> memref<1x125xi32, #tpu.memory_space<vmem>>
        %dma_start3A_647 = tpu.memref_squeeze %dma_start3A_646 : memref<1x125xi32, #tpu.memory_space<vmem>> -> memref<125xi32, #tpu.memory_space<vmem>>
        %dma_start3A_648 = arith.constant 0 : i32
        %dma_start3A_649 = arith.constant 0 : i32
        %dma_start3A_650 = tpu.memref_slice %arg2[%arg0, %dma_start3A_648, %dma_start3A_649] : memref<2x10000x64xf32, #tpu.memory_space<hbm>> -> memref<1x10000x64xf32, #tpu.memory_space<hbm>>
        %dma_start3A_651 = tpu.memref_squeeze %dma_start3A_650 : memref<1x10000x64xf32, #tpu.memory_space<hbm>> -> memref<10000x64xf32, #tpu.memory_space<hbm>>
        %dma_start3A_652 = arith.constant 0 : i32
        %dma_start3A_653 = arith.constant 0 : i32
        %dma_start3A_654 = tpu.memref_slice %dma_start3A_651[%dma_start3A_652, %dma_start3A_653] : memref<10000x64xf32, #tpu.memory_space<hbm>> -> memref<10000x64xf32, #tpu.memory_space<hbm>>
        tpu.enqueue_indirect_dma source(%dma_start3A_654 : memref<10000x64xf32, #tpu.memory_space<hbm>>) target(%arg13 : memref<125x64xf32, #tpu.memory_space<vmem>>) offsets(%dma_start3A_647 : memref<125xi32, #tpu.memory_space<vmem>>) semaphore(%arg22 : memref<!tpu.dma_semaphore, #tpu.memory_space<semaphore_mem>>)
        %dma_start3A_655 = arith.constant 4 : i32
        %dma_start3A_656 = arith.constant 0 : i32
        %dma_start3A_657 = tpu.memref_slice %arg8[%dma_start3A_655, %dma_start3A_656] : memref<8x125xi32, #tpu.memory_space<vmem>> -> memref<1x125xi32, #tpu.memory_space<vmem>>
        %dma_start3A_658 = tpu.memref_squeeze %dma_start3A_657 : memref<1x125xi32, #tpu.memory_space<vmem>> -> memref<125xi32, #tpu.memory_space<vmem>>
        %dma_start3A_659 = arith.constant 0 : i32
        %dma_start3A_660 = tpu.memref_slice %arg4[%arg1, %sub3A_583, %dma_start3A_659] : memref<16x160x125xi32, #tpu.memory_space<hbm>> -> memref<1x1x125xi32, #tpu.memory_space<hbm>>
        %dma_start3A_661 = tpu.memref_squeeze %dma_start3A_660 : memref<1x1x125xi32, #tpu.memory_space<hbm>> -> memref<125xi32, #tpu.memory_space<hbm>>
        %dma_start3A_662 = arith.constant 0 : i32
        %dma_start3A_663 = tpu.memref_slice %arg8[%dma_start3A_655, %dma_start3A_662] : memref<8x125xi32, #tpu.memory_space<vmem>> -> memref<1x125xi32, #tpu.memory_space<vmem>>
        %dma_start3A_664 = tpu.memref_squeeze %dma_start3A_663 : memref<1x125xi32, #tpu.memory_space<vmem>> -> memref<125xi32, #tpu.memory_space<vmem>>
        %dma_start3A_665 = arith.constant 0 : i32
        %dma_start3A_666 = tpu.memref_slice %arg4[%arg1, %sub3A_583, %dma_start3A_665] : memref<16x160x125xi32, #tpu.memory_space<hbm>> -> memref<1x1x125xi32, #tpu.memory_space<hbm>>
        %dma_start3A_667 = tpu.memref_squeeze %dma_start3A_666 : memref<1x1x125xi32, #tpu.memory_space<hbm>> -> memref<125xi32, #tpu.memory_space<hbm>>
        tpu.enqueue_dma source(%dma_start3A_667 : memref<125xi32, #tpu.memory_space<hbm>>) target(%dma_start3A_664 : memref<125xi32, #tpu.memory_space<vmem>>) target_semaphore(%arg30 : memref<!tpu.dma_semaphore, #tpu.memory_space<semaphore_mem>>)
      } else {
      }
      %mul3A_592 = arith.constant 8 : i32
      %mul3A_593 = arith.muli %scan3A_274, %mul3A_592 : i32
      %add3A_594 = arith.constant 7 : i32
      %add3A_595 = arith.addi %mul3A_593, %add3A_594 : i32
      %dma_wait3A_596 = arith.constant 0 : i32
      %dma_wait3A_597 = tpu.memref_slice %arg7[%add3A_595, %dma_wait3A_596] : memref<160x125xi32, #tpu.memory_space<vmem>> -> memref<1x125xi32, #tpu.memory_space<vmem>>
      %dma_wait3A_598 = tpu.memref_squeeze %dma_wait3A_597 : memref<1x125xi32, #tpu.memory_space<vmem>> -> memref<125xi32, #tpu.memory_space<vmem>>
      %dma_wait3A_599 = arith.constant 0 : i32
      %dma_wait3A_600 = arith.constant 0 : i32
      %dma_wait3A_601 = tpu.memref_slice %arg2[%arg0, %dma_wait3A_599, %dma_wait3A_600] : memref<2x10000x64xf32, #tpu.memory_space<hbm>> -> memref<1x10000x64xf32, #tpu.memory_space<hbm>>
      %dma_wait3A_602 = tpu.memref_squeeze %dma_wait3A_601 : memref<1x10000x64xf32, #tpu.memory_space<hbm>> -> memref<10000x64xf32, #tpu.memory_space<hbm>>
      %dma_wait3A_603 = arith.constant 0 : i32
      %dma_wait3A_604 = arith.constant 0 : i32
      %dma_wait3A_605 = tpu.memref_slice %dma_wait3A_602[%dma_wait3A_603, %dma_wait3A_604] : memref<10000x64xf32, #tpu.memory_space<hbm>> -> memref<10000x64xf32, #tpu.memory_space<hbm>>
      tpu.wait_indirect_dma semaphore(%arg25 : memref<!tpu.dma_semaphore, #tpu.memory_space<semaphore_mem>>) src(%dma_wait3A_605 : memref<10000x64xf32, #tpu.memory_space<hbm>>) dst(%arg16 : memref<125x64xf32, #tpu.memory_space<vmem>>)
      %dma_wait3A_606 = arith.constant 7 : i32
      %dma_wait3A_607 = arith.constant 0 : i32
      %dma_wait3A_608 = tpu.memref_slice %arg8[%dma_wait3A_606, %dma_wait3A_607] : memref<8x125xi32, #tpu.memory_space<vmem>> -> memref<1x125xi32, #tpu.memory_space<vmem>>
      %dma_wait3A_609 = tpu.memref_squeeze %dma_wait3A_608 : memref<1x125xi32, #tpu.memory_space<vmem>> -> memref<125xi32, #tpu.memory_space<vmem>>
      %dma_wait3A_610 = arith.constant 0 : i32
      %dma_wait3A_611 = tpu.memref_slice %arg4[%arg1, %add3A_595, %dma_wait3A_610] : memref<16x160x125xi32, #tpu.memory_space<hbm>> -> memref<1x1x125xi32, #tpu.memory_space<hbm>>
      %dma_wait3A_612 = tpu.memref_squeeze %dma_wait3A_611 : memref<1x1x125xi32, #tpu.memory_space<hbm>> -> memref<125xi32, #tpu.memory_space<hbm>>
      %dma_wait3A_613 = arith.constant 0 : i32
      %dma_wait3A_614 = tpu.memref_slice %arg8[%dma_wait3A_606, %dma_wait3A_613] : memref<8x125xi32, #tpu.memory_space<vmem>> -> memref<1x125xi32, #tpu.memory_space<vmem>>
      %dma_wait3A_615 = tpu.memref_squeeze %dma_wait3A_614 : memref<1x125xi32, #tpu.memory_space<vmem>> -> memref<125xi32, #tpu.memory_space<vmem>>
      %dma_wait3A_616 = arith.constant 0 : i32
      %dma_wait3A_617 = tpu.memref_slice %arg4[%arg1, %add3A_595, %dma_wait3A_616] : memref<16x160x125xi32, #tpu.memory_space<hbm>> -> memref<1x1x125xi32, #tpu.memory_space<hbm>>
      %dma_wait3A_618 = tpu.memref_squeeze %dma_wait3A_617 : memref<1x1x125xi32, #tpu.memory_space<hbm>> -> memref<125xi32, #tpu.memory_space<hbm>>
      tpu.wait_dma2 semaphore(%arg33 : memref<!tpu.dma_semaphore, #tpu.memory_space<semaphore_mem>>) src(%dma_wait3A_618 : memref<125xi32, #tpu.memory_space<hbm>>) dst(%dma_wait3A_615 : memref<125xi32, #tpu.memory_space<vmem>>)
      %dma_start3A_619 = arith.constant 7 : i32
      %dma_start3A_620 = arith.constant 0 : i32
      %dma_start3A_621 = tpu.memref_slice %arg8[%dma_start3A_619, %dma_start3A_620] : memref<8x125xi32, #tpu.memory_space<vmem>> -> memref<1x125xi32, #tpu.memory_space<vmem>>
      %dma_start3A_622 = tpu.memref_squeeze %dma_start3A_621 : memref<1x125xi32, #tpu.memory_space<vmem>> -> memref<125xi32, #tpu.memory_space<vmem>>
      %dma_start3A_623 = arith.constant 0 : i32
      %dma_start3A_624 = arith.constant 0 : i32
      %dma_start3A_625 = tpu.memref_slice %arg17[%dma_start3A_623, %dma_start3A_624] : memref<10000x64xf32, #tpu.memory_space<vmem_shared>> -> memref<10000x64xf32, #tpu.memory_space<vmem_shared>>
      tpu.enqueue_indirect_dma source(%arg16 : memref<125x64xf32, #tpu.memory_space<vmem>>) target(%dma_start3A_625 : memref<10000x64xf32, #tpu.memory_space<vmem_shared>>) offsets(%dma_start3A_622 : memref<125xi32, #tpu.memory_space<vmem>>) semaphore(%arg41 : memref<!tpu.dma_semaphore, #tpu.memory_space<semaphore_mem>>) {add = true}
      %add3A_626 = arith.constant 8 : i32
      %add3A_627 = arith.addi %add3A_595, %add3A_626 : i32
      %sub3A_628 = arith.constant 2 : i32
      %sub3A_629 = arith.subi %add3A_627, %sub3A_628 : i32
      %ge3A_630 = arith.constant 8 : i32
      %ge3A_631 = arith.cmpi sge, %sub3A_629, %ge3A_630 : i32
      %lt3A_632 = arith.constant 160 : i32
      %lt3A_633 = arith.cmpi slt, %sub3A_629, %lt3A_632 : i32
      %and3A_634 = arith.andi %ge3A_631, %lt3A_633 : i1
      %convert_element_type3A_635 = arith.extui %and3A_634 : i1 to i32
      %cond3A_636 = arith.constant 0 : i32
      %cond3A_637 = arith.cmpi ne, %convert_element_type3A_635, %cond3A_636 : i32
      scf.if %cond3A_637 {
        %dma_wait3A_638 = arith.constant 5 : i32
        %dma_wait3A_639 = arith.constant 0 : i32
        %dma_wait3A_640 = tpu.memref_slice %arg8[%dma_wait3A_638, %dma_wait3A_639] : memref<8x125xi32, #tpu.memory_space<vmem>> -> memref<1x125xi32, #tpu.memory_space<vmem>>
        %dma_wait3A_641 = tpu.memref_squeeze %dma_wait3A_640 : memref<1x125xi32, #tpu.memory_space<vmem>> -> memref<125xi32, #tpu.memory_space<vmem>>
        %dma_wait3A_642 = arith.constant 0 : i32
        %dma_wait3A_643 = arith.constant 0 : i32
        %dma_wait3A_644 = tpu.memref_slice %arg17[%dma_wait3A_642, %dma_wait3A_643] : memref<10000x64xf32, #tpu.memory_space<vmem_shared>> -> memref<10000x64xf32, #tpu.memory_space<vmem_shared>>
        tpu.wait_indirect_dma semaphore(%arg39 : memref<!tpu.dma_semaphore, #tpu.memory_space<semaphore_mem>>) src(%arg14 : memref<125x64xf32, #tpu.memory_space<vmem>>) dst(%dma_wait3A_644 : memref<10000x64xf32, #tpu.memory_space<vmem_shared>>)
        %dma_start3A_645 = arith.constant 0 : i32
        %dma_start3A_646 = tpu.memref_slice %arg7[%sub3A_629, %dma_start3A_645] : memref<160x125xi32, #tpu.memory_space<vmem>> -> memref<1x125xi32, #tpu.memory_space<vmem>>
        %dma_start3A_647 = tpu.memref_squeeze %dma_start3A_646 : memref<1x125xi32, #tpu.memory_space<vmem>> -> memref<125xi32, #tpu.memory_space<vmem>>
        %dma_start3A_648 = arith.constant 0 : i32
        %dma_start3A_649 = arith.constant 0 : i32
        %dma_start3A_650 = tpu.memref_slice %arg2[%arg0, %dma_start3A_648, %dma_start3A_649] : memref<2x10000x64xf32, #tpu.memory_space<hbm>> -> memref<1x10000x64xf32, #tpu.memory_space<hbm>>
        %dma_start3A_651 = tpu.memref_squeeze %dma_start3A_650 : memref<1x10000x64xf32, #tpu.memory_space<hbm>> -> memref<10000x64xf32, #tpu.memory_space<hbm>>
        %dma_start3A_652 = arith.constant 0 : i32
        %dma_start3A_653 = arith.constant 0 : i32
        %dma_start3A_654 = tpu.memref_slice %dma_start3A_651[%dma_start3A_652, %dma_start3A_653] : memref<10000x64xf32, #tpu.memory_space<hbm>> -> memref<10000x64xf32, #tpu.memory_space<hbm>>
        tpu.enqueue_indirect_dma source(%dma_start3A_654 : memref<10000x64xf32, #tpu.memory_space<hbm>>) target(%arg14 : memref<125x64xf32, #tpu.memory_space<vmem>>) offsets(%dma_start3A_647 : memref<125xi32, #tpu.memory_space<vmem>>) semaphore(%arg23 : memref<!tpu.dma_semaphore, #tpu.memory_space<semaphore_mem>>)
        %dma_start3A_655 = arith.constant 5 : i32
        %dma_start3A_656 = arith.constant 0 : i32
        %dma_start3A_657 = tpu.memref_slice %arg8[%dma_start3A_655, %dma_start3A_656] : memref<8x125xi32, #tpu.memory_space<vmem>> -> memref<1x125xi32, #tpu.memory_space<vmem>>
        %dma_start3A_658 = tpu.memref_squeeze %dma_start3A_657 : memref<1x125xi32, #tpu.memory_space<vmem>> -> memref<125xi32, #tpu.memory_space<vmem>>
        %dma_start3A_659 = arith.constant 0 : i32
        %dma_start3A_660 = tpu.memref_slice %arg4[%arg1, %sub3A_629, %dma_start3A_659] : memref<16x160x125xi32, #tpu.memory_space<hbm>> -> memref<1x1x125xi32, #tpu.memory_space<hbm>>
        %dma_start3A_661 = tpu.memref_squeeze %dma_start3A_660 : memref<1x1x125xi32, #tpu.memory_space<hbm>> -> memref<125xi32, #tpu.memory_space<hbm>>
        %dma_start3A_662 = arith.constant 0 : i32
        %dma_start3A_663 = tpu.memref_slice %arg8[%dma_start3A_655, %dma_start3A_662] : memref<8x125xi32, #tpu.memory_space<vmem>> -> memref<1x125xi32, #tpu.memory_space<vmem>>
        %dma_start3A_664 = tpu.memref_squeeze %dma_start3A_663 : memref<1x125xi32, #tpu.memory_space<vmem>> -> memref<125xi32, #tpu.memory_space<vmem>>
        %dma_start3A_665 = arith.constant 0 : i32
        %dma_start3A_666 = tpu.memref_slice %arg4[%arg1, %sub3A_629, %dma_start3A_665] : memref<16x160x125xi32, #tpu.memory_space<hbm>> -> memref<1x1x125xi32, #tpu.memory_space<hbm>>
        %dma_start3A_667 = tpu.memref_squeeze %dma_start3A_666 : memref<1x1x125xi32, #tpu.memory_space<hbm>> -> memref<125xi32, #tpu.memory_space<hbm>>
        tpu.enqueue_dma source(%dma_start3A_667 : memref<125xi32, #tpu.memory_space<hbm>>) target(%dma_start3A_664 : memref<125xi32, #tpu.memory_space<vmem>>) target_semaphore(%arg31 : memref<!tpu.dma_semaphore, #tpu.memory_space<semaphore_mem>>)
      } else {
      }
    }
    %scan3A_208 = arith.constant 20 : i32
    %dma_wait3A = arith.constant 0 : i32
    %dma_wait3A_209 = arith.constant 0 : i32
    %dma_wait3A_210 = tpu.memref_slice %arg8[%dma_wait3A, %dma_wait3A_209] : memref<8x125xi32, #tpu.memory_space<vmem>> -> memref<1x125xi32, #tpu.memory_space<vmem>>
    %dma_wait3A_211 = tpu.memref_squeeze %dma_wait3A_210 : memref<1x125xi32, #tpu.memory_space<vmem>> -> memref<125xi32, #tpu.memory_space<vmem>>
    %dma_wait3A_212 = arith.constant 0 : i32
    %dma_wait3A_213 = arith.constant 0 : i32
    %dma_wait3A_214 = tpu.memref_slice %arg17[%dma_wait3A_212, %dma_wait3A_213] : memref<10000x64xf32, #tpu.memory_space<vmem_shared>> -> memref<10000x64xf32, #tpu.memory_space<vmem_shared>>
    tpu.wait_indirect_dma semaphore(%arg34 : memref<!tpu.dma_semaphore, #tpu.memory_space<semaphore_mem>>) src(%arg9 : memref<125x64xf32, #tpu.memory_space<vmem>>) dst(%dma_wait3A_214 : memref<10000x64xf32, #tpu.memory_space<vmem_shared>>)
    %dma_wait3A_215 = arith.constant 1 : i32
    %dma_wait3A_216 = arith.constant 0 : i32
    %dma_wait3A_217 = tpu.memref_slice %arg8[%dma_wait3A_215, %dma_wait3A_216] : memref<8x125xi32, #tpu.memory_space<vmem>> -> memref<1x125xi32, #tpu.memory_space<vmem>>
    %dma_wait3A_218 = tpu.memref_squeeze %dma_wait3A_217 : memref<1x125xi32, #tpu.memory_space<vmem>> -> memref<125xi32, #tpu.memory_space<vmem>>
    %dma_wait3A_219 = arith.constant 0 : i32
    %dma_wait3A_220 = arith.constant 0 : i32
    %dma_wait3A_221 = tpu.memref_slice %arg17[%dma_wait3A_219, %dma_wait3A_220] : memref<10000x64xf32, #tpu.memory_space<vmem_shared>> -> memref<10000x64xf32, #tpu.memory_space<vmem_shared>>
    tpu.wait_indirect_dma semaphore(%arg35 : memref<!tpu.dma_semaphore, #tpu.memory_space<semaphore_mem>>) src(%arg10 : memref<125x64xf32, #tpu.memory_space<vmem>>) dst(%dma_wait3A_221 : memref<10000x64xf32, #tpu.memory_space<vmem_shared>>)
    %dma_wait3A_222 = arith.constant 2 : i32
    %dma_wait3A_223 = arith.constant 0 : i32
    %dma_wait3A_224 = tpu.memref_slice %arg8[%dma_wait3A_222, %dma_wait3A_223] : memref<8x125xi32, #tpu.memory_space<vmem>> -> memref<1x125xi32, #tpu.memory_space<vmem>>
    %dma_wait3A_225 = tpu.memref_squeeze %dma_wait3A_224 : memref<1x125xi32, #tpu.memory_space<vmem>> -> memref<125xi32, #tpu.memory_space<vmem>>
    %dma_wait3A_226 = arith.constant 0 : i32
    %dma_wait3A_227 = arith.constant 0 : i32
    %dma_wait3A_228 = tpu.memref_slice %arg17[%dma_wait3A_226, %dma_wait3A_227] : memref<10000x64xf32, #tpu.memory_space<vmem_shared>> -> memref<10000x64xf32, #tpu.memory_space<vmem_shared>>
    tpu.wait_indirect_dma semaphore(%arg36 : memref<!tpu.dma_semaphore, #tpu.memory_space<semaphore_mem>>) src(%arg11 : memref<125x64xf32, #tpu.memory_space<vmem>>) dst(%dma_wait3A_228 : memref<10000x64xf32, #tpu.memory_space<vmem_shared>>)
    %dma_wait3A_229 = arith.constant 3 : i32
    %dma_wait3A_230 = arith.constant 0 : i32
    %dma_wait3A_231 = tpu.memref_slice %arg8[%dma_wait3A_229, %dma_wait3A_230] : memref<8x125xi32, #tpu.memory_space<vmem>> -> memref<1x125xi32, #tpu.memory_space<vmem>>
    %dma_wait3A_232 = tpu.memref_squeeze %dma_wait3A_231 : memref<1x125xi32, #tpu.memory_space<vmem>> -> memref<125xi32, #tpu.memory_space<vmem>>
    %dma_wait3A_233 = arith.constant 0 : i32
    %dma_wait3A_234 = arith.constant 0 : i32
    %dma_wait3A_235 = tpu.memref_slice %arg17[%dma_wait3A_233, %dma_wait3A_234] : memref<10000x64xf32, #tpu.memory_space<vmem_shared>> -> memref<10000x64xf32, #tpu.memory_space<vmem_shared>>
    tpu.wait_indirect_dma semaphore(%arg37 : memref<!tpu.dma_semaphore, #tpu.memory_space<semaphore_mem>>) src(%arg12 : memref<125x64xf32, #tpu.memory_space<vmem>>) dst(%dma_wait3A_235 : memref<10000x64xf32, #tpu.memory_space<vmem_shared>>)
    %dma_wait3A_236 = arith.constant 4 : i32
    %dma_wait3A_237 = arith.constant 0 : i32
    %dma_wait3A_238 = tpu.memref_slice %arg8[%dma_wait3A_236, %dma_wait3A_237] : memref<8x125xi32, #tpu.memory_space<vmem>> -> memref<1x125xi32, #tpu.memory_space<vmem>>
    %dma_wait3A_239 = tpu.memref_squeeze %dma_wait3A_238 : memref<1x125xi32, #tpu.memory_space<vmem>> -> memref<125xi32, #tpu.memory_space<vmem>>
    %dma_wait3A_240 = arith.constant 0 : i32
    %dma_wait3A_241 = arith.constant 0 : i32
    %dma_wait3A_242 = tpu.memref_slice %arg17[%dma_wait3A_240, %dma_wait3A_241] : memref<10000x64xf32, #tpu.memory_space<vmem_shared>> -> memref<10000x64xf32, #tpu.memory_space<vmem_shared>>
    tpu.wait_indirect_dma semaphore(%arg38 : memref<!tpu.dma_semaphore, #tpu.memory_space<semaphore_mem>>) src(%arg13 : memref<125x64xf32, #tpu.memory_space<vmem>>) dst(%dma_wait3A_242 : memref<10000x64xf32, #tpu.memory_space<vmem_shared>>)
    %dma_wait3A_243 = arith.constant 5 : i32
    %dma_wait3A_244 = arith.constant 0 : i32
    %dma_wait3A_245 = tpu.memref_slice %arg8[%dma_wait3A_243, %dma_wait3A_244] : memref<8x125xi32, #tpu.memory_space<vmem>> -> memref<1x125xi32, #tpu.memory_space<vmem>>
    %dma_wait3A_246 = tpu.memref_squeeze %dma_wait3A_245 : memref<1x125xi32, #tpu.memory_space<vmem>> -> memref<125xi32, #tpu.memory_space<vmem>>
    %dma_wait3A_247 = arith.constant 0 : i32
    %dma_wait3A_248 = arith.constant 0 : i32
    %dma_wait3A_249 = tpu.memref_slice %arg17[%dma_wait3A_247, %dma_wait3A_248] : memref<10000x64xf32, #tpu.memory_space<vmem_shared>> -> memref<10000x64xf32, #tpu.memory_space<vmem_shared>>
    tpu.wait_indirect_dma semaphore(%arg39 : memref<!tpu.dma_semaphore, #tpu.memory_space<semaphore_mem>>) src(%arg14 : memref<125x64xf32, #tpu.memory_space<vmem>>) dst(%dma_wait3A_249 : memref<10000x64xf32, #tpu.memory_space<vmem_shared>>)
    %dma_wait3A_250 = arith.constant 6 : i32
    %dma_wait3A_251 = arith.constant 0 : i32
    %dma_wait3A_252 = tpu.memref_slice %arg8[%dma_wait3A_250, %dma_wait3A_251] : memref<8x125xi32, #tpu.memory_space<vmem>> -> memref<1x125xi32, #tpu.memory_space<vmem>>
    %dma_wait3A_253 = tpu.memref_squeeze %dma_wait3A_252 : memref<1x125xi32, #tpu.memory_space<vmem>> -> memref<125xi32, #tpu.memory_space<vmem>>
    %dma_wait3A_254 = arith.constant 0 : i32
    %dma_wait3A_255 = arith.constant 0 : i32
    %dma_wait3A_256 = tpu.memref_slice %arg17[%dma_wait3A_254, %dma_wait3A_255] : memref<10000x64xf32, #tpu.memory_space<vmem_shared>> -> memref<10000x64xf32, #tpu.memory_space<vmem_shared>>
    tpu.wait_indirect_dma semaphore(%arg40 : memref<!tpu.dma_semaphore, #tpu.memory_space<semaphore_mem>>) src(%arg15 : memref<125x64xf32, #tpu.memory_space<vmem>>) dst(%dma_wait3A_256 : memref<10000x64xf32, #tpu.memory_space<vmem_shared>>)
    %dma_wait3A_257 = arith.constant 7 : i32
    %dma_wait3A_258 = arith.constant 0 : i32
    %dma_wait3A_259 = tpu.memref_slice %arg8[%dma_wait3A_257, %dma_wait3A_258] : memref<8x125xi32, #tpu.memory_space<vmem>> -> memref<1x125xi32, #tpu.memory_space<vmem>>
    %dma_wait3A_260 = tpu.memref_squeeze %dma_wait3A_259 : memref<1x125xi32, #tpu.memory_space<vmem>> -> memref<125xi32, #tpu.memory_space<vmem>>
    %dma_wait3A_261 = arith.constant 0 : i32
    %dma_wait3A_262 = arith.constant 0 : i32
    %dma_wait3A_263 = tpu.memref_slice %arg17[%dma_wait3A_261, %dma_wait3A_262] : memref<10000x64xf32, #tpu.memory_space<vmem_shared>> -> memref<10000x64xf32, #tpu.memory_space<vmem_shared>>
    tpu.wait_indirect_dma semaphore(%arg41 : memref<!tpu.dma_semaphore, #tpu.memory_space<semaphore_mem>>) src(%arg16 : memref<125x64xf32, #tpu.memory_space<vmem>>) dst(%dma_wait3A_263 : memref<10000x64xf32, #tpu.memory_space<vmem_shared>>)
    %barrier3A_264 = arith.constant 0 : index
    tpu.barrier barrier_id(%barrier3A_264)
    %mul3A_265 = arith.constant 624 : i32
    %mul3A_266 = arith.muli %arg1, %mul3A_265 : i32
    %mul3A_267 = arith.constant 624 : i32
    %mul3A_268 = arith.muli %arg1, %mul3A_267 : i32
    "tpu.region"() ({
      %run_scoped3A = tpu.sem_alloc : memref<!tpu.dma_semaphore, #tpu.memory_space<semaphore_mem>>
      %dma_start3A_274 = tpu.memref_slice %arg6[%mul3A_268, %mul3A_0] : memref<10000x128xf32, #tpu.memory_space<hbm>> -> memref<624x64xf32, #tpu.memory_space<hbm>>
      %dma_start3A_275 = arith.constant 0 : i32
      %dma_start3A_276 = tpu.memref_slice %arg17[%mul3A_266, %dma_start3A_275] : memref<10000x64xf32, #tpu.memory_space<vmem_shared>> -> memref<624x64xf32, #tpu.memory_space<vmem_shared>>
      tpu.enqueue_dma source(%dma_start3A_276 : memref<624x64xf32, #tpu.memory_space<vmem_shared>>) target(%dma_start3A_274 : memref<624x64xf32, #tpu.memory_space<hbm>>) target_semaphore(%run_scoped3A : memref<!tpu.dma_semaphore, #tpu.memory_space<semaphore_mem>>)
      %dma_wait3A_277 = tpu.memref_slice %arg6[%mul3A_268, %mul3A_0] : memref<10000x128xf32, #tpu.memory_space<hbm>> -> memref<624x64xf32, #tpu.memory_space<hbm>>
      %dma_wait3A_278 = arith.constant 0 : i32
      %dma_wait3A_279 = tpu.memref_slice %arg17[%mul3A_266, %dma_wait3A_278] : memref<10000x64xf32, #tpu.memory_space<vmem_shared>> -> memref<624x64xf32, #tpu.memory_space<vmem_shared>>
      tpu.wait_dma2 semaphore(%run_scoped3A : memref<!tpu.dma_semaphore, #tpu.memory_space<semaphore_mem>>) src(%dma_wait3A_279 : memref<624x64xf32, #tpu.memory_space<vmem_shared>>) dst(%dma_wait3A_277 : memref<624x64xf32, #tpu.memory_space<hbm>>)
      tpu.yield
    }) : () -> ()
    %eq3A_269 = arith.constant 15 : i32
    %eq3A_270 = arith.cmpi eq, %arg1, %eq3A_269 : i32
    %convert_element_type3A_271 = arith.extui %eq3A_270 : i1 to i32
    %cond3A_272 = arith.constant 0 : i32
    %cond3A_273 = arith.cmpi ne, %convert_element_type3A_271, %cond3A_272 : i32
    scf.if %cond3A_273 {
      "tpu.region"() ({
        %run_scoped3A = tpu.sem_alloc : memref<!tpu.dma_semaphore, #tpu.memory_space<semaphore_mem>>
        %dma_start3A_274 = arith.constant 9984 : i32
        %dma_start3A_275 = tpu.memref_slice %arg6[%dma_start3A_274, %mul3A_0] : memref<10000x128xf32, #tpu.memory_space<hbm>> -> memref<16x64xf32, #tpu.memory_space<hbm>>
        %dma_start3A_276 = arith.constant 9984 : i32
        %dma_start3A_277 = arith.constant 0 : i32
        %dma_start3A_278 = tpu.memref_slice %arg17[%dma_start3A_276, %dma_start3A_277] : memref<10000x64xf32, #tpu.memory_space<vmem_shared>> -> memref<16x64xf32, #tpu.memory_space<vmem_shared>>
        tpu.enqueue_dma source(%dma_start3A_278 : memref<16x64xf32, #tpu.memory_space<vmem_shared>>) target(%dma_start3A_275 : memref<16x64xf32, #tpu.memory_space<hbm>>) target_semaphore(%run_scoped3A : memref<!tpu.dma_semaphore, #tpu.memory_space<semaphore_mem>>)
        %dma_wait3A_279 = arith.constant 9984 : i32
        %dma_wait3A_280 = tpu.memref_slice %arg6[%dma_wait3A_279, %mul3A_0] : memref<10000x128xf32, #tpu.memory_space<hbm>> -> memref<16x64xf32, #tpu.memory_space<hbm>>
        %dma_wait3A_281 = arith.constant 9984 : i32
        %dma_wait3A_282 = arith.constant 0 : i32
        %dma_wait3A_283 = tpu.memref_slice %arg17[%dma_wait3A_281, %dma_wait3A_282] : memref<10000x64xf32, #tpu.memory_space<vmem_shared>> -> memref<16x64xf32, #tpu.memory_space<vmem_shared>>
        tpu.wait_dma2 semaphore(%run_scoped3A : memref<!tpu.dma_semaphore, #tpu.memory_space<semaphore_mem>>) src(%dma_wait3A_283 : memref<16x64xf32, #tpu.memory_space<vmem_shared>>) dst(%dma_wait3A_280 : memref<16x64xf32, #tpu.memory_space<hbm>>)
        tpu.yield
      }) : () -> ()
    } else {
    }
    return
  }
}

#map = affine_map<(d0, d1) -> (0, 0, 0)>
#map1 = affine_map<(d0, d1) -> (0, 0)>
module attributes {stable_mosaic.version = 14 : i64} {
  func.func @_spmm_body(%arg0: i32, %arg1: i32, %arg2: memref<2x10000x64xf32, #tpu.memory_space<hbm>>, %arg3: memref<16x160x125xi32, #tpu.memory_space<hbm>>, %arg4: memref<16x160x125xi32, #tpu.memory_space<hbm>>, %arg5: memref<624x64xf32, #tpu.memory_space<hbm>>, %arg6: memref<10000x128xf32, #tpu.memory_space<hbm>>, %arg7: memref<160x125xi32, #tpu.memory_space<vmem>>, %arg8: memref<8x125xi32, #tpu.memory_space<vmem>>, %arg9: memref<125x64xf32, #tpu.memory_space<vmem>>, %arg10: memref<125x64xf32, #tpu.memory_space<vmem>>, %arg11: memref<125x64xf32, #tpu.memory_space<vmem>>, %arg12: memref<125x64xf32, #tpu.memory_space<vmem>>, %arg13: memref<125x64xf32, #tpu.memory_space<vmem>>, %arg14: memref<125x64xf32, #tpu.memory_space<vmem>>, %arg15: memref<125x64xf32, #tpu.memory_space<vmem>>, %arg16: memref<125x64xf32, #tpu.memory_space<vmem>>, %arg17: memref<10000x64xf32, #tpu.memory_space<vmem_shared>>, %arg18: memref<!tpu.dma_semaphore, #tpu.memory_space<semaphore_mem>>, %arg19: memref<!tpu.dma_semaphore, #tpu.memory_space<semaphore_mem>>, %arg20: memref<!tpu.dma_semaphore, #tpu.memory_space<semaphore_mem>>, %arg21: memref<!tpu.dma_semaphore, #tpu.memory_space<semaphore_mem>>, %arg22: memref<!tpu.dma_semaphore, #tpu.memory_space<semaphore_mem>>, %arg23: memref<!tpu.dma_semaphore, #tpu.memory_space<semaphore_mem>>, %arg24: memref<!tpu.dma_semaphore, #tpu.memory_space<semaphore_mem>>, %arg25: memref<!tpu.dma_semaphore, #tpu.memory_space<semaphore_mem>>, %arg26: memref<!tpu.dma_semaphore, #tpu.memory_space<semaphore_mem>>, %arg27: memref<!tpu.dma_semaphore, #tpu.memory_space<semaphore_mem>>, %arg28: memref<!tpu.dma_semaphore, #tpu.memory_space<semaphore_mem>>, %arg29: memref<!tpu.dma_semaphore, #tpu.memory_space<semaphore_mem>>, %arg30: memref<!tpu.dma_semaphore, #tpu.memory_space<semaphore_mem>>, %arg31: memref<!tpu.dma_semaphore, #tpu.memory_space<semaphore_mem>>, %arg32: memref<!tpu.dma_semaphore, #tpu.memory_space<semaphore_mem>>, %arg33: memref<!tpu.dma_semaphore, #tpu.memory_space<semaphore_mem>>, %arg34: memref<!tpu.dma_semaphore, #tpu.memory_space<semaphore_mem>>, %arg35: memref<!tpu.dma_semaphore, #tpu.memory_space<semaphore_mem>>, %arg36: memref<!tpu.dma_semaphore, #tpu.memory_space<semaphore_mem>>, %arg37: memref<!tpu.dma_semaphore, #tpu.memory_space<semaphore_mem>>, %arg38: memref<!tpu.dma_semaphore, #tpu.memory_space<semaphore_mem>>, %arg39: memref<!tpu.dma_semaphore, #tpu.memory_space<semaphore_mem>>, %arg40: memref<!tpu.dma_semaphore, #tpu.memory_space<semaphore_mem>>, %arg41: memref<!tpu.dma_semaphore, #tpu.memory_space<semaphore_mem>>) attributes {dimension_semantics = [#tpu.dimension_semantics<core_parallel>, #tpu.dimension_semantics<subcore_parallel>], iteration_bounds = array<i64: 2, 16>, scalar_prefetch = 0 : i64, scratch_operands = 35 : i64, tpu.core_type = #tpu.core_type<sc_vector_subcore>, window_params = [{transform_indices = #map}, {transform_indices = #map}, {transform_indices = #map}, {transform_indices = #map1}, {transform_indices = #map1}]} {
    "tpu.region"() ({
      %run_scoped3A = tpu.sem_alloc : memref<!tpu.dma_semaphore, #tpu.memory_space<semaphore_mem>>
      %dma_start3A_274 = arith.constant 0 : i32
      %dma_start3A_275 = arith.constant 0 : i32
      %dma_start3A_276 = tpu.memref_slice %arg3[%arg1, %dma_start3A_274, %dma_start3A_275] : memref<16x160x125xi32, #tpu.memory_space<hbm>> -> memref<1x160x125xi32, #tpu.memory_space<hbm>>
      %dma_start3A_277 = tpu.memref_squeeze %dma_start3A_276 : memref<1x160x125xi32, #tpu.memory_space<hbm>> -> memref<160x125xi32, #tpu.memory_space<hbm>>
      %dma_start3A_278 = arith.constant 0 : i32
      %dma_start3A_279 = arith.constant 0 : i32
      %dma_start3A_280 = tpu.memref_slice %arg3[%arg1, %dma_start3A_278, %dma_start3A_279] : memref<16x160x125xi32, #tpu.memory_space<hbm>> -> memref<1x160x125xi32, #tpu.memory_space<hbm>>
      %dma_start3A_281 = tpu.memref_squeeze %dma_start3A_280 : memref<1x160x125xi32, #tpu.memory_space<hbm>> -> memref<160x125xi32, #tpu.memory_space<hbm>>
      tpu.enqueue_dma source(%dma_start3A_281 : memref<160x125xi32, #tpu.memory_space<hbm>>) target(%arg7 : memref<160x125xi32, #tpu.memory_space<vmem>>) target_semaphore(%run_scoped3A : memref<!tpu.dma_semaphore, #tpu.memory_space<semaphore_mem>>)
      %dma_wait3A_282 = arith.constant 0 : i32
      %dma_wait3A_283 = arith.constant 0 : i32
      %dma_wait3A_284 = tpu.memref_slice %arg3[%arg1, %dma_wait3A_282, %dma_wait3A_283] : memref<16x160x125xi32, #tpu.memory_space<hbm>> -> memref<1x160x125xi32, #tpu.memory_space<hbm>>
      %dma_wait3A_285 = tpu.memref_squeeze %dma_wait3A_284 : memref<1x160x125xi32, #tpu.memory_space<hbm>> -> memref<160x125xi32, #tpu.memory_space<hbm>>
      %dma_wait3A_286 = arith.constant 0 : i32
      %dma_wait3A_287 = arith.constant 0 : i32
      %dma_wait3A_288 = tpu.memref_slice %arg3[%arg1, %dma_wait3A_286, %dma_wait3A_287] : memref<16x160x125xi32, #tpu.memory_space<hbm>> -> memref<1x160x125xi32, #tpu.memory_space<hbm>>
      %dma_wait3A_289 = tpu.memref_squeeze %dma_wait3A_288 : memref<1x160x125xi32, #tpu.memory_space<hbm>> -> memref<160x125xi32, #tpu.memory_space<hbm>>
      tpu.wait_dma2 semaphore(%run_scoped3A : memref<!tpu.dma_semaphore, #tpu.memory_space<semaphore_mem>>) src(%dma_wait3A_289 : memref<160x125xi32, #tpu.memory_space<hbm>>) dst(%arg7 : memref<160x125xi32, #tpu.memory_space<vmem>>)
      tpu.yield
    }) : () -> ()
    %mul3A = arith.constant 64 : i32
    %mul3A_0 = arith.muli %arg0, %mul3A : i32
    %dma_start3A = arith.constant 0 : i32
    %dma_start3A_1 = arith.constant 0 : i32
    %dma_start3A_2 = tpu.memref_slice %arg7[%dma_start3A, %dma_start3A_1] : memref<160x125xi32, #tpu.memory_space<vmem>> -> memref<1x125xi32, #tpu.memory_space<vmem>>
    %dma_start3A_3 = tpu.memref_squeeze %dma_start3A_2 : memref<1x125xi32, #tpu.memory_space<vmem>> -> memref<125xi32, #tpu.memory_space<vmem>>
    %dma_start3A_4 = arith.constant 0 : i32
    %dma_start3A_5 = arith.constant 0 : i32
    %dma_start3A_6 = tpu.memref_slice %arg2[%arg0, %dma_start3A_4, %dma_start3A_5] : memref<2x10000x64xf32, #tpu.memory_space<hbm>> -> memref<1x10000x64xf32, #tpu.memory_space<hbm>>
    %dma_start3A_7 = tpu.memref_squeeze %dma_start3A_6 : memref<1x10000x64xf32, #tpu.memory_space<hbm>> -> memref<10000x64xf32, #tpu.memory_space<hbm>>
    %dma_start3A_8 = arith.constant 0 : i32
    %dma_start3A_9 = arith.constant 0 : i32
    %dma_start3A_10 = tpu.memref_slice %dma_start3A_7[%dma_start3A_8, %dma_start3A_9] : memref<10000x64xf32, #tpu.memory_space<hbm>> -> memref<10000x64xf32, #tpu.memory_space<hbm>>
    tpu.enqueue_indirect_dma source(%dma_start3A_10 : memref<10000x64xf32, #tpu.memory_space<hbm>>) target(%arg9 : memref<125x64xf32, #tpu.memory_space<vmem>>) offsets(%dma_start3A_3 : memref<125xi32, #tpu.memory_space<vmem>>) semaphore(%arg18 : memref<!tpu.dma_semaphore, #tpu.memory_space<semaphore_mem>>)
    %dma_start3A_11 = arith.constant 0 : i32
    %dma_start3A_12 = arith.constant 0 : i32
    %dma_start3A_13 = arith.constant 0 : i32
    %dma_start3A_14 = tpu.memref_slice %arg8[%dma_start3A_12, %dma_start3A_13] : memref<8x125xi32, #tpu.memory_space<vmem>> -> memref<1x125xi32, #tpu.memory_space<vmem>>
    %dma_start3A_15 = tpu.memref_squeeze %dma_start3A_14 : memref<1x125xi32, #tpu.memory_space<vmem>> -> memref<125xi32, #tpu.memory_space<vmem>>
    %dma_start3A_16 = arith.constant 0 : i32
    %dma_start3A_17 = tpu.memref_slice %arg4[%arg1, %dma_start3A_11, %dma_start3A_16] : memref<16x160x125xi32, #tpu.memory_space<hbm>> -> memref<1x1x125xi32, #tpu.memory_space<hbm>>
    %dma_start3A_18 = tpu.memref_squeeze %dma_start3A_17 : memref<1x1x125xi32, #tpu.memory_space<hbm>> -> memref<125xi32, #tpu.memory_space<hbm>>
    %dma_start3A_19 = arith.constant 0 : i32
    %dma_start3A_20 = tpu.memref_slice %arg8[%dma_start3A_12, %dma_start3A_19] : memref<8x125xi32, #tpu.memory_space<vmem>> -> memref<1x125xi32, #tpu.memory_space<vmem>>
    %dma_start3A_21 = tpu.memref_squeeze %dma_start3A_20 : memref<1x125xi32, #tpu.memory_space<vmem>> -> memref<125xi32, #tpu.memory_space<vmem>>
    %dma_start3A_22 = arith.constant 0 : i32
    %dma_start3A_23 = tpu.memref_slice %arg4[%arg1, %dma_start3A_11, %dma_start3A_22] : memref<16x160x125xi32, #tpu.memory_space<hbm>> -> memref<1x1x125xi32, #tpu.memory_space<hbm>>
    %dma_start3A_24 = tpu.memref_squeeze %dma_start3A_23 : memref<1x1x125xi32, #tpu.memory_space<hbm>> -> memref<125xi32, #tpu.memory_space<hbm>>
    tpu.enqueue_dma source(%dma_start3A_24 : memref<125xi32, #tpu.memory_space<hbm>>) target(%dma_start3A_21 : memref<125xi32, #tpu.memory_space<vmem>>) target_semaphore(%arg26 : memref<!tpu.dma_semaphore, #tpu.memory_space<semaphore_mem>>)
    %dma_start3A_25 = arith.constant 1 : i32
    %dma_start3A_26 = arith.constant 0 : i32
    %dma_start3A_27 = tpu.memref_slice %arg7[%dma_start3A_25, %dma_start3A_26] : memref<160x125xi32, #tpu.memory_space<vmem>> -> memref<1x125xi32, #tpu.memory_space<vmem>>
    %dma_start3A_28 = tpu.memref_squeeze %dma_start3A_27 : memref<1x125xi32, #tpu.memory_space<vmem>> -> memref<125xi32, #tpu.memory_space<vmem>>
    %dma_start3A_29 = arith.constant 0 : i32
    %dma_start3A_30 = arith.constant 0 : i32
    %dma_start3A_31 = tpu.memref_slice %arg2[%arg0, %dma_start3A_29, %dma_start3A_30] : memref<2x10000x64xf32, #tpu.memory_space<hbm>> -> memref<1x10000x64xf32, #tpu.memory_space<hbm>>
    %dma_start3A_32 = tpu.memref_squeeze %dma_start3A_31 : memref<1x10000x64xf32, #tpu.memory_space<hbm>> -> memref<10000x64xf32, #tpu.memory_space<hbm>>
    %dma_start3A_33 = arith.constant 0 : i32
    %dma_start3A_34 = arith.constant 0 : i32
    %dma_start3A_35 = tpu.memref_slice %dma_start3A_32[%dma_start3A_33, %dma_start3A_34] : memref<10000x64xf32, #tpu.memory_space<hbm>> -> memref<10000x64xf32, #tpu.memory_space<hbm>>
    tpu.enqueue_indirect_dma source(%dma_start3A_35 : memref<10000x64xf32, #tpu.memory_space<hbm>>) target(%arg10 : memref<125x64xf32, #tpu.memory_space<vmem>>) offsets(%dma_start3A_28 : memref<125xi32, #tpu.memory_space<vmem>>) semaphore(%arg19 : memref<!tpu.dma_semaphore, #tpu.memory_space<semaphore_mem>>)
    %dma_start3A_36 = arith.constant 1 : i32
    %dma_start3A_37 = arith.constant 1 : i32
    %dma_start3A_38 = arith.constant 0 : i32
    %dma_start3A_39 = tpu.memref_slice %arg8[%dma_start3A_37, %dma_start3A_38] : memref<8x125xi32, #tpu.memory_space<vmem>> -> memref<1x125xi32, #tpu.memory_space<vmem>>
    %dma_start3A_40 = tpu.memref_squeeze %dma_start3A_39 : memref<1x125xi32, #tpu.memory_space<vmem>> -> memref<125xi32, #tpu.memory_space<vmem>>
    %dma_start3A_41 = arith.constant 0 : i32
    %dma_start3A_42 = tpu.memref_slice %arg4[%arg1, %dma_start3A_36, %dma_start3A_41] : memref<16x160x125xi32, #tpu.memory_space<hbm>> -> memref<1x1x125xi32, #tpu.memory_space<hbm>>
    %dma_start3A_43 = tpu.memref_squeeze %dma_start3A_42 : memref<1x1x125xi32, #tpu.memory_space<hbm>> -> memref<125xi32, #tpu.memory_space<hbm>>
    %dma_start3A_44 = arith.constant 0 : i32
    %dma_start3A_45 = tpu.memref_slice %arg8[%dma_start3A_37, %dma_start3A_44] : memref<8x125xi32, #tpu.memory_space<vmem>> -> memref<1x125xi32, #tpu.memory_space<vmem>>
    %dma_start3A_46 = tpu.memref_squeeze %dma_start3A_45 : memref<1x125xi32, #tpu.memory_space<vmem>> -> memref<125xi32, #tpu.memory_space<vmem>>
    %dma_start3A_47 = arith.constant 0 : i32
    %dma_start3A_48 = tpu.memref_slice %arg4[%arg1, %dma_start3A_36, %dma_start3A_47] : memref<16x160x125xi32, #tpu.memory_space<hbm>> -> memref<1x1x125xi32, #tpu.memory_space<hbm>>
    %dma_start3A_49 = tpu.memref_squeeze %dma_start3A_48 : memref<1x1x125xi32, #tpu.memory_space<hbm>> -> memref<125xi32, #tpu.memory_space<hbm>>
    tpu.enqueue_dma source(%dma_start3A_49 : memref<125xi32, #tpu.memory_space<hbm>>) target(%dma_start3A_46 : memref<125xi32, #tpu.memory_space<vmem>>) target_semaphore(%arg27 : memref<!tpu.dma_semaphore, #tpu.memory_space<semaphore_mem>>)
    %dma_start3A_50 = arith.constant 2 : i32
    %dma_start3A_51 = arith.constant 0 : i32
    %dma_start3A_52 = tpu.memref_slice %arg7[%dma_start3A_50, %dma_start3A_51] : memref<160x125xi32, #tpu.memory_space<vmem>> -> memref<1x125xi32, #tpu.memory_space<vmem>>
    %dma_start3A_53 = tpu.memref_squeeze %dma_start3A_52 : memref<1x125xi32, #tpu.memory_space<vmem>> -> memref<125xi32, #tpu.memory_space<vmem>>
    %dma_start3A_54 = arith.constant 0 : i32
    %dma_start3A_55 = arith.constant 0 : i32
    %dma_start3A_56 = tpu.memref_slice %arg2[%arg0, %dma_start3A_54, %dma_start3A_55] : memref<2x10000x64xf32, #tpu.memory_space<hbm>> -> memref<1x10000x64xf32, #tpu.memory_space<hbm>>
    %dma_start3A_57 = tpu.memref_squeeze %dma_start3A_56 : memref<1x10000x64xf32, #tpu.memory_space<hbm>> -> memref<10000x64xf32, #tpu.memory_space<hbm>>
    %dma_start3A_58 = arith.constant 0 : i32
    %dma_start3A_59 = arith.constant 0 : i32
    %dma_start3A_60 = tpu.memref_slice %dma_start3A_57[%dma_start3A_58, %dma_start3A_59] : memref<10000x64xf32, #tpu.memory_space<hbm>> -> memref<10000x64xf32, #tpu.memory_space<hbm>>
    tpu.enqueue_indirect_dma source(%dma_start3A_60 : memref<10000x64xf32, #tpu.memory_space<hbm>>) target(%arg11 : memref<125x64xf32, #tpu.memory_space<vmem>>) offsets(%dma_start3A_53 : memref<125xi32, #tpu.memory_space<vmem>>) semaphore(%arg20 : memref<!tpu.dma_semaphore, #tpu.memory_space<semaphore_mem>>)
    %dma_start3A_61 = arith.constant 2 : i32
    %dma_start3A_62 = arith.constant 2 : i32
    %dma_start3A_63 = arith.constant 0 : i32
    %dma_start3A_64 = tpu.memref_slice %arg8[%dma_start3A_62, %dma_start3A_63] : memref<8x125xi32, #tpu.memory_space<vmem>> -> memref<1x125xi32, #tpu.memory_space<vmem>>
    %dma_start3A_65 = tpu.memref_squeeze %dma_start3A_64 : memref<1x125xi32, #tpu.memory_space<vmem>> -> memref<125xi32, #tpu.memory_space<vmem>>
    %dma_start3A_66 = arith.constant 0 : i32
    %dma_start3A_67 = tpu.memref_slice %arg4[%arg1, %dma_start3A_61, %dma_start3A_66] : memref<16x160x125xi32, #tpu.memory_space<hbm>> -> memref<1x1x125xi32, #tpu.memory_space<hbm>>
    %dma_start3A_68 = tpu.memref_squeeze %dma_start3A_67 : memref<1x1x125xi32, #tpu.memory_space<hbm>> -> memref<125xi32, #tpu.memory_space<hbm>>
    %dma_start3A_69 = arith.constant 0 : i32
    %dma_start3A_70 = tpu.memref_slice %arg8[%dma_start3A_62, %dma_start3A_69] : memref<8x125xi32, #tpu.memory_space<vmem>> -> memref<1x125xi32, #tpu.memory_space<vmem>>
    %dma_start3A_71 = tpu.memref_squeeze %dma_start3A_70 : memref<1x125xi32, #tpu.memory_space<vmem>> -> memref<125xi32, #tpu.memory_space<vmem>>
    %dma_start3A_72 = arith.constant 0 : i32
    %dma_start3A_73 = tpu.memref_slice %arg4[%arg1, %dma_start3A_61, %dma_start3A_72] : memref<16x160x125xi32, #tpu.memory_space<hbm>> -> memref<1x1x125xi32, #tpu.memory_space<hbm>>
    %dma_start3A_74 = tpu.memref_squeeze %dma_start3A_73 : memref<1x1x125xi32, #tpu.memory_space<hbm>> -> memref<125xi32, #tpu.memory_space<hbm>>
    tpu.enqueue_dma source(%dma_start3A_74 : memref<125xi32, #tpu.memory_space<hbm>>) target(%dma_start3A_71 : memref<125xi32, #tpu.memory_space<vmem>>) target_semaphore(%arg28 : memref<!tpu.dma_semaphore, #tpu.memory_space<semaphore_mem>>)
    %dma_start3A_75 = arith.constant 3 : i32
    %dma_start3A_76 = arith.constant 0 : i32
    %dma_start3A_77 = tpu.memref_slice %arg7[%dma_start3A_75, %dma_start3A_76] : memref<160x125xi32, #tpu.memory_space<vmem>> -> memref<1x125xi32, #tpu.memory_space<vmem>>
    %dma_start3A_78 = tpu.memref_squeeze %dma_start3A_77 : memref<1x125xi32, #tpu.memory_space<vmem>> -> memref<125xi32, #tpu.memory_space<vmem>>
    %dma_start3A_79 = arith.constant 0 : i32
    %dma_start3A_80 = arith.constant 0 : i32
    %dma_start3A_81 = tpu.memref_slice %arg2[%arg0, %dma_start3A_79, %dma_start3A_80] : memref<2x10000x64xf32, #tpu.memory_space<hbm>> -> memref<1x10000x64xf32, #tpu.memory_space<hbm>>
    %dma_start3A_82 = tpu.memref_squeeze %dma_start3A_81 : memref<1x10000x64xf32, #tpu.memory_space<hbm>> -> memref<10000x64xf32, #tpu.memory_space<hbm>>
    %dma_start3A_83 = arith.constant 0 : i32
    %dma_start3A_84 = arith.constant 0 : i32
    %dma_start3A_85 = tpu.memref_slice %dma_start3A_82[%dma_start3A_83, %dma_start3A_84] : memref<10000x64xf32, #tpu.memory_space<hbm>> -> memref<10000x64xf32, #tpu.memory_space<hbm>>
    tpu.enqueue_indirect_dma source(%dma_start3A_85 : memref<10000x64xf32, #tpu.memory_space<hbm>>) target(%arg12 : memref<125x64xf32, #tpu.memory_space<vmem>>) offsets(%dma_start3A_78 : memref<125xi32, #tpu.memory_space<vmem>>) semaphore(%arg21 : memref<!tpu.dma_semaphore, #tpu.memory_space<semaphore_mem>>)
    %dma_start3A_86 = arith.constant 3 : i32
    %dma_start3A_87 = arith.constant 3 : i32
    %dma_start3A_88 = arith.constant 0 : i32
    %dma_start3A_89 = tpu.memref_slice %arg8[%dma_start3A_87, %dma_start3A_88] : memref<8x125xi32, #tpu.memory_space<vmem>> -> memref<1x125xi32, #tpu.memory_space<vmem>>
    %dma_start3A_90 = tpu.memref_squeeze %dma_start3A_89 : memref<1x125xi32, #tpu.memory_space<vmem>> -> memref<125xi32, #tpu.memory_space<vmem>>
    %dma_start3A_91 = arith.constant 0 : i32
    %dma_start3A_92 = tpu.memref_slice %arg4[%arg1, %dma_start3A_86, %dma_start3A_91] : memref<16x160x125xi32, #tpu.memory_space<hbm>> -> memref<1x1x125xi32, #tpu.memory_space<hbm>>
    %dma_start3A_93 = tpu.memref_squeeze %dma_start3A_92 : memref<1x1x125xi32, #tpu.memory_space<hbm>> -> memref<125xi32, #tpu.memory_space<hbm>>
    %dma_start3A_94 = arith.constant 0 : i32
    %dma_start3A_95 = tpu.memref_slice %arg8[%dma_start3A_87, %dma_start3A_94] : memref<8x125xi32, #tpu.memory_space<vmem>> -> memref<1x125xi32, #tpu.memory_space<vmem>>
    %dma_start3A_96 = tpu.memref_squeeze %dma_start3A_95 : memref<1x125xi32, #tpu.memory_space<vmem>> -> memref<125xi32, #tpu.memory_space<vmem>>
    %dma_start3A_97 = arith.constant 0 : i32
    %dma_start3A_98 = tpu.memref_slice %arg4[%arg1, %dma_start3A_86, %dma_start3A_97] : memref<16x160x125xi32, #tpu.memory_space<hbm>> -> memref<1x1x125xi32, #tpu.memory_space<hbm>>
    %dma_start3A_99 = tpu.memref_squeeze %dma_start3A_98 : memref<1x1x125xi32, #tpu.memory_space<hbm>> -> memref<125xi32, #tpu.memory_space<hbm>>
    tpu.enqueue_dma source(%dma_start3A_99 : memref<125xi32, #tpu.memory_space<hbm>>) target(%dma_start3A_96 : memref<125xi32, #tpu.memory_space<vmem>>) target_semaphore(%arg29 : memref<!tpu.dma_semaphore, #tpu.memory_space<semaphore_mem>>)
    %dma_start3A_100 = arith.constant 4 : i32
    %dma_start3A_101 = arith.constant 0 : i32
    %dma_start3A_102 = tpu.memref_slice %arg7[%dma_start3A_100, %dma_start3A_101] : memref<160x125xi32, #tpu.memory_space<vmem>> -> memref<1x125xi32, #tpu.memory_space<vmem>>
    %dma_start3A_103 = tpu.memref_squeeze %dma_start3A_102 : memref<1x125xi32, #tpu.memory_space<vmem>> -> memref<125xi32, #tpu.memory_space<vmem>>
    %dma_start3A_104 = arith.constant 0 : i32
    %dma_start3A_105 = arith.constant 0 : i32
    %dma_start3A_106 = tpu.memref_slice %arg2[%arg0, %dma_start3A_104, %dma_start3A_105] : memref<2x10000x64xf32, #tpu.memory_space<hbm>> -> memref<1x10000x64xf32, #tpu.memory_space<hbm>>
    %dma_start3A_107 = tpu.memref_squeeze %dma_start3A_106 : memref<1x10000x64xf32, #tpu.memory_space<hbm>> -> memref<10000x64xf32, #tpu.memory_space<hbm>>
    %dma_start3A_108 = arith.constant 0 : i32
    %dma_start3A_109 = arith.constant 0 : i32
    %dma_start3A_110 = tpu.memref_slice %dma_start3A_107[%dma_start3A_108, %dma_start3A_109] : memref<10000x64xf32, #tpu.memory_space<hbm>> -> memref<10000x64xf32, #tpu.memory_space<hbm>>
    tpu.enqueue_indirect_dma source(%dma_start3A_110 : memref<10000x64xf32, #tpu.memory_space<hbm>>) target(%arg13 : memref<125x64xf32, #tpu.memory_space<vmem>>) offsets(%dma_start3A_103 : memref<125xi32, #tpu.memory_space<vmem>>) semaphore(%arg22 : memref<!tpu.dma_semaphore, #tpu.memory_space<semaphore_mem>>)
    %dma_start3A_111 = arith.constant 4 : i32
    %dma_start3A_112 = arith.constant 4 : i32
    %dma_start3A_113 = arith.constant 0 : i32
    %dma_start3A_114 = tpu.memref_slice %arg8[%dma_start3A_112, %dma_start3A_113] : memref<8x125xi32, #tpu.memory_space<vmem>> -> memref<1x125xi32, #tpu.memory_space<vmem>>
    %dma_start3A_115 = tpu.memref_squeeze %dma_start3A_114 : memref<1x125xi32, #tpu.memory_space<vmem>> -> memref<125xi32, #tpu.memory_space<vmem>>
    %dma_start3A_116 = arith.constant 0 : i32
    %dma_start3A_117 = tpu.memref_slice %arg4[%arg1, %dma_start3A_111, %dma_start3A_116] : memref<16x160x125xi32, #tpu.memory_space<hbm>> -> memref<1x1x125xi32, #tpu.memory_space<hbm>>
    %dma_start3A_118 = tpu.memref_squeeze %dma_start3A_117 : memref<1x1x125xi32, #tpu.memory_space<hbm>> -> memref<125xi32, #tpu.memory_space<hbm>>
    %dma_start3A_119 = arith.constant 0 : i32
    %dma_start3A_120 = tpu.memref_slice %arg8[%dma_start3A_112, %dma_start3A_119] : memref<8x125xi32, #tpu.memory_space<vmem>> -> memref<1x125xi32, #tpu.memory_space<vmem>>
    %dma_start3A_121 = tpu.memref_squeeze %dma_start3A_120 : memref<1x125xi32, #tpu.memory_space<vmem>> -> memref<125xi32, #tpu.memory_space<vmem>>
    %dma_start3A_122 = arith.constant 0 : i32
    %dma_start3A_123 = tpu.memref_slice %arg4[%arg1, %dma_start3A_111, %dma_start3A_122] : memref<16x160x125xi32, #tpu.memory_space<hbm>> -> memref<1x1x125xi32, #tpu.memory_space<hbm>>
    %dma_start3A_124 = tpu.memref_squeeze %dma_start3A_123 : memref<1x1x125xi32, #tpu.memory_space<hbm>> -> memref<125xi32, #tpu.memory_space<hbm>>
    tpu.enqueue_dma source(%dma_start3A_124 : memref<125xi32, #tpu.memory_space<hbm>>) target(%dma_start3A_121 : memref<125xi32, #tpu.memory_space<vmem>>) target_semaphore(%arg30 : memref<!tpu.dma_semaphore, #tpu.memory_space<semaphore_mem>>)
    %dma_start3A_125 = arith.constant 5 : i32
    %dma_start3A_126 = arith.constant 0 : i32
    %dma_start3A_127 = tpu.memref_slice %arg7[%dma_start3A_125, %dma_start3A_126] : memref<160x125xi32, #tpu.memory_space<vmem>> -> memref<1x125xi32, #tpu.memory_space<vmem>>
    %dma_start3A_128 = tpu.memref_squeeze %dma_start3A_127 : memref<1x125xi32, #tpu.memory_space<vmem>> -> memref<125xi32, #tpu.memory_space<vmem>>
    %dma_start3A_129 = arith.constant 0 : i32
    %dma_start3A_130 = arith.constant 0 : i32
    %dma_start3A_131 = tpu.memref_slice %arg2[%arg0, %dma_start3A_129, %dma_start3A_130] : memref<2x10000x64xf32, #tpu.memory_space<hbm>> -> memref<1x10000x64xf32, #tpu.memory_space<hbm>>
    %dma_start3A_132 = tpu.memref_squeeze %dma_start3A_131 : memref<1x10000x64xf32, #tpu.memory_space<hbm>> -> memref<10000x64xf32, #tpu.memory_space<hbm>>
    %dma_start3A_133 = arith.constant 0 : i32
    %dma_start3A_134 = arith.constant 0 : i32
    %dma_start3A_135 = tpu.memref_slice %dma_start3A_132[%dma_start3A_133, %dma_start3A_134] : memref<10000x64xf32, #tpu.memory_space<hbm>> -> memref<10000x64xf32, #tpu.memory_space<hbm>>
    tpu.enqueue_indirect_dma source(%dma_start3A_135 : memref<10000x64xf32, #tpu.memory_space<hbm>>) target(%arg14 : memref<125x64xf32, #tpu.memory_space<vmem>>) offsets(%dma_start3A_128 : memref<125xi32, #tpu.memory_space<vmem>>) semaphore(%arg23 : memref<!tpu.dma_semaphore, #tpu.memory_space<semaphore_mem>>)
    %dma_start3A_136 = arith.constant 5 : i32
    %dma_start3A_137 = arith.constant 5 : i32
    %dma_start3A_138 = arith.constant 0 : i32
    %dma_start3A_139 = tpu.memref_slice %arg8[%dma_start3A_137, %dma_start3A_138] : memref<8x125xi32, #tpu.memory_space<vmem>> -> memref<1x125xi32, #tpu.memory_space<vmem>>
    %dma_start3A_140 = tpu.memref_squeeze %dma_start3A_139 : memref<1x125xi32, #tpu.memory_space<vmem>> -> memref<125xi32, #tpu.memory_space<vmem>>
    %dma_start3A_141 = arith.constant 0 : i32
    %dma_start3A_142 = tpu.memref_slice %arg4[%arg1, %dma_start3A_136, %dma_start3A_141] : memref<16x160x125xi32, #tpu.memory_space<hbm>> -> memref<1x1x125xi32, #tpu.memory_space<hbm>>
    %dma_start3A_143 = tpu.memref_squeeze %dma_start3A_142 : memref<1x1x125xi32, #tpu.memory_space<hbm>> -> memref<125xi32, #tpu.memory_space<hbm>>
    %dma_start3A_144 = arith.constant 0 : i32
    %dma_start3A_145 = tpu.memref_slice %arg8[%dma_start3A_137, %dma_start3A_144] : memref<8x125xi32, #tpu.memory_space<vmem>> -> memref<1x125xi32, #tpu.memory_space<vmem>>
    %dma_start3A_146 = tpu.memref_squeeze %dma_start3A_145 : memref<1x125xi32, #tpu.memory_space<vmem>> -> memref<125xi32, #tpu.memory_space<vmem>>
    %dma_start3A_147 = arith.constant 0 : i32
    %dma_start3A_148 = tpu.memref_slice %arg4[%arg1, %dma_start3A_136, %dma_start3A_147] : memref<16x160x125xi32, #tpu.memory_space<hbm>> -> memref<1x1x125xi32, #tpu.memory_space<hbm>>
    %dma_start3A_149 = tpu.memref_squeeze %dma_start3A_148 : memref<1x1x125xi32, #tpu.memory_space<hbm>> -> memref<125xi32, #tpu.memory_space<hbm>>
    tpu.enqueue_dma source(%dma_start3A_149 : memref<125xi32, #tpu.memory_space<hbm>>) target(%dma_start3A_146 : memref<125xi32, #tpu.memory_space<vmem>>) target_semaphore(%arg31 : memref<!tpu.dma_semaphore, #tpu.memory_space<semaphore_mem>>)
    %dma_start3A_150 = arith.constant 6 : i32
    %dma_start3A_151 = arith.constant 0 : i32
    %dma_start3A_152 = tpu.memref_slice %arg7[%dma_start3A_150, %dma_start3A_151] : memref<160x125xi32, #tpu.memory_space<vmem>> -> memref<1x125xi32, #tpu.memory_space<vmem>>
    %dma_start3A_153 = tpu.memref_squeeze %dma_start3A_152 : memref<1x125xi32, #tpu.memory_space<vmem>> -> memref<125xi32, #tpu.memory_space<vmem>>
    %dma_start3A_154 = arith.constant 0 : i32
    %dma_start3A_155 = arith.constant 0 : i32
    %dma_start3A_156 = tpu.memref_slice %arg2[%arg0, %dma_start3A_154, %dma_start3A_155] : memref<2x10000x64xf32, #tpu.memory_space<hbm>> -> memref<1x10000x64xf32, #tpu.memory_space<hbm>>
    %dma_start3A_157 = tpu.memref_squeeze %dma_start3A_156 : memref<1x10000x64xf32, #tpu.memory_space<hbm>> -> memref<10000x64xf32, #tpu.memory_space<hbm>>
    %dma_start3A_158 = arith.constant 0 : i32
    %dma_start3A_159 = arith.constant 0 : i32
    %dma_start3A_160 = tpu.memref_slice %dma_start3A_157[%dma_start3A_158, %dma_start3A_159] : memref<10000x64xf32, #tpu.memory_space<hbm>> -> memref<10000x64xf32, #tpu.memory_space<hbm>>
    tpu.enqueue_indirect_dma source(%dma_start3A_160 : memref<10000x64xf32, #tpu.memory_space<hbm>>) target(%arg15 : memref<125x64xf32, #tpu.memory_space<vmem>>) offsets(%dma_start3A_153 : memref<125xi32, #tpu.memory_space<vmem>>) semaphore(%arg24 : memref<!tpu.dma_semaphore, #tpu.memory_space<semaphore_mem>>)
    %dma_start3A_161 = arith.constant 6 : i32
    %dma_start3A_162 = arith.constant 6 : i32
    %dma_start3A_163 = arith.constant 0 : i32
    %dma_start3A_164 = tpu.memref_slice %arg8[%dma_start3A_162, %dma_start3A_163] : memref<8x125xi32, #tpu.memory_space<vmem>> -> memref<1x125xi32, #tpu.memory_space<vmem>>
    %dma_start3A_165 = tpu.memref_squeeze %dma_start3A_164 : memref<1x125xi32, #tpu.memory_space<vmem>> -> memref<125xi32, #tpu.memory_space<vmem>>
    %dma_start3A_166 = arith.constant 0 : i32
    %dma_start3A_167 = tpu.memref_slice %arg4[%arg1, %dma_start3A_161, %dma_start3A_166] : memref<16x160x125xi32, #tpu.memory_space<hbm>> -> memref<1x1x125xi32, #tpu.memory_space<hbm>>
    %dma_start3A_168 = tpu.memref_squeeze %dma_start3A_167 : memref<1x1x125xi32, #tpu.memory_space<hbm>> -> memref<125xi32, #tpu.memory_space<hbm>>
    %dma_start3A_169 = arith.constant 0 : i32
    %dma_start3A_170 = tpu.memref_slice %arg8[%dma_start3A_162, %dma_start3A_169] : memref<8x125xi32, #tpu.memory_space<vmem>> -> memref<1x125xi32, #tpu.memory_space<vmem>>
    %dma_start3A_171 = tpu.memref_squeeze %dma_start3A_170 : memref<1x125xi32, #tpu.memory_space<vmem>> -> memref<125xi32, #tpu.memory_space<vmem>>
    %dma_start3A_172 = arith.constant 0 : i32
    %dma_start3A_173 = tpu.memref_slice %arg4[%arg1, %dma_start3A_161, %dma_start3A_172] : memref<16x160x125xi32, #tpu.memory_space<hbm>> -> memref<1x1x125xi32, #tpu.memory_space<hbm>>
    %dma_start3A_174 = tpu.memref_squeeze %dma_start3A_173 : memref<1x1x125xi32, #tpu.memory_space<hbm>> -> memref<125xi32, #tpu.memory_space<hbm>>
    tpu.enqueue_dma source(%dma_start3A_174 : memref<125xi32, #tpu.memory_space<hbm>>) target(%dma_start3A_171 : memref<125xi32, #tpu.memory_space<vmem>>) target_semaphore(%arg32 : memref<!tpu.dma_semaphore, #tpu.memory_space<semaphore_mem>>)
    %dma_start3A_175 = arith.constant 7 : i32
    %dma_start3A_176 = arith.constant 0 : i32
    %dma_start3A_177 = tpu.memref_slice %arg7[%dma_start3A_175, %dma_start3A_176] : memref<160x125xi32, #tpu.memory_space<vmem>> -> memref<1x125xi32, #tpu.memory_space<vmem>>
    %dma_start3A_178 = tpu.memref_squeeze %dma_start3A_177 : memref<1x125xi32, #tpu.memory_space<vmem>> -> memref<125xi32, #tpu.memory_space<vmem>>
    %dma_start3A_179 = arith.constant 0 : i32
    %dma_start3A_180 = arith.constant 0 : i32
    %dma_start3A_181 = tpu.memref_slice %arg2[%arg0, %dma_start3A_179, %dma_start3A_180] : memref<2x10000x64xf32, #tpu.memory_space<hbm>> -> memref<1x10000x64xf32, #tpu.memory_space<hbm>>
    %dma_start3A_182 = tpu.memref_squeeze %dma_start3A_181 : memref<1x10000x64xf32, #tpu.memory_space<hbm>> -> memref<10000x64xf32, #tpu.memory_space<hbm>>
    %dma_start3A_183 = arith.constant 0 : i32
    %dma_start3A_184 = arith.constant 0 : i32
    %dma_start3A_185 = tpu.memref_slice %dma_start3A_182[%dma_start3A_183, %dma_start3A_184] : memref<10000x64xf32, #tpu.memory_space<hbm>> -> memref<10000x64xf32, #tpu.memory_space<hbm>>
    tpu.enqueue_indirect_dma source(%dma_start3A_185 : memref<10000x64xf32, #tpu.memory_space<hbm>>) target(%arg16 : memref<125x64xf32, #tpu.memory_space<vmem>>) offsets(%dma_start3A_178 : memref<125xi32, #tpu.memory_space<vmem>>) semaphore(%arg25 : memref<!tpu.dma_semaphore, #tpu.memory_space<semaphore_mem>>)
    %dma_start3A_186 = arith.constant 7 : i32
    %dma_start3A_187 = arith.constant 7 : i32
    %dma_start3A_188 = arith.constant 0 : i32
    %dma_start3A_189 = tpu.memref_slice %arg8[%dma_start3A_187, %dma_start3A_188] : memref<8x125xi32, #tpu.memory_space<vmem>> -> memref<1x125xi32, #tpu.memory_space<vmem>>
    %dma_start3A_190 = tpu.memref_squeeze %dma_start3A_189 : memref<1x125xi32, #tpu.memory_space<vmem>> -> memref<125xi32, #tpu.memory_space<vmem>>
    %dma_start3A_191 = arith.constant 0 : i32
    %dma_start3A_192 = tpu.memref_slice %arg4[%arg1, %dma_start3A_186, %dma_start3A_191] : memref<16x160x125xi32, #tpu.memory_space<hbm>> -> memref<1x1x125xi32, #tpu.memory_space<hbm>>
    %dma_start3A_193 = tpu.memref_squeeze %dma_start3A_192 : memref<1x1x125xi32, #tpu.memory_space<hbm>> -> memref<125xi32, #tpu.memory_space<hbm>>
    %dma_start3A_194 = arith.constant 0 : i32
    %dma_start3A_195 = tpu.memref_slice %arg8[%dma_start3A_187, %dma_start3A_194] : memref<8x125xi32, #tpu.memory_space<vmem>> -> memref<1x125xi32, #tpu.memory_space<vmem>>
    %dma_start3A_196 = tpu.memref_squeeze %dma_start3A_195 : memref<1x125xi32, #tpu.memory_space<vmem>> -> memref<125xi32, #tpu.memory_space<vmem>>
    %dma_start3A_197 = arith.constant 0 : i32
    %dma_start3A_198 = tpu.memref_slice %arg4[%arg1, %dma_start3A_186, %dma_start3A_197] : memref<16x160x125xi32, #tpu.memory_space<hbm>> -> memref<1x1x125xi32, #tpu.memory_space<hbm>>
    %dma_start3A_199 = tpu.memref_squeeze %dma_start3A_198 : memref<1x1x125xi32, #tpu.memory_space<hbm>> -> memref<125xi32, #tpu.memory_space<hbm>>
    tpu.enqueue_dma source(%dma_start3A_199 : memref<125xi32, #tpu.memory_space<hbm>>) target(%dma_start3A_196 : memref<125xi32, #tpu.memory_space<vmem>>) target_semaphore(%arg33 : memref<!tpu.dma_semaphore, #tpu.memory_space<semaphore_mem>>)
    %mul3A_200 = arith.constant 624 : i32
    %mul3A_201 = arith.muli %arg1, %mul3A_200 : i32
    "tpu.region"() ({
      %run_scoped3A = tpu.sem_alloc : memref<!tpu.dma_semaphore, #tpu.memory_space<semaphore_mem>>
      %dma_start3A_274 = arith.constant 0 : i32
      %dma_start3A_275 = tpu.memref_slice %arg17[%mul3A_201, %dma_start3A_274] : memref<10000x64xf32, #tpu.memory_space<vmem_shared>> -> memref<624x64xf32, #tpu.memory_space<vmem_shared>>
      %dma_start3A_276 = arith.constant 0 : i32
      %dma_start3A_277 = arith.constant 0 : i32
      %dma_start3A_278 = tpu.memref_slice %arg5[%dma_start3A_276, %dma_start3A_277] : memref<624x64xf32, #tpu.memory_space<hbm>> -> memref<624x64xf32, #tpu.memory_space<hbm>>
      tpu.enqueue_dma source(%dma_start3A_278 : memref<624x64xf32, #tpu.memory_space<hbm>>) target(%dma_start3A_275 : memref<624x64xf32, #tpu.memory_space<vmem_shared>>) target_semaphore(%run_scoped3A : memref<!tpu.dma_semaphore, #tpu.memory_space<semaphore_mem>>)
      %dma_wait3A_279 = arith.constant 0 : i32
      %dma_wait3A_280 = tpu.memref_slice %arg17[%mul3A_201, %dma_wait3A_279] : memref<10000x64xf32, #tpu.memory_space<vmem_shared>> -> memref<624x64xf32, #tpu.memory_space<vmem_shared>>
      %dma_wait3A_281 = arith.constant 0 : i32
      %dma_wait3A_282 = arith.constant 0 : i32
      %dma_wait3A_283 = tpu.memref_slice %arg5[%dma_wait3A_281, %dma_wait3A_282] : memref<624x64xf32, #tpu.memory_space<hbm>> -> memref<624x64xf32, #tpu.memory_space<hbm>>
      tpu.wait_dma2 semaphore(%run_scoped3A : memref<!tpu.dma_semaphore, #tpu.memory_space<semaphore_mem>>) src(%dma_wait3A_283 : memref<624x64xf32, #tpu.memory_space<hbm>>) dst(%dma_wait3A_280 : memref<624x64xf32, #tpu.memory_space<vmem_shared>>)
      tpu.yield
    }) : () -> ()
    %eq3A = arith.constant 15 : i32
    %eq3A_202 = arith.cmpi eq, %arg1, %eq3A : i32
    %convert_element_type3A = arith.extui %eq3A_202 : i1 to i32
    %cond3A = arith.constant 0 : i32
    %cond3A_203 = arith.cmpi ne, %convert_element_type3A, %cond3A : i32
    scf.if %cond3A_203 {
      "tpu.region"() ({
        %run_scoped3A = tpu.sem_alloc : memref<!tpu.dma_semaphore, #tpu.memory_space<semaphore_mem>>
        %dma_start3A_274 = arith.constant 9984 : i32
        %dma_start3A_275 = arith.constant 0 : i32
        %dma_start3A_276 = tpu.memref_slice %arg17[%dma_start3A_274, %dma_start3A_275] : memref<10000x64xf32, #tpu.memory_space<vmem_shared>> -> memref<16x64xf32, #tpu.memory_space<vmem_shared>>
        %dma_start3A_277 = arith.constant 0 : i32
        %dma_start3A_278 = arith.constant 0 : i32
        %dma_start3A_279 = tpu.memref_slice %arg5[%dma_start3A_277, %dma_start3A_278] : memref<624x64xf32, #tpu.memory_space<hbm>> -> memref<16x64xf32, #tpu.memory_space<hbm>>
        tpu.enqueue_dma source(%dma_start3A_279 : memref<16x64xf32, #tpu.memory_space<hbm>>) target(%dma_start3A_276 : memref<16x64xf32, #tpu.memory_space<vmem_shared>>) target_semaphore(%run_scoped3A : memref<!tpu.dma_semaphore, #tpu.memory_space<semaphore_mem>>)
        %dma_wait3A_280 = arith.constant 9984 : i32
        %dma_wait3A_281 = arith.constant 0 : i32
        %dma_wait3A_282 = tpu.memref_slice %arg17[%dma_wait3A_280, %dma_wait3A_281] : memref<10000x64xf32, #tpu.memory_space<vmem_shared>> -> memref<16x64xf32, #tpu.memory_space<vmem_shared>>
        %dma_wait3A_283 = arith.constant 0 : i32
        %dma_wait3A_284 = arith.constant 0 : i32
        %dma_wait3A_285 = tpu.memref_slice %arg5[%dma_wait3A_283, %dma_wait3A_284] : memref<624x64xf32, #tpu.memory_space<hbm>> -> memref<16x64xf32, #tpu.memory_space<hbm>>
        tpu.wait_dma2 semaphore(%run_scoped3A : memref<!tpu.dma_semaphore, #tpu.memory_space<semaphore_mem>>) src(%dma_wait3A_285 : memref<16x64xf32, #tpu.memory_space<hbm>>) dst(%dma_wait3A_282 : memref<16x64xf32, #tpu.memory_space<vmem_shared>>)
        tpu.yield
      }) : () -> ()
    } else {
    }
    %barrier3A = arith.constant 0 : index
    tpu.barrier barrier_id(%barrier3A)
    %scan3A = arith.constant 0 : i32
    %scan3A_204 = arith.constant 0 : i32
    %scan3A_205 = arith.constant 20 : i32
    %scan3A_206 = arith.addi %scan3A_204, %scan3A_205 : i32
    %scan3A_207 = arith.constant 1 : i32
    scf.for %scan3A_274 = %scan3A_204 to %scan3A_206 step %scan3A_207  : i32 {
      %mul3A_275 = arith.constant 8 : i32
      %mul3A_276 = arith.muli %scan3A_274, %mul3A_275 : i32
      %add3A = arith.constant 0 : i32
      %add3A_277 = arith.addi %mul3A_276, %add3A : i32
      %dma_wait3A_278 = arith.constant 0 : i32
      %dma_wait3A_279 = tpu.memref_slice %arg7[%add3A_277, %dma_wait3A_278] : memref<160x125xi32, #tpu.memory_space<vmem>> -> memref<1x125xi32, #tpu.memory_space<vmem>>
      %dma_wait3A_280 = tpu.memref_squeeze %dma_wait3A_279 : memref<1x125xi32, #tpu.memory_space<vmem>> -> memref<125xi32, #tpu.memory_space<vmem>>
      %dma_wait3A_281 = arith.constant 0 : i32
      %dma_wait3A_282 = arith.constant 0 : i32
      %dma_wait3A_283 = tpu.memref_slice %arg2[%arg0, %dma_wait3A_281, %dma_wait3A_282] : memref<2x10000x64xf32, #tpu.memory_space<hbm>> -> memref<1x10000x64xf32, #tpu.memory_space<hbm>>
      %dma_wait3A_284 = tpu.memref_squeeze %dma_wait3A_283 : memref<1x10000x64xf32, #tpu.memory_space<hbm>> -> memref<10000x64xf32, #tpu.memory_space<hbm>>
      %dma_wait3A_285 = arith.constant 0 : i32
      %dma_wait3A_286 = arith.constant 0 : i32
      %dma_wait3A_287 = tpu.memref_slice %dma_wait3A_284[%dma_wait3A_285, %dma_wait3A_286] : memref<10000x64xf32, #tpu.memory_space<hbm>> -> memref<10000x64xf32, #tpu.memory_space<hbm>>
      tpu.wait_indirect_dma semaphore(%arg18 : memref<!tpu.dma_semaphore, #tpu.memory_space<semaphore_mem>>) src(%dma_wait3A_287 : memref<10000x64xf32, #tpu.memory_space<hbm>>) dst(%arg9 : memref<125x64xf32, #tpu.memory_space<vmem>>)
      %dma_wait3A_288 = arith.constant 0 : i32
      %dma_wait3A_289 = arith.constant 0 : i32
      %dma_wait3A_290 = tpu.memref_slice %arg8[%dma_wait3A_288, %dma_wait3A_289] : memref<8x125xi32, #tpu.memory_space<vmem>> -> memref<1x125xi32, #tpu.memory_space<vmem>>
      %dma_wait3A_291 = tpu.memref_squeeze %dma_wait3A_290 : memref<1x125xi32, #tpu.memory_space<vmem>> -> memref<125xi32, #tpu.memory_space<vmem>>
      %dma_wait3A_292 = arith.constant 0 : i32
      %dma_wait3A_293 = tpu.memref_slice %arg4[%arg1, %add3A_277, %dma_wait3A_292] : memref<16x160x125xi32, #tpu.memory_space<hbm>> -> memref<1x1x125xi32, #tpu.memory_space<hbm>>
      %dma_wait3A_294 = tpu.memref_squeeze %dma_wait3A_293 : memref<1x1x125xi32, #tpu.memory_space<hbm>> -> memref<125xi32, #tpu.memory_space<hbm>>
      %dma_wait3A_295 = arith.constant 0 : i32
      %dma_wait3A_296 = tpu.memref_slice %arg8[%dma_wait3A_288, %dma_wait3A_295] : memref<8x125xi32, #tpu.memory_space<vmem>> -> memref<1x125xi32, #tpu.memory_space<vmem>>
      %dma_wait3A_297 = tpu.memref_squeeze %dma_wait3A_296 : memref<1x125xi32, #tpu.memory_space<vmem>> -> memref<125xi32, #tpu.memory_space<vmem>>
      %dma_wait3A_298 = arith.constant 0 : i32
      %dma_wait3A_299 = tpu.memref_slice %arg4[%arg1, %add3A_277, %dma_wait3A_298] : memref<16x160x125xi32, #tpu.memory_space<hbm>> -> memref<1x1x125xi32, #tpu.memory_space<hbm>>
      %dma_wait3A_300 = tpu.memref_squeeze %dma_wait3A_299 : memref<1x1x125xi32, #tpu.memory_space<hbm>> -> memref<125xi32, #tpu.memory_space<hbm>>
      tpu.wait_dma2 semaphore(%arg26 : memref<!tpu.dma_semaphore, #tpu.memory_space<semaphore_mem>>) src(%dma_wait3A_300 : memref<125xi32, #tpu.memory_space<hbm>>) dst(%dma_wait3A_297 : memref<125xi32, #tpu.memory_space<vmem>>)
      %dma_start3A_301 = arith.constant 0 : i32
      %dma_start3A_302 = arith.constant 0 : i32
      %dma_start3A_303 = tpu.memref_slice %arg8[%dma_start3A_301, %dma_start3A_302] : memref<8x125xi32, #tpu.memory_space<vmem>> -> memref<1x125xi32, #tpu.memory_space<vmem>>
      %dma_start3A_304 = tpu.memref_squeeze %dma_start3A_303 : memref<1x125xi32, #tpu.memory_space<vmem>> -> memref<125xi32, #tpu.memory_space<vmem>>
      %dma_start3A_305 = arith.constant 0 : i32
      %dma_start3A_306 = arith.constant 0 : i32
      %dma_start3A_307 = tpu.memref_slice %arg17[%dma_start3A_305, %dma_start3A_306] : memref<10000x64xf32, #tpu.memory_space<vmem_shared>> -> memref<10000x64xf32, #tpu.memory_space<vmem_shared>>
      tpu.enqueue_indirect_dma source(%arg9 : memref<125x64xf32, #tpu.memory_space<vmem>>) target(%dma_start3A_307 : memref<10000x64xf32, #tpu.memory_space<vmem_shared>>) offsets(%dma_start3A_304 : memref<125xi32, #tpu.memory_space<vmem>>) semaphore(%arg34 : memref<!tpu.dma_semaphore, #tpu.memory_space<semaphore_mem>>) {add = true}
      %add3A_308 = arith.constant 8 : i32
      %add3A_309 = arith.addi %add3A_277, %add3A_308 : i32
      %sub3A = arith.constant 2 : i32
      %sub3A_310 = arith.subi %add3A_309, %sub3A : i32
      %ge3A = arith.constant 8 : i32
      %ge3A_311 = arith.cmpi sge, %sub3A_310, %ge3A : i32
      %lt3A = arith.constant 160 : i32
      %lt3A_312 = arith.cmpi slt, %sub3A_310, %lt3A : i32
      %and3A = arith.andi %ge3A_311, %lt3A_312 : i1
      %convert_element_type3A_313 = arith.extui %and3A : i1 to i32
      %cond3A_314 = arith.constant 0 : i32
      %cond3A_315 = arith.cmpi ne, %convert_element_type3A_313, %cond3A_314 : i32
      scf.if %cond3A_315 {
        %dma_wait3A_638 = arith.constant 6 : i32
        %dma_wait3A_639 = arith.constant 0 : i32
        %dma_wait3A_640 = tpu.memref_slice %arg8[%dma_wait3A_638, %dma_wait3A_639] : memref<8x125xi32, #tpu.memory_space<vmem>> -> memref<1x125xi32, #tpu.memory_space<vmem>>
        %dma_wait3A_641 = tpu.memref_squeeze %dma_wait3A_640 : memref<1x125xi32, #tpu.memory_space<vmem>> -> memref<125xi32, #tpu.memory_space<vmem>>
        %dma_wait3A_642 = arith.constant 0 : i32
        %dma_wait3A_643 = arith.constant 0 : i32
        %dma_wait3A_644 = tpu.memref_slice %arg17[%dma_wait3A_642, %dma_wait3A_643] : memref<10000x64xf32, #tpu.memory_space<vmem_shared>> -> memref<10000x64xf32, #tpu.memory_space<vmem_shared>>
        tpu.wait_indirect_dma semaphore(%arg40 : memref<!tpu.dma_semaphore, #tpu.memory_space<semaphore_mem>>) src(%arg15 : memref<125x64xf32, #tpu.memory_space<vmem>>) dst(%dma_wait3A_644 : memref<10000x64xf32, #tpu.memory_space<vmem_shared>>)
        %dma_start3A_645 = arith.constant 0 : i32
        %dma_start3A_646 = tpu.memref_slice %arg7[%sub3A_310, %dma_start3A_645] : memref<160x125xi32, #tpu.memory_space<vmem>> -> memref<1x125xi32, #tpu.memory_space<vmem>>
        %dma_start3A_647 = tpu.memref_squeeze %dma_start3A_646 : memref<1x125xi32, #tpu.memory_space<vmem>> -> memref<125xi32, #tpu.memory_space<vmem>>
        %dma_start3A_648 = arith.constant 0 : i32
        %dma_start3A_649 = arith.constant 0 : i32
        %dma_start3A_650 = tpu.memref_slice %arg2[%arg0, %dma_start3A_648, %dma_start3A_649] : memref<2x10000x64xf32, #tpu.memory_space<hbm>> -> memref<1x10000x64xf32, #tpu.memory_space<hbm>>
        %dma_start3A_651 = tpu.memref_squeeze %dma_start3A_650 : memref<1x10000x64xf32, #tpu.memory_space<hbm>> -> memref<10000x64xf32, #tpu.memory_space<hbm>>
        %dma_start3A_652 = arith.constant 0 : i32
        %dma_start3A_653 = arith.constant 0 : i32
        %dma_start3A_654 = tpu.memref_slice %dma_start3A_651[%dma_start3A_652, %dma_start3A_653] : memref<10000x64xf32, #tpu.memory_space<hbm>> -> memref<10000x64xf32, #tpu.memory_space<hbm>>
        tpu.enqueue_indirect_dma source(%dma_start3A_654 : memref<10000x64xf32, #tpu.memory_space<hbm>>) target(%arg15 : memref<125x64xf32, #tpu.memory_space<vmem>>) offsets(%dma_start3A_647 : memref<125xi32, #tpu.memory_space<vmem>>) semaphore(%arg24 : memref<!tpu.dma_semaphore, #tpu.memory_space<semaphore_mem>>)
        %dma_start3A_655 = arith.constant 6 : i32
        %dma_start3A_656 = arith.constant 0 : i32
        %dma_start3A_657 = tpu.memref_slice %arg8[%dma_start3A_655, %dma_start3A_656] : memref<8x125xi32, #tpu.memory_space<vmem>> -> memref<1x125xi32, #tpu.memory_space<vmem>>
        %dma_start3A_658 = tpu.memref_squeeze %dma_start3A_657 : memref<1x125xi32, #tpu.memory_space<vmem>> -> memref<125xi32, #tpu.memory_space<vmem>>
        %dma_start3A_659 = arith.constant 0 : i32
        %dma_start3A_660 = tpu.memref_slice %arg4[%arg1, %sub3A_310, %dma_start3A_659] : memref<16x160x125xi32, #tpu.memory_space<hbm>> -> memref<1x1x125xi32, #tpu.memory_space<hbm>>
        %dma_start3A_661 = tpu.memref_squeeze %dma_start3A_660 : memref<1x1x125xi32, #tpu.memory_space<hbm>> -> memref<125xi32, #tpu.memory_space<hbm>>
        %dma_start3A_662 = arith.constant 0 : i32
        %dma_start3A_663 = tpu.memref_slice %arg8[%dma_start3A_655, %dma_start3A_662] : memref<8x125xi32, #tpu.memory_space<vmem>> -> memref<1x125xi32, #tpu.memory_space<vmem>>
        %dma_start3A_664 = tpu.memref_squeeze %dma_start3A_663 : memref<1x125xi32, #tpu.memory_space<vmem>> -> memref<125xi32, #tpu.memory_space<vmem>>
        %dma_start3A_665 = arith.constant 0 : i32
        %dma_start3A_666 = tpu.memref_slice %arg4[%arg1, %sub3A_310, %dma_start3A_665] : memref<16x160x125xi32, #tpu.memory_space<hbm>> -> memref<1x1x125xi32, #tpu.memory_space<hbm>>
        %dma_start3A_667 = tpu.memref_squeeze %dma_start3A_666 : memref<1x1x125xi32, #tpu.memory_space<hbm>> -> memref<125xi32, #tpu.memory_space<hbm>>
        tpu.enqueue_dma source(%dma_start3A_667 : memref<125xi32, #tpu.memory_space<hbm>>) target(%dma_start3A_664 : memref<125xi32, #tpu.memory_space<vmem>>) target_semaphore(%arg32 : memref<!tpu.dma_semaphore, #tpu.memory_space<semaphore_mem>>)
      } else {
      }
      %mul3A_316 = arith.constant 8 : i32
      %mul3A_317 = arith.muli %scan3A_274, %mul3A_316 : i32
      %add3A_318 = arith.constant 1 : i32
      %add3A_319 = arith.addi %mul3A_317, %add3A_318 : i32
      %dma_wait3A_320 = arith.constant 0 : i32
      %dma_wait3A_321 = tpu.memref_slice %arg7[%add3A_319, %dma_wait3A_320] : memref<160x125xi32, #tpu.memory_space<vmem>> -> memref<1x125xi32, #tpu.memory_space<vmem>>
      %dma_wait3A_322 = tpu.memref_squeeze %dma_wait3A_321 : memref<1x125xi32, #tpu.memory_space<vmem>> -> memref<125xi32, #tpu.memory_space<vmem>>
      %dma_wait3A_323 = arith.constant 0 : i32
      %dma_wait3A_324 = arith.constant 0 : i32
      %dma_wait3A_325 = tpu.memref_slice %arg2[%arg0, %dma_wait3A_323, %dma_wait3A_324] : memref<2x10000x64xf32, #tpu.memory_space<hbm>> -> memref<1x10000x64xf32, #tpu.memory_space<hbm>>
      %dma_wait3A_326 = tpu.memref_squeeze %dma_wait3A_325 : memref<1x10000x64xf32, #tpu.memory_space<hbm>> -> memref<10000x64xf32, #tpu.memory_space<hbm>>
      %dma_wait3A_327 = arith.constant 0 : i32
      %dma_wait3A_328 = arith.constant 0 : i32
      %dma_wait3A_329 = tpu.memref_slice %dma_wait3A_326[%dma_wait3A_327, %dma_wait3A_328] : memref<10000x64xf32, #tpu.memory_space<hbm>> -> memref<10000x64xf32, #tpu.memory_space<hbm>>
      tpu.wait_indirect_dma semaphore(%arg19 : memref<!tpu.dma_semaphore, #tpu.memory_space<semaphore_mem>>) src(%dma_wait3A_329 : memref<10000x64xf32, #tpu.memory_space<hbm>>) dst(%arg10 : memref<125x64xf32, #tpu.memory_space<vmem>>)
      %dma_wait3A_330 = arith.constant 1 : i32
      %dma_wait3A_331 = arith.constant 0 : i32
      %dma_wait3A_332 = tpu.memref_slice %arg8[%dma_wait3A_330, %dma_wait3A_331] : memref<8x125xi32, #tpu.memory_space<vmem>> -> memref<1x125xi32, #tpu.memory_space<vmem>>
      %dma_wait3A_333 = tpu.memref_squeeze %dma_wait3A_332 : memref<1x125xi32, #tpu.memory_space<vmem>> -> memref<125xi32, #tpu.memory_space<vmem>>
      %dma_wait3A_334 = arith.constant 0 : i32
      %dma_wait3A_335 = tpu.memref_slice %arg4[%arg1, %add3A_319, %dma_wait3A_334] : memref<16x160x125xi32, #tpu.memory_space<hbm>> -> memref<1x1x125xi32, #tpu.memory_space<hbm>>
      %dma_wait3A_336 = tpu.memref_squeeze %dma_wait3A_335 : memref<1x1x125xi32, #tpu.memory_space<hbm>> -> memref<125xi32, #tpu.memory_space<hbm>>
      %dma_wait3A_337 = arith.constant 0 : i32
      %dma_wait3A_338 = tpu.memref_slice %arg8[%dma_wait3A_330, %dma_wait3A_337] : memref<8x125xi32, #tpu.memory_space<vmem>> -> memref<1x125xi32, #tpu.memory_space<vmem>>
      %dma_wait3A_339 = tpu.memref_squeeze %dma_wait3A_338 : memref<1x125xi32, #tpu.memory_space<vmem>> -> memref<125xi32, #tpu.memory_space<vmem>>
      %dma_wait3A_340 = arith.constant 0 : i32
      %dma_wait3A_341 = tpu.memref_slice %arg4[%arg1, %add3A_319, %dma_wait3A_340] : memref<16x160x125xi32, #tpu.memory_space<hbm>> -> memref<1x1x125xi32, #tpu.memory_space<hbm>>
      %dma_wait3A_342 = tpu.memref_squeeze %dma_wait3A_341 : memref<1x1x125xi32, #tpu.memory_space<hbm>> -> memref<125xi32, #tpu.memory_space<hbm>>
      tpu.wait_dma2 semaphore(%arg27 : memref<!tpu.dma_semaphore, #tpu.memory_space<semaphore_mem>>) src(%dma_wait3A_342 : memref<125xi32, #tpu.memory_space<hbm>>) dst(%dma_wait3A_339 : memref<125xi32, #tpu.memory_space<vmem>>)
      %dma_start3A_343 = arith.constant 1 : i32
      %dma_start3A_344 = arith.constant 0 : i32
      %dma_start3A_345 = tpu.memref_slice %arg8[%dma_start3A_343, %dma_start3A_344] : memref<8x125xi32, #tpu.memory_space<vmem>> -> memref<1x125xi32, #tpu.memory_space<vmem>>
      %dma_start3A_346 = tpu.memref_squeeze %dma_start3A_345 : memref<1x125xi32, #tpu.memory_space<vmem>> -> memref<125xi32, #tpu.memory_space<vmem>>
      %dma_start3A_347 = arith.constant 0 : i32
      %dma_start3A_348 = arith.constant 0 : i32
      %dma_start3A_349 = tpu.memref_slice %arg17[%dma_start3A_347, %dma_start3A_348] : memref<10000x64xf32, #tpu.memory_space<vmem_shared>> -> memref<10000x64xf32, #tpu.memory_space<vmem_shared>>
      tpu.enqueue_indirect_dma source(%arg10 : memref<125x64xf32, #tpu.memory_space<vmem>>) target(%dma_start3A_349 : memref<10000x64xf32, #tpu.memory_space<vmem_shared>>) offsets(%dma_start3A_346 : memref<125xi32, #tpu.memory_space<vmem>>) semaphore(%arg35 : memref<!tpu.dma_semaphore, #tpu.memory_space<semaphore_mem>>) {add = true}
      %add3A_350 = arith.constant 8 : i32
      %add3A_351 = arith.addi %add3A_319, %add3A_350 : i32
      %sub3A_352 = arith.constant 2 : i32
      %sub3A_353 = arith.subi %add3A_351, %sub3A_352 : i32
      %ge3A_354 = arith.constant 8 : i32
      %ge3A_355 = arith.cmpi sge, %sub3A_353, %ge3A_354 : i32
      %lt3A_356 = arith.constant 160 : i32
      %lt3A_357 = arith.cmpi slt, %sub3A_353, %lt3A_356 : i32
      %and3A_358 = arith.andi %ge3A_355, %lt3A_357 : i1
      %convert_element_type3A_359 = arith.extui %and3A_358 : i1 to i32
      %cond3A_360 = arith.constant 0 : i32
      %cond3A_361 = arith.cmpi ne, %convert_element_type3A_359, %cond3A_360 : i32
      scf.if %cond3A_361 {
        %dma_wait3A_638 = arith.constant 7 : i32
        %dma_wait3A_639 = arith.constant 0 : i32
        %dma_wait3A_640 = tpu.memref_slice %arg8[%dma_wait3A_638, %dma_wait3A_639] : memref<8x125xi32, #tpu.memory_space<vmem>> -> memref<1x125xi32, #tpu.memory_space<vmem>>
        %dma_wait3A_641 = tpu.memref_squeeze %dma_wait3A_640 : memref<1x125xi32, #tpu.memory_space<vmem>> -> memref<125xi32, #tpu.memory_space<vmem>>
        %dma_wait3A_642 = arith.constant 0 : i32
        %dma_wait3A_643 = arith.constant 0 : i32
        %dma_wait3A_644 = tpu.memref_slice %arg17[%dma_wait3A_642, %dma_wait3A_643] : memref<10000x64xf32, #tpu.memory_space<vmem_shared>> -> memref<10000x64xf32, #tpu.memory_space<vmem_shared>>
        tpu.wait_indirect_dma semaphore(%arg41 : memref<!tpu.dma_semaphore, #tpu.memory_space<semaphore_mem>>) src(%arg16 : memref<125x64xf32, #tpu.memory_space<vmem>>) dst(%dma_wait3A_644 : memref<10000x64xf32, #tpu.memory_space<vmem_shared>>)
        %dma_start3A_645 = arith.constant 0 : i32
        %dma_start3A_646 = tpu.memref_slice %arg7[%sub3A_353, %dma_start3A_645] : memref<160x125xi32, #tpu.memory_space<vmem>> -> memref<1x125xi32, #tpu.memory_space<vmem>>
        %dma_start3A_647 = tpu.memref_squeeze %dma_start3A_646 : memref<1x125xi32, #tpu.memory_space<vmem>> -> memref<125xi32, #tpu.memory_space<vmem>>
        %dma_start3A_648 = arith.constant 0 : i32
        %dma_start3A_649 = arith.constant 0 : i32
        %dma_start3A_650 = tpu.memref_slice %arg2[%arg0, %dma_start3A_648, %dma_start3A_649] : memref<2x10000x64xf32, #tpu.memory_space<hbm>> -> memref<1x10000x64xf32, #tpu.memory_space<hbm>>
        %dma_start3A_651 = tpu.memref_squeeze %dma_start3A_650 : memref<1x10000x64xf32, #tpu.memory_space<hbm>> -> memref<10000x64xf32, #tpu.memory_space<hbm>>
        %dma_start3A_652 = arith.constant 0 : i32
        %dma_start3A_653 = arith.constant 0 : i32
        %dma_start3A_654 = tpu.memref_slice %dma_start3A_651[%dma_start3A_652, %dma_start3A_653] : memref<10000x64xf32, #tpu.memory_space<hbm>> -> memref<10000x64xf32, #tpu.memory_space<hbm>>
        tpu.enqueue_indirect_dma source(%dma_start3A_654 : memref<10000x64xf32, #tpu.memory_space<hbm>>) target(%arg16 : memref<125x64xf32, #tpu.memory_space<vmem>>) offsets(%dma_start3A_647 : memref<125xi32, #tpu.memory_space<vmem>>) semaphore(%arg25 : memref<!tpu.dma_semaphore, #tpu.memory_space<semaphore_mem>>)
        %dma_start3A_655 = arith.constant 7 : i32
        %dma_start3A_656 = arith.constant 0 : i32
        %dma_start3A_657 = tpu.memref_slice %arg8[%dma_start3A_655, %dma_start3A_656] : memref<8x125xi32, #tpu.memory_space<vmem>> -> memref<1x125xi32, #tpu.memory_space<vmem>>
        %dma_start3A_658 = tpu.memref_squeeze %dma_start3A_657 : memref<1x125xi32, #tpu.memory_space<vmem>> -> memref<125xi32, #tpu.memory_space<vmem>>
        %dma_start3A_659 = arith.constant 0 : i32
        %dma_start3A_660 = tpu.memref_slice %arg4[%arg1, %sub3A_353, %dma_start3A_659] : memref<16x160x125xi32, #tpu.memory_space<hbm>> -> memref<1x1x125xi32, #tpu.memory_space<hbm>>
        %dma_start3A_661 = tpu.memref_squeeze %dma_start3A_660 : memref<1x1x125xi32, #tpu.memory_space<hbm>> -> memref<125xi32, #tpu.memory_space<hbm>>
        %dma_start3A_662 = arith.constant 0 : i32
        %dma_start3A_663 = tpu.memref_slice %arg8[%dma_start3A_655, %dma_start3A_662] : memref<8x125xi32, #tpu.memory_space<vmem>> -> memref<1x125xi32, #tpu.memory_space<vmem>>
        %dma_start3A_664 = tpu.memref_squeeze %dma_start3A_663 : memref<1x125xi32, #tpu.memory_space<vmem>> -> memref<125xi32, #tpu.memory_space<vmem>>
        %dma_start3A_665 = arith.constant 0 : i32
        %dma_start3A_666 = tpu.memref_slice %arg4[%arg1, %sub3A_353, %dma_start3A_665] : memref<16x160x125xi32, #tpu.memory_space<hbm>> -> memref<1x1x125xi32, #tpu.memory_space<hbm>>
        %dma_start3A_667 = tpu.memref_squeeze %dma_start3A_666 : memref<1x1x125xi32, #tpu.memory_space<hbm>> -> memref<125xi32, #tpu.memory_space<hbm>>
        tpu.enqueue_dma source(%dma_start3A_667 : memref<125xi32, #tpu.memory_space<hbm>>) target(%dma_start3A_664 : memref<125xi32, #tpu.memory_space<vmem>>) target_semaphore(%arg33 : memref<!tpu.dma_semaphore, #tpu.memory_space<semaphore_mem>>)
      } else {
      }
      %mul3A_362 = arith.constant 8 : i32
      %mul3A_363 = arith.muli %scan3A_274, %mul3A_362 : i32
      %add3A_364 = arith.constant 2 : i32
      %add3A_365 = arith.addi %mul3A_363, %add3A_364 : i32
      %dma_wait3A_366 = arith.constant 0 : i32
      %dma_wait3A_367 = tpu.memref_slice %arg7[%add3A_365, %dma_wait3A_366] : memref<160x125xi32, #tpu.memory_space<vmem>> -> memref<1x125xi32, #tpu.memory_space<vmem>>
      %dma_wait3A_368 = tpu.memref_squeeze %dma_wait3A_367 : memref<1x125xi32, #tpu.memory_space<vmem>> -> memref<125xi32, #tpu.memory_space<vmem>>
      %dma_wait3A_369 = arith.constant 0 : i32
      %dma_wait3A_370 = arith.constant 0 : i32
      %dma_wait3A_371 = tpu.memref_slice %arg2[%arg0, %dma_wait3A_369, %dma_wait3A_370] : memref<2x10000x64xf32, #tpu.memory_space<hbm>> -> memref<1x10000x64xf32, #tpu.memory_space<hbm>>
      %dma_wait3A_372 = tpu.memref_squeeze %dma_wait3A_371 : memref<1x10000x64xf32, #tpu.memory_space<hbm>> -> memref<10000x64xf32, #tpu.memory_space<hbm>>
      %dma_wait3A_373 = arith.constant 0 : i32
      %dma_wait3A_374 = arith.constant 0 : i32
      %dma_wait3A_375 = tpu.memref_slice %dma_wait3A_372[%dma_wait3A_373, %dma_wait3A_374] : memref<10000x64xf32, #tpu.memory_space<hbm>> -> memref<10000x64xf32, #tpu.memory_space<hbm>>
      tpu.wait_indirect_dma semaphore(%arg20 : memref<!tpu.dma_semaphore, #tpu.memory_space<semaphore_mem>>) src(%dma_wait3A_375 : memref<10000x64xf32, #tpu.memory_space<hbm>>) dst(%arg11 : memref<125x64xf32, #tpu.memory_space<vmem>>)
      %dma_wait3A_376 = arith.constant 2 : i32
      %dma_wait3A_377 = arith.constant 0 : i32
      %dma_wait3A_378 = tpu.memref_slice %arg8[%dma_wait3A_376, %dma_wait3A_377] : memref<8x125xi32, #tpu.memory_space<vmem>> -> memref<1x125xi32, #tpu.memory_space<vmem>>
      %dma_wait3A_379 = tpu.memref_squeeze %dma_wait3A_378 : memref<1x125xi32, #tpu.memory_space<vmem>> -> memref<125xi32, #tpu.memory_space<vmem>>
      %dma_wait3A_380 = arith.constant 0 : i32
      %dma_wait3A_381 = tpu.memref_slice %arg4[%arg1, %add3A_365, %dma_wait3A_380] : memref<16x160x125xi32, #tpu.memory_space<hbm>> -> memref<1x1x125xi32, #tpu.memory_space<hbm>>
      %dma_wait3A_382 = tpu.memref_squeeze %dma_wait3A_381 : memref<1x1x125xi32, #tpu.memory_space<hbm>> -> memref<125xi32, #tpu.memory_space<hbm>>
      %dma_wait3A_383 = arith.constant 0 : i32
      %dma_wait3A_384 = tpu.memref_slice %arg8[%dma_wait3A_376, %dma_wait3A_383] : memref<8x125xi32, #tpu.memory_space<vmem>> -> memref<1x125xi32, #tpu.memory_space<vmem>>
      %dma_wait3A_385 = tpu.memref_squeeze %dma_wait3A_384 : memref<1x125xi32, #tpu.memory_space<vmem>> -> memref<125xi32, #tpu.memory_space<vmem>>
      %dma_wait3A_386 = arith.constant 0 : i32
      %dma_wait3A_387 = tpu.memref_slice %arg4[%arg1, %add3A_365, %dma_wait3A_386] : memref<16x160x125xi32, #tpu.memory_space<hbm>> -> memref<1x1x125xi32, #tpu.memory_space<hbm>>
      %dma_wait3A_388 = tpu.memref_squeeze %dma_wait3A_387 : memref<1x1x125xi32, #tpu.memory_space<hbm>> -> memref<125xi32, #tpu.memory_space<hbm>>
      tpu.wait_dma2 semaphore(%arg28 : memref<!tpu.dma_semaphore, #tpu.memory_space<semaphore_mem>>) src(%dma_wait3A_388 : memref<125xi32, #tpu.memory_space<hbm>>) dst(%dma_wait3A_385 : memref<125xi32, #tpu.memory_space<vmem>>)
      %dma_start3A_389 = arith.constant 2 : i32
      %dma_start3A_390 = arith.constant 0 : i32
      %dma_start3A_391 = tpu.memref_slice %arg8[%dma_start3A_389, %dma_start3A_390] : memref<8x125xi32, #tpu.memory_space<vmem>> -> memref<1x125xi32, #tpu.memory_space<vmem>>
      %dma_start3A_392 = tpu.memref_squeeze %dma_start3A_391 : memref<1x125xi32, #tpu.memory_space<vmem>> -> memref<125xi32, #tpu.memory_space<vmem>>
      %dma_start3A_393 = arith.constant 0 : i32
      %dma_start3A_394 = arith.constant 0 : i32
      %dma_start3A_395 = tpu.memref_slice %arg17[%dma_start3A_393, %dma_start3A_394] : memref<10000x64xf32, #tpu.memory_space<vmem_shared>> -> memref<10000x64xf32, #tpu.memory_space<vmem_shared>>
      tpu.enqueue_indirect_dma source(%arg11 : memref<125x64xf32, #tpu.memory_space<vmem>>) target(%dma_start3A_395 : memref<10000x64xf32, #tpu.memory_space<vmem_shared>>) offsets(%dma_start3A_392 : memref<125xi32, #tpu.memory_space<vmem>>) semaphore(%arg36 : memref<!tpu.dma_semaphore, #tpu.memory_space<semaphore_mem>>) {add = true}
      %add3A_396 = arith.constant 8 : i32
      %add3A_397 = arith.addi %add3A_365, %add3A_396 : i32
      %sub3A_398 = arith.constant 2 : i32
      %sub3A_399 = arith.subi %add3A_397, %sub3A_398 : i32
      %ge3A_400 = arith.constant 8 : i32
      %ge3A_401 = arith.cmpi sge, %sub3A_399, %ge3A_400 : i32
      %lt3A_402 = arith.constant 160 : i32
      %lt3A_403 = arith.cmpi slt, %sub3A_399, %lt3A_402 : i32
      %and3A_404 = arith.andi %ge3A_401, %lt3A_403 : i1
      %convert_element_type3A_405 = arith.extui %and3A_404 : i1 to i32
      %cond3A_406 = arith.constant 0 : i32
      %cond3A_407 = arith.cmpi ne, %convert_element_type3A_405, %cond3A_406 : i32
      scf.if %cond3A_407 {
        %dma_wait3A_638 = arith.constant 0 : i32
        %dma_wait3A_639 = arith.constant 0 : i32
        %dma_wait3A_640 = tpu.memref_slice %arg8[%dma_wait3A_638, %dma_wait3A_639] : memref<8x125xi32, #tpu.memory_space<vmem>> -> memref<1x125xi32, #tpu.memory_space<vmem>>
        %dma_wait3A_641 = tpu.memref_squeeze %dma_wait3A_640 : memref<1x125xi32, #tpu.memory_space<vmem>> -> memref<125xi32, #tpu.memory_space<vmem>>
        %dma_wait3A_642 = arith.constant 0 : i32
        %dma_wait3A_643 = arith.constant 0 : i32
        %dma_wait3A_644 = tpu.memref_slice %arg17[%dma_wait3A_642, %dma_wait3A_643] : memref<10000x64xf32, #tpu.memory_space<vmem_shared>> -> memref<10000x64xf32, #tpu.memory_space<vmem_shared>>
        tpu.wait_indirect_dma semaphore(%arg34 : memref<!tpu.dma_semaphore, #tpu.memory_space<semaphore_mem>>) src(%arg9 : memref<125x64xf32, #tpu.memory_space<vmem>>) dst(%dma_wait3A_644 : memref<10000x64xf32, #tpu.memory_space<vmem_shared>>)
        %dma_start3A_645 = arith.constant 0 : i32
        %dma_start3A_646 = tpu.memref_slice %arg7[%sub3A_399, %dma_start3A_645] : memref<160x125xi32, #tpu.memory_space<vmem>> -> memref<1x125xi32, #tpu.memory_space<vmem>>
        %dma_start3A_647 = tpu.memref_squeeze %dma_start3A_646 : memref<1x125xi32, #tpu.memory_space<vmem>> -> memref<125xi32, #tpu.memory_space<vmem>>
        %dma_start3A_648 = arith.constant 0 : i32
        %dma_start3A_649 = arith.constant 0 : i32
        %dma_start3A_650 = tpu.memref_slice %arg2[%arg0, %dma_start3A_648, %dma_start3A_649] : memref<2x10000x64xf32, #tpu.memory_space<hbm>> -> memref<1x10000x64xf32, #tpu.memory_space<hbm>>
        %dma_start3A_651 = tpu.memref_squeeze %dma_start3A_650 : memref<1x10000x64xf32, #tpu.memory_space<hbm>> -> memref<10000x64xf32, #tpu.memory_space<hbm>>
        %dma_start3A_652 = arith.constant 0 : i32
        %dma_start3A_653 = arith.constant 0 : i32
        %dma_start3A_654 = tpu.memref_slice %dma_start3A_651[%dma_start3A_652, %dma_start3A_653] : memref<10000x64xf32, #tpu.memory_space<hbm>> -> memref<10000x64xf32, #tpu.memory_space<hbm>>
        tpu.enqueue_indirect_dma source(%dma_start3A_654 : memref<10000x64xf32, #tpu.memory_space<hbm>>) target(%arg9 : memref<125x64xf32, #tpu.memory_space<vmem>>) offsets(%dma_start3A_647 : memref<125xi32, #tpu.memory_space<vmem>>) semaphore(%arg18 : memref<!tpu.dma_semaphore, #tpu.memory_space<semaphore_mem>>)
        %dma_start3A_655 = arith.constant 0 : i32
        %dma_start3A_656 = arith.constant 0 : i32
        %dma_start3A_657 = tpu.memref_slice %arg8[%dma_start3A_655, %dma_start3A_656] : memref<8x125xi32, #tpu.memory_space<vmem>> -> memref<1x125xi32, #tpu.memory_space<vmem>>
        %dma_start3A_658 = tpu.memref_squeeze %dma_start3A_657 : memref<1x125xi32, #tpu.memory_space<vmem>> -> memref<125xi32, #tpu.memory_space<vmem>>
        %dma_start3A_659 = arith.constant 0 : i32
        %dma_start3A_660 = tpu.memref_slice %arg4[%arg1, %sub3A_399, %dma_start3A_659] : memref<16x160x125xi32, #tpu.memory_space<hbm>> -> memref<1x1x125xi32, #tpu.memory_space<hbm>>
        %dma_start3A_661 = tpu.memref_squeeze %dma_start3A_660 : memref<1x1x125xi32, #tpu.memory_space<hbm>> -> memref<125xi32, #tpu.memory_space<hbm>>
        %dma_start3A_662 = arith.constant 0 : i32
        %dma_start3A_663 = tpu.memref_slice %arg8[%dma_start3A_655, %dma_start3A_662] : memref<8x125xi32, #tpu.memory_space<vmem>> -> memref<1x125xi32, #tpu.memory_space<vmem>>
        %dma_start3A_664 = tpu.memref_squeeze %dma_start3A_663 : memref<1x125xi32, #tpu.memory_space<vmem>> -> memref<125xi32, #tpu.memory_space<vmem>>
        %dma_start3A_665 = arith.constant 0 : i32
        %dma_start3A_666 = tpu.memref_slice %arg4[%arg1, %sub3A_399, %dma_start3A_665] : memref<16x160x125xi32, #tpu.memory_space<hbm>> -> memref<1x1x125xi32, #tpu.memory_space<hbm>>
        %dma_start3A_667 = tpu.memref_squeeze %dma_start3A_666 : memref<1x1x125xi32, #tpu.memory_space<hbm>> -> memref<125xi32, #tpu.memory_space<hbm>>
        tpu.enqueue_dma source(%dma_start3A_667 : memref<125xi32, #tpu.memory_space<hbm>>) target(%dma_start3A_664 : memref<125xi32, #tpu.memory_space<vmem>>) target_semaphore(%arg26 : memref<!tpu.dma_semaphore, #tpu.memory_space<semaphore_mem>>)
      } else {
      }
      %mul3A_408 = arith.constant 8 : i32
      %mul3A_409 = arith.muli %scan3A_274, %mul3A_408 : i32
      %add3A_410 = arith.constant 3 : i32
      %add3A_411 = arith.addi %mul3A_409, %add3A_410 : i32
      %dma_wait3A_412 = arith.constant 0 : i32
      %dma_wait3A_413 = tpu.memref_slice %arg7[%add3A_411, %dma_wait3A_412] : memref<160x125xi32, #tpu.memory_space<vmem>> -> memref<1x125xi32, #tpu.memory_space<vmem>>
      %dma_wait3A_414 = tpu.memref_squeeze %dma_wait3A_413 : memref<1x125xi32, #tpu.memory_space<vmem>> -> memref<125xi32, #tpu.memory_space<vmem>>
      %dma_wait3A_415 = arith.constant 0 : i32
      %dma_wait3A_416 = arith.constant 0 : i32
      %dma_wait3A_417 = tpu.memref_slice %arg2[%arg0, %dma_wait3A_415, %dma_wait3A_416] : memref<2x10000x64xf32, #tpu.memory_space<hbm>> -> memref<1x10000x64xf32, #tpu.memory_space<hbm>>
      %dma_wait3A_418 = tpu.memref_squeeze %dma_wait3A_417 : memref<1x10000x64xf32, #tpu.memory_space<hbm>> -> memref<10000x64xf32, #tpu.memory_space<hbm>>
      %dma_wait3A_419 = arith.constant 0 : i32
      %dma_wait3A_420 = arith.constant 0 : i32
      %dma_wait3A_421 = tpu.memref_slice %dma_wait3A_418[%dma_wait3A_419, %dma_wait3A_420] : memref<10000x64xf32, #tpu.memory_space<hbm>> -> memref<10000x64xf32, #tpu.memory_space<hbm>>
      tpu.wait_indirect_dma semaphore(%arg21 : memref<!tpu.dma_semaphore, #tpu.memory_space<semaphore_mem>>) src(%dma_wait3A_421 : memref<10000x64xf32, #tpu.memory_space<hbm>>) dst(%arg12 : memref<125x64xf32, #tpu.memory_space<vmem>>)
      %dma_wait3A_422 = arith.constant 3 : i32
      %dma_wait3A_423 = arith.constant 0 : i32
      %dma_wait3A_424 = tpu.memref_slice %arg8[%dma_wait3A_422, %dma_wait3A_423] : memref<8x125xi32, #tpu.memory_space<vmem>> -> memref<1x125xi32, #tpu.memory_space<vmem>>
      %dma_wait3A_425 = tpu.memref_squeeze %dma_wait3A_424 : memref<1x125xi32, #tpu.memory_space<vmem>> -> memref<125xi32, #tpu.memory_space<vmem>>
      %dma_wait3A_426 = arith.constant 0 : i32
      %dma_wait3A_427 = tpu.memref_slice %arg4[%arg1, %add3A_411, %dma_wait3A_426] : memref<16x160x125xi32, #tpu.memory_space<hbm>> -> memref<1x1x125xi32, #tpu.memory_space<hbm>>
      %dma_wait3A_428 = tpu.memref_squeeze %dma_wait3A_427 : memref<1x1x125xi32, #tpu.memory_space<hbm>> -> memref<125xi32, #tpu.memory_space<hbm>>
      %dma_wait3A_429 = arith.constant 0 : i32
      %dma_wait3A_430 = tpu.memref_slice %arg8[%dma_wait3A_422, %dma_wait3A_429] : memref<8x125xi32, #tpu.memory_space<vmem>> -> memref<1x125xi32, #tpu.memory_space<vmem>>
      %dma_wait3A_431 = tpu.memref_squeeze %dma_wait3A_430 : memref<1x125xi32, #tpu.memory_space<vmem>> -> memref<125xi32, #tpu.memory_space<vmem>>
      %dma_wait3A_432 = arith.constant 0 : i32
      %dma_wait3A_433 = tpu.memref_slice %arg4[%arg1, %add3A_411, %dma_wait3A_432] : memref<16x160x125xi32, #tpu.memory_space<hbm>> -> memref<1x1x125xi32, #tpu.memory_space<hbm>>
      %dma_wait3A_434 = tpu.memref_squeeze %dma_wait3A_433 : memref<1x1x125xi32, #tpu.memory_space<hbm>> -> memref<125xi32, #tpu.memory_space<hbm>>
      tpu.wait_dma2 semaphore(%arg29 : memref<!tpu.dma_semaphore, #tpu.memory_space<semaphore_mem>>) src(%dma_wait3A_434 : memref<125xi32, #tpu.memory_space<hbm>>) dst(%dma_wait3A_431 : memref<125xi32, #tpu.memory_space<vmem>>)
      %dma_start3A_435 = arith.constant 3 : i32
      %dma_start3A_436 = arith.constant 0 : i32
      %dma_start3A_437 = tpu.memref_slice %arg8[%dma_start3A_435, %dma_start3A_436] : memref<8x125xi32, #tpu.memory_space<vmem>> -> memref<1x125xi32, #tpu.memory_space<vmem>>
      %dma_start3A_438 = tpu.memref_squeeze %dma_start3A_437 : memref<1x125xi32, #tpu.memory_space<vmem>> -> memref<125xi32, #tpu.memory_space<vmem>>
      %dma_start3A_439 = arith.constant 0 : i32
      %dma_start3A_440 = arith.constant 0 : i32
      %dma_start3A_441 = tpu.memref_slice %arg17[%dma_start3A_439, %dma_start3A_440] : memref<10000x64xf32, #tpu.memory_space<vmem_shared>> -> memref<10000x64xf32, #tpu.memory_space<vmem_shared>>
      tpu.enqueue_indirect_dma source(%arg12 : memref<125x64xf32, #tpu.memory_space<vmem>>) target(%dma_start3A_441 : memref<10000x64xf32, #tpu.memory_space<vmem_shared>>) offsets(%dma_start3A_438 : memref<125xi32, #tpu.memory_space<vmem>>) semaphore(%arg37 : memref<!tpu.dma_semaphore, #tpu.memory_space<semaphore_mem>>) {add = true}
      %add3A_442 = arith.constant 8 : i32
      %add3A_443 = arith.addi %add3A_411, %add3A_442 : i32
      %sub3A_444 = arith.constant 2 : i32
      %sub3A_445 = arith.subi %add3A_443, %sub3A_444 : i32
      %ge3A_446 = arith.constant 8 : i32
      %ge3A_447 = arith.cmpi sge, %sub3A_445, %ge3A_446 : i32
      %lt3A_448 = arith.constant 160 : i32
      %lt3A_449 = arith.cmpi slt, %sub3A_445, %lt3A_448 : i32
      %and3A_450 = arith.andi %ge3A_447, %lt3A_449 : i1
      %convert_element_type3A_451 = arith.extui %and3A_450 : i1 to i32
      %cond3A_452 = arith.constant 0 : i32
      %cond3A_453 = arith.cmpi ne, %convert_element_type3A_451, %cond3A_452 : i32
      scf.if %cond3A_453 {
        %dma_wait3A_638 = arith.constant 1 : i32
        %dma_wait3A_639 = arith.constant 0 : i32
        %dma_wait3A_640 = tpu.memref_slice %arg8[%dma_wait3A_638, %dma_wait3A_639] : memref<8x125xi32, #tpu.memory_space<vmem>> -> memref<1x125xi32, #tpu.memory_space<vmem>>
        %dma_wait3A_641 = tpu.memref_squeeze %dma_wait3A_640 : memref<1x125xi32, #tpu.memory_space<vmem>> -> memref<125xi32, #tpu.memory_space<vmem>>
        %dma_wait3A_642 = arith.constant 0 : i32
        %dma_wait3A_643 = arith.constant 0 : i32
        %dma_wait3A_644 = tpu.memref_slice %arg17[%dma_wait3A_642, %dma_wait3A_643] : memref<10000x64xf32, #tpu.memory_space<vmem_shared>> -> memref<10000x64xf32, #tpu.memory_space<vmem_shared>>
        tpu.wait_indirect_dma semaphore(%arg35 : memref<!tpu.dma_semaphore, #tpu.memory_space<semaphore_mem>>) src(%arg10 : memref<125x64xf32, #tpu.memory_space<vmem>>) dst(%dma_wait3A_644 : memref<10000x64xf32, #tpu.memory_space<vmem_shared>>)
        %dma_start3A_645 = arith.constant 0 : i32
        %dma_start3A_646 = tpu.memref_slice %arg7[%sub3A_445, %dma_start3A_645] : memref<160x125xi32, #tpu.memory_space<vmem>> -> memref<1x125xi32, #tpu.memory_space<vmem>>
        %dma_start3A_647 = tpu.memref_squeeze %dma_start3A_646 : memref<1x125xi32, #tpu.memory_space<vmem>> -> memref<125xi32, #tpu.memory_space<vmem>>
        %dma_start3A_648 = arith.constant 0 : i32
        %dma_start3A_649 = arith.constant 0 : i32
        %dma_start3A_650 = tpu.memref_slice %arg2[%arg0, %dma_start3A_648, %dma_start3A_649] : memref<2x10000x64xf32, #tpu.memory_space<hbm>> -> memref<1x10000x64xf32, #tpu.memory_space<hbm>>
        %dma_start3A_651 = tpu.memref_squeeze %dma_start3A_650 : memref<1x10000x64xf32, #tpu.memory_space<hbm>> -> memref<10000x64xf32, #tpu.memory_space<hbm>>
        %dma_start3A_652 = arith.constant 0 : i32
        %dma_start3A_653 = arith.constant 0 : i32
        %dma_start3A_654 = tpu.memref_slice %dma_start3A_651[%dma_start3A_652, %dma_start3A_653] : memref<10000x64xf32, #tpu.memory_space<hbm>> -> memref<10000x64xf32, #tpu.memory_space<hbm>>
        tpu.enqueue_indirect_dma source(%dma_start3A_654 : memref<10000x64xf32, #tpu.memory_space<hbm>>) target(%arg10 : memref<125x64xf32, #tpu.memory_space<vmem>>) offsets(%dma_start3A_647 : memref<125xi32, #tpu.memory_space<vmem>>) semaphore(%arg19 : memref<!tpu.dma_semaphore, #tpu.memory_space<semaphore_mem>>)
        %dma_start3A_655 = arith.constant 1 : i32
        %dma_start3A_656 = arith.constant 0 : i32
        %dma_start3A_657 = tpu.memref_slice %arg8[%dma_start3A_655, %dma_start3A_656] : memref<8x125xi32, #tpu.memory_space<vmem>> -> memref<1x125xi32, #tpu.memory_space<vmem>>
        %dma_start3A_658 = tpu.memref_squeeze %dma_start3A_657 : memref<1x125xi32, #tpu.memory_space<vmem>> -> memref<125xi32, #tpu.memory_space<vmem>>
        %dma_start3A_659 = arith.constant 0 : i32
        %dma_start3A_660 = tpu.memref_slice %arg4[%arg1, %sub3A_445, %dma_start3A_659] : memref<16x160x125xi32, #tpu.memory_space<hbm>> -> memref<1x1x125xi32, #tpu.memory_space<hbm>>
        %dma_start3A_661 = tpu.memref_squeeze %dma_start3A_660 : memref<1x1x125xi32, #tpu.memory_space<hbm>> -> memref<125xi32, #tpu.memory_space<hbm>>
        %dma_start3A_662 = arith.constant 0 : i32
        %dma_start3A_663 = tpu.memref_slice %arg8[%dma_start3A_655, %dma_start3A_662] : memref<8x125xi32, #tpu.memory_space<vmem>> -> memref<1x125xi32, #tpu.memory_space<vmem>>
        %dma_start3A_664 = tpu.memref_squeeze %dma_start3A_663 : memref<1x125xi32, #tpu.memory_space<vmem>> -> memref<125xi32, #tpu.memory_space<vmem>>
        %dma_start3A_665 = arith.constant 0 : i32
        %dma_start3A_666 = tpu.memref_slice %arg4[%arg1, %sub3A_445, %dma_start3A_665] : memref<16x160x125xi32, #tpu.memory_space<hbm>> -> memref<1x1x125xi32, #tpu.memory_space<hbm>>
        %dma_start3A_667 = tpu.memref_squeeze %dma_start3A_666 : memref<1x1x125xi32, #tpu.memory_space<hbm>> -> memref<125xi32, #tpu.memory_space<hbm>>
        tpu.enqueue_dma source(%dma_start3A_667 : memref<125xi32, #tpu.memory_space<hbm>>) target(%dma_start3A_664 : memref<125xi32, #tpu.memory_space<vmem>>) target_semaphore(%arg27 : memref<!tpu.dma_semaphore, #tpu.memory_space<semaphore_mem>>)
      } else {
      }
      %mul3A_454 = arith.constant 8 : i32
      %mul3A_455 = arith.muli %scan3A_274, %mul3A_454 : i32
      %add3A_456 = arith.constant 4 : i32
      %add3A_457 = arith.addi %mul3A_455, %add3A_456 : i32
      %dma_wait3A_458 = arith.constant 0 : i32
      %dma_wait3A_459 = tpu.memref_slice %arg7[%add3A_457, %dma_wait3A_458] : memref<160x125xi32, #tpu.memory_space<vmem>> -> memref<1x125xi32, #tpu.memory_space<vmem>>
      %dma_wait3A_460 = tpu.memref_squeeze %dma_wait3A_459 : memref<1x125xi32, #tpu.memory_space<vmem>> -> memref<125xi32, #tpu.memory_space<vmem>>
      %dma_wait3A_461 = arith.constant 0 : i32
      %dma_wait3A_462 = arith.constant 0 : i32
      %dma_wait3A_463 = tpu.memref_slice %arg2[%arg0, %dma_wait3A_461, %dma_wait3A_462] : memref<2x10000x64xf32, #tpu.memory_space<hbm>> -> memref<1x10000x64xf32, #tpu.memory_space<hbm>>
      %dma_wait3A_464 = tpu.memref_squeeze %dma_wait3A_463 : memref<1x10000x64xf32, #tpu.memory_space<hbm>> -> memref<10000x64xf32, #tpu.memory_space<hbm>>
      %dma_wait3A_465 = arith.constant 0 : i32
      %dma_wait3A_466 = arith.constant 0 : i32
      %dma_wait3A_467 = tpu.memref_slice %dma_wait3A_464[%dma_wait3A_465, %dma_wait3A_466] : memref<10000x64xf32, #tpu.memory_space<hbm>> -> memref<10000x64xf32, #tpu.memory_space<hbm>>
      tpu.wait_indirect_dma semaphore(%arg22 : memref<!tpu.dma_semaphore, #tpu.memory_space<semaphore_mem>>) src(%dma_wait3A_467 : memref<10000x64xf32, #tpu.memory_space<hbm>>) dst(%arg13 : memref<125x64xf32, #tpu.memory_space<vmem>>)
      %dma_wait3A_468 = arith.constant 4 : i32
      %dma_wait3A_469 = arith.constant 0 : i32
      %dma_wait3A_470 = tpu.memref_slice %arg8[%dma_wait3A_468, %dma_wait3A_469] : memref<8x125xi32, #tpu.memory_space<vmem>> -> memref<1x125xi32, #tpu.memory_space<vmem>>
      %dma_wait3A_471 = tpu.memref_squeeze %dma_wait3A_470 : memref<1x125xi32, #tpu.memory_space<vmem>> -> memref<125xi32, #tpu.memory_space<vmem>>
      %dma_wait3A_472 = arith.constant 0 : i32
      %dma_wait3A_473 = tpu.memref_slice %arg4[%arg1, %add3A_457, %dma_wait3A_472] : memref<16x160x125xi32, #tpu.memory_space<hbm>> -> memref<1x1x125xi32, #tpu.memory_space<hbm>>
      %dma_wait3A_474 = tpu.memref_squeeze %dma_wait3A_473 : memref<1x1x125xi32, #tpu.memory_space<hbm>> -> memref<125xi32, #tpu.memory_space<hbm>>
      %dma_wait3A_475 = arith.constant 0 : i32
      %dma_wait3A_476 = tpu.memref_slice %arg8[%dma_wait3A_468, %dma_wait3A_475] : memref<8x125xi32, #tpu.memory_space<vmem>> -> memref<1x125xi32, #tpu.memory_space<vmem>>
      %dma_wait3A_477 = tpu.memref_squeeze %dma_wait3A_476 : memref<1x125xi32, #tpu.memory_space<vmem>> -> memref<125xi32, #tpu.memory_space<vmem>>
      %dma_wait3A_478 = arith.constant 0 : i32
      %dma_wait3A_479 = tpu.memref_slice %arg4[%arg1, %add3A_457, %dma_wait3A_478] : memref<16x160x125xi32, #tpu.memory_space<hbm>> -> memref<1x1x125xi32, #tpu.memory_space<hbm>>
      %dma_wait3A_480 = tpu.memref_squeeze %dma_wait3A_479 : memref<1x1x125xi32, #tpu.memory_space<hbm>> -> memref<125xi32, #tpu.memory_space<hbm>>
      tpu.wait_dma2 semaphore(%arg30 : memref<!tpu.dma_semaphore, #tpu.memory_space<semaphore_mem>>) src(%dma_wait3A_480 : memref<125xi32, #tpu.memory_space<hbm>>) dst(%dma_wait3A_477 : memref<125xi32, #tpu.memory_space<vmem>>)
      %dma_start3A_481 = arith.constant 4 : i32
      %dma_start3A_482 = arith.constant 0 : i32
      %dma_start3A_483 = tpu.memref_slice %arg8[%dma_start3A_481, %dma_start3A_482] : memref<8x125xi32, #tpu.memory_space<vmem>> -> memref<1x125xi32, #tpu.memory_space<vmem>>
      %dma_start3A_484 = tpu.memref_squeeze %dma_start3A_483 : memref<1x125xi32, #tpu.memory_space<vmem>> -> memref<125xi32, #tpu.memory_space<vmem>>
      %dma_start3A_485 = arith.constant 0 : i32
      %dma_start3A_486 = arith.constant 0 : i32
      %dma_start3A_487 = tpu.memref_slice %arg17[%dma_start3A_485, %dma_start3A_486] : memref<10000x64xf32, #tpu.memory_space<vmem_shared>> -> memref<10000x64xf32, #tpu.memory_space<vmem_shared>>
      tpu.enqueue_indirect_dma source(%arg13 : memref<125x64xf32, #tpu.memory_space<vmem>>) target(%dma_start3A_487 : memref<10000x64xf32, #tpu.memory_space<vmem_shared>>) offsets(%dma_start3A_484 : memref<125xi32, #tpu.memory_space<vmem>>) semaphore(%arg38 : memref<!tpu.dma_semaphore, #tpu.memory_space<semaphore_mem>>) {add = true}
      %add3A_488 = arith.constant 8 : i32
      %add3A_489 = arith.addi %add3A_457, %add3A_488 : i32
      %sub3A_490 = arith.constant 2 : i32
      %sub3A_491 = arith.subi %add3A_489, %sub3A_490 : i32
      %ge3A_492 = arith.constant 8 : i32
      %ge3A_493 = arith.cmpi sge, %sub3A_491, %ge3A_492 : i32
      %lt3A_494 = arith.constant 160 : i32
      %lt3A_495 = arith.cmpi slt, %sub3A_491, %lt3A_494 : i32
      %and3A_496 = arith.andi %ge3A_493, %lt3A_495 : i1
      %convert_element_type3A_497 = arith.extui %and3A_496 : i1 to i32
      %cond3A_498 = arith.constant 0 : i32
      %cond3A_499 = arith.cmpi ne, %convert_element_type3A_497, %cond3A_498 : i32
      scf.if %cond3A_499 {
        %dma_wait3A_638 = arith.constant 2 : i32
        %dma_wait3A_639 = arith.constant 0 : i32
        %dma_wait3A_640 = tpu.memref_slice %arg8[%dma_wait3A_638, %dma_wait3A_639] : memref<8x125xi32, #tpu.memory_space<vmem>> -> memref<1x125xi32, #tpu.memory_space<vmem>>
        %dma_wait3A_641 = tpu.memref_squeeze %dma_wait3A_640 : memref<1x125xi32, #tpu.memory_space<vmem>> -> memref<125xi32, #tpu.memory_space<vmem>>
        %dma_wait3A_642 = arith.constant 0 : i32
        %dma_wait3A_643 = arith.constant 0 : i32
        %dma_wait3A_644 = tpu.memref_slice %arg17[%dma_wait3A_642, %dma_wait3A_643] : memref<10000x64xf32, #tpu.memory_space<vmem_shared>> -> memref<10000x64xf32, #tpu.memory_space<vmem_shared>>
        tpu.wait_indirect_dma semaphore(%arg36 : memref<!tpu.dma_semaphore, #tpu.memory_space<semaphore_mem>>) src(%arg11 : memref<125x64xf32, #tpu.memory_space<vmem>>) dst(%dma_wait3A_644 : memref<10000x64xf32, #tpu.memory_space<vmem_shared>>)
        %dma_start3A_645 = arith.constant 0 : i32
        %dma_start3A_646 = tpu.memref_slice %arg7[%sub3A_491, %dma_start3A_645] : memref<160x125xi32, #tpu.memory_space<vmem>> -> memref<1x125xi32, #tpu.memory_space<vmem>>
        %dma_start3A_647 = tpu.memref_squeeze %dma_start3A_646 : memref<1x125xi32, #tpu.memory_space<vmem>> -> memref<125xi32, #tpu.memory_space<vmem>>
        %dma_start3A_648 = arith.constant 0 : i32
        %dma_start3A_649 = arith.constant 0 : i32
        %dma_start3A_650 = tpu.memref_slice %arg2[%arg0, %dma_start3A_648, %dma_start3A_649] : memref<2x10000x64xf32, #tpu.memory_space<hbm>> -> memref<1x10000x64xf32, #tpu.memory_space<hbm>>
        %dma_start3A_651 = tpu.memref_squeeze %dma_start3A_650 : memref<1x10000x64xf32, #tpu.memory_space<hbm>> -> memref<10000x64xf32, #tpu.memory_space<hbm>>
        %dma_start3A_652 = arith.constant 0 : i32
        %dma_start3A_653 = arith.constant 0 : i32
        %dma_start3A_654 = tpu.memref_slice %dma_start3A_651[%dma_start3A_652, %dma_start3A_653] : memref<10000x64xf32, #tpu.memory_space<hbm>> -> memref<10000x64xf32, #tpu.memory_space<hbm>>
        tpu.enqueue_indirect_dma source(%dma_start3A_654 : memref<10000x64xf32, #tpu.memory_space<hbm>>) target(%arg11 : memref<125x64xf32, #tpu.memory_space<vmem>>) offsets(%dma_start3A_647 : memref<125xi32, #tpu.memory_space<vmem>>) semaphore(%arg20 : memref<!tpu.dma_semaphore, #tpu.memory_space<semaphore_mem>>)
        %dma_start3A_655 = arith.constant 2 : i32
        %dma_start3A_656 = arith.constant 0 : i32
        %dma_start3A_657 = tpu.memref_slice %arg8[%dma_start3A_655, %dma_start3A_656] : memref<8x125xi32, #tpu.memory_space<vmem>> -> memref<1x125xi32, #tpu.memory_space<vmem>>
        %dma_start3A_658 = tpu.memref_squeeze %dma_start3A_657 : memref<1x125xi32, #tpu.memory_space<vmem>> -> memref<125xi32, #tpu.memory_space<vmem>>
        %dma_start3A_659 = arith.constant 0 : i32
        %dma_start3A_660 = tpu.memref_slice %arg4[%arg1, %sub3A_491, %dma_start3A_659] : memref<16x160x125xi32, #tpu.memory_space<hbm>> -> memref<1x1x125xi32, #tpu.memory_space<hbm>>
        %dma_start3A_661 = tpu.memref_squeeze %dma_start3A_660 : memref<1x1x125xi32, #tpu.memory_space<hbm>> -> memref<125xi32, #tpu.memory_space<hbm>>
        %dma_start3A_662 = arith.constant 0 : i32
        %dma_start3A_663 = tpu.memref_slice %arg8[%dma_start3A_655, %dma_start3A_662] : memref<8x125xi32, #tpu.memory_space<vmem>> -> memref<1x125xi32, #tpu.memory_space<vmem>>
        %dma_start3A_664 = tpu.memref_squeeze %dma_start3A_663 : memref<1x125xi32, #tpu.memory_space<vmem>> -> memref<125xi32, #tpu.memory_space<vmem>>
        %dma_start3A_665 = arith.constant 0 : i32
        %dma_start3A_666 = tpu.memref_slice %arg4[%arg1, %sub3A_491, %dma_start3A_665] : memref<16x160x125xi32, #tpu.memory_space<hbm>> -> memref<1x1x125xi32, #tpu.memory_space<hbm>>
        %dma_start3A_667 = tpu.memref_squeeze %dma_start3A_666 : memref<1x1x125xi32, #tpu.memory_space<hbm>> -> memref<125xi32, #tpu.memory_space<hbm>>
        tpu.enqueue_dma source(%dma_start3A_667 : memref<125xi32, #tpu.memory_space<hbm>>) target(%dma_start3A_664 : memref<125xi32, #tpu.memory_space<vmem>>) target_semaphore(%arg28 : memref<!tpu.dma_semaphore, #tpu.memory_space<semaphore_mem>>)
      } else {
      }
      %mul3A_500 = arith.constant 8 : i32
      %mul3A_501 = arith.muli %scan3A_274, %mul3A_500 : i32
      %add3A_502 = arith.constant 5 : i32
      %add3A_503 = arith.addi %mul3A_501, %add3A_502 : i32
      %dma_wait3A_504 = arith.constant 0 : i32
      %dma_wait3A_505 = tpu.memref_slice %arg7[%add3A_503, %dma_wait3A_504] : memref<160x125xi32, #tpu.memory_space<vmem>> -> memref<1x125xi32, #tpu.memory_space<vmem>>
      %dma_wait3A_506 = tpu.memref_squeeze %dma_wait3A_505 : memref<1x125xi32, #tpu.memory_space<vmem>> -> memref<125xi32, #tpu.memory_space<vmem>>
      %dma_wait3A_507 = arith.constant 0 : i32
      %dma_wait3A_508 = arith.constant 0 : i32
      %dma_wait3A_509 = tpu.memref_slice %arg2[%arg0, %dma_wait3A_507, %dma_wait3A_508] : memref<2x10000x64xf32, #tpu.memory_space<hbm>> -> memref<1x10000x64xf32, #tpu.memory_space<hbm>>
      %dma_wait3A_510 = tpu.memref_squeeze %dma_wait3A_509 : memref<1x10000x64xf32, #tpu.memory_space<hbm>> -> memref<10000x64xf32, #tpu.memory_space<hbm>>
      %dma_wait3A_511 = arith.constant 0 : i32
      %dma_wait3A_512 = arith.constant 0 : i32
      %dma_wait3A_513 = tpu.memref_slice %dma_wait3A_510[%dma_wait3A_511, %dma_wait3A_512] : memref<10000x64xf32, #tpu.memory_space<hbm>> -> memref<10000x64xf32, #tpu.memory_space<hbm>>
      tpu.wait_indirect_dma semaphore(%arg23 : memref<!tpu.dma_semaphore, #tpu.memory_space<semaphore_mem>>) src(%dma_wait3A_513 : memref<10000x64xf32, #tpu.memory_space<hbm>>) dst(%arg14 : memref<125x64xf32, #tpu.memory_space<vmem>>)
      %dma_wait3A_514 = arith.constant 5 : i32
      %dma_wait3A_515 = arith.constant 0 : i32
      %dma_wait3A_516 = tpu.memref_slice %arg8[%dma_wait3A_514, %dma_wait3A_515] : memref<8x125xi32, #tpu.memory_space<vmem>> -> memref<1x125xi32, #tpu.memory_space<vmem>>
      %dma_wait3A_517 = tpu.memref_squeeze %dma_wait3A_516 : memref<1x125xi32, #tpu.memory_space<vmem>> -> memref<125xi32, #tpu.memory_space<vmem>>
      %dma_wait3A_518 = arith.constant 0 : i32
      %dma_wait3A_519 = tpu.memref_slice %arg4[%arg1, %add3A_503, %dma_wait3A_518] : memref<16x160x125xi32, #tpu.memory_space<hbm>> -> memref<1x1x125xi32, #tpu.memory_space<hbm>>
      %dma_wait3A_520 = tpu.memref_squeeze %dma_wait3A_519 : memref<1x1x125xi32, #tpu.memory_space<hbm>> -> memref<125xi32, #tpu.memory_space<hbm>>
      %dma_wait3A_521 = arith.constant 0 : i32
      %dma_wait3A_522 = tpu.memref_slice %arg8[%dma_wait3A_514, %dma_wait3A_521] : memref<8x125xi32, #tpu.memory_space<vmem>> -> memref<1x125xi32, #tpu.memory_space<vmem>>
      %dma_wait3A_523 = tpu.memref_squeeze %dma_wait3A_522 : memref<1x125xi32, #tpu.memory_space<vmem>> -> memref<125xi32, #tpu.memory_space<vmem>>
      %dma_wait3A_524 = arith.constant 0 : i32
      %dma_wait3A_525 = tpu.memref_slice %arg4[%arg1, %add3A_503, %dma_wait3A_524] : memref<16x160x125xi32, #tpu.memory_space<hbm>> -> memref<1x1x125xi32, #tpu.memory_space<hbm>>
      %dma_wait3A_526 = tpu.memref_squeeze %dma_wait3A_525 : memref<1x1x125xi32, #tpu.memory_space<hbm>> -> memref<125xi32, #tpu.memory_space<hbm>>
      tpu.wait_dma2 semaphore(%arg31 : memref<!tpu.dma_semaphore, #tpu.memory_space<semaphore_mem>>) src(%dma_wait3A_526 : memref<125xi32, #tpu.memory_space<hbm>>) dst(%dma_wait3A_523 : memref<125xi32, #tpu.memory_space<vmem>>)
      %dma_start3A_527 = arith.constant 5 : i32
      %dma_start3A_528 = arith.constant 0 : i32
      %dma_start3A_529 = tpu.memref_slice %arg8[%dma_start3A_527, %dma_start3A_528] : memref<8x125xi32, #tpu.memory_space<vmem>> -> memref<1x125xi32, #tpu.memory_space<vmem>>
      %dma_start3A_530 = tpu.memref_squeeze %dma_start3A_529 : memref<1x125xi32, #tpu.memory_space<vmem>> -> memref<125xi32, #tpu.memory_space<vmem>>
      %dma_start3A_531 = arith.constant 0 : i32
      %dma_start3A_532 = arith.constant 0 : i32
      %dma_start3A_533 = tpu.memref_slice %arg17[%dma_start3A_531, %dma_start3A_532] : memref<10000x64xf32, #tpu.memory_space<vmem_shared>> -> memref<10000x64xf32, #tpu.memory_space<vmem_shared>>
      tpu.enqueue_indirect_dma source(%arg14 : memref<125x64xf32, #tpu.memory_space<vmem>>) target(%dma_start3A_533 : memref<10000x64xf32, #tpu.memory_space<vmem_shared>>) offsets(%dma_start3A_530 : memref<125xi32, #tpu.memory_space<vmem>>) semaphore(%arg39 : memref<!tpu.dma_semaphore, #tpu.memory_space<semaphore_mem>>) {add = true}
      %add3A_534 = arith.constant 8 : i32
      %add3A_535 = arith.addi %add3A_503, %add3A_534 : i32
      %sub3A_536 = arith.constant 2 : i32
      %sub3A_537 = arith.subi %add3A_535, %sub3A_536 : i32
      %ge3A_538 = arith.constant 8 : i32
      %ge3A_539 = arith.cmpi sge, %sub3A_537, %ge3A_538 : i32
      %lt3A_540 = arith.constant 160 : i32
      %lt3A_541 = arith.cmpi slt, %sub3A_537, %lt3A_540 : i32
      %and3A_542 = arith.andi %ge3A_539, %lt3A_541 : i1
      %convert_element_type3A_543 = arith.extui %and3A_542 : i1 to i32
      %cond3A_544 = arith.constant 0 : i32
      %cond3A_545 = arith.cmpi ne, %convert_element_type3A_543, %cond3A_544 : i32
      scf.if %cond3A_545 {
        %dma_wait3A_638 = arith.constant 3 : i32
        %dma_wait3A_639 = arith.constant 0 : i32
        %dma_wait3A_640 = tpu.memref_slice %arg8[%dma_wait3A_638, %dma_wait3A_639] : memref<8x125xi32, #tpu.memory_space<vmem>> -> memref<1x125xi32, #tpu.memory_space<vmem>>
        %dma_wait3A_641 = tpu.memref_squeeze %dma_wait3A_640 : memref<1x125xi32, #tpu.memory_space<vmem>> -> memref<125xi32, #tpu.memory_space<vmem>>
        %dma_wait3A_642 = arith.constant 0 : i32
        %dma_wait3A_643 = arith.constant 0 : i32
        %dma_wait3A_644 = tpu.memref_slice %arg17[%dma_wait3A_642, %dma_wait3A_643] : memref<10000x64xf32, #tpu.memory_space<vmem_shared>> -> memref<10000x64xf32, #tpu.memory_space<vmem_shared>>
        tpu.wait_indirect_dma semaphore(%arg37 : memref<!tpu.dma_semaphore, #tpu.memory_space<semaphore_mem>>) src(%arg12 : memref<125x64xf32, #tpu.memory_space<vmem>>) dst(%dma_wait3A_644 : memref<10000x64xf32, #tpu.memory_space<vmem_shared>>)
        %dma_start3A_645 = arith.constant 0 : i32
        %dma_start3A_646 = tpu.memref_slice %arg7[%sub3A_537, %dma_start3A_645] : memref<160x125xi32, #tpu.memory_space<vmem>> -> memref<1x125xi32, #tpu.memory_space<vmem>>
        %dma_start3A_647 = tpu.memref_squeeze %dma_start3A_646 : memref<1x125xi32, #tpu.memory_space<vmem>> -> memref<125xi32, #tpu.memory_space<vmem>>
        %dma_start3A_648 = arith.constant 0 : i32
        %dma_start3A_649 = arith.constant 0 : i32
        %dma_start3A_650 = tpu.memref_slice %arg2[%arg0, %dma_start3A_648, %dma_start3A_649] : memref<2x10000x64xf32, #tpu.memory_space<hbm>> -> memref<1x10000x64xf32, #tpu.memory_space<hbm>>
        %dma_start3A_651 = tpu.memref_squeeze %dma_start3A_650 : memref<1x10000x64xf32, #tpu.memory_space<hbm>> -> memref<10000x64xf32, #tpu.memory_space<hbm>>
        %dma_start3A_652 = arith.constant 0 : i32
        %dma_start3A_653 = arith.constant 0 : i32
        %dma_start3A_654 = tpu.memref_slice %dma_start3A_651[%dma_start3A_652, %dma_start3A_653] : memref<10000x64xf32, #tpu.memory_space<hbm>> -> memref<10000x64xf32, #tpu.memory_space<hbm>>
        tpu.enqueue_indirect_dma source(%dma_start3A_654 : memref<10000x64xf32, #tpu.memory_space<hbm>>) target(%arg12 : memref<125x64xf32, #tpu.memory_space<vmem>>) offsets(%dma_start3A_647 : memref<125xi32, #tpu.memory_space<vmem>>) semaphore(%arg21 : memref<!tpu.dma_semaphore, #tpu.memory_space<semaphore_mem>>)
        %dma_start3A_655 = arith.constant 3 : i32
        %dma_start3A_656 = arith.constant 0 : i32
        %dma_start3A_657 = tpu.memref_slice %arg8[%dma_start3A_655, %dma_start3A_656] : memref<8x125xi32, #tpu.memory_space<vmem>> -> memref<1x125xi32, #tpu.memory_space<vmem>>
        %dma_start3A_658 = tpu.memref_squeeze %dma_start3A_657 : memref<1x125xi32, #tpu.memory_space<vmem>> -> memref<125xi32, #tpu.memory_space<vmem>>
        %dma_start3A_659 = arith.constant 0 : i32
        %dma_start3A_660 = tpu.memref_slice %arg4[%arg1, %sub3A_537, %dma_start3A_659] : memref<16x160x125xi32, #tpu.memory_space<hbm>> -> memref<1x1x125xi32, #tpu.memory_space<hbm>>
        %dma_start3A_661 = tpu.memref_squeeze %dma_start3A_660 : memref<1x1x125xi32, #tpu.memory_space<hbm>> -> memref<125xi32, #tpu.memory_space<hbm>>
        %dma_start3A_662 = arith.constant 0 : i32
        %dma_start3A_663 = tpu.memref_slice %arg8[%dma_start3A_655, %dma_start3A_662] : memref<8x125xi32, #tpu.memory_space<vmem>> -> memref<1x125xi32, #tpu.memory_space<vmem>>
        %dma_start3A_664 = tpu.memref_squeeze %dma_start3A_663 : memref<1x125xi32, #tpu.memory_space<vmem>> -> memref<125xi32, #tpu.memory_space<vmem>>
        %dma_start3A_665 = arith.constant 0 : i32
        %dma_start3A_666 = tpu.memref_slice %arg4[%arg1, %sub3A_537, %dma_start3A_665] : memref<16x160x125xi32, #tpu.memory_space<hbm>> -> memref<1x1x125xi32, #tpu.memory_space<hbm>>
        %dma_start3A_667 = tpu.memref_squeeze %dma_start3A_666 : memref<1x1x125xi32, #tpu.memory_space<hbm>> -> memref<125xi32, #tpu.memory_space<hbm>>
        tpu.enqueue_dma source(%dma_start3A_667 : memref<125xi32, #tpu.memory_space<hbm>>) target(%dma_start3A_664 : memref<125xi32, #tpu.memory_space<vmem>>) target_semaphore(%arg29 : memref<!tpu.dma_semaphore, #tpu.memory_space<semaphore_mem>>)
      } else {
      }
      %mul3A_546 = arith.constant 8 : i32
      %mul3A_547 = arith.muli %scan3A_274, %mul3A_546 : i32
      %add3A_548 = arith.constant 6 : i32
      %add3A_549 = arith.addi %mul3A_547, %add3A_548 : i32
      %dma_wait3A_550 = arith.constant 0 : i32
      %dma_wait3A_551 = tpu.memref_slice %arg7[%add3A_549, %dma_wait3A_550] : memref<160x125xi32, #tpu.memory_space<vmem>> -> memref<1x125xi32, #tpu.memory_space<vmem>>
      %dma_wait3A_552 = tpu.memref_squeeze %dma_wait3A_551 : memref<1x125xi32, #tpu.memory_space<vmem>> -> memref<125xi32, #tpu.memory_space<vmem>>
      %dma_wait3A_553 = arith.constant 0 : i32
      %dma_wait3A_554 = arith.constant 0 : i32
      %dma_wait3A_555 = tpu.memref_slice %arg2[%arg0, %dma_wait3A_553, %dma_wait3A_554] : memref<2x10000x64xf32, #tpu.memory_space<hbm>> -> memref<1x10000x64xf32, #tpu.memory_space<hbm>>
      %dma_wait3A_556 = tpu.memref_squeeze %dma_wait3A_555 : memref<1x10000x64xf32, #tpu.memory_space<hbm>> -> memref<10000x64xf32, #tpu.memory_space<hbm>>
      %dma_wait3A_557 = arith.constant 0 : i32
      %dma_wait3A_558 = arith.constant 0 : i32
      %dma_wait3A_559 = tpu.memref_slice %dma_wait3A_556[%dma_wait3A_557, %dma_wait3A_558] : memref<10000x64xf32, #tpu.memory_space<hbm>> -> memref<10000x64xf32, #tpu.memory_space<hbm>>
      tpu.wait_indirect_dma semaphore(%arg24 : memref<!tpu.dma_semaphore, #tpu.memory_space<semaphore_mem>>) src(%dma_wait3A_559 : memref<10000x64xf32, #tpu.memory_space<hbm>>) dst(%arg15 : memref<125x64xf32, #tpu.memory_space<vmem>>)
      %dma_wait3A_560 = arith.constant 6 : i32
      %dma_wait3A_561 = arith.constant 0 : i32
      %dma_wait3A_562 = tpu.memref_slice %arg8[%dma_wait3A_560, %dma_wait3A_561] : memref<8x125xi32, #tpu.memory_space<vmem>> -> memref<1x125xi32, #tpu.memory_space<vmem>>
      %dma_wait3A_563 = tpu.memref_squeeze %dma_wait3A_562 : memref<1x125xi32, #tpu.memory_space<vmem>> -> memref<125xi32, #tpu.memory_space<vmem>>
      %dma_wait3A_564 = arith.constant 0 : i32
      %dma_wait3A_565 = tpu.memref_slice %arg4[%arg1, %add3A_549, %dma_wait3A_564] : memref<16x160x125xi32, #tpu.memory_space<hbm>> -> memref<1x1x125xi32, #tpu.memory_space<hbm>>
      %dma_wait3A_566 = tpu.memref_squeeze %dma_wait3A_565 : memref<1x1x125xi32, #tpu.memory_space<hbm>> -> memref<125xi32, #tpu.memory_space<hbm>>
      %dma_wait3A_567 = arith.constant 0 : i32
      %dma_wait3A_568 = tpu.memref_slice %arg8[%dma_wait3A_560, %dma_wait3A_567] : memref<8x125xi32, #tpu.memory_space<vmem>> -> memref<1x125xi32, #tpu.memory_space<vmem>>
      %dma_wait3A_569 = tpu.memref_squeeze %dma_wait3A_568 : memref<1x125xi32, #tpu.memory_space<vmem>> -> memref<125xi32, #tpu.memory_space<vmem>>
      %dma_wait3A_570 = arith.constant 0 : i32
      %dma_wait3A_571 = tpu.memref_slice %arg4[%arg1, %add3A_549, %dma_wait3A_570] : memref<16x160x125xi32, #tpu.memory_space<hbm>> -> memref<1x1x125xi32, #tpu.memory_space<hbm>>
      %dma_wait3A_572 = tpu.memref_squeeze %dma_wait3A_571 : memref<1x1x125xi32, #tpu.memory_space<hbm>> -> memref<125xi32, #tpu.memory_space<hbm>>
      tpu.wait_dma2 semaphore(%arg32 : memref<!tpu.dma_semaphore, #tpu.memory_space<semaphore_mem>>) src(%dma_wait3A_572 : memref<125xi32, #tpu.memory_space<hbm>>) dst(%dma_wait3A_569 : memref<125xi32, #tpu.memory_space<vmem>>)
      %dma_start3A_573 = arith.constant 6 : i32
      %dma_start3A_574 = arith.constant 0 : i32
      %dma_start3A_575 = tpu.memref_slice %arg8[%dma_start3A_573, %dma_start3A_574] : memref<8x125xi32, #tpu.memory_space<vmem>> -> memref<1x125xi32, #tpu.memory_space<vmem>>
      %dma_start3A_576 = tpu.memref_squeeze %dma_start3A_575 : memref<1x125xi32, #tpu.memory_space<vmem>> -> memref<125xi32, #tpu.memory_space<vmem>>
      %dma_start3A_577 = arith.constant 0 : i32
      %dma_start3A_578 = arith.constant 0 : i32
      %dma_start3A_579 = tpu.memref_slice %arg17[%dma_start3A_577, %dma_start3A_578] : memref<10000x64xf32, #tpu.memory_space<vmem_shared>> -> memref<10000x64xf32, #tpu.memory_space<vmem_shared>>
      tpu.enqueue_indirect_dma source(%arg15 : memref<125x64xf32, #tpu.memory_space<vmem>>) target(%dma_start3A_579 : memref<10000x64xf32, #tpu.memory_space<vmem_shared>>) offsets(%dma_start3A_576 : memref<125xi32, #tpu.memory_space<vmem>>) semaphore(%arg40 : memref<!tpu.dma_semaphore, #tpu.memory_space<semaphore_mem>>) {add = true}
      %add3A_580 = arith.constant 8 : i32
      %add3A_581 = arith.addi %add3A_549, %add3A_580 : i32
      %sub3A_582 = arith.constant 2 : i32
      %sub3A_583 = arith.subi %add3A_581, %sub3A_582 : i32
      %ge3A_584 = arith.constant 8 : i32
      %ge3A_585 = arith.cmpi sge, %sub3A_583, %ge3A_584 : i32
      %lt3A_586 = arith.constant 160 : i32
      %lt3A_587 = arith.cmpi slt, %sub3A_583, %lt3A_586 : i32
      %and3A_588 = arith.andi %ge3A_585, %lt3A_587 : i1
      %convert_element_type3A_589 = arith.extui %and3A_588 : i1 to i32
      %cond3A_590 = arith.constant 0 : i32
      %cond3A_591 = arith.cmpi ne, %convert_element_type3A_589, %cond3A_590 : i32
      scf.if %cond3A_591 {
        %dma_wait3A_638 = arith.constant 4 : i32
        %dma_wait3A_639 = arith.constant 0 : i32
        %dma_wait3A_640 = tpu.memref_slice %arg8[%dma_wait3A_638, %dma_wait3A_639] : memref<8x125xi32, #tpu.memory_space<vmem>> -> memref<1x125xi32, #tpu.memory_space<vmem>>
        %dma_wait3A_641 = tpu.memref_squeeze %dma_wait3A_640 : memref<1x125xi32, #tpu.memory_space<vmem>> -> memref<125xi32, #tpu.memory_space<vmem>>
        %dma_wait3A_642 = arith.constant 0 : i32
        %dma_wait3A_643 = arith.constant 0 : i32
        %dma_wait3A_644 = tpu.memref_slice %arg17[%dma_wait3A_642, %dma_wait3A_643] : memref<10000x64xf32, #tpu.memory_space<vmem_shared>> -> memref<10000x64xf32, #tpu.memory_space<vmem_shared>>
        tpu.wait_indirect_dma semaphore(%arg38 : memref<!tpu.dma_semaphore, #tpu.memory_space<semaphore_mem>>) src(%arg13 : memref<125x64xf32, #tpu.memory_space<vmem>>) dst(%dma_wait3A_644 : memref<10000x64xf32, #tpu.memory_space<vmem_shared>>)
        %dma_start3A_645 = arith.constant 0 : i32
        %dma_start3A_646 = tpu.memref_slice %arg7[%sub3A_583, %dma_start3A_645] : memref<160x125xi32, #tpu.memory_space<vmem>> -> memref<1x125xi32, #tpu.memory_space<vmem>>
        %dma_start3A_647 = tpu.memref_squeeze %dma_start3A_646 : memref<1x125xi32, #tpu.memory_space<vmem>> -> memref<125xi32, #tpu.memory_space<vmem>>
        %dma_start3A_648 = arith.constant 0 : i32
        %dma_start3A_649 = arith.constant 0 : i32
        %dma_start3A_650 = tpu.memref_slice %arg2[%arg0, %dma_start3A_648, %dma_start3A_649] : memref<2x10000x64xf32, #tpu.memory_space<hbm>> -> memref<1x10000x64xf32, #tpu.memory_space<hbm>>
        %dma_start3A_651 = tpu.memref_squeeze %dma_start3A_650 : memref<1x10000x64xf32, #tpu.memory_space<hbm>> -> memref<10000x64xf32, #tpu.memory_space<hbm>>
        %dma_start3A_652 = arith.constant 0 : i32
        %dma_start3A_653 = arith.constant 0 : i32
        %dma_start3A_654 = tpu.memref_slice %dma_start3A_651[%dma_start3A_652, %dma_start3A_653] : memref<10000x64xf32, #tpu.memory_space<hbm>> -> memref<10000x64xf32, #tpu.memory_space<hbm>>
        tpu.enqueue_indirect_dma source(%dma_start3A_654 : memref<10000x64xf32, #tpu.memory_space<hbm>>) target(%arg13 : memref<125x64xf32, #tpu.memory_space<vmem>>) offsets(%dma_start3A_647 : memref<125xi32, #tpu.memory_space<vmem>>) semaphore(%arg22 : memref<!tpu.dma_semaphore, #tpu.memory_space<semaphore_mem>>)
        %dma_start3A_655 = arith.constant 4 : i32
        %dma_start3A_656 = arith.constant 0 : i32
        %dma_start3A_657 = tpu.memref_slice %arg8[%dma_start3A_655, %dma_start3A_656] : memref<8x125xi32, #tpu.memory_space<vmem>> -> memref<1x125xi32, #tpu.memory_space<vmem>>
        %dma_start3A_658 = tpu.memref_squeeze %dma_start3A_657 : memref<1x125xi32, #tpu.memory_space<vmem>> -> memref<125xi32, #tpu.memory_space<vmem>>
        %dma_start3A_659 = arith.constant 0 : i32
        %dma_start3A_660 = tpu.memref_slice %arg4[%arg1, %sub3A_583, %dma_start3A_659] : memref<16x160x125xi32, #tpu.memory_space<hbm>> -> memref<1x1x125xi32, #tpu.memory_space<hbm>>
        %dma_start3A_661 = tpu.memref_squeeze %dma_start3A_660 : memref<1x1x125xi32, #tpu.memory_space<hbm>> -> memref<125xi32, #tpu.memory_space<hbm>>
        %dma_start3A_662 = arith.constant 0 : i32
        %dma_start3A_663 = tpu.memref_slice %arg8[%dma_start3A_655, %dma_start3A_662] : memref<8x125xi32, #tpu.memory_space<vmem>> -> memref<1x125xi32, #tpu.memory_space<vmem>>
        %dma_start3A_664 = tpu.memref_squeeze %dma_start3A_663 : memref<1x125xi32, #tpu.memory_space<vmem>> -> memref<125xi32, #tpu.memory_space<vmem>>
        %dma_start3A_665 = arith.constant 0 : i32
        %dma_start3A_666 = tpu.memref_slice %arg4[%arg1, %sub3A_583, %dma_start3A_665] : memref<16x160x125xi32, #tpu.memory_space<hbm>> -> memref<1x1x125xi32, #tpu.memory_space<hbm>>
        %dma_start3A_667 = tpu.memref_squeeze %dma_start3A_666 : memref<1x1x125xi32, #tpu.memory_space<hbm>> -> memref<125xi32, #tpu.memory_space<hbm>>
        tpu.enqueue_dma source(%dma_start3A_667 : memref<125xi32, #tpu.memory_space<hbm>>) target(%dma_start3A_664 : memref<125xi32, #tpu.memory_space<vmem>>) target_semaphore(%arg30 : memref<!tpu.dma_semaphore, #tpu.memory_space<semaphore_mem>>)
      } else {
      }
      %mul3A_592 = arith.constant 8 : i32
      %mul3A_593 = arith.muli %scan3A_274, %mul3A_592 : i32
      %add3A_594 = arith.constant 7 : i32
      %add3A_595 = arith.addi %mul3A_593, %add3A_594 : i32
      %dma_wait3A_596 = arith.constant 0 : i32
      %dma_wait3A_597 = tpu.memref_slice %arg7[%add3A_595, %dma_wait3A_596] : memref<160x125xi32, #tpu.memory_space<vmem>> -> memref<1x125xi32, #tpu.memory_space<vmem>>
      %dma_wait3A_598 = tpu.memref_squeeze %dma_wait3A_597 : memref<1x125xi32, #tpu.memory_space<vmem>> -> memref<125xi32, #tpu.memory_space<vmem>>
      %dma_wait3A_599 = arith.constant 0 : i32
      %dma_wait3A_600 = arith.constant 0 : i32
      %dma_wait3A_601 = tpu.memref_slice %arg2[%arg0, %dma_wait3A_599, %dma_wait3A_600] : memref<2x10000x64xf32, #tpu.memory_space<hbm>> -> memref<1x10000x64xf32, #tpu.memory_space<hbm>>
      %dma_wait3A_602 = tpu.memref_squeeze %dma_wait3A_601 : memref<1x10000x64xf32, #tpu.memory_space<hbm>> -> memref<10000x64xf32, #tpu.memory_space<hbm>>
      %dma_wait3A_603 = arith.constant 0 : i32
      %dma_wait3A_604 = arith.constant 0 : i32
      %dma_wait3A_605 = tpu.memref_slice %dma_wait3A_602[%dma_wait3A_603, %dma_wait3A_604] : memref<10000x64xf32, #tpu.memory_space<hbm>> -> memref<10000x64xf32, #tpu.memory_space<hbm>>
      tpu.wait_indirect_dma semaphore(%arg25 : memref<!tpu.dma_semaphore, #tpu.memory_space<semaphore_mem>>) src(%dma_wait3A_605 : memref<10000x64xf32, #tpu.memory_space<hbm>>) dst(%arg16 : memref<125x64xf32, #tpu.memory_space<vmem>>)
      %dma_wait3A_606 = arith.constant 7 : i32
      %dma_wait3A_607 = arith.constant 0 : i32
      %dma_wait3A_608 = tpu.memref_slice %arg8[%dma_wait3A_606, %dma_wait3A_607] : memref<8x125xi32, #tpu.memory_space<vmem>> -> memref<1x125xi32, #tpu.memory_space<vmem>>
      %dma_wait3A_609 = tpu.memref_squeeze %dma_wait3A_608 : memref<1x125xi32, #tpu.memory_space<vmem>> -> memref<125xi32, #tpu.memory_space<vmem>>
      %dma_wait3A_610 = arith.constant 0 : i32
      %dma_wait3A_611 = tpu.memref_slice %arg4[%arg1, %add3A_595, %dma_wait3A_610] : memref<16x160x125xi32, #tpu.memory_space<hbm>> -> memref<1x1x125xi32, #tpu.memory_space<hbm>>
      %dma_wait3A_612 = tpu.memref_squeeze %dma_wait3A_611 : memref<1x1x125xi32, #tpu.memory_space<hbm>> -> memref<125xi32, #tpu.memory_space<hbm>>
      %dma_wait3A_613 = arith.constant 0 : i32
      %dma_wait3A_614 = tpu.memref_slice %arg8[%dma_wait3A_606, %dma_wait3A_613] : memref<8x125xi32, #tpu.memory_space<vmem>> -> memref<1x125xi32, #tpu.memory_space<vmem>>
      %dma_wait3A_615 = tpu.memref_squeeze %dma_wait3A_614 : memref<1x125xi32, #tpu.memory_space<vmem>> -> memref<125xi32, #tpu.memory_space<vmem>>
      %dma_wait3A_616 = arith.constant 0 : i32
      %dma_wait3A_617 = tpu.memref_slice %arg4[%arg1, %add3A_595, %dma_wait3A_616] : memref<16x160x125xi32, #tpu.memory_space<hbm>> -> memref<1x1x125xi32, #tpu.memory_space<hbm>>
      %dma_wait3A_618 = tpu.memref_squeeze %dma_wait3A_617 : memref<1x1x125xi32, #tpu.memory_space<hbm>> -> memref<125xi32, #tpu.memory_space<hbm>>
      tpu.wait_dma2 semaphore(%arg33 : memref<!tpu.dma_semaphore, #tpu.memory_space<semaphore_mem>>) src(%dma_wait3A_618 : memref<125xi32, #tpu.memory_space<hbm>>) dst(%dma_wait3A_615 : memref<125xi32, #tpu.memory_space<vmem>>)
      %dma_start3A_619 = arith.constant 7 : i32
      %dma_start3A_620 = arith.constant 0 : i32
      %dma_start3A_621 = tpu.memref_slice %arg8[%dma_start3A_619, %dma_start3A_620] : memref<8x125xi32, #tpu.memory_space<vmem>> -> memref<1x125xi32, #tpu.memory_space<vmem>>
      %dma_start3A_622 = tpu.memref_squeeze %dma_start3A_621 : memref<1x125xi32, #tpu.memory_space<vmem>> -> memref<125xi32, #tpu.memory_space<vmem>>
      %dma_start3A_623 = arith.constant 0 : i32
      %dma_start3A_624 = arith.constant 0 : i32
      %dma_start3A_625 = tpu.memref_slice %arg17[%dma_start3A_623, %dma_start3A_624] : memref<10000x64xf32, #tpu.memory_space<vmem_shared>> -> memref<10000x64xf32, #tpu.memory_space<vmem_shared>>
      tpu.enqueue_indirect_dma source(%arg16 : memref<125x64xf32, #tpu.memory_space<vmem>>) target(%dma_start3A_625 : memref<10000x64xf32, #tpu.memory_space<vmem_shared>>) offsets(%dma_start3A_622 : memref<125xi32, #tpu.memory_space<vmem>>) semaphore(%arg41 : memref<!tpu.dma_semaphore, #tpu.memory_space<semaphore_mem>>) {add = true}
      %add3A_626 = arith.constant 8 : i32
      %add3A_627 = arith.addi %add3A_595, %add3A_626 : i32
      %sub3A_628 = arith.constant 2 : i32
      %sub3A_629 = arith.subi %add3A_627, %sub3A_628 : i32
      %ge3A_630 = arith.constant 8 : i32
      %ge3A_631 = arith.cmpi sge, %sub3A_629, %ge3A_630 : i32
      %lt3A_632 = arith.constant 160 : i32
      %lt3A_633 = arith.cmpi slt, %sub3A_629, %lt3A_632 : i32
      %and3A_634 = arith.andi %ge3A_631, %lt3A_633 : i1
      %convert_element_type3A_635 = arith.extui %and3A_634 : i1 to i32
      %cond3A_636 = arith.constant 0 : i32
      %cond3A_637 = arith.cmpi ne, %convert_element_type3A_635, %cond3A_636 : i32
      scf.if %cond3A_637 {
        %dma_wait3A_638 = arith.constant 5 : i32
        %dma_wait3A_639 = arith.constant 0 : i32
        %dma_wait3A_640 = tpu.memref_slice %arg8[%dma_wait3A_638, %dma_wait3A_639] : memref<8x125xi32, #tpu.memory_space<vmem>> -> memref<1x125xi32, #tpu.memory_space<vmem>>
        %dma_wait3A_641 = tpu.memref_squeeze %dma_wait3A_640 : memref<1x125xi32, #tpu.memory_space<vmem>> -> memref<125xi32, #tpu.memory_space<vmem>>
        %dma_wait3A_642 = arith.constant 0 : i32
        %dma_wait3A_643 = arith.constant 0 : i32
        %dma_wait3A_644 = tpu.memref_slice %arg17[%dma_wait3A_642, %dma_wait3A_643] : memref<10000x64xf32, #tpu.memory_space<vmem_shared>> -> memref<10000x64xf32, #tpu.memory_space<vmem_shared>>
        tpu.wait_indirect_dma semaphore(%arg39 : memref<!tpu.dma_semaphore, #tpu.memory_space<semaphore_mem>>) src(%arg14 : memref<125x64xf32, #tpu.memory_space<vmem>>) dst(%dma_wait3A_644 : memref<10000x64xf32, #tpu.memory_space<vmem_shared>>)
        %dma_start3A_645 = arith.constant 0 : i32
        %dma_start3A_646 = tpu.memref_slice %arg7[%sub3A_629, %dma_start3A_645] : memref<160x125xi32, #tpu.memory_space<vmem>> -> memref<1x125xi32, #tpu.memory_space<vmem>>
        %dma_start3A_647 = tpu.memref_squeeze %dma_start3A_646 : memref<1x125xi32, #tpu.memory_space<vmem>> -> memref<125xi32, #tpu.memory_space<vmem>>
        %dma_start3A_648 = arith.constant 0 : i32
        %dma_start3A_649 = arith.constant 0 : i32
        %dma_start3A_650 = tpu.memref_slice %arg2[%arg0, %dma_start3A_648, %dma_start3A_649] : memref<2x10000x64xf32, #tpu.memory_space<hbm>> -> memref<1x10000x64xf32, #tpu.memory_space<hbm>>
        %dma_start3A_651 = tpu.memref_squeeze %dma_start3A_650 : memref<1x10000x64xf32, #tpu.memory_space<hbm>> -> memref<10000x64xf32, #tpu.memory_space<hbm>>
        %dma_start3A_652 = arith.constant 0 : i32
        %dma_start3A_653 = arith.constant 0 : i32
        %dma_start3A_654 = tpu.memref_slice %dma_start3A_651[%dma_start3A_652, %dma_start3A_653] : memref<10000x64xf32, #tpu.memory_space<hbm>> -> memref<10000x64xf32, #tpu.memory_space<hbm>>
        tpu.enqueue_indirect_dma source(%dma_start3A_654 : memref<10000x64xf32, #tpu.memory_space<hbm>>) target(%arg14 : memref<125x64xf32, #tpu.memory_space<vmem>>) offsets(%dma_start3A_647 : memref<125xi32, #tpu.memory_space<vmem>>) semaphore(%arg23 : memref<!tpu.dma_semaphore, #tpu.memory_space<semaphore_mem>>)
        %dma_start3A_655 = arith.constant 5 : i32
        %dma_start3A_656 = arith.constant 0 : i32
        %dma_start3A_657 = tpu.memref_slice %arg8[%dma_start3A_655, %dma_start3A_656] : memref<8x125xi32, #tpu.memory_space<vmem>> -> memref<1x125xi32, #tpu.memory_space<vmem>>
        %dma_start3A_658 = tpu.memref_squeeze %dma_start3A_657 : memref<1x125xi32, #tpu.memory_space<vmem>> -> memref<125xi32, #tpu.memory_space<vmem>>
        %dma_start3A_659 = arith.constant 0 : i32
        %dma_start3A_660 = tpu.memref_slice %arg4[%arg1, %sub3A_629, %dma_start3A_659] : memref<16x160x125xi32, #tpu.memory_space<hbm>> -> memref<1x1x125xi32, #tpu.memory_space<hbm>>
        %dma_start3A_661 = tpu.memref_squeeze %dma_start3A_660 : memref<1x1x125xi32, #tpu.memory_space<hbm>> -> memref<125xi32, #tpu.memory_space<hbm>>
        %dma_start3A_662 = arith.constant 0 : i32
        %dma_start3A_663 = tpu.memref_slice %arg8[%dma_start3A_655, %dma_start3A_662] : memref<8x125xi32, #tpu.memory_space<vmem>> -> memref<1x125xi32, #tpu.memory_space<vmem>>
        %dma_start3A_664 = tpu.memref_squeeze %dma_start3A_663 : memref<1x125xi32, #tpu.memory_space<vmem>> -> memref<125xi32, #tpu.memory_space<vmem>>
        %dma_start3A_665 = arith.constant 0 : i32
        %dma_start3A_666 = tpu.memref_slice %arg4[%arg1, %sub3A_629, %dma_start3A_665] : memref<16x160x125xi32, #tpu.memory_space<hbm>> -> memref<1x1x125xi32, #tpu.memory_space<hbm>>
        %dma_start3A_667 = tpu.memref_squeeze %dma_start3A_666 : memref<1x1x125xi32, #tpu.memory_space<hbm>> -> memref<125xi32, #tpu.memory_space<hbm>>
        tpu.enqueue_dma source(%dma_start3A_667 : memref<125xi32, #tpu.memory_space<hbm>>) target(%dma_start3A_664 : memref<125xi32, #tpu.memory_space<vmem>>) target_semaphore(%arg31 : memref<!tpu.dma_semaphore, #tpu.memory_space<semaphore_mem>>)
      } else {
      }
    }
    %scan3A_208 = arith.constant 20 : i32
    %dma_wait3A = arith.constant 0 : i32
    %dma_wait3A_209 = arith.constant 0 : i32
    %dma_wait3A_210 = tpu.memref_slice %arg8[%dma_wait3A, %dma_wait3A_209] : memref<8x125xi32, #tpu.memory_space<vmem>> -> memref<1x125xi32, #tpu.memory_space<vmem>>
    %dma_wait3A_211 = tpu.memref_squeeze %dma_wait3A_210 : memref<1x125xi32, #tpu.memory_space<vmem>> -> memref<125xi32, #tpu.memory_space<vmem>>
    %dma_wait3A_212 = arith.constant 0 : i32
    %dma_wait3A_213 = arith.constant 0 : i32
    %dma_wait3A_214 = tpu.memref_slice %arg17[%dma_wait3A_212, %dma_wait3A_213] : memref<10000x64xf32, #tpu.memory_space<vmem_shared>> -> memref<10000x64xf32, #tpu.memory_space<vmem_shared>>
    tpu.wait_indirect_dma semaphore(%arg34 : memref<!tpu.dma_semaphore, #tpu.memory_space<semaphore_mem>>) src(%arg9 : memref<125x64xf32, #tpu.memory_space<vmem>>) dst(%dma_wait3A_214 : memref<10000x64xf32, #tpu.memory_space<vmem_shared>>)
    %dma_wait3A_215 = arith.constant 1 : i32
    %dma_wait3A_216 = arith.constant 0 : i32
    %dma_wait3A_217 = tpu.memref_slice %arg8[%dma_wait3A_215, %dma_wait3A_216] : memref<8x125xi32, #tpu.memory_space<vmem>> -> memref<1x125xi32, #tpu.memory_space<vmem>>
    %dma_wait3A_218 = tpu.memref_squeeze %dma_wait3A_217 : memref<1x125xi32, #tpu.memory_space<vmem>> -> memref<125xi32, #tpu.memory_space<vmem>>
    %dma_wait3A_219 = arith.constant 0 : i32
    %dma_wait3A_220 = arith.constant 0 : i32
    %dma_wait3A_221 = tpu.memref_slice %arg17[%dma_wait3A_219, %dma_wait3A_220] : memref<10000x64xf32, #tpu.memory_space<vmem_shared>> -> memref<10000x64xf32, #tpu.memory_space<vmem_shared>>
    tpu.wait_indirect_dma semaphore(%arg35 : memref<!tpu.dma_semaphore, #tpu.memory_space<semaphore_mem>>) src(%arg10 : memref<125x64xf32, #tpu.memory_space<vmem>>) dst(%dma_wait3A_221 : memref<10000x64xf32, #tpu.memory_space<vmem_shared>>)
    %dma_wait3A_222 = arith.constant 2 : i32
    %dma_wait3A_223 = arith.constant 0 : i32
    %dma_wait3A_224 = tpu.memref_slice %arg8[%dma_wait3A_222, %dma_wait3A_223] : memref<8x125xi32, #tpu.memory_space<vmem>> -> memref<1x125xi32, #tpu.memory_space<vmem>>
    %dma_wait3A_225 = tpu.memref_squeeze %dma_wait3A_224 : memref<1x125xi32, #tpu.memory_space<vmem>> -> memref<125xi32, #tpu.memory_space<vmem>>
    %dma_wait3A_226 = arith.constant 0 : i32
    %dma_wait3A_227 = arith.constant 0 : i32
    %dma_wait3A_228 = tpu.memref_slice %arg17[%dma_wait3A_226, %dma_wait3A_227] : memref<10000x64xf32, #tpu.memory_space<vmem_shared>> -> memref<10000x64xf32, #tpu.memory_space<vmem_shared>>
    tpu.wait_indirect_dma semaphore(%arg36 : memref<!tpu.dma_semaphore, #tpu.memory_space<semaphore_mem>>) src(%arg11 : memref<125x64xf32, #tpu.memory_space<vmem>>) dst(%dma_wait3A_228 : memref<10000x64xf32, #tpu.memory_space<vmem_shared>>)
    %dma_wait3A_229 = arith.constant 3 : i32
    %dma_wait3A_230 = arith.constant 0 : i32
    %dma_wait3A_231 = tpu.memref_slice %arg8[%dma_wait3A_229, %dma_wait3A_230] : memref<8x125xi32, #tpu.memory_space<vmem>> -> memref<1x125xi32, #tpu.memory_space<vmem>>
    %dma_wait3A_232 = tpu.memref_squeeze %dma_wait3A_231 : memref<1x125xi32, #tpu.memory_space<vmem>> -> memref<125xi32, #tpu.memory_space<vmem>>
    %dma_wait3A_233 = arith.constant 0 : i32
    %dma_wait3A_234 = arith.constant 0 : i32
    %dma_wait3A_235 = tpu.memref_slice %arg17[%dma_wait3A_233, %dma_wait3A_234] : memref<10000x64xf32, #tpu.memory_space<vmem_shared>> -> memref<10000x64xf32, #tpu.memory_space<vmem_shared>>
    tpu.wait_indirect_dma semaphore(%arg37 : memref<!tpu.dma_semaphore, #tpu.memory_space<semaphore_mem>>) src(%arg12 : memref<125x64xf32, #tpu.memory_space<vmem>>) dst(%dma_wait3A_235 : memref<10000x64xf32, #tpu.memory_space<vmem_shared>>)
    %dma_wait3A_236 = arith.constant 4 : i32
    %dma_wait3A_237 = arith.constant 0 : i32
    %dma_wait3A_238 = tpu.memref_slice %arg8[%dma_wait3A_236, %dma_wait3A_237] : memref<8x125xi32, #tpu.memory_space<vmem>> -> memref<1x125xi32, #tpu.memory_space<vmem>>
    %dma_wait3A_239 = tpu.memref_squeeze %dma_wait3A_238 : memref<1x125xi32, #tpu.memory_space<vmem>> -> memref<125xi32, #tpu.memory_space<vmem>>
    %dma_wait3A_240 = arith.constant 0 : i32
    %dma_wait3A_241 = arith.constant 0 : i32
    %dma_wait3A_242 = tpu.memref_slice %arg17[%dma_wait3A_240, %dma_wait3A_241] : memref<10000x64xf32, #tpu.memory_space<vmem_shared>> -> memref<10000x64xf32, #tpu.memory_space<vmem_shared>>
    tpu.wait_indirect_dma semaphore(%arg38 : memref<!tpu.dma_semaphore, #tpu.memory_space<semaphore_mem>>) src(%arg13 : memref<125x64xf32, #tpu.memory_space<vmem>>) dst(%dma_wait3A_242 : memref<10000x64xf32, #tpu.memory_space<vmem_shared>>)
    %dma_wait3A_243 = arith.constant 5 : i32
    %dma_wait3A_244 = arith.constant 0 : i32
    %dma_wait3A_245 = tpu.memref_slice %arg8[%dma_wait3A_243, %dma_wait3A_244] : memref<8x125xi32, #tpu.memory_space<vmem>> -> memref<1x125xi32, #tpu.memory_space<vmem>>
    %dma_wait3A_246 = tpu.memref_squeeze %dma_wait3A_245 : memref<1x125xi32, #tpu.memory_space<vmem>> -> memref<125xi32, #tpu.memory_space<vmem>>
    %dma_wait3A_247 = arith.constant 0 : i32
    %dma_wait3A_248 = arith.constant 0 : i32
    %dma_wait3A_249 = tpu.memref_slice %arg17[%dma_wait3A_247, %dma_wait3A_248] : memref<10000x64xf32, #tpu.memory_space<vmem_shared>> -> memref<10000x64xf32, #tpu.memory_space<vmem_shared>>
    tpu.wait_indirect_dma semaphore(%arg39 : memref<!tpu.dma_semaphore, #tpu.memory_space<semaphore_mem>>) src(%arg14 : memref<125x64xf32, #tpu.memory_space<vmem>>) dst(%dma_wait3A_249 : memref<10000x64xf32, #tpu.memory_space<vmem_shared>>)
    %dma_wait3A_250 = arith.constant 6 : i32
    %dma_wait3A_251 = arith.constant 0 : i32
    %dma_wait3A_252 = tpu.memref_slice %arg8[%dma_wait3A_250, %dma_wait3A_251] : memref<8x125xi32, #tpu.memory_space<vmem>> -> memref<1x125xi32, #tpu.memory_space<vmem>>
    %dma_wait3A_253 = tpu.memref_squeeze %dma_wait3A_252 : memref<1x125xi32, #tpu.memory_space<vmem>> -> memref<125xi32, #tpu.memory_space<vmem>>
    %dma_wait3A_254 = arith.constant 0 : i32
    %dma_wait3A_255 = arith.constant 0 : i32
    %dma_wait3A_256 = tpu.memref_slice %arg17[%dma_wait3A_254, %dma_wait3A_255] : memref<10000x64xf32, #tpu.memory_space<vmem_shared>> -> memref<10000x64xf32, #tpu.memory_space<vmem_shared>>
    tpu.wait_indirect_dma semaphore(%arg40 : memref<!tpu.dma_semaphore, #tpu.memory_space<semaphore_mem>>) src(%arg15 : memref<125x64xf32, #tpu.memory_space<vmem>>) dst(%dma_wait3A_256 : memref<10000x64xf32, #tpu.memory_space<vmem_shared>>)
    %dma_wait3A_257 = arith.constant 7 : i32
    %dma_wait3A_258 = arith.constant 0 : i32
    %dma_wait3A_259 = tpu.memref_slice %arg8[%dma_wait3A_257, %dma_wait3A_258] : memref<8x125xi32, #tpu.memory_space<vmem>> -> memref<1x125xi32, #tpu.memory_space<vmem>>
    %dma_wait3A_260 = tpu.memref_squeeze %dma_wait3A_259 : memref<1x125xi32, #tpu.memory_space<vmem>> -> memref<125xi32, #tpu.memory_space<vmem>>
    %dma_wait3A_261 = arith.constant 0 : i32
    %dma_wait3A_262 = arith.constant 0 : i32
    %dma_wait3A_263 = tpu.memref_slice %arg17[%dma_wait3A_261, %dma_wait3A_262] : memref<10000x64xf32, #tpu.memory_space<vmem_shared>> -> memref<10000x64xf32, #tpu.memory_space<vmem_shared>>
    tpu.wait_indirect_dma semaphore(%arg41 : memref<!tpu.dma_semaphore, #tpu.memory_space<semaphore_mem>>) src(%arg16 : memref<125x64xf32, #tpu.memory_space<vmem>>) dst(%dma_wait3A_263 : memref<10000x64xf32, #tpu.memory_space<vmem_shared>>)
    %barrier3A_264 = arith.constant 0 : index
    tpu.barrier barrier_id(%barrier3A_264)
    %mul3A_265 = arith.constant 624 : i32
    %mul3A_266 = arith.muli %arg1, %mul3A_265 : i32
    %mul3A_267 = arith.constant 624 : i32
    %mul3A_268 = arith.muli %arg1, %mul3A_267 : i32
    "tpu.region"() ({
      %run_scoped3A = tpu.sem_alloc : memref<!tpu.dma_semaphore, #tpu.memory_space<semaphore_mem>>
      %dma_start3A_274 = tpu.memref_slice %arg6[%mul3A_268, %mul3A_0] : memref<10000x128xf32, #tpu.memory_space<hbm>> -> memref<624x64xf32, #tpu.memory_space<hbm>>
      %dma_start3A_275 = arith.constant 0 : i32
      %dma_start3A_276 = tpu.memref_slice %arg17[%mul3A_266, %dma_start3A_275] : memref<10000x64xf32, #tpu.memory_space<vmem_shared>> -> memref<624x64xf32, #tpu.memory_space<vmem_shared>>
      tpu.enqueue_dma source(%dma_start3A_276 : memref<624x64xf32, #tpu.memory_space<vmem_shared>>) target(%dma_start3A_274 : memref<624x64xf32, #tpu.memory_space<hbm>>) target_semaphore(%run_scoped3A : memref<!tpu.dma_semaphore, #tpu.memory_space<semaphore_mem>>)
      %dma_wait3A_277 = tpu.memref_slice %arg6[%mul3A_268, %mul3A_0] : memref<10000x128xf32, #tpu.memory_space<hbm>> -> memref<624x64xf32, #tpu.memory_space<hbm>>
      %dma_wait3A_278 = arith.constant 0 : i32
      %dma_wait3A_279 = tpu.memref_slice %arg17[%mul3A_266, %dma_wait3A_278] : memref<10000x64xf32, #tpu.memory_space<vmem_shared>> -> memref<624x64xf32, #tpu.memory_space<vmem_shared>>
      tpu.wait_dma2 semaphore(%run_scoped3A : memref<!tpu.dma_semaphore, #tpu.memory_space<semaphore_mem>>) src(%dma_wait3A_279 : memref<624x64xf32, #tpu.memory_space<vmem_shared>>) dst(%dma_wait3A_277 : memref<624x64xf32, #tpu.memory_space<hbm>>)
      tpu.yield
    }) : () -> ()
    %eq3A_269 = arith.constant 15 : i32
    %eq3A_270 = arith.cmpi eq, %arg1, %eq3A_269 : i32
    %convert_element_type3A_271 = arith.extui %eq3A_270 : i1 to i32
    %cond3A_272 = arith.constant 0 : i32
    %cond3A_273 = arith.cmpi ne, %convert_element_type3A_271, %cond3A_272 : i32
    scf.if %cond3A_273 {
      "tpu.region"() ({
        %run_scoped3A = tpu.sem_alloc : memref<!tpu.dma_semaphore, #tpu.memory_space<semaphore_mem>>
        %dma_start3A_274 = arith.constant 9984 : i32
        %dma_start3A_275 = tpu.memref_slice %arg6[%dma_start3A_274, %mul3A_0] : memref<10000x128xf32, #tpu.memory_space<hbm>> -> memref<16x64xf32, #tpu.memory_space<hbm>>
        %dma_start3A_276 = arith.constant 9984 : i32
        %dma_start3A_277 = arith.constant 0 : i32
        %dma_start3A_278 = tpu.memref_slice %arg17[%dma_start3A_276, %dma_start3A_277] : memref<10000x64xf32, #tpu.memory_space<vmem_shared>> -> memref<16x64xf32, #tpu.memory_space<vmem_shared>>
        tpu.enqueue_dma source(%dma_start3A_278 : memref<16x64xf32, #tpu.memory_space<vmem_shared>>) target(%dma_start3A_275 : memref<16x64xf32, #tpu.memory_space<hbm>>) target_semaphore(%run_scoped3A : memref<!tpu.dma_semaphore, #tpu.memory_space<semaphore_mem>>)
        %dma_wait3A_279 = arith.constant 9984 : i32
        %dma_wait3A_280 = tpu.memref_slice %arg6[%dma_wait3A_279, %mul3A_0] : memref<10000x128xf32, #tpu.memory_space<hbm>> -> memref<16x64xf32, #tpu.memory_space<hbm>>
        %dma_wait3A_281 = arith.constant 9984 : i32
        %dma_wait3A_282 = arith.constant 0 : i32
        %dma_wait3A_283 = tpu.memref_slice %arg17[%dma_wait3A_281, %dma_wait3A_282] : memref<10000x64xf32, #tpu.memory_space<vmem_shared>> -> memref<16x64xf32, #tpu.memory_space<vmem_shared>>
        tpu.wait_dma2 semaphore(%run_scoped3A : memref<!tpu.dma_semaphore, #tpu.memory_space<semaphore_mem>>) src(%dma_wait3A_283 : memref<16x64xf32, #tpu.memory_space<vmem_shared>>) dst(%dma_wait3A_280 : memref<16x64xf32, #tpu.memory_space<hbm>>)
        tpu.yield
      }) : () -> ()
    } else {
    }
    return
  }
}

#map = affine_map<(d0, d1) -> (0, 0, 0)>
#map1 = affine_map<(d0, d1) -> (0, 0)>
module attributes {stable_mosaic.version = 14 : i64} {
  func.func @_spmm_body(%arg0: i32, %arg1: i32, %arg2: memref<2x10000x64xf32, #tpu.memory_space<hbm>>, %arg3: memref<16x160x125xi32, #tpu.memory_space<hbm>>, %arg4: memref<16x160x125xi32, #tpu.memory_space<hbm>>, %arg5: memref<624x64xf32, #tpu.memory_space<hbm>>, %arg6: memref<10000x128xf32, #tpu.memory_space<hbm>>, %arg7: memref<160x125xi32, #tpu.memory_space<vmem>>, %arg8: memref<8x125xi32, #tpu.memory_space<vmem>>, %arg9: memref<125x64xf32, #tpu.memory_space<vmem>>, %arg10: memref<125x64xf32, #tpu.memory_space<vmem>>, %arg11: memref<125x64xf32, #tpu.memory_space<vmem>>, %arg12: memref<125x64xf32, #tpu.memory_space<vmem>>, %arg13: memref<125x64xf32, #tpu.memory_space<vmem>>, %arg14: memref<125x64xf32, #tpu.memory_space<vmem>>, %arg15: memref<125x64xf32, #tpu.memory_space<vmem>>, %arg16: memref<125x64xf32, #tpu.memory_space<vmem>>, %arg17: memref<10000x64xf32, #tpu.memory_space<vmem_shared>>, %arg18: memref<!tpu.dma_semaphore, #tpu.memory_space<semaphore_mem>>, %arg19: memref<!tpu.dma_semaphore, #tpu.memory_space<semaphore_mem>>, %arg20: memref<!tpu.dma_semaphore, #tpu.memory_space<semaphore_mem>>, %arg21: memref<!tpu.dma_semaphore, #tpu.memory_space<semaphore_mem>>, %arg22: memref<!tpu.dma_semaphore, #tpu.memory_space<semaphore_mem>>, %arg23: memref<!tpu.dma_semaphore, #tpu.memory_space<semaphore_mem>>, %arg24: memref<!tpu.dma_semaphore, #tpu.memory_space<semaphore_mem>>, %arg25: memref<!tpu.dma_semaphore, #tpu.memory_space<semaphore_mem>>, %arg26: memref<!tpu.dma_semaphore, #tpu.memory_space<semaphore_mem>>, %arg27: memref<!tpu.dma_semaphore, #tpu.memory_space<semaphore_mem>>, %arg28: memref<!tpu.dma_semaphore, #tpu.memory_space<semaphore_mem>>, %arg29: memref<!tpu.dma_semaphore, #tpu.memory_space<semaphore_mem>>, %arg30: memref<!tpu.dma_semaphore, #tpu.memory_space<semaphore_mem>>, %arg31: memref<!tpu.dma_semaphore, #tpu.memory_space<semaphore_mem>>, %arg32: memref<!tpu.dma_semaphore, #tpu.memory_space<semaphore_mem>>, %arg33: memref<!tpu.dma_semaphore, #tpu.memory_space<semaphore_mem>>, %arg34: memref<!tpu.dma_semaphore, #tpu.memory_space<semaphore_mem>>, %arg35: memref<!tpu.dma_semaphore, #tpu.memory_space<semaphore_mem>>, %arg36: memref<!tpu.dma_semaphore, #tpu.memory_space<semaphore_mem>>, %arg37: memref<!tpu.dma_semaphore, #tpu.memory_space<semaphore_mem>>, %arg38: memref<!tpu.dma_semaphore, #tpu.memory_space<semaphore_mem>>, %arg39: memref<!tpu.dma_semaphore, #tpu.memory_space<semaphore_mem>>, %arg40: memref<!tpu.dma_semaphore, #tpu.memory_space<semaphore_mem>>, %arg41: memref<!tpu.dma_semaphore, #tpu.memory_space<semaphore_mem>>) attributes {dimension_semantics = [#tpu.dimension_semantics<core_parallel>, #tpu.dimension_semantics<subcore_parallel>], iteration_bounds = array<i64: 2, 16>, scalar_prefetch = 0 : i64, scratch_operands = 35 : i64, tpu.core_type = #tpu.core_type<sc_vector_subcore>, window_params = [{transform_indices = #map}, {transform_indices = #map}, {transform_indices = #map}, {transform_indices = #map1}, {transform_indices = #map1}]} {
    "tpu.region"() ({
      %run_scoped3A = tpu.sem_alloc : memref<!tpu.dma_semaphore, #tpu.memory_space<semaphore_mem>>
      %dma_start3A_274 = arith.constant 0 : i32
      %dma_start3A_275 = arith.constant 0 : i32
      %dma_start3A_276 = tpu.memref_slice %arg3[%arg1, %dma_start3A_274, %dma_start3A_275] : memref<16x160x125xi32, #tpu.memory_space<hbm>> -> memref<1x160x125xi32, #tpu.memory_space<hbm>>
      %dma_start3A_277 = tpu.memref_squeeze %dma_start3A_276 : memref<1x160x125xi32, #tpu.memory_space<hbm>> -> memref<160x125xi32, #tpu.memory_space<hbm>>
      %dma_start3A_278 = arith.constant 0 : i32
      %dma_start3A_279 = arith.constant 0 : i32
      %dma_start3A_280 = tpu.memref_slice %arg3[%arg1, %dma_start3A_278, %dma_start3A_279] : memref<16x160x125xi32, #tpu.memory_space<hbm>> -> memref<1x160x125xi32, #tpu.memory_space<hbm>>
      %dma_start3A_281 = tpu.memref_squeeze %dma_start3A_280 : memref<1x160x125xi32, #tpu.memory_space<hbm>> -> memref<160x125xi32, #tpu.memory_space<hbm>>
      tpu.enqueue_dma source(%dma_start3A_281 : memref<160x125xi32, #tpu.memory_space<hbm>>) target(%arg7 : memref<160x125xi32, #tpu.memory_space<vmem>>) target_semaphore(%run_scoped3A : memref<!tpu.dma_semaphore, #tpu.memory_space<semaphore_mem>>)
      %dma_wait3A_282 = arith.constant 0 : i32
      %dma_wait3A_283 = arith.constant 0 : i32
      %dma_wait3A_284 = tpu.memref_slice %arg3[%arg1, %dma_wait3A_282, %dma_wait3A_283] : memref<16x160x125xi32, #tpu.memory_space<hbm>> -> memref<1x160x125xi32, #tpu.memory_space<hbm>>
      %dma_wait3A_285 = tpu.memref_squeeze %dma_wait3A_284 : memref<1x160x125xi32, #tpu.memory_space<hbm>> -> memref<160x125xi32, #tpu.memory_space<hbm>>
      %dma_wait3A_286 = arith.constant 0 : i32
      %dma_wait3A_287 = arith.constant 0 : i32
      %dma_wait3A_288 = tpu.memref_slice %arg3[%arg1, %dma_wait3A_286, %dma_wait3A_287] : memref<16x160x125xi32, #tpu.memory_space<hbm>> -> memref<1x160x125xi32, #tpu.memory_space<hbm>>
      %dma_wait3A_289 = tpu.memref_squeeze %dma_wait3A_288 : memref<1x160x125xi32, #tpu.memory_space<hbm>> -> memref<160x125xi32, #tpu.memory_space<hbm>>
      tpu.wait_dma2 semaphore(%run_scoped3A : memref<!tpu.dma_semaphore, #tpu.memory_space<semaphore_mem>>) src(%dma_wait3A_289 : memref<160x125xi32, #tpu.memory_space<hbm>>) dst(%arg7 : memref<160x125xi32, #tpu.memory_space<vmem>>)
      tpu.yield
    }) : () -> ()
    %mul3A = arith.constant 64 : i32
    %mul3A_0 = arith.muli %arg0, %mul3A : i32
    %dma_start3A = arith.constant 0 : i32
    %dma_start3A_1 = arith.constant 0 : i32
    %dma_start3A_2 = tpu.memref_slice %arg7[%dma_start3A, %dma_start3A_1] : memref<160x125xi32, #tpu.memory_space<vmem>> -> memref<1x125xi32, #tpu.memory_space<vmem>>
    %dma_start3A_3 = tpu.memref_squeeze %dma_start3A_2 : memref<1x125xi32, #tpu.memory_space<vmem>> -> memref<125xi32, #tpu.memory_space<vmem>>
    %dma_start3A_4 = arith.constant 0 : i32
    %dma_start3A_5 = arith.constant 0 : i32
    %dma_start3A_6 = tpu.memref_slice %arg2[%arg0, %dma_start3A_4, %dma_start3A_5] : memref<2x10000x64xf32, #tpu.memory_space<hbm>> -> memref<1x10000x64xf32, #tpu.memory_space<hbm>>
    %dma_start3A_7 = tpu.memref_squeeze %dma_start3A_6 : memref<1x10000x64xf32, #tpu.memory_space<hbm>> -> memref<10000x64xf32, #tpu.memory_space<hbm>>
    %dma_start3A_8 = arith.constant 0 : i32
    %dma_start3A_9 = arith.constant 0 : i32
    %dma_start3A_10 = tpu.memref_slice %dma_start3A_7[%dma_start3A_8, %dma_start3A_9] : memref<10000x64xf32, #tpu.memory_space<hbm>> -> memref<10000x64xf32, #tpu.memory_space<hbm>>
    tpu.enqueue_indirect_dma source(%dma_start3A_10 : memref<10000x64xf32, #tpu.memory_space<hbm>>) target(%arg9 : memref<125x64xf32, #tpu.memory_space<vmem>>) offsets(%dma_start3A_3 : memref<125xi32, #tpu.memory_space<vmem>>) semaphore(%arg18 : memref<!tpu.dma_semaphore, #tpu.memory_space<semaphore_mem>>)
    %dma_start3A_11 = arith.constant 0 : i32
    %dma_start3A_12 = arith.constant 0 : i32
    %dma_start3A_13 = arith.constant 0 : i32
    %dma_start3A_14 = tpu.memref_slice %arg8[%dma_start3A_12, %dma_start3A_13] : memref<8x125xi32, #tpu.memory_space<vmem>> -> memref<1x125xi32, #tpu.memory_space<vmem>>
    %dma_start3A_15 = tpu.memref_squeeze %dma_start3A_14 : memref<1x125xi32, #tpu.memory_space<vmem>> -> memref<125xi32, #tpu.memory_space<vmem>>
    %dma_start3A_16 = arith.constant 0 : i32
    %dma_start3A_17 = tpu.memref_slice %arg4[%arg1, %dma_start3A_11, %dma_start3A_16] : memref<16x160x125xi32, #tpu.memory_space<hbm>> -> memref<1x1x125xi32, #tpu.memory_space<hbm>>
    %dma_start3A_18 = tpu.memref_squeeze %dma_start3A_17 : memref<1x1x125xi32, #tpu.memory_space<hbm>> -> memref<125xi32, #tpu.memory_space<hbm>>
    %dma_start3A_19 = arith.constant 0 : i32
    %dma_start3A_20 = tpu.memref_slice %arg8[%dma_start3A_12, %dma_start3A_19] : memref<8x125xi32, #tpu.memory_space<vmem>> -> memref<1x125xi32, #tpu.memory_space<vmem>>
    %dma_start3A_21 = tpu.memref_squeeze %dma_start3A_20 : memref<1x125xi32, #tpu.memory_space<vmem>> -> memref<125xi32, #tpu.memory_space<vmem>>
    %dma_start3A_22 = arith.constant 0 : i32
    %dma_start3A_23 = tpu.memref_slice %arg4[%arg1, %dma_start3A_11, %dma_start3A_22] : memref<16x160x125xi32, #tpu.memory_space<hbm>> -> memref<1x1x125xi32, #tpu.memory_space<hbm>>
    %dma_start3A_24 = tpu.memref_squeeze %dma_start3A_23 : memref<1x1x125xi32, #tpu.memory_space<hbm>> -> memref<125xi32, #tpu.memory_space<hbm>>
    tpu.enqueue_dma source(%dma_start3A_24 : memref<125xi32, #tpu.memory_space<hbm>>) target(%dma_start3A_21 : memref<125xi32, #tpu.memory_space<vmem>>) target_semaphore(%arg26 : memref<!tpu.dma_semaphore, #tpu.memory_space<semaphore_mem>>)
    %dma_start3A_25 = arith.constant 1 : i32
    %dma_start3A_26 = arith.constant 0 : i32
    %dma_start3A_27 = tpu.memref_slice %arg7[%dma_start3A_25, %dma_start3A_26] : memref<160x125xi32, #tpu.memory_space<vmem>> -> memref<1x125xi32, #tpu.memory_space<vmem>>
    %dma_start3A_28 = tpu.memref_squeeze %dma_start3A_27 : memref<1x125xi32, #tpu.memory_space<vmem>> -> memref<125xi32, #tpu.memory_space<vmem>>
    %dma_start3A_29 = arith.constant 0 : i32
    %dma_start3A_30 = arith.constant 0 : i32
    %dma_start3A_31 = tpu.memref_slice %arg2[%arg0, %dma_start3A_29, %dma_start3A_30] : memref<2x10000x64xf32, #tpu.memory_space<hbm>> -> memref<1x10000x64xf32, #tpu.memory_space<hbm>>
    %dma_start3A_32 = tpu.memref_squeeze %dma_start3A_31 : memref<1x10000x64xf32, #tpu.memory_space<hbm>> -> memref<10000x64xf32, #tpu.memory_space<hbm>>
    %dma_start3A_33 = arith.constant 0 : i32
    %dma_start3A_34 = arith.constant 0 : i32
    %dma_start3A_35 = tpu.memref_slice %dma_start3A_32[%dma_start3A_33, %dma_start3A_34] : memref<10000x64xf32, #tpu.memory_space<hbm>> -> memref<10000x64xf32, #tpu.memory_space<hbm>>
    tpu.enqueue_indirect_dma source(%dma_start3A_35 : memref<10000x64xf32, #tpu.memory_space<hbm>>) target(%arg10 : memref<125x64xf32, #tpu.memory_space<vmem>>) offsets(%dma_start3A_28 : memref<125xi32, #tpu.memory_space<vmem>>) semaphore(%arg19 : memref<!tpu.dma_semaphore, #tpu.memory_space<semaphore_mem>>)
    %dma_start3A_36 = arith.constant 1 : i32
    %dma_start3A_37 = arith.constant 1 : i32
    %dma_start3A_38 = arith.constant 0 : i32
    %dma_start3A_39 = tpu.memref_slice %arg8[%dma_start3A_37, %dma_start3A_38] : memref<8x125xi32, #tpu.memory_space<vmem>> -> memref<1x125xi32, #tpu.memory_space<vmem>>
    %dma_start3A_40 = tpu.memref_squeeze %dma_start3A_39 : memref<1x125xi32, #tpu.memory_space<vmem>> -> memref<125xi32, #tpu.memory_space<vmem>>
    %dma_start3A_41 = arith.constant 0 : i32
    %dma_start3A_42 = tpu.memref_slice %arg4[%arg1, %dma_start3A_36, %dma_start3A_41] : memref<16x160x125xi32, #tpu.memory_space<hbm>> -> memref<1x1x125xi32, #tpu.memory_space<hbm>>
    %dma_start3A_43 = tpu.memref_squeeze %dma_start3A_42 : memref<1x1x125xi32, #tpu.memory_space<hbm>> -> memref<125xi32, #tpu.memory_space<hbm>>
    %dma_start3A_44 = arith.constant 0 : i32
    %dma_start3A_45 = tpu.memref_slice %arg8[%dma_start3A_37, %dma_start3A_44] : memref<8x125xi32, #tpu.memory_space<vmem>> -> memref<1x125xi32, #tpu.memory_space<vmem>>
    %dma_start3A_46 = tpu.memref_squeeze %dma_start3A_45 : memref<1x125xi32, #tpu.memory_space<vmem>> -> memref<125xi32, #tpu.memory_space<vmem>>
    %dma_start3A_47 = arith.constant 0 : i32
    %dma_start3A_48 = tpu.memref_slice %arg4[%arg1, %dma_start3A_36, %dma_start3A_47] : memref<16x160x125xi32, #tpu.memory_space<hbm>> -> memref<1x1x125xi32, #tpu.memory_space<hbm>>
    %dma_start3A_49 = tpu.memref_squeeze %dma_start3A_48 : memref<1x1x125xi32, #tpu.memory_space<hbm>> -> memref<125xi32, #tpu.memory_space<hbm>>
    tpu.enqueue_dma source(%dma_start3A_49 : memref<125xi32, #tpu.memory_space<hbm>>) target(%dma_start3A_46 : memref<125xi32, #tpu.memory_space<vmem>>) target_semaphore(%arg27 : memref<!tpu.dma_semaphore, #tpu.memory_space<semaphore_mem>>)
    %dma_start3A_50 = arith.constant 2 : i32
    %dma_start3A_51 = arith.constant 0 : i32
    %dma_start3A_52 = tpu.memref_slice %arg7[%dma_start3A_50, %dma_start3A_51] : memref<160x125xi32, #tpu.memory_space<vmem>> -> memref<1x125xi32, #tpu.memory_space<vmem>>
    %dma_start3A_53 = tpu.memref_squeeze %dma_start3A_52 : memref<1x125xi32, #tpu.memory_space<vmem>> -> memref<125xi32, #tpu.memory_space<vmem>>
    %dma_start3A_54 = arith.constant 0 : i32
    %dma_start3A_55 = arith.constant 0 : i32
    %dma_start3A_56 = tpu.memref_slice %arg2[%arg0, %dma_start3A_54, %dma_start3A_55] : memref<2x10000x64xf32, #tpu.memory_space<hbm>> -> memref<1x10000x64xf32, #tpu.memory_space<hbm>>
    %dma_start3A_57 = tpu.memref_squeeze %dma_start3A_56 : memref<1x10000x64xf32, #tpu.memory_space<hbm>> -> memref<10000x64xf32, #tpu.memory_space<hbm>>
    %dma_start3A_58 = arith.constant 0 : i32
    %dma_start3A_59 = arith.constant 0 : i32
    %dma_start3A_60 = tpu.memref_slice %dma_start3A_57[%dma_start3A_58, %dma_start3A_59] : memref<10000x64xf32, #tpu.memory_space<hbm>> -> memref<10000x64xf32, #tpu.memory_space<hbm>>
    tpu.enqueue_indirect_dma source(%dma_start3A_60 : memref<10000x64xf32, #tpu.memory_space<hbm>>) target(%arg11 : memref<125x64xf32, #tpu.memory_space<vmem>>) offsets(%dma_start3A_53 : memref<125xi32, #tpu.memory_space<vmem>>) semaphore(%arg20 : memref<!tpu.dma_semaphore, #tpu.memory_space<semaphore_mem>>)
    %dma_start3A_61 = arith.constant 2 : i32
    %dma_start3A_62 = arith.constant 2 : i32
    %dma_start3A_63 = arith.constant 0 : i32
    %dma_start3A_64 = tpu.memref_slice %arg8[%dma_start3A_62, %dma_start3A_63] : memref<8x125xi32, #tpu.memory_space<vmem>> -> memref<1x125xi32, #tpu.memory_space<vmem>>
    %dma_start3A_65 = tpu.memref_squeeze %dma_start3A_64 : memref<1x125xi32, #tpu.memory_space<vmem>> -> memref<125xi32, #tpu.memory_space<vmem>>
    %dma_start3A_66 = arith.constant 0 : i32
    %dma_start3A_67 = tpu.memref_slice %arg4[%arg1, %dma_start3A_61, %dma_start3A_66] : memref<16x160x125xi32, #tpu.memory_space<hbm>> -> memref<1x1x125xi32, #tpu.memory_space<hbm>>
    %dma_start3A_68 = tpu.memref_squeeze %dma_start3A_67 : memref<1x1x125xi32, #tpu.memory_space<hbm>> -> memref<125xi32, #tpu.memory_space<hbm>>
    %dma_start3A_69 = arith.constant 0 : i32
    %dma_start3A_70 = tpu.memref_slice %arg8[%dma_start3A_62, %dma_start3A_69] : memref<8x125xi32, #tpu.memory_space<vmem>> -> memref<1x125xi32, #tpu.memory_space<vmem>>
    %dma_start3A_71 = tpu.memref_squeeze %dma_start3A_70 : memref<1x125xi32, #tpu.memory_space<vmem>> -> memref<125xi32, #tpu.memory_space<vmem>>
    %dma_start3A_72 = arith.constant 0 : i32
    %dma_start3A_73 = tpu.memref_slice %arg4[%arg1, %dma_start3A_61, %dma_start3A_72] : memref<16x160x125xi32, #tpu.memory_space<hbm>> -> memref<1x1x125xi32, #tpu.memory_space<hbm>>
    %dma_start3A_74 = tpu.memref_squeeze %dma_start3A_73 : memref<1x1x125xi32, #tpu.memory_space<hbm>> -> memref<125xi32, #tpu.memory_space<hbm>>
    tpu.enqueue_dma source(%dma_start3A_74 : memref<125xi32, #tpu.memory_space<hbm>>) target(%dma_start3A_71 : memref<125xi32, #tpu.memory_space<vmem>>) target_semaphore(%arg28 : memref<!tpu.dma_semaphore, #tpu.memory_space<semaphore_mem>>)
    %dma_start3A_75 = arith.constant 3 : i32
    %dma_start3A_76 = arith.constant 0 : i32
    %dma_start3A_77 = tpu.memref_slice %arg7[%dma_start3A_75, %dma_start3A_76] : memref<160x125xi32, #tpu.memory_space<vmem>> -> memref<1x125xi32, #tpu.memory_space<vmem>>
    %dma_start3A_78 = tpu.memref_squeeze %dma_start3A_77 : memref<1x125xi32, #tpu.memory_space<vmem>> -> memref<125xi32, #tpu.memory_space<vmem>>
    %dma_start3A_79 = arith.constant 0 : i32
    %dma_start3A_80 = arith.constant 0 : i32
    %dma_start3A_81 = tpu.memref_slice %arg2[%arg0, %dma_start3A_79, %dma_start3A_80] : memref<2x10000x64xf32, #tpu.memory_space<hbm>> -> memref<1x10000x64xf32, #tpu.memory_space<hbm>>
    %dma_start3A_82 = tpu.memref_squeeze %dma_start3A_81 : memref<1x10000x64xf32, #tpu.memory_space<hbm>> -> memref<10000x64xf32, #tpu.memory_space<hbm>>
    %dma_start3A_83 = arith.constant 0 : i32
    %dma_start3A_84 = arith.constant 0 : i32
    %dma_start3A_85 = tpu.memref_slice %dma_start3A_82[%dma_start3A_83, %dma_start3A_84] : memref<10000x64xf32, #tpu.memory_space<hbm>> -> memref<10000x64xf32, #tpu.memory_space<hbm>>
    tpu.enqueue_indirect_dma source(%dma_start3A_85 : memref<10000x64xf32, #tpu.memory_space<hbm>>) target(%arg12 : memref<125x64xf32, #tpu.memory_space<vmem>>) offsets(%dma_start3A_78 : memref<125xi32, #tpu.memory_space<vmem>>) semaphore(%arg21 : memref<!tpu.dma_semaphore, #tpu.memory_space<semaphore_mem>>)
    %dma_start3A_86 = arith.constant 3 : i32
    %dma_start3A_87 = arith.constant 3 : i32
    %dma_start3A_88 = arith.constant 0 : i32
    %dma_start3A_89 = tpu.memref_slice %arg8[%dma_start3A_87, %dma_start3A_88] : memref<8x125xi32, #tpu.memory_space<vmem>> -> memref<1x125xi32, #tpu.memory_space<vmem>>
    %dma_start3A_90 = tpu.memref_squeeze %dma_start3A_89 : memref<1x125xi32, #tpu.memory_space<vmem>> -> memref<125xi32, #tpu.memory_space<vmem>>
    %dma_start3A_91 = arith.constant 0 : i32
    %dma_start3A_92 = tpu.memref_slice %arg4[%arg1, %dma_start3A_86, %dma_start3A_91] : memref<16x160x125xi32, #tpu.memory_space<hbm>> -> memref<1x1x125xi32, #tpu.memory_space<hbm>>
    %dma_start3A_93 = tpu.memref_squeeze %dma_start3A_92 : memref<1x1x125xi32, #tpu.memory_space<hbm>> -> memref<125xi32, #tpu.memory_space<hbm>>
    %dma_start3A_94 = arith.constant 0 : i32
    %dma_start3A_95 = tpu.memref_slice %arg8[%dma_start3A_87, %dma_start3A_94] : memref<8x125xi32, #tpu.memory_space<vmem>> -> memref<1x125xi32, #tpu.memory_space<vmem>>
    %dma_start3A_96 = tpu.memref_squeeze %dma_start3A_95 : memref<1x125xi32, #tpu.memory_space<vmem>> -> memref<125xi32, #tpu.memory_space<vmem>>
    %dma_start3A_97 = arith.constant 0 : i32
    %dma_start3A_98 = tpu.memref_slice %arg4[%arg1, %dma_start3A_86, %dma_start3A_97] : memref<16x160x125xi32, #tpu.memory_space<hbm>> -> memref<1x1x125xi32, #tpu.memory_space<hbm>>
    %dma_start3A_99 = tpu.memref_squeeze %dma_start3A_98 : memref<1x1x125xi32, #tpu.memory_space<hbm>> -> memref<125xi32, #tpu.memory_space<hbm>>
    tpu.enqueue_dma source(%dma_start3A_99 : memref<125xi32, #tpu.memory_space<hbm>>) target(%dma_start3A_96 : memref<125xi32, #tpu.memory_space<vmem>>) target_semaphore(%arg29 : memref<!tpu.dma_semaphore, #tpu.memory_space<semaphore_mem>>)
    %dma_start3A_100 = arith.constant 4 : i32
    %dma_start3A_101 = arith.constant 0 : i32
    %dma_start3A_102 = tpu.memref_slice %arg7[%dma_start3A_100, %dma_start3A_101] : memref<160x125xi32, #tpu.memory_space<vmem>> -> memref<1x125xi32, #tpu.memory_space<vmem>>
    %dma_start3A_103 = tpu.memref_squeeze %dma_start3A_102 : memref<1x125xi32, #tpu.memory_space<vmem>> -> memref<125xi32, #tpu.memory_space<vmem>>
    %dma_start3A_104 = arith.constant 0 : i32
    %dma_start3A_105 = arith.constant 0 : i32
    %dma_start3A_106 = tpu.memref_slice %arg2[%arg0, %dma_start3A_104, %dma_start3A_105] : memref<2x10000x64xf32, #tpu.memory_space<hbm>> -> memref<1x10000x64xf32, #tpu.memory_space<hbm>>
    %dma_start3A_107 = tpu.memref_squeeze %dma_start3A_106 : memref<1x10000x64xf32, #tpu.memory_space<hbm>> -> memref<10000x64xf32, #tpu.memory_space<hbm>>
    %dma_start3A_108 = arith.constant 0 : i32
    %dma_start3A_109 = arith.constant 0 : i32
    %dma_start3A_110 = tpu.memref_slice %dma_start3A_107[%dma_start3A_108, %dma_start3A_109] : memref<10000x64xf32, #tpu.memory_space<hbm>> -> memref<10000x64xf32, #tpu.memory_space<hbm>>
    tpu.enqueue_indirect_dma source(%dma_start3A_110 : memref<10000x64xf32, #tpu.memory_space<hbm>>) target(%arg13 : memref<125x64xf32, #tpu.memory_space<vmem>>) offsets(%dma_start3A_103 : memref<125xi32, #tpu.memory_space<vmem>>) semaphore(%arg22 : memref<!tpu.dma_semaphore, #tpu.memory_space<semaphore_mem>>)
    %dma_start3A_111 = arith.constant 4 : i32
    %dma_start3A_112 = arith.constant 4 : i32
    %dma_start3A_113 = arith.constant 0 : i32
    %dma_start3A_114 = tpu.memref_slice %arg8[%dma_start3A_112, %dma_start3A_113] : memref<8x125xi32, #tpu.memory_space<vmem>> -> memref<1x125xi32, #tpu.memory_space<vmem>>
    %dma_start3A_115 = tpu.memref_squeeze %dma_start3A_114 : memref<1x125xi32, #tpu.memory_space<vmem>> -> memref<125xi32, #tpu.memory_space<vmem>>
    %dma_start3A_116 = arith.constant 0 : i32
    %dma_start3A_117 = tpu.memref_slice %arg4[%arg1, %dma_start3A_111, %dma_start3A_116] : memref<16x160x125xi32, #tpu.memory_space<hbm>> -> memref<1x1x125xi32, #tpu.memory_space<hbm>>
    %dma_start3A_118 = tpu.memref_squeeze %dma_start3A_117 : memref<1x1x125xi32, #tpu.memory_space<hbm>> -> memref<125xi32, #tpu.memory_space<hbm>>
    %dma_start3A_119 = arith.constant 0 : i32
    %dma_start3A_120 = tpu.memref_slice %arg8[%dma_start3A_112, %dma_start3A_119] : memref<8x125xi32, #tpu.memory_space<vmem>> -> memref<1x125xi32, #tpu.memory_space<vmem>>
    %dma_start3A_121 = tpu.memref_squeeze %dma_start3A_120 : memref<1x125xi32, #tpu.memory_space<vmem>> -> memref<125xi32, #tpu.memory_space<vmem>>
    %dma_start3A_122 = arith.constant 0 : i32
    %dma_start3A_123 = tpu.memref_slice %arg4[%arg1, %dma_start3A_111, %dma_start3A_122] : memref<16x160x125xi32, #tpu.memory_space<hbm>> -> memref<1x1x125xi32, #tpu.memory_space<hbm>>
    %dma_start3A_124 = tpu.memref_squeeze %dma_start3A_123 : memref<1x1x125xi32, #tpu.memory_space<hbm>> -> memref<125xi32, #tpu.memory_space<hbm>>
    tpu.enqueue_dma source(%dma_start3A_124 : memref<125xi32, #tpu.memory_space<hbm>>) target(%dma_start3A_121 : memref<125xi32, #tpu.memory_space<vmem>>) target_semaphore(%arg30 : memref<!tpu.dma_semaphore, #tpu.memory_space<semaphore_mem>>)
    %dma_start3A_125 = arith.constant 5 : i32
    %dma_start3A_126 = arith.constant 0 : i32
    %dma_start3A_127 = tpu.memref_slice %arg7[%dma_start3A_125, %dma_start3A_126] : memref<160x125xi32, #tpu.memory_space<vmem>> -> memref<1x125xi32, #tpu.memory_space<vmem>>
    %dma_start3A_128 = tpu.memref_squeeze %dma_start3A_127 : memref<1x125xi32, #tpu.memory_space<vmem>> -> memref<125xi32, #tpu.memory_space<vmem>>
    %dma_start3A_129 = arith.constant 0 : i32
    %dma_start3A_130 = arith.constant 0 : i32
    %dma_start3A_131 = tpu.memref_slice %arg2[%arg0, %dma_start3A_129, %dma_start3A_130] : memref<2x10000x64xf32, #tpu.memory_space<hbm>> -> memref<1x10000x64xf32, #tpu.memory_space<hbm>>
    %dma_start3A_132 = tpu.memref_squeeze %dma_start3A_131 : memref<1x10000x64xf32, #tpu.memory_space<hbm>> -> memref<10000x64xf32, #tpu.memory_space<hbm>>
    %dma_start3A_133 = arith.constant 0 : i32
    %dma_start3A_134 = arith.constant 0 : i32
    %dma_start3A_135 = tpu.memref_slice %dma_start3A_132[%dma_start3A_133, %dma_start3A_134] : memref<10000x64xf32, #tpu.memory_space<hbm>> -> memref<10000x64xf32, #tpu.memory_space<hbm>>
    tpu.enqueue_indirect_dma source(%dma_start3A_135 : memref<10000x64xf32, #tpu.memory_space<hbm>>) target(%arg14 : memref<125x64xf32, #tpu.memory_space<vmem>>) offsets(%dma_start3A_128 : memref<125xi32, #tpu.memory_space<vmem>>) semaphore(%arg23 : memref<!tpu.dma_semaphore, #tpu.memory_space<semaphore_mem>>)
    %dma_start3A_136 = arith.constant 5 : i32
    %dma_start3A_137 = arith.constant 5 : i32
    %dma_start3A_138 = arith.constant 0 : i32
    %dma_start3A_139 = tpu.memref_slice %arg8[%dma_start3A_137, %dma_start3A_138] : memref<8x125xi32, #tpu.memory_space<vmem>> -> memref<1x125xi32, #tpu.memory_space<vmem>>
    %dma_start3A_140 = tpu.memref_squeeze %dma_start3A_139 : memref<1x125xi32, #tpu.memory_space<vmem>> -> memref<125xi32, #tpu.memory_space<vmem>>
    %dma_start3A_141 = arith.constant 0 : i32
    %dma_start3A_142 = tpu.memref_slice %arg4[%arg1, %dma_start3A_136, %dma_start3A_141] : memref<16x160x125xi32, #tpu.memory_space<hbm>> -> memref<1x1x125xi32, #tpu.memory_space<hbm>>
    %dma_start3A_143 = tpu.memref_squeeze %dma_start3A_142 : memref<1x1x125xi32, #tpu.memory_space<hbm>> -> memref<125xi32, #tpu.memory_space<hbm>>
    %dma_start3A_144 = arith.constant 0 : i32
    %dma_start3A_145 = tpu.memref_slice %arg8[%dma_start3A_137, %dma_start3A_144] : memref<8x125xi32, #tpu.memory_space<vmem>> -> memref<1x125xi32, #tpu.memory_space<vmem>>
    %dma_start3A_146 = tpu.memref_squeeze %dma_start3A_145 : memref<1x125xi32, #tpu.memory_space<vmem>> -> memref<125xi32, #tpu.memory_space<vmem>>
    %dma_start3A_147 = arith.constant 0 : i32
    %dma_start3A_148 = tpu.memref_slice %arg4[%arg1, %dma_start3A_136, %dma_start3A_147] : memref<16x160x125xi32, #tpu.memory_space<hbm>> -> memref<1x1x125xi32, #tpu.memory_space<hbm>>
    %dma_start3A_149 = tpu.memref_squeeze %dma_start3A_148 : memref<1x1x125xi32, #tpu.memory_space<hbm>> -> memref<125xi32, #tpu.memory_space<hbm>>
    tpu.enqueue_dma source(%dma_start3A_149 : memref<125xi32, #tpu.memory_space<hbm>>) target(%dma_start3A_146 : memref<125xi32, #tpu.memory_space<vmem>>) target_semaphore(%arg31 : memref<!tpu.dma_semaphore, #tpu.memory_space<semaphore_mem>>)
    %dma_start3A_150 = arith.constant 6 : i32
    %dma_start3A_151 = arith.constant 0 : i32
    %dma_start3A_152 = tpu.memref_slice %arg7[%dma_start3A_150, %dma_start3A_151] : memref<160x125xi32, #tpu.memory_space<vmem>> -> memref<1x125xi32, #tpu.memory_space<vmem>>
    %dma_start3A_153 = tpu.memref_squeeze %dma_start3A_152 : memref<1x125xi32, #tpu.memory_space<vmem>> -> memref<125xi32, #tpu.memory_space<vmem>>
    %dma_start3A_154 = arith.constant 0 : i32
    %dma_start3A_155 = arith.constant 0 : i32
    %dma_start3A_156 = tpu.memref_slice %arg2[%arg0, %dma_start3A_154, %dma_start3A_155] : memref<2x10000x64xf32, #tpu.memory_space<hbm>> -> memref<1x10000x64xf32, #tpu.memory_space<hbm>>
    %dma_start3A_157 = tpu.memref_squeeze %dma_start3A_156 : memref<1x10000x64xf32, #tpu.memory_space<hbm>> -> memref<10000x64xf32, #tpu.memory_space<hbm>>
    %dma_start3A_158 = arith.constant 0 : i32
    %dma_start3A_159 = arith.constant 0 : i32
    %dma_start3A_160 = tpu.memref_slice %dma_start3A_157[%dma_start3A_158, %dma_start3A_159] : memref<10000x64xf32, #tpu.memory_space<hbm>> -> memref<10000x64xf32, #tpu.memory_space<hbm>>
    tpu.enqueue_indirect_dma source(%dma_start3A_160 : memref<10000x64xf32, #tpu.memory_space<hbm>>) target(%arg15 : memref<125x64xf32, #tpu.memory_space<vmem>>) offsets(%dma_start3A_153 : memref<125xi32, #tpu.memory_space<vmem>>) semaphore(%arg24 : memref<!tpu.dma_semaphore, #tpu.memory_space<semaphore_mem>>)
    %dma_start3A_161 = arith.constant 6 : i32
    %dma_start3A_162 = arith.constant 6 : i32
    %dma_start3A_163 = arith.constant 0 : i32
    %dma_start3A_164 = tpu.memref_slice %arg8[%dma_start3A_162, %dma_start3A_163] : memref<8x125xi32, #tpu.memory_space<vmem>> -> memref<1x125xi32, #tpu.memory_space<vmem>>
    %dma_start3A_165 = tpu.memref_squeeze %dma_start3A_164 : memref<1x125xi32, #tpu.memory_space<vmem>> -> memref<125xi32, #tpu.memory_space<vmem>>
    %dma_start3A_166 = arith.constant 0 : i32
    %dma_start3A_167 = tpu.memref_slice %arg4[%arg1, %dma_start3A_161, %dma_start3A_166] : memref<16x160x125xi32, #tpu.memory_space<hbm>> -> memref<1x1x125xi32, #tpu.memory_space<hbm>>
    %dma_start3A_168 = tpu.memref_squeeze %dma_start3A_167 : memref<1x1x125xi32, #tpu.memory_space<hbm>> -> memref<125xi32, #tpu.memory_space<hbm>>
    %dma_start3A_169 = arith.constant 0 : i32
    %dma_start3A_170 = tpu.memref_slice %arg8[%dma_start3A_162, %dma_start3A_169] : memref<8x125xi32, #tpu.memory_space<vmem>> -> memref<1x125xi32, #tpu.memory_space<vmem>>
    %dma_start3A_171 = tpu.memref_squeeze %dma_start3A_170 : memref<1x125xi32, #tpu.memory_space<vmem>> -> memref<125xi32, #tpu.memory_space<vmem>>
    %dma_start3A_172 = arith.constant 0 : i32
    %dma_start3A_173 = tpu.memref_slice %arg4[%arg1, %dma_start3A_161, %dma_start3A_172] : memref<16x160x125xi32, #tpu.memory_space<hbm>> -> memref<1x1x125xi32, #tpu.memory_space<hbm>>
    %dma_start3A_174 = tpu.memref_squeeze %dma_start3A_173 : memref<1x1x125xi32, #tpu.memory_space<hbm>> -> memref<125xi32, #tpu.memory_space<hbm>>
    tpu.enqueue_dma source(%dma_start3A_174 : memref<125xi32, #tpu.memory_space<hbm>>) target(%dma_start3A_171 : memref<125xi32, #tpu.memory_space<vmem>>) target_semaphore(%arg32 : memref<!tpu.dma_semaphore, #tpu.memory_space<semaphore_mem>>)
    %dma_start3A_175 = arith.constant 7 : i32
    %dma_start3A_176 = arith.constant 0 : i32
    %dma_start3A_177 = tpu.memref_slice %arg7[%dma_start3A_175, %dma_start3A_176] : memref<160x125xi32, #tpu.memory_space<vmem>> -> memref<1x125xi32, #tpu.memory_space<vmem>>
    %dma_start3A_178 = tpu.memref_squeeze %dma_start3A_177 : memref<1x125xi32, #tpu.memory_space<vmem>> -> memref<125xi32, #tpu.memory_space<vmem>>
    %dma_start3A_179 = arith.constant 0 : i32
    %dma_start3A_180 = arith.constant 0 : i32
    %dma_start3A_181 = tpu.memref_slice %arg2[%arg0, %dma_start3A_179, %dma_start3A_180] : memref<2x10000x64xf32, #tpu.memory_space<hbm>> -> memref<1x10000x64xf32, #tpu.memory_space<hbm>>
    %dma_start3A_182 = tpu.memref_squeeze %dma_start3A_181 : memref<1x10000x64xf32, #tpu.memory_space<hbm>> -> memref<10000x64xf32, #tpu.memory_space<hbm>>
    %dma_start3A_183 = arith.constant 0 : i32
    %dma_start3A_184 = arith.constant 0 : i32
    %dma_start3A_185 = tpu.memref_slice %dma_start3A_182[%dma_start3A_183, %dma_start3A_184] : memref<10000x64xf32, #tpu.memory_space<hbm>> -> memref<10000x64xf32, #tpu.memory_space<hbm>>
    tpu.enqueue_indirect_dma source(%dma_start3A_185 : memref<10000x64xf32, #tpu.memory_space<hbm>>) target(%arg16 : memref<125x64xf32, #tpu.memory_space<vmem>>) offsets(%dma_start3A_178 : memref<125xi32, #tpu.memory_space<vmem>>) semaphore(%arg25 : memref<!tpu.dma_semaphore, #tpu.memory_space<semaphore_mem>>)
    %dma_start3A_186 = arith.constant 7 : i32
    %dma_start3A_187 = arith.constant 7 : i32
    %dma_start3A_188 = arith.constant 0 : i32
    %dma_start3A_189 = tpu.memref_slice %arg8[%dma_start3A_187, %dma_start3A_188] : memref<8x125xi32, #tpu.memory_space<vmem>> -> memref<1x125xi32, #tpu.memory_space<vmem>>
    %dma_start3A_190 = tpu.memref_squeeze %dma_start3A_189 : memref<1x125xi32, #tpu.memory_space<vmem>> -> memref<125xi32, #tpu.memory_space<vmem>>
    %dma_start3A_191 = arith.constant 0 : i32
    %dma_start3A_192 = tpu.memref_slice %arg4[%arg1, %dma_start3A_186, %dma_start3A_191] : memref<16x160x125xi32, #tpu.memory_space<hbm>> -> memref<1x1x125xi32, #tpu.memory_space<hbm>>
    %dma_start3A_193 = tpu.memref_squeeze %dma_start3A_192 : memref<1x1x125xi32, #tpu.memory_space<hbm>> -> memref<125xi32, #tpu.memory_space<hbm>>
    %dma_start3A_194 = arith.constant 0 : i32
    %dma_start3A_195 = tpu.memref_slice %arg8[%dma_start3A_187, %dma_start3A_194] : memref<8x125xi32, #tpu.memory_space<vmem>> -> memref<1x125xi32, #tpu.memory_space<vmem>>
    %dma_start3A_196 = tpu.memref_squeeze %dma_start3A_195 : memref<1x125xi32, #tpu.memory_space<vmem>> -> memref<125xi32, #tpu.memory_space<vmem>>
    %dma_start3A_197 = arith.constant 0 : i32
    %dma_start3A_198 = tpu.memref_slice %arg4[%arg1, %dma_start3A_186, %dma_start3A_197] : memref<16x160x125xi32, #tpu.memory_space<hbm>> -> memref<1x1x125xi32, #tpu.memory_space<hbm>>
    %dma_start3A_199 = tpu.memref_squeeze %dma_start3A_198 : memref<1x1x125xi32, #tpu.memory_space<hbm>> -> memref<125xi32, #tpu.memory_space<hbm>>
    tpu.enqueue_dma source(%dma_start3A_199 : memref<125xi32, #tpu.memory_space<hbm>>) target(%dma_start3A_196 : memref<125xi32, #tpu.memory_space<vmem>>) target_semaphore(%arg33 : memref<!tpu.dma_semaphore, #tpu.memory_space<semaphore_mem>>)
    %mul3A_200 = arith.constant 624 : i32
    %mul3A_201 = arith.muli %arg1, %mul3A_200 : i32
    "tpu.region"() ({
      %run_scoped3A = tpu.sem_alloc : memref<!tpu.dma_semaphore, #tpu.memory_space<semaphore_mem>>
      %dma_start3A_274 = arith.constant 0 : i32
      %dma_start3A_275 = tpu.memref_slice %arg17[%mul3A_201, %dma_start3A_274] : memref<10000x64xf32, #tpu.memory_space<vmem_shared>> -> memref<624x64xf32, #tpu.memory_space<vmem_shared>>
      %dma_start3A_276 = arith.constant 0 : i32
      %dma_start3A_277 = arith.constant 0 : i32
      %dma_start3A_278 = tpu.memref_slice %arg5[%dma_start3A_276, %dma_start3A_277] : memref<624x64xf32, #tpu.memory_space<hbm>> -> memref<624x64xf32, #tpu.memory_space<hbm>>
      tpu.enqueue_dma source(%dma_start3A_278 : memref<624x64xf32, #tpu.memory_space<hbm>>) target(%dma_start3A_275 : memref<624x64xf32, #tpu.memory_space<vmem_shared>>) target_semaphore(%run_scoped3A : memref<!tpu.dma_semaphore, #tpu.memory_space<semaphore_mem>>)
      %dma_wait3A_279 = arith.constant 0 : i32
      %dma_wait3A_280 = tpu.memref_slice %arg17[%mul3A_201, %dma_wait3A_279] : memref<10000x64xf32, #tpu.memory_space<vmem_shared>> -> memref<624x64xf32, #tpu.memory_space<vmem_shared>>
      %dma_wait3A_281 = arith.constant 0 : i32
      %dma_wait3A_282 = arith.constant 0 : i32
      %dma_wait3A_283 = tpu.memref_slice %arg5[%dma_wait3A_281, %dma_wait3A_282] : memref<624x64xf32, #tpu.memory_space<hbm>> -> memref<624x64xf32, #tpu.memory_space<hbm>>
      tpu.wait_dma2 semaphore(%run_scoped3A : memref<!tpu.dma_semaphore, #tpu.memory_space<semaphore_mem>>) src(%dma_wait3A_283 : memref<624x64xf32, #tpu.memory_space<hbm>>) dst(%dma_wait3A_280 : memref<624x64xf32, #tpu.memory_space<vmem_shared>>)
      tpu.yield
    }) : () -> ()
    %eq3A = arith.constant 15 : i32
    %eq3A_202 = arith.cmpi eq, %arg1, %eq3A : i32
    %convert_element_type3A = arith.extui %eq3A_202 : i1 to i32
    %cond3A = arith.constant 0 : i32
    %cond3A_203 = arith.cmpi ne, %convert_element_type3A, %cond3A : i32
    scf.if %cond3A_203 {
      "tpu.region"() ({
        %run_scoped3A = tpu.sem_alloc : memref<!tpu.dma_semaphore, #tpu.memory_space<semaphore_mem>>
        %dma_start3A_274 = arith.constant 9984 : i32
        %dma_start3A_275 = arith.constant 0 : i32
        %dma_start3A_276 = tpu.memref_slice %arg17[%dma_start3A_274, %dma_start3A_275] : memref<10000x64xf32, #tpu.memory_space<vmem_shared>> -> memref<16x64xf32, #tpu.memory_space<vmem_shared>>
        %dma_start3A_277 = arith.constant 0 : i32
        %dma_start3A_278 = arith.constant 0 : i32
        %dma_start3A_279 = tpu.memref_slice %arg5[%dma_start3A_277, %dma_start3A_278] : memref<624x64xf32, #tpu.memory_space<hbm>> -> memref<16x64xf32, #tpu.memory_space<hbm>>
        tpu.enqueue_dma source(%dma_start3A_279 : memref<16x64xf32, #tpu.memory_space<hbm>>) target(%dma_start3A_276 : memref<16x64xf32, #tpu.memory_space<vmem_shared>>) target_semaphore(%run_scoped3A : memref<!tpu.dma_semaphore, #tpu.memory_space<semaphore_mem>>)
        %dma_wait3A_280 = arith.constant 9984 : i32
        %dma_wait3A_281 = arith.constant 0 : i32
        %dma_wait3A_282 = tpu.memref_slice %arg17[%dma_wait3A_280, %dma_wait3A_281] : memref<10000x64xf32, #tpu.memory_space<vmem_shared>> -> memref<16x64xf32, #tpu.memory_space<vmem_shared>>
        %dma_wait3A_283 = arith.constant 0 : i32
        %dma_wait3A_284 = arith.constant 0 : i32
        %dma_wait3A_285 = tpu.memref_slice %arg5[%dma_wait3A_283, %dma_wait3A_284] : memref<624x64xf32, #tpu.memory_space<hbm>> -> memref<16x64xf32, #tpu.memory_space<hbm>>
        tpu.wait_dma2 semaphore(%run_scoped3A : memref<!tpu.dma_semaphore, #tpu.memory_space<semaphore_mem>>) src(%dma_wait3A_285 : memref<16x64xf32, #tpu.memory_space<hbm>>) dst(%dma_wait3A_282 : memref<16x64xf32, #tpu.memory_space<vmem_shared>>)
        tpu.yield
      }) : () -> ()
    } else {
    }
    %barrier3A = arith.constant 0 : index
    tpu.barrier barrier_id(%barrier3A)
    %scan3A = arith.constant 0 : i32
    %scan3A_204 = arith.constant 0 : i32
    %scan3A_205 = arith.constant 20 : i32
    %scan3A_206 = arith.addi %scan3A_204, %scan3A_205 : i32
    %scan3A_207 = arith.constant 1 : i32
    scf.for %scan3A_274 = %scan3A_204 to %scan3A_206 step %scan3A_207  : i32 {
      %mul3A_275 = arith.constant 8 : i32
      %mul3A_276 = arith.muli %scan3A_274, %mul3A_275 : i32
      %add3A = arith.constant 0 : i32
      %add3A_277 = arith.addi %mul3A_276, %add3A : i32
      %dma_wait3A_278 = arith.constant 0 : i32
      %dma_wait3A_279 = tpu.memref_slice %arg7[%add3A_277, %dma_wait3A_278] : memref<160x125xi32, #tpu.memory_space<vmem>> -> memref<1x125xi32, #tpu.memory_space<vmem>>
      %dma_wait3A_280 = tpu.memref_squeeze %dma_wait3A_279 : memref<1x125xi32, #tpu.memory_space<vmem>> -> memref<125xi32, #tpu.memory_space<vmem>>
      %dma_wait3A_281 = arith.constant 0 : i32
      %dma_wait3A_282 = arith.constant 0 : i32
      %dma_wait3A_283 = tpu.memref_slice %arg2[%arg0, %dma_wait3A_281, %dma_wait3A_282] : memref<2x10000x64xf32, #tpu.memory_space<hbm>> -> memref<1x10000x64xf32, #tpu.memory_space<hbm>>
      %dma_wait3A_284 = tpu.memref_squeeze %dma_wait3A_283 : memref<1x10000x64xf32, #tpu.memory_space<hbm>> -> memref<10000x64xf32, #tpu.memory_space<hbm>>
      %dma_wait3A_285 = arith.constant 0 : i32
      %dma_wait3A_286 = arith.constant 0 : i32
      %dma_wait3A_287 = tpu.memref_slice %dma_wait3A_284[%dma_wait3A_285, %dma_wait3A_286] : memref<10000x64xf32, #tpu.memory_space<hbm>> -> memref<10000x64xf32, #tpu.memory_space<hbm>>
      tpu.wait_indirect_dma semaphore(%arg18 : memref<!tpu.dma_semaphore, #tpu.memory_space<semaphore_mem>>) src(%dma_wait3A_287 : memref<10000x64xf32, #tpu.memory_space<hbm>>) dst(%arg9 : memref<125x64xf32, #tpu.memory_space<vmem>>)
      %dma_wait3A_288 = arith.constant 0 : i32
      %dma_wait3A_289 = arith.constant 0 : i32
      %dma_wait3A_290 = tpu.memref_slice %arg8[%dma_wait3A_288, %dma_wait3A_289] : memref<8x125xi32, #tpu.memory_space<vmem>> -> memref<1x125xi32, #tpu.memory_space<vmem>>
      %dma_wait3A_291 = tpu.memref_squeeze %dma_wait3A_290 : memref<1x125xi32, #tpu.memory_space<vmem>> -> memref<125xi32, #tpu.memory_space<vmem>>
      %dma_wait3A_292 = arith.constant 0 : i32
      %dma_wait3A_293 = tpu.memref_slice %arg4[%arg1, %add3A_277, %dma_wait3A_292] : memref<16x160x125xi32, #tpu.memory_space<hbm>> -> memref<1x1x125xi32, #tpu.memory_space<hbm>>
      %dma_wait3A_294 = tpu.memref_squeeze %dma_wait3A_293 : memref<1x1x125xi32, #tpu.memory_space<hbm>> -> memref<125xi32, #tpu.memory_space<hbm>>
      %dma_wait3A_295 = arith.constant 0 : i32
      %dma_wait3A_296 = tpu.memref_slice %arg8[%dma_wait3A_288, %dma_wait3A_295] : memref<8x125xi32, #tpu.memory_space<vmem>> -> memref<1x125xi32, #tpu.memory_space<vmem>>
      %dma_wait3A_297 = tpu.memref_squeeze %dma_wait3A_296 : memref<1x125xi32, #tpu.memory_space<vmem>> -> memref<125xi32, #tpu.memory_space<vmem>>
      %dma_wait3A_298 = arith.constant 0 : i32
      %dma_wait3A_299 = tpu.memref_slice %arg4[%arg1, %add3A_277, %dma_wait3A_298] : memref<16x160x125xi32, #tpu.memory_space<hbm>> -> memref<1x1x125xi32, #tpu.memory_space<hbm>>
      %dma_wait3A_300 = tpu.memref_squeeze %dma_wait3A_299 : memref<1x1x125xi32, #tpu.memory_space<hbm>> -> memref<125xi32, #tpu.memory_space<hbm>>
      tpu.wait_dma2 semaphore(%arg26 : memref<!tpu.dma_semaphore, #tpu.memory_space<semaphore_mem>>) src(%dma_wait3A_300 : memref<125xi32, #tpu.memory_space<hbm>>) dst(%dma_wait3A_297 : memref<125xi32, #tpu.memory_space<vmem>>)
      %dma_start3A_301 = arith.constant 0 : i32
      %dma_start3A_302 = arith.constant 0 : i32
      %dma_start3A_303 = tpu.memref_slice %arg8[%dma_start3A_301, %dma_start3A_302] : memref<8x125xi32, #tpu.memory_space<vmem>> -> memref<1x125xi32, #tpu.memory_space<vmem>>
      %dma_start3A_304 = tpu.memref_squeeze %dma_start3A_303 : memref<1x125xi32, #tpu.memory_space<vmem>> -> memref<125xi32, #tpu.memory_space<vmem>>
      %dma_start3A_305 = arith.constant 0 : i32
      %dma_start3A_306 = arith.constant 0 : i32
      %dma_start3A_307 = tpu.memref_slice %arg17[%dma_start3A_305, %dma_start3A_306] : memref<10000x64xf32, #tpu.memory_space<vmem_shared>> -> memref<10000x64xf32, #tpu.memory_space<vmem_shared>>
      tpu.enqueue_indirect_dma source(%arg9 : memref<125x64xf32, #tpu.memory_space<vmem>>) target(%dma_start3A_307 : memref<10000x64xf32, #tpu.memory_space<vmem_shared>>) offsets(%dma_start3A_304 : memref<125xi32, #tpu.memory_space<vmem>>) semaphore(%arg34 : memref<!tpu.dma_semaphore, #tpu.memory_space<semaphore_mem>>) {add = true}
      %add3A_308 = arith.constant 8 : i32
      %add3A_309 = arith.addi %add3A_277, %add3A_308 : i32
      %sub3A = arith.constant 2 : i32
      %sub3A_310 = arith.subi %add3A_309, %sub3A : i32
      %ge3A = arith.constant 8 : i32
      %ge3A_311 = arith.cmpi sge, %sub3A_310, %ge3A : i32
      %lt3A = arith.constant 160 : i32
      %lt3A_312 = arith.cmpi slt, %sub3A_310, %lt3A : i32
      %and3A = arith.andi %ge3A_311, %lt3A_312 : i1
      %convert_element_type3A_313 = arith.extui %and3A : i1 to i32
      %cond3A_314 = arith.constant 0 : i32
      %cond3A_315 = arith.cmpi ne, %convert_element_type3A_313, %cond3A_314 : i32
      scf.if %cond3A_315 {
        %dma_wait3A_638 = arith.constant 6 : i32
        %dma_wait3A_639 = arith.constant 0 : i32
        %dma_wait3A_640 = tpu.memref_slice %arg8[%dma_wait3A_638, %dma_wait3A_639] : memref<8x125xi32, #tpu.memory_space<vmem>> -> memref<1x125xi32, #tpu.memory_space<vmem>>
        %dma_wait3A_641 = tpu.memref_squeeze %dma_wait3A_640 : memref<1x125xi32, #tpu.memory_space<vmem>> -> memref<125xi32, #tpu.memory_space<vmem>>
        %dma_wait3A_642 = arith.constant 0 : i32
        %dma_wait3A_643 = arith.constant 0 : i32
        %dma_wait3A_644 = tpu.memref_slice %arg17[%dma_wait3A_642, %dma_wait3A_643] : memref<10000x64xf32, #tpu.memory_space<vmem_shared>> -> memref<10000x64xf32, #tpu.memory_space<vmem_shared>>
        tpu.wait_indirect_dma semaphore(%arg40 : memref<!tpu.dma_semaphore, #tpu.memory_space<semaphore_mem>>) src(%arg15 : memref<125x64xf32, #tpu.memory_space<vmem>>) dst(%dma_wait3A_644 : memref<10000x64xf32, #tpu.memory_space<vmem_shared>>)
        %dma_start3A_645 = arith.constant 0 : i32
        %dma_start3A_646 = tpu.memref_slice %arg7[%sub3A_310, %dma_start3A_645] : memref<160x125xi32, #tpu.memory_space<vmem>> -> memref<1x125xi32, #tpu.memory_space<vmem>>
        %dma_start3A_647 = tpu.memref_squeeze %dma_start3A_646 : memref<1x125xi32, #tpu.memory_space<vmem>> -> memref<125xi32, #tpu.memory_space<vmem>>
        %dma_start3A_648 = arith.constant 0 : i32
        %dma_start3A_649 = arith.constant 0 : i32
        %dma_start3A_650 = tpu.memref_slice %arg2[%arg0, %dma_start3A_648, %dma_start3A_649] : memref<2x10000x64xf32, #tpu.memory_space<hbm>> -> memref<1x10000x64xf32, #tpu.memory_space<hbm>>
        %dma_start3A_651 = tpu.memref_squeeze %dma_start3A_650 : memref<1x10000x64xf32, #tpu.memory_space<hbm>> -> memref<10000x64xf32, #tpu.memory_space<hbm>>
        %dma_start3A_652 = arith.constant 0 : i32
        %dma_start3A_653 = arith.constant 0 : i32
        %dma_start3A_654 = tpu.memref_slice %dma_start3A_651[%dma_start3A_652, %dma_start3A_653] : memref<10000x64xf32, #tpu.memory_space<hbm>> -> memref<10000x64xf32, #tpu.memory_space<hbm>>
        tpu.enqueue_indirect_dma source(%dma_start3A_654 : memref<10000x64xf32, #tpu.memory_space<hbm>>) target(%arg15 : memref<125x64xf32, #tpu.memory_space<vmem>>) offsets(%dma_start3A_647 : memref<125xi32, #tpu.memory_space<vmem>>) semaphore(%arg24 : memref<!tpu.dma_semaphore, #tpu.memory_space<semaphore_mem>>)
        %dma_start3A_655 = arith.constant 6 : i32
        %dma_start3A_656 = arith.constant 0 : i32
        %dma_start3A_657 = tpu.memref_slice %arg8[%dma_start3A_655, %dma_start3A_656] : memref<8x125xi32, #tpu.memory_space<vmem>> -> memref<1x125xi32, #tpu.memory_space<vmem>>
        %dma_start3A_658 = tpu.memref_squeeze %dma_start3A_657 : memref<1x125xi32, #tpu.memory_space<vmem>> -> memref<125xi32, #tpu.memory_space<vmem>>
        %dma_start3A_659 = arith.constant 0 : i32
        %dma_start3A_660 = tpu.memref_slice %arg4[%arg1, %sub3A_310, %dma_start3A_659] : memref<16x160x125xi32, #tpu.memory_space<hbm>> -> memref<1x1x125xi32, #tpu.memory_space<hbm>>
        %dma_start3A_661 = tpu.memref_squeeze %dma_start3A_660 : memref<1x1x125xi32, #tpu.memory_space<hbm>> -> memref<125xi32, #tpu.memory_space<hbm>>
        %dma_start3A_662 = arith.constant 0 : i32
        %dma_start3A_663 = tpu.memref_slice %arg8[%dma_start3A_655, %dma_start3A_662] : memref<8x125xi32, #tpu.memory_space<vmem>> -> memref<1x125xi32, #tpu.memory_space<vmem>>
        %dma_start3A_664 = tpu.memref_squeeze %dma_start3A_663 : memref<1x125xi32, #tpu.memory_space<vmem>> -> memref<125xi32, #tpu.memory_space<vmem>>
        %dma_start3A_665 = arith.constant 0 : i32
        %dma_start3A_666 = tpu.memref_slice %arg4[%arg1, %sub3A_310, %dma_start3A_665] : memref<16x160x125xi32, #tpu.memory_space<hbm>> -> memref<1x1x125xi32, #tpu.memory_space<hbm>>
        %dma_start3A_667 = tpu.memref_squeeze %dma_start3A_666 : memref<1x1x125xi32, #tpu.memory_space<hbm>> -> memref<125xi32, #tpu.memory_space<hbm>>
        tpu.enqueue_dma source(%dma_start3A_667 : memref<125xi32, #tpu.memory_space<hbm>>) target(%dma_start3A_664 : memref<125xi32, #tpu.memory_space<vmem>>) target_semaphore(%arg32 : memref<!tpu.dma_semaphore, #tpu.memory_space<semaphore_mem>>)
      } else {
      }
      %mul3A_316 = arith.constant 8 : i32
      %mul3A_317 = arith.muli %scan3A_274, %mul3A_316 : i32
      %add3A_318 = arith.constant 1 : i32
      %add3A_319 = arith.addi %mul3A_317, %add3A_318 : i32
      %dma_wait3A_320 = arith.constant 0 : i32
      %dma_wait3A_321 = tpu.memref_slice %arg7[%add3A_319, %dma_wait3A_320] : memref<160x125xi32, #tpu.memory_space<vmem>> -> memref<1x125xi32, #tpu.memory_space<vmem>>
      %dma_wait3A_322 = tpu.memref_squeeze %dma_wait3A_321 : memref<1x125xi32, #tpu.memory_space<vmem>> -> memref<125xi32, #tpu.memory_space<vmem>>
      %dma_wait3A_323 = arith.constant 0 : i32
      %dma_wait3A_324 = arith.constant 0 : i32
      %dma_wait3A_325 = tpu.memref_slice %arg2[%arg0, %dma_wait3A_323, %dma_wait3A_324] : memref<2x10000x64xf32, #tpu.memory_space<hbm>> -> memref<1x10000x64xf32, #tpu.memory_space<hbm>>
      %dma_wait3A_326 = tpu.memref_squeeze %dma_wait3A_325 : memref<1x10000x64xf32, #tpu.memory_space<hbm>> -> memref<10000x64xf32, #tpu.memory_space<hbm>>
      %dma_wait3A_327 = arith.constant 0 : i32
      %dma_wait3A_328 = arith.constant 0 : i32
      %dma_wait3A_329 = tpu.memref_slice %dma_wait3A_326[%dma_wait3A_327, %dma_wait3A_328] : memref<10000x64xf32, #tpu.memory_space<hbm>> -> memref<10000x64xf32, #tpu.memory_space<hbm>>
      tpu.wait_indirect_dma semaphore(%arg19 : memref<!tpu.dma_semaphore, #tpu.memory_space<semaphore_mem>>) src(%dma_wait3A_329 : memref<10000x64xf32, #tpu.memory_space<hbm>>) dst(%arg10 : memref<125x64xf32, #tpu.memory_space<vmem>>)
      %dma_wait3A_330 = arith.constant 1 : i32
      %dma_wait3A_331 = arith.constant 0 : i32
      %dma_wait3A_332 = tpu.memref_slice %arg8[%dma_wait3A_330, %dma_wait3A_331] : memref<8x125xi32, #tpu.memory_space<vmem>> -> memref<1x125xi32, #tpu.memory_space<vmem>>
      %dma_wait3A_333 = tpu.memref_squeeze %dma_wait3A_332 : memref<1x125xi32, #tpu.memory_space<vmem>> -> memref<125xi32, #tpu.memory_space<vmem>>
      %dma_wait3A_334 = arith.constant 0 : i32
      %dma_wait3A_335 = tpu.memref_slice %arg4[%arg1, %add3A_319, %dma_wait3A_334] : memref<16x160x125xi32, #tpu.memory_space<hbm>> -> memref<1x1x125xi32, #tpu.memory_space<hbm>>
      %dma_wait3A_336 = tpu.memref_squeeze %dma_wait3A_335 : memref<1x1x125xi32, #tpu.memory_space<hbm>> -> memref<125xi32, #tpu.memory_space<hbm>>
      %dma_wait3A_337 = arith.constant 0 : i32
      %dma_wait3A_338 = tpu.memref_slice %arg8[%dma_wait3A_330, %dma_wait3A_337] : memref<8x125xi32, #tpu.memory_space<vmem>> -> memref<1x125xi32, #tpu.memory_space<vmem>>
      %dma_wait3A_339 = tpu.memref_squeeze %dma_wait3A_338 : memref<1x125xi32, #tpu.memory_space<vmem>> -> memref<125xi32, #tpu.memory_space<vmem>>
      %dma_wait3A_340 = arith.constant 0 : i32
      %dma_wait3A_341 = tpu.memref_slice %arg4[%arg1, %add3A_319, %dma_wait3A_340] : memref<16x160x125xi32, #tpu.memory_space<hbm>> -> memref<1x1x125xi32, #tpu.memory_space<hbm>>
      %dma_wait3A_342 = tpu.memref_squeeze %dma_wait3A_341 : memref<1x1x125xi32, #tpu.memory_space<hbm>> -> memref<125xi32, #tpu.memory_space<hbm>>
      tpu.wait_dma2 semaphore(%arg27 : memref<!tpu.dma_semaphore, #tpu.memory_space<semaphore_mem>>) src(%dma_wait3A_342 : memref<125xi32, #tpu.memory_space<hbm>>) dst(%dma_wait3A_339 : memref<125xi32, #tpu.memory_space<vmem>>)
      %dma_start3A_343 = arith.constant 1 : i32
      %dma_start3A_344 = arith.constant 0 : i32
      %dma_start3A_345 = tpu.memref_slice %arg8[%dma_start3A_343, %dma_start3A_344] : memref<8x125xi32, #tpu.memory_space<vmem>> -> memref<1x125xi32, #tpu.memory_space<vmem>>
      %dma_start3A_346 = tpu.memref_squeeze %dma_start3A_345 : memref<1x125xi32, #tpu.memory_space<vmem>> -> memref<125xi32, #tpu.memory_space<vmem>>
      %dma_start3A_347 = arith.constant 0 : i32
      %dma_start3A_348 = arith.constant 0 : i32
      %dma_start3A_349 = tpu.memref_slice %arg17[%dma_start3A_347, %dma_start3A_348] : memref<10000x64xf32, #tpu.memory_space<vmem_shared>> -> memref<10000x64xf32, #tpu.memory_space<vmem_shared>>
      tpu.enqueue_indirect_dma source(%arg10 : memref<125x64xf32, #tpu.memory_space<vmem>>) target(%dma_start3A_349 : memref<10000x64xf32, #tpu.memory_space<vmem_shared>>) offsets(%dma_start3A_346 : memref<125xi32, #tpu.memory_space<vmem>>) semaphore(%arg35 : memref<!tpu.dma_semaphore, #tpu.memory_space<semaphore_mem>>) {add = true}
      %add3A_350 = arith.constant 8 : i32
      %add3A_351 = arith.addi %add3A_319, %add3A_350 : i32
      %sub3A_352 = arith.constant 2 : i32
      %sub3A_353 = arith.subi %add3A_351, %sub3A_352 : i32
      %ge3A_354 = arith.constant 8 : i32
      %ge3A_355 = arith.cmpi sge, %sub3A_353, %ge3A_354 : i32
      %lt3A_356 = arith.constant 160 : i32
      %lt3A_357 = arith.cmpi slt, %sub3A_353, %lt3A_356 : i32
      %and3A_358 = arith.andi %ge3A_355, %lt3A_357 : i1
      %convert_element_type3A_359 = arith.extui %and3A_358 : i1 to i32
      %cond3A_360 = arith.constant 0 : i32
      %cond3A_361 = arith.cmpi ne, %convert_element_type3A_359, %cond3A_360 : i32
      scf.if %cond3A_361 {
        %dma_wait3A_638 = arith.constant 7 : i32
        %dma_wait3A_639 = arith.constant 0 : i32
        %dma_wait3A_640 = tpu.memref_slice %arg8[%dma_wait3A_638, %dma_wait3A_639] : memref<8x125xi32, #tpu.memory_space<vmem>> -> memref<1x125xi32, #tpu.memory_space<vmem>>
        %dma_wait3A_641 = tpu.memref_squeeze %dma_wait3A_640 : memref<1x125xi32, #tpu.memory_space<vmem>> -> memref<125xi32, #tpu.memory_space<vmem>>
        %dma_wait3A_642 = arith.constant 0 : i32
        %dma_wait3A_643 = arith.constant 0 : i32
        %dma_wait3A_644 = tpu.memref_slice %arg17[%dma_wait3A_642, %dma_wait3A_643] : memref<10000x64xf32, #tpu.memory_space<vmem_shared>> -> memref<10000x64xf32, #tpu.memory_space<vmem_shared>>
        tpu.wait_indirect_dma semaphore(%arg41 : memref<!tpu.dma_semaphore, #tpu.memory_space<semaphore_mem>>) src(%arg16 : memref<125x64xf32, #tpu.memory_space<vmem>>) dst(%dma_wait3A_644 : memref<10000x64xf32, #tpu.memory_space<vmem_shared>>)
        %dma_start3A_645 = arith.constant 0 : i32
        %dma_start3A_646 = tpu.memref_slice %arg7[%sub3A_353, %dma_start3A_645] : memref<160x125xi32, #tpu.memory_space<vmem>> -> memref<1x125xi32, #tpu.memory_space<vmem>>
        %dma_start3A_647 = tpu.memref_squeeze %dma_start3A_646 : memref<1x125xi32, #tpu.memory_space<vmem>> -> memref<125xi32, #tpu.memory_space<vmem>>
        %dma_start3A_648 = arith.constant 0 : i32
        %dma_start3A_649 = arith.constant 0 : i32
        %dma_start3A_650 = tpu.memref_slice %arg2[%arg0, %dma_start3A_648, %dma_start3A_649] : memref<2x10000x64xf32, #tpu.memory_space<hbm>> -> memref<1x10000x64xf32, #tpu.memory_space<hbm>>
        %dma_start3A_651 = tpu.memref_squeeze %dma_start3A_650 : memref<1x10000x64xf32, #tpu.memory_space<hbm>> -> memref<10000x64xf32, #tpu.memory_space<hbm>>
        %dma_start3A_652 = arith.constant 0 : i32
        %dma_start3A_653 = arith.constant 0 : i32
        %dma_start3A_654 = tpu.memref_slice %dma_start3A_651[%dma_start3A_652, %dma_start3A_653] : memref<10000x64xf32, #tpu.memory_space<hbm>> -> memref<10000x64xf32, #tpu.memory_space<hbm>>
        tpu.enqueue_indirect_dma source(%dma_start3A_654 : memref<10000x64xf32, #tpu.memory_space<hbm>>) target(%arg16 : memref<125x64xf32, #tpu.memory_space<vmem>>) offsets(%dma_start3A_647 : memref<125xi32, #tpu.memory_space<vmem>>) semaphore(%arg25 : memref<!tpu.dma_semaphore, #tpu.memory_space<semaphore_mem>>)
        %dma_start3A_655 = arith.constant 7 : i32
        %dma_start3A_656 = arith.constant 0 : i32
        %dma_start3A_657 = tpu.memref_slice %arg8[%dma_start3A_655, %dma_start3A_656] : memref<8x125xi32, #tpu.memory_space<vmem>> -> memref<1x125xi32, #tpu.memory_space<vmem>>
        %dma_start3A_658 = tpu.memref_squeeze %dma_start3A_657 : memref<1x125xi32, #tpu.memory_space<vmem>> -> memref<125xi32, #tpu.memory_space<vmem>>
        %dma_start3A_659 = arith.constant 0 : i32
        %dma_start3A_660 = tpu.memref_slice %arg4[%arg1, %sub3A_353, %dma_start3A_659] : memref<16x160x125xi32, #tpu.memory_space<hbm>> -> memref<1x1x125xi32, #tpu.memory_space<hbm>>
        %dma_start3A_661 = tpu.memref_squeeze %dma_start3A_660 : memref<1x1x125xi32, #tpu.memory_space<hbm>> -> memref<125xi32, #tpu.memory_space<hbm>>
        %dma_start3A_662 = arith.constant 0 : i32
        %dma_start3A_663 = tpu.memref_slice %arg8[%dma_start3A_655, %dma_start3A_662] : memref<8x125xi32, #tpu.memory_space<vmem>> -> memref<1x125xi32, #tpu.memory_space<vmem>>
        %dma_start3A_664 = tpu.memref_squeeze %dma_start3A_663 : memref<1x125xi32, #tpu.memory_space<vmem>> -> memref<125xi32, #tpu.memory_space<vmem>>
        %dma_start3A_665 = arith.constant 0 : i32
        %dma_start3A_666 = tpu.memref_slice %arg4[%arg1, %sub3A_353, %dma_start3A_665] : memref<16x160x125xi32, #tpu.memory_space<hbm>> -> memref<1x1x125xi32, #tpu.memory_space<hbm>>
        %dma_start3A_667 = tpu.memref_squeeze %dma_start3A_666 : memref<1x1x125xi32, #tpu.memory_space<hbm>> -> memref<125xi32, #tpu.memory_space<hbm>>
        tpu.enqueue_dma source(%dma_start3A_667 : memref<125xi32, #tpu.memory_space<hbm>>) target(%dma_start3A_664 : memref<125xi32, #tpu.memory_space<vmem>>) target_semaphore(%arg33 : memref<!tpu.dma_semaphore, #tpu.memory_space<semaphore_mem>>)
      } else {
      }
      %mul3A_362 = arith.constant 8 : i32
      %mul3A_363 = arith.muli %scan3A_274, %mul3A_362 : i32
      %add3A_364 = arith.constant 2 : i32
      %add3A_365 = arith.addi %mul3A_363, %add3A_364 : i32
      %dma_wait3A_366 = arith.constant 0 : i32
      %dma_wait3A_367 = tpu.memref_slice %arg7[%add3A_365, %dma_wait3A_366] : memref<160x125xi32, #tpu.memory_space<vmem>> -> memref<1x125xi32, #tpu.memory_space<vmem>>
      %dma_wait3A_368 = tpu.memref_squeeze %dma_wait3A_367 : memref<1x125xi32, #tpu.memory_space<vmem>> -> memref<125xi32, #tpu.memory_space<vmem>>
      %dma_wait3A_369 = arith.constant 0 : i32
      %dma_wait3A_370 = arith.constant 0 : i32
      %dma_wait3A_371 = tpu.memref_slice %arg2[%arg0, %dma_wait3A_369, %dma_wait3A_370] : memref<2x10000x64xf32, #tpu.memory_space<hbm>> -> memref<1x10000x64xf32, #tpu.memory_space<hbm>>
      %dma_wait3A_372 = tpu.memref_squeeze %dma_wait3A_371 : memref<1x10000x64xf32, #tpu.memory_space<hbm>> -> memref<10000x64xf32, #tpu.memory_space<hbm>>
      %dma_wait3A_373 = arith.constant 0 : i32
      %dma_wait3A_374 = arith.constant 0 : i32
      %dma_wait3A_375 = tpu.memref_slice %dma_wait3A_372[%dma_wait3A_373, %dma_wait3A_374] : memref<10000x64xf32, #tpu.memory_space<hbm>> -> memref<10000x64xf32, #tpu.memory_space<hbm>>
      tpu.wait_indirect_dma semaphore(%arg20 : memref<!tpu.dma_semaphore, #tpu.memory_space<semaphore_mem>>) src(%dma_wait3A_375 : memref<10000x64xf32, #tpu.memory_space<hbm>>) dst(%arg11 : memref<125x64xf32, #tpu.memory_space<vmem>>)
      %dma_wait3A_376 = arith.constant 2 : i32
      %dma_wait3A_377 = arith.constant 0 : i32
      %dma_wait3A_378 = tpu.memref_slice %arg8[%dma_wait3A_376, %dma_wait3A_377] : memref<8x125xi32, #tpu.memory_space<vmem>> -> memref<1x125xi32, #tpu.memory_space<vmem>>
      %dma_wait3A_379 = tpu.memref_squeeze %dma_wait3A_378 : memref<1x125xi32, #tpu.memory_space<vmem>> -> memref<125xi32, #tpu.memory_space<vmem>>
      %dma_wait3A_380 = arith.constant 0 : i32
      %dma_wait3A_381 = tpu.memref_slice %arg4[%arg1, %add3A_365, %dma_wait3A_380] : memref<16x160x125xi32, #tpu.memory_space<hbm>> -> memref<1x1x125xi32, #tpu.memory_space<hbm>>
      %dma_wait3A_382 = tpu.memref_squeeze %dma_wait3A_381 : memref<1x1x125xi32, #tpu.memory_space<hbm>> -> memref<125xi32, #tpu.memory_space<hbm>>
      %dma_wait3A_383 = arith.constant 0 : i32
      %dma_wait3A_384 = tpu.memref_slice %arg8[%dma_wait3A_376, %dma_wait3A_383] : memref<8x125xi32, #tpu.memory_space<vmem>> -> memref<1x125xi32, #tpu.memory_space<vmem>>
      %dma_wait3A_385 = tpu.memref_squeeze %dma_wait3A_384 : memref<1x125xi32, #tpu.memory_space<vmem>> -> memref<125xi32, #tpu.memory_space<vmem>>
      %dma_wait3A_386 = arith.constant 0 : i32
      %dma_wait3A_387 = tpu.memref_slice %arg4[%arg1, %add3A_365, %dma_wait3A_386] : memref<16x160x125xi32, #tpu.memory_space<hbm>> -> memref<1x1x125xi32, #tpu.memory_space<hbm>>
      %dma_wait3A_388 = tpu.memref_squeeze %dma_wait3A_387 : memref<1x1x125xi32, #tpu.memory_space<hbm>> -> memref<125xi32, #tpu.memory_space<hbm>>
      tpu.wait_dma2 semaphore(%arg28 : memref<!tpu.dma_semaphore, #tpu.memory_space<semaphore_mem>>) src(%dma_wait3A_388 : memref<125xi32, #tpu.memory_space<hbm>>) dst(%dma_wait3A_385 : memref<125xi32, #tpu.memory_space<vmem>>)
      %dma_start3A_389 = arith.constant 2 : i32
      %dma_start3A_390 = arith.constant 0 : i32
      %dma_start3A_391 = tpu.memref_slice %arg8[%dma_start3A_389, %dma_start3A_390] : memref<8x125xi32, #tpu.memory_space<vmem>> -> memref<1x125xi32, #tpu.memory_space<vmem>>
      %dma_start3A_392 = tpu.memref_squeeze %dma_start3A_391 : memref<1x125xi32, #tpu.memory_space<vmem>> -> memref<125xi32, #tpu.memory_space<vmem>>
      %dma_start3A_393 = arith.constant 0 : i32
      %dma_start3A_394 = arith.constant 0 : i32
      %dma_start3A_395 = tpu.memref_slice %arg17[%dma_start3A_393, %dma_start3A_394] : memref<10000x64xf32, #tpu.memory_space<vmem_shared>> -> memref<10000x64xf32, #tpu.memory_space<vmem_shared>>
      tpu.enqueue_indirect_dma source(%arg11 : memref<125x64xf32, #tpu.memory_space<vmem>>) target(%dma_start3A_395 : memref<10000x64xf32, #tpu.memory_space<vmem_shared>>) offsets(%dma_start3A_392 : memref<125xi32, #tpu.memory_space<vmem>>) semaphore(%arg36 : memref<!tpu.dma_semaphore, #tpu.memory_space<semaphore_mem>>) {add = true}
      %add3A_396 = arith.constant 8 : i32
      %add3A_397 = arith.addi %add3A_365, %add3A_396 : i32
      %sub3A_398 = arith.constant 2 : i32
      %sub3A_399 = arith.subi %add3A_397, %sub3A_398 : i32
      %ge3A_400 = arith.constant 8 : i32
      %ge3A_401 = arith.cmpi sge, %sub3A_399, %ge3A_400 : i32
      %lt3A_402 = arith.constant 160 : i32
      %lt3A_403 = arith.cmpi slt, %sub3A_399, %lt3A_402 : i32
      %and3A_404 = arith.andi %ge3A_401, %lt3A_403 : i1
      %convert_element_type3A_405 = arith.extui %and3A_404 : i1 to i32
      %cond3A_406 = arith.constant 0 : i32
      %cond3A_407 = arith.cmpi ne, %convert_element_type3A_405, %cond3A_406 : i32
      scf.if %cond3A_407 {
        %dma_wait3A_638 = arith.constant 0 : i32
        %dma_wait3A_639 = arith.constant 0 : i32
        %dma_wait3A_640 = tpu.memref_slice %arg8[%dma_wait3A_638, %dma_wait3A_639] : memref<8x125xi32, #tpu.memory_space<vmem>> -> memref<1x125xi32, #tpu.memory_space<vmem>>
        %dma_wait3A_641 = tpu.memref_squeeze %dma_wait3A_640 : memref<1x125xi32, #tpu.memory_space<vmem>> -> memref<125xi32, #tpu.memory_space<vmem>>
        %dma_wait3A_642 = arith.constant 0 : i32
        %dma_wait3A_643 = arith.constant 0 : i32
        %dma_wait3A_644 = tpu.memref_slice %arg17[%dma_wait3A_642, %dma_wait3A_643] : memref<10000x64xf32, #tpu.memory_space<vmem_shared>> -> memref<10000x64xf32, #tpu.memory_space<vmem_shared>>
        tpu.wait_indirect_dma semaphore(%arg34 : memref<!tpu.dma_semaphore, #tpu.memory_space<semaphore_mem>>) src(%arg9 : memref<125x64xf32, #tpu.memory_space<vmem>>) dst(%dma_wait3A_644 : memref<10000x64xf32, #tpu.memory_space<vmem_shared>>)
        %dma_start3A_645 = arith.constant 0 : i32
        %dma_start3A_646 = tpu.memref_slice %arg7[%sub3A_399, %dma_start3A_645] : memref<160x125xi32, #tpu.memory_space<vmem>> -> memref<1x125xi32, #tpu.memory_space<vmem>>
        %dma_start3A_647 = tpu.memref_squeeze %dma_start3A_646 : memref<1x125xi32, #tpu.memory_space<vmem>> -> memref<125xi32, #tpu.memory_space<vmem>>
        %dma_start3A_648 = arith.constant 0 : i32
        %dma_start3A_649 = arith.constant 0 : i32
        %dma_start3A_650 = tpu.memref_slice %arg2[%arg0, %dma_start3A_648, %dma_start3A_649] : memref<2x10000x64xf32, #tpu.memory_space<hbm>> -> memref<1x10000x64xf32, #tpu.memory_space<hbm>>
        %dma_start3A_651 = tpu.memref_squeeze %dma_start3A_650 : memref<1x10000x64xf32, #tpu.memory_space<hbm>> -> memref<10000x64xf32, #tpu.memory_space<hbm>>
        %dma_start3A_652 = arith.constant 0 : i32
        %dma_start3A_653 = arith.constant 0 : i32
        %dma_start3A_654 = tpu.memref_slice %dma_start3A_651[%dma_start3A_652, %dma_start3A_653] : memref<10000x64xf32, #tpu.memory_space<hbm>> -> memref<10000x64xf32, #tpu.memory_space<hbm>>
        tpu.enqueue_indirect_dma source(%dma_start3A_654 : memref<10000x64xf32, #tpu.memory_space<hbm>>) target(%arg9 : memref<125x64xf32, #tpu.memory_space<vmem>>) offsets(%dma_start3A_647 : memref<125xi32, #tpu.memory_space<vmem>>) semaphore(%arg18 : memref<!tpu.dma_semaphore, #tpu.memory_space<semaphore_mem>>)
        %dma_start3A_655 = arith.constant 0 : i32
        %dma_start3A_656 = arith.constant 0 : i32
        %dma_start3A_657 = tpu.memref_slice %arg8[%dma_start3A_655, %dma_start3A_656] : memref<8x125xi32, #tpu.memory_space<vmem>> -> memref<1x125xi32, #tpu.memory_space<vmem>>
        %dma_start3A_658 = tpu.memref_squeeze %dma_start3A_657 : memref<1x125xi32, #tpu.memory_space<vmem>> -> memref<125xi32, #tpu.memory_space<vmem>>
        %dma_start3A_659 = arith.constant 0 : i32
        %dma_start3A_660 = tpu.memref_slice %arg4[%arg1, %sub3A_399, %dma_start3A_659] : memref<16x160x125xi32, #tpu.memory_space<hbm>> -> memref<1x1x125xi32, #tpu.memory_space<hbm>>
        %dma_start3A_661 = tpu.memref_squeeze %dma_start3A_660 : memref<1x1x125xi32, #tpu.memory_space<hbm>> -> memref<125xi32, #tpu.memory_space<hbm>>
        %dma_start3A_662 = arith.constant 0 : i32
        %dma_start3A_663 = tpu.memref_slice %arg8[%dma_start3A_655, %dma_start3A_662] : memref<8x125xi32, #tpu.memory_space<vmem>> -> memref<1x125xi32, #tpu.memory_space<vmem>>
        %dma_start3A_664 = tpu.memref_squeeze %dma_start3A_663 : memref<1x125xi32, #tpu.memory_space<vmem>> -> memref<125xi32, #tpu.memory_space<vmem>>
        %dma_start3A_665 = arith.constant 0 : i32
        %dma_start3A_666 = tpu.memref_slice %arg4[%arg1, %sub3A_399, %dma_start3A_665] : memref<16x160x125xi32, #tpu.memory_space<hbm>> -> memref<1x1x125xi32, #tpu.memory_space<hbm>>
        %dma_start3A_667 = tpu.memref_squeeze %dma_start3A_666 : memref<1x1x125xi32, #tpu.memory_space<hbm>> -> memref<125xi32, #tpu.memory_space<hbm>>
        tpu.enqueue_dma source(%dma_start3A_667 : memref<125xi32, #tpu.memory_space<hbm>>) target(%dma_start3A_664 : memref<125xi32, #tpu.memory_space<vmem>>) target_semaphore(%arg26 : memref<!tpu.dma_semaphore, #tpu.memory_space<semaphore_mem>>)
      } else {
      }
      %mul3A_408 = arith.constant 8 : i32
      %mul3A_409 = arith.muli %scan3A_274, %mul3A_408 : i32
      %add3A_410 = arith.constant 3 : i32
      %add3A_411 = arith.addi %mul3A_409, %add3A_410 : i32
      %dma_wait3A_412 = arith.constant 0 : i32
      %dma_wait3A_413 = tpu.memref_slice %arg7[%add3A_411, %dma_wait3A_412] : memref<160x125xi32, #tpu.memory_space<vmem>> -> memref<1x125xi32, #tpu.memory_space<vmem>>
      %dma_wait3A_414 = tpu.memref_squeeze %dma_wait3A_413 : memref<1x125xi32, #tpu.memory_space<vmem>> -> memref<125xi32, #tpu.memory_space<vmem>>
      %dma_wait3A_415 = arith.constant 0 : i32
      %dma_wait3A_416 = arith.constant 0 : i32
      %dma_wait3A_417 = tpu.memref_slice %arg2[%arg0, %dma_wait3A_415, %dma_wait3A_416] : memref<2x10000x64xf32, #tpu.memory_space<hbm>> -> memref<1x10000x64xf32, #tpu.memory_space<hbm>>
      %dma_wait3A_418 = tpu.memref_squeeze %dma_wait3A_417 : memref<1x10000x64xf32, #tpu.memory_space<hbm>> -> memref<10000x64xf32, #tpu.memory_space<hbm>>
      %dma_wait3A_419 = arith.constant 0 : i32
      %dma_wait3A_420 = arith.constant 0 : i32
      %dma_wait3A_421 = tpu.memref_slice %dma_wait3A_418[%dma_wait3A_419, %dma_wait3A_420] : memref<10000x64xf32, #tpu.memory_space<hbm>> -> memref<10000x64xf32, #tpu.memory_space<hbm>>
      tpu.wait_indirect_dma semaphore(%arg21 : memref<!tpu.dma_semaphore, #tpu.memory_space<semaphore_mem>>) src(%dma_wait3A_421 : memref<10000x64xf32, #tpu.memory_space<hbm>>) dst(%arg12 : memref<125x64xf32, #tpu.memory_space<vmem>>)
      %dma_wait3A_422 = arith.constant 3 : i32
      %dma_wait3A_423 = arith.constant 0 : i32
      %dma_wait3A_424 = tpu.memref_slice %arg8[%dma_wait3A_422, %dma_wait3A_423] : memref<8x125xi32, #tpu.memory_space<vmem>> -> memref<1x125xi32, #tpu.memory_space<vmem>>
      %dma_wait3A_425 = tpu.memref_squeeze %dma_wait3A_424 : memref<1x125xi32, #tpu.memory_space<vmem>> -> memref<125xi32, #tpu.memory_space<vmem>>
      %dma_wait3A_426 = arith.constant 0 : i32
      %dma_wait3A_427 = tpu.memref_slice %arg4[%arg1, %add3A_411, %dma_wait3A_426] : memref<16x160x125xi32, #tpu.memory_space<hbm>> -> memref<1x1x125xi32, #tpu.memory_space<hbm>>
      %dma_wait3A_428 = tpu.memref_squeeze %dma_wait3A_427 : memref<1x1x125xi32, #tpu.memory_space<hbm>> -> memref<125xi32, #tpu.memory_space<hbm>>
      %dma_wait3A_429 = arith.constant 0 : i32
      %dma_wait3A_430 = tpu.memref_slice %arg8[%dma_wait3A_422, %dma_wait3A_429] : memref<8x125xi32, #tpu.memory_space<vmem>> -> memref<1x125xi32, #tpu.memory_space<vmem>>
      %dma_wait3A_431 = tpu.memref_squeeze %dma_wait3A_430 : memref<1x125xi32, #tpu.memory_space<vmem>> -> memref<125xi32, #tpu.memory_space<vmem>>
      %dma_wait3A_432 = arith.constant 0 : i32
      %dma_wait3A_433 = tpu.memref_slice %arg4[%arg1, %add3A_411, %dma_wait3A_432] : memref<16x160x125xi32, #tpu.memory_space<hbm>> -> memref<1x1x125xi32, #tpu.memory_space<hbm>>
      %dma_wait3A_434 = tpu.memref_squeeze %dma_wait3A_433 : memref<1x1x125xi32, #tpu.memory_space<hbm>> -> memref<125xi32, #tpu.memory_space<hbm>>
      tpu.wait_dma2 semaphore(%arg29 : memref<!tpu.dma_semaphore, #tpu.memory_space<semaphore_mem>>) src(%dma_wait3A_434 : memref<125xi32, #tpu.memory_space<hbm>>) dst(%dma_wait3A_431 : memref<125xi32, #tpu.memory_space<vmem>>)
      %dma_start3A_435 = arith.constant 3 : i32
      %dma_start3A_436 = arith.constant 0 : i32
      %dma_start3A_437 = tpu.memref_slice %arg8[%dma_start3A_435, %dma_start3A_436] : memref<8x125xi32, #tpu.memory_space<vmem>> -> memref<1x125xi32, #tpu.memory_space<vmem>>
      %dma_start3A_438 = tpu.memref_squeeze %dma_start3A_437 : memref<1x125xi32, #tpu.memory_space<vmem>> -> memref<125xi32, #tpu.memory_space<vmem>>
      %dma_start3A_439 = arith.constant 0 : i32
      %dma_start3A_440 = arith.constant 0 : i32
      %dma_start3A_441 = tpu.memref_slice %arg17[%dma_start3A_439, %dma_start3A_440] : memref<10000x64xf32, #tpu.memory_space<vmem_shared>> -> memref<10000x64xf32, #tpu.memory_space<vmem_shared>>
      tpu.enqueue_indirect_dma source(%arg12 : memref<125x64xf32, #tpu.memory_space<vmem>>) target(%dma_start3A_441 : memref<10000x64xf32, #tpu.memory_space<vmem_shared>>) offsets(%dma_start3A_438 : memref<125xi32, #tpu.memory_space<vmem>>) semaphore(%arg37 : memref<!tpu.dma_semaphore, #tpu.memory_space<semaphore_mem>>) {add = true}
      %add3A_442 = arith.constant 8 : i32
      %add3A_443 = arith.addi %add3A_411, %add3A_442 : i32
      %sub3A_444 = arith.constant 2 : i32
      %sub3A_445 = arith.subi %add3A_443, %sub3A_444 : i32
      %ge3A_446 = arith.constant 8 : i32
      %ge3A_447 = arith.cmpi sge, %sub3A_445, %ge3A_446 : i32
      %lt3A_448 = arith.constant 160 : i32
      %lt3A_449 = arith.cmpi slt, %sub3A_445, %lt3A_448 : i32
      %and3A_450 = arith.andi %ge3A_447, %lt3A_449 : i1
      %convert_element_type3A_451 = arith.extui %and3A_450 : i1 to i32
      %cond3A_452 = arith.constant 0 : i32
      %cond3A_453 = arith.cmpi ne, %convert_element_type3A_451, %cond3A_452 : i32
      scf.if %cond3A_453 {
        %dma_wait3A_638 = arith.constant 1 : i32
        %dma_wait3A_639 = arith.constant 0 : i32
        %dma_wait3A_640 = tpu.memref_slice %arg8[%dma_wait3A_638, %dma_wait3A_639] : memref<8x125xi32, #tpu.memory_space<vmem>> -> memref<1x125xi32, #tpu.memory_space<vmem>>
        %dma_wait3A_641 = tpu.memref_squeeze %dma_wait3A_640 : memref<1x125xi32, #tpu.memory_space<vmem>> -> memref<125xi32, #tpu.memory_space<vmem>>
        %dma_wait3A_642 = arith.constant 0 : i32
        %dma_wait3A_643 = arith.constant 0 : i32
        %dma_wait3A_644 = tpu.memref_slice %arg17[%dma_wait3A_642, %dma_wait3A_643] : memref<10000x64xf32, #tpu.memory_space<vmem_shared>> -> memref<10000x64xf32, #tpu.memory_space<vmem_shared>>
        tpu.wait_indirect_dma semaphore(%arg35 : memref<!tpu.dma_semaphore, #tpu.memory_space<semaphore_mem>>) src(%arg10 : memref<125x64xf32, #tpu.memory_space<vmem>>) dst(%dma_wait3A_644 : memref<10000x64xf32, #tpu.memory_space<vmem_shared>>)
        %dma_start3A_645 = arith.constant 0 : i32
        %dma_start3A_646 = tpu.memref_slice %arg7[%sub3A_445, %dma_start3A_645] : memref<160x125xi32, #tpu.memory_space<vmem>> -> memref<1x125xi32, #tpu.memory_space<vmem>>
        %dma_start3A_647 = tpu.memref_squeeze %dma_start3A_646 : memref<1x125xi32, #tpu.memory_space<vmem>> -> memref<125xi32, #tpu.memory_space<vmem>>
        %dma_start3A_648 = arith.constant 0 : i32
        %dma_start3A_649 = arith.constant 0 : i32
        %dma_start3A_650 = tpu.memref_slice %arg2[%arg0, %dma_start3A_648, %dma_start3A_649] : memref<2x10000x64xf32, #tpu.memory_space<hbm>> -> memref<1x10000x64xf32, #tpu.memory_space<hbm>>
        %dma_start3A_651 = tpu.memref_squeeze %dma_start3A_650 : memref<1x10000x64xf32, #tpu.memory_space<hbm>> -> memref<10000x64xf32, #tpu.memory_space<hbm>>
        %dma_start3A_652 = arith.constant 0 : i32
        %dma_start3A_653 = arith.constant 0 : i32
        %dma_start3A_654 = tpu.memref_slice %dma_start3A_651[%dma_start3A_652, %dma_start3A_653] : memref<10000x64xf32, #tpu.memory_space<hbm>> -> memref<10000x64xf32, #tpu.memory_space<hbm>>
        tpu.enqueue_indirect_dma source(%dma_start3A_654 : memref<10000x64xf32, #tpu.memory_space<hbm>>) target(%arg10 : memref<125x64xf32, #tpu.memory_space<vmem>>) offsets(%dma_start3A_647 : memref<125xi32, #tpu.memory_space<vmem>>) semaphore(%arg19 : memref<!tpu.dma_semaphore, #tpu.memory_space<semaphore_mem>>)
        %dma_start3A_655 = arith.constant 1 : i32
        %dma_start3A_656 = arith.constant 0 : i32
        %dma_start3A_657 = tpu.memref_slice %arg8[%dma_start3A_655, %dma_start3A_656] : memref<8x125xi32, #tpu.memory_space<vmem>> -> memref<1x125xi32, #tpu.memory_space<vmem>>
        %dma_start3A_658 = tpu.memref_squeeze %dma_start3A_657 : memref<1x125xi32, #tpu.memory_space<vmem>> -> memref<125xi32, #tpu.memory_space<vmem>>
        %dma_start3A_659 = arith.constant 0 : i32
        %dma_start3A_660 = tpu.memref_slice %arg4[%arg1, %sub3A_445, %dma_start3A_659] : memref<16x160x125xi32, #tpu.memory_space<hbm>> -> memref<1x1x125xi32, #tpu.memory_space<hbm>>
        %dma_start3A_661 = tpu.memref_squeeze %dma_start3A_660 : memref<1x1x125xi32, #tpu.memory_space<hbm>> -> memref<125xi32, #tpu.memory_space<hbm>>
        %dma_start3A_662 = arith.constant 0 : i32
        %dma_start3A_663 = tpu.memref_slice %arg8[%dma_start3A_655, %dma_start3A_662] : memref<8x125xi32, #tpu.memory_space<vmem>> -> memref<1x125xi32, #tpu.memory_space<vmem>>
        %dma_start3A_664 = tpu.memref_squeeze %dma_start3A_663 : memref<1x125xi32, #tpu.memory_space<vmem>> -> memref<125xi32, #tpu.memory_space<vmem>>
        %dma_start3A_665 = arith.constant 0 : i32
        %dma_start3A_666 = tpu.memref_slice %arg4[%arg1, %sub3A_445, %dma_start3A_665] : memref<16x160x125xi32, #tpu.memory_space<hbm>> -> memref<1x1x125xi32, #tpu.memory_space<hbm>>
        %dma_start3A_667 = tpu.memref_squeeze %dma_start3A_666 : memref<1x1x125xi32, #tpu.memory_space<hbm>> -> memref<125xi32, #tpu.memory_space<hbm>>
        tpu.enqueue_dma source(%dma_start3A_667 : memref<125xi32, #tpu.memory_space<hbm>>) target(%dma_start3A_664 : memref<125xi32, #tpu.memory_space<vmem>>) target_semaphore(%arg27 : memref<!tpu.dma_semaphore, #tpu.memory_space<semaphore_mem>>)
      } else {
      }
      %mul3A_454 = arith.constant 8 : i32
      %mul3A_455 = arith.muli %scan3A_274, %mul3A_454 : i32
      %add3A_456 = arith.constant 4 : i32
      %add3A_457 = arith.addi %mul3A_455, %add3A_456 : i32
      %dma_wait3A_458 = arith.constant 0 : i32
      %dma_wait3A_459 = tpu.memref_slice %arg7[%add3A_457, %dma_wait3A_458] : memref<160x125xi32, #tpu.memory_space<vmem>> -> memref<1x125xi32, #tpu.memory_space<vmem>>
      %dma_wait3A_460 = tpu.memref_squeeze %dma_wait3A_459 : memref<1x125xi32, #tpu.memory_space<vmem>> -> memref<125xi32, #tpu.memory_space<vmem>>
      %dma_wait3A_461 = arith.constant 0 : i32
      %dma_wait3A_462 = arith.constant 0 : i32
      %dma_wait3A_463 = tpu.memref_slice %arg2[%arg0, %dma_wait3A_461, %dma_wait3A_462] : memref<2x10000x64xf32, #tpu.memory_space<hbm>> -> memref<1x10000x64xf32, #tpu.memory_space<hbm>>
      %dma_wait3A_464 = tpu.memref_squeeze %dma_wait3A_463 : memref<1x10000x64xf32, #tpu.memory_space<hbm>> -> memref<10000x64xf32, #tpu.memory_space<hbm>>
      %dma_wait3A_465 = arith.constant 0 : i32
      %dma_wait3A_466 = arith.constant 0 : i32
      %dma_wait3A_467 = tpu.memref_slice %dma_wait3A_464[%dma_wait3A_465, %dma_wait3A_466] : memref<10000x64xf32, #tpu.memory_space<hbm>> -> memref<10000x64xf32, #tpu.memory_space<hbm>>
      tpu.wait_indirect_dma semaphore(%arg22 : memref<!tpu.dma_semaphore, #tpu.memory_space<semaphore_mem>>) src(%dma_wait3A_467 : memref<10000x64xf32, #tpu.memory_space<hbm>>) dst(%arg13 : memref<125x64xf32, #tpu.memory_space<vmem>>)
      %dma_wait3A_468 = arith.constant 4 : i32
      %dma_wait3A_469 = arith.constant 0 : i32
      %dma_wait3A_470 = tpu.memref_slice %arg8[%dma_wait3A_468, %dma_wait3A_469] : memref<8x125xi32, #tpu.memory_space<vmem>> -> memref<1x125xi32, #tpu.memory_space<vmem>>
      %dma_wait3A_471 = tpu.memref_squeeze %dma_wait3A_470 : memref<1x125xi32, #tpu.memory_space<vmem>> -> memref<125xi32, #tpu.memory_space<vmem>>
      %dma_wait3A_472 = arith.constant 0 : i32
      %dma_wait3A_473 = tpu.memref_slice %arg4[%arg1, %add3A_457, %dma_wait3A_472] : memref<16x160x125xi32, #tpu.memory_space<hbm>> -> memref<1x1x125xi32, #tpu.memory_space<hbm>>
      %dma_wait3A_474 = tpu.memref_squeeze %dma_wait3A_473 : memref<1x1x125xi32, #tpu.memory_space<hbm>> -> memref<125xi32, #tpu.memory_space<hbm>>
      %dma_wait3A_475 = arith.constant 0 : i32
      %dma_wait3A_476 = tpu.memref_slice %arg8[%dma_wait3A_468, %dma_wait3A_475] : memref<8x125xi32, #tpu.memory_space<vmem>> -> memref<1x125xi32, #tpu.memory_space<vmem>>
      %dma_wait3A_477 = tpu.memref_squeeze %dma_wait3A_476 : memref<1x125xi32, #tpu.memory_space<vmem>> -> memref<125xi32, #tpu.memory_space<vmem>>
      %dma_wait3A_478 = arith.constant 0 : i32
      %dma_wait3A_479 = tpu.memref_slice %arg4[%arg1, %add3A_457, %dma_wait3A_478] : memref<16x160x125xi32, #tpu.memory_space<hbm>> -> memref<1x1x125xi32, #tpu.memory_space<hbm>>
      %dma_wait3A_480 = tpu.memref_squeeze %dma_wait3A_479 : memref<1x1x125xi32, #tpu.memory_space<hbm>> -> memref<125xi32, #tpu.memory_space<hbm>>
      tpu.wait_dma2 semaphore(%arg30 : memref<!tpu.dma_semaphore, #tpu.memory_space<semaphore_mem>>) src(%dma_wait3A_480 : memref<125xi32, #tpu.memory_space<hbm>>) dst(%dma_wait3A_477 : memref<125xi32, #tpu.memory_space<vmem>>)
      %dma_start3A_481 = arith.constant 4 : i32
      %dma_start3A_482 = arith.constant 0 : i32
      %dma_start3A_483 = tpu.memref_slice %arg8[%dma_start3A_481, %dma_start3A_482] : memref<8x125xi32, #tpu.memory_space<vmem>> -> memref<1x125xi32, #tpu.memory_space<vmem>>
      %dma_start3A_484 = tpu.memref_squeeze %dma_start3A_483 : memref<1x125xi32, #tpu.memory_space<vmem>> -> memref<125xi32, #tpu.memory_space<vmem>>
      %dma_start3A_485 = arith.constant 0 : i32
      %dma_start3A_486 = arith.constant 0 : i32
      %dma_start3A_487 = tpu.memref_slice %arg17[%dma_start3A_485, %dma_start3A_486] : memref<10000x64xf32, #tpu.memory_space<vmem_shared>> -> memref<10000x64xf32, #tpu.memory_space<vmem_shared>>
      tpu.enqueue_indirect_dma source(%arg13 : memref<125x64xf32, #tpu.memory_space<vmem>>) target(%dma_start3A_487 : memref<10000x64xf32, #tpu.memory_space<vmem_shared>>) offsets(%dma_start3A_484 : memref<125xi32, #tpu.memory_space<vmem>>) semaphore(%arg38 : memref<!tpu.dma_semaphore, #tpu.memory_space<semaphore_mem>>) {add = true}
      %add3A_488 = arith.constant 8 : i32
      %add3A_489 = arith.addi %add3A_457, %add3A_488 : i32
      %sub3A_490 = arith.constant 2 : i32
      %sub3A_491 = arith.subi %add3A_489, %sub3A_490 : i32
      %ge3A_492 = arith.constant 8 : i32
      %ge3A_493 = arith.cmpi sge, %sub3A_491, %ge3A_492 : i32
      %lt3A_494 = arith.constant 160 : i32
      %lt3A_495 = arith.cmpi slt, %sub3A_491, %lt3A_494 : i32
      %and3A_496 = arith.andi %ge3A_493, %lt3A_495 : i1
      %convert_element_type3A_497 = arith.extui %and3A_496 : i1 to i32
      %cond3A_498 = arith.constant 0 : i32
      %cond3A_499 = arith.cmpi ne, %convert_element_type3A_497, %cond3A_498 : i32
      scf.if %cond3A_499 {
        %dma_wait3A_638 = arith.constant 2 : i32
        %dma_wait3A_639 = arith.constant 0 : i32
        %dma_wait3A_640 = tpu.memref_slice %arg8[%dma_wait3A_638, %dma_wait3A_639] : memref<8x125xi32, #tpu.memory_space<vmem>> -> memref<1x125xi32, #tpu.memory_space<vmem>>
        %dma_wait3A_641 = tpu.memref_squeeze %dma_wait3A_640 : memref<1x125xi32, #tpu.memory_space<vmem>> -> memref<125xi32, #tpu.memory_space<vmem>>
        %dma_wait3A_642 = arith.constant 0 : i32
        %dma_wait3A_643 = arith.constant 0 : i32
        %dma_wait3A_644 = tpu.memref_slice %arg17[%dma_wait3A_642, %dma_wait3A_643] : memref<10000x64xf32, #tpu.memory_space<vmem_shared>> -> memref<10000x64xf32, #tpu.memory_space<vmem_shared>>
        tpu.wait_indirect_dma semaphore(%arg36 : memref<!tpu.dma_semaphore, #tpu.memory_space<semaphore_mem>>) src(%arg11 : memref<125x64xf32, #tpu.memory_space<vmem>>) dst(%dma_wait3A_644 : memref<10000x64xf32, #tpu.memory_space<vmem_shared>>)
        %dma_start3A_645 = arith.constant 0 : i32
        %dma_start3A_646 = tpu.memref_slice %arg7[%sub3A_491, %dma_start3A_645] : memref<160x125xi32, #tpu.memory_space<vmem>> -> memref<1x125xi32, #tpu.memory_space<vmem>>
        %dma_start3A_647 = tpu.memref_squeeze %dma_start3A_646 : memref<1x125xi32, #tpu.memory_space<vmem>> -> memref<125xi32, #tpu.memory_space<vmem>>
        %dma_start3A_648 = arith.constant 0 : i32
        %dma_start3A_649 = arith.constant 0 : i32
        %dma_start3A_650 = tpu.memref_slice %arg2[%arg0, %dma_start3A_648, %dma_start3A_649] : memref<2x10000x64xf32, #tpu.memory_space<hbm>> -> memref<1x10000x64xf32, #tpu.memory_space<hbm>>
        %dma_start3A_651 = tpu.memref_squeeze %dma_start3A_650 : memref<1x10000x64xf32, #tpu.memory_space<hbm>> -> memref<10000x64xf32, #tpu.memory_space<hbm>>
        %dma_start3A_652 = arith.constant 0 : i32
        %dma_start3A_653 = arith.constant 0 : i32
        %dma_start3A_654 = tpu.memref_slice %dma_start3A_651[%dma_start3A_652, %dma_start3A_653] : memref<10000x64xf32, #tpu.memory_space<hbm>> -> memref<10000x64xf32, #tpu.memory_space<hbm>>
        tpu.enqueue_indirect_dma source(%dma_start3A_654 : memref<10000x64xf32, #tpu.memory_space<hbm>>) target(%arg11 : memref<125x64xf32, #tpu.memory_space<vmem>>) offsets(%dma_start3A_647 : memref<125xi32, #tpu.memory_space<vmem>>) semaphore(%arg20 : memref<!tpu.dma_semaphore, #tpu.memory_space<semaphore_mem>>)
        %dma_start3A_655 = arith.constant 2 : i32
        %dma_start3A_656 = arith.constant 0 : i32
        %dma_start3A_657 = tpu.memref_slice %arg8[%dma_start3A_655, %dma_start3A_656] : memref<8x125xi32, #tpu.memory_space<vmem>> -> memref<1x125xi32, #tpu.memory_space<vmem>>
        %dma_start3A_658 = tpu.memref_squeeze %dma_start3A_657 : memref<1x125xi32, #tpu.memory_space<vmem>> -> memref<125xi32, #tpu.memory_space<vmem>>
        %dma_start3A_659 = arith.constant 0 : i32
        %dma_start3A_660 = tpu.memref_slice %arg4[%arg1, %sub3A_491, %dma_start3A_659] : memref<16x160x125xi32, #tpu.memory_space<hbm>> -> memref<1x1x125xi32, #tpu.memory_space<hbm>>
        %dma_start3A_661 = tpu.memref_squeeze %dma_start3A_660 : memref<1x1x125xi32, #tpu.memory_space<hbm>> -> memref<125xi32, #tpu.memory_space<hbm>>
        %dma_start3A_662 = arith.constant 0 : i32
        %dma_start3A_663 = tpu.memref_slice %arg8[%dma_start3A_655, %dma_start3A_662] : memref<8x125xi32, #tpu.memory_space<vmem>> -> memref<1x125xi32, #tpu.memory_space<vmem>>
        %dma_start3A_664 = tpu.memref_squeeze %dma_start3A_663 : memref<1x125xi32, #tpu.memory_space<vmem>> -> memref<125xi32, #tpu.memory_space<vmem>>
        %dma_start3A_665 = arith.constant 0 : i32
        %dma_start3A_666 = tpu.memref_slice %arg4[%arg1, %sub3A_491, %dma_start3A_665] : memref<16x160x125xi32, #tpu.memory_space<hbm>> -> memref<1x1x125xi32, #tpu.memory_space<hbm>>
        %dma_start3A_667 = tpu.memref_squeeze %dma_start3A_666 : memref<1x1x125xi32, #tpu.memory_space<hbm>> -> memref<125xi32, #tpu.memory_space<hbm>>
        tpu.enqueue_dma source(%dma_start3A_667 : memref<125xi32, #tpu.memory_space<hbm>>) target(%dma_start3A_664 : memref<125xi32, #tpu.memory_space<vmem>>) target_semaphore(%arg28 : memref<!tpu.dma_semaphore, #tpu.memory_space<semaphore_mem>>)
      } else {
      }
      %mul3A_500 = arith.constant 8 : i32
      %mul3A_501 = arith.muli %scan3A_274, %mul3A_500 : i32
      %add3A_502 = arith.constant 5 : i32
      %add3A_503 = arith.addi %mul3A_501, %add3A_502 : i32
      %dma_wait3A_504 = arith.constant 0 : i32
      %dma_wait3A_505 = tpu.memref_slice %arg7[%add3A_503, %dma_wait3A_504] : memref<160x125xi32, #tpu.memory_space<vmem>> -> memref<1x125xi32, #tpu.memory_space<vmem>>
      %dma_wait3A_506 = tpu.memref_squeeze %dma_wait3A_505 : memref<1x125xi32, #tpu.memory_space<vmem>> -> memref<125xi32, #tpu.memory_space<vmem>>
      %dma_wait3A_507 = arith.constant 0 : i32
      %dma_wait3A_508 = arith.constant 0 : i32
      %dma_wait3A_509 = tpu.memref_slice %arg2[%arg0, %dma_wait3A_507, %dma_wait3A_508] : memref<2x10000x64xf32, #tpu.memory_space<hbm>> -> memref<1x10000x64xf32, #tpu.memory_space<hbm>>
      %dma_wait3A_510 = tpu.memref_squeeze %dma_wait3A_509 : memref<1x10000x64xf32, #tpu.memory_space<hbm>> -> memref<10000x64xf32, #tpu.memory_space<hbm>>
      %dma_wait3A_511 = arith.constant 0 : i32
      %dma_wait3A_512 = arith.constant 0 : i32
      %dma_wait3A_513 = tpu.memref_slice %dma_wait3A_510[%dma_wait3A_511, %dma_wait3A_512] : memref<10000x64xf32, #tpu.memory_space<hbm>> -> memref<10000x64xf32, #tpu.memory_space<hbm>>
      tpu.wait_indirect_dma semaphore(%arg23 : memref<!tpu.dma_semaphore, #tpu.memory_space<semaphore_mem>>) src(%dma_wait3A_513 : memref<10000x64xf32, #tpu.memory_space<hbm>>) dst(%arg14 : memref<125x64xf32, #tpu.memory_space<vmem>>)
      %dma_wait3A_514 = arith.constant 5 : i32
      %dma_wait3A_515 = arith.constant 0 : i32
      %dma_wait3A_516 = tpu.memref_slice %arg8[%dma_wait3A_514, %dma_wait3A_515] : memref<8x125xi32, #tpu.memory_space<vmem>> -> memref<1x125xi32, #tpu.memory_space<vmem>>
      %dma_wait3A_517 = tpu.memref_squeeze %dma_wait3A_516 : memref<1x125xi32, #tpu.memory_space<vmem>> -> memref<125xi32, #tpu.memory_space<vmem>>
      %dma_wait3A_518 = arith.constant 0 : i32
      %dma_wait3A_519 = tpu.memref_slice %arg4[%arg1, %add3A_503, %dma_wait3A_518] : memref<16x160x125xi32, #tpu.memory_space<hbm>> -> memref<1x1x125xi32, #tpu.memory_space<hbm>>
      %dma_wait3A_520 = tpu.memref_squeeze %dma_wait3A_519 : memref<1x1x125xi32, #tpu.memory_space<hbm>> -> memref<125xi32, #tpu.memory_space<hbm>>
      %dma_wait3A_521 = arith.constant 0 : i32
      %dma_wait3A_522 = tpu.memref_slice %arg8[%dma_wait3A_514, %dma_wait3A_521] : memref<8x125xi32, #tpu.memory_space<vmem>> -> memref<1x125xi32, #tpu.memory_space<vmem>>
      %dma_wait3A_523 = tpu.memref_squeeze %dma_wait3A_522 : memref<1x125xi32, #tpu.memory_space<vmem>> -> memref<125xi32, #tpu.memory_space<vmem>>
      %dma_wait3A_524 = arith.constant 0 : i32
      %dma_wait3A_525 = tpu.memref_slice %arg4[%arg1, %add3A_503, %dma_wait3A_524] : memref<16x160x125xi32, #tpu.memory_space<hbm>> -> memref<1x1x125xi32, #tpu.memory_space<hbm>>
      %dma_wait3A_526 = tpu.memref_squeeze %dma_wait3A_525 : memref<1x1x125xi32, #tpu.memory_space<hbm>> -> memref<125xi32, #tpu.memory_space<hbm>>
      tpu.wait_dma2 semaphore(%arg31 : memref<!tpu.dma_semaphore, #tpu.memory_space<semaphore_mem>>) src(%dma_wait3A_526 : memref<125xi32, #tpu.memory_space<hbm>>) dst(%dma_wait3A_523 : memref<125xi32, #tpu.memory_space<vmem>>)
      %dma_start3A_527 = arith.constant 5 : i32
      %dma_start3A_528 = arith.constant 0 : i32
      %dma_start3A_529 = tpu.memref_slice %arg8[%dma_start3A_527, %dma_start3A_528] : memref<8x125xi32, #tpu.memory_space<vmem>> -> memref<1x125xi32, #tpu.memory_space<vmem>>
      %dma_start3A_530 = tpu.memref_squeeze %dma_start3A_529 : memref<1x125xi32, #tpu.memory_space<vmem>> -> memref<125xi32, #tpu.memory_space<vmem>>
      %dma_start3A_531 = arith.constant 0 : i32
      %dma_start3A_532 = arith.constant 0 : i32
      %dma_start3A_533 = tpu.memref_slice %arg17[%dma_start3A_531, %dma_start3A_532] : memref<10000x64xf32, #tpu.memory_space<vmem_shared>> -> memref<10000x64xf32, #tpu.memory_space<vmem_shared>>
      tpu.enqueue_indirect_dma source(%arg14 : memref<125x64xf32, #tpu.memory_space<vmem>>) target(%dma_start3A_533 : memref<10000x64xf32, #tpu.memory_space<vmem_shared>>) offsets(%dma_start3A_530 : memref<125xi32, #tpu.memory_space<vmem>>) semaphore(%arg39 : memref<!tpu.dma_semaphore, #tpu.memory_space<semaphore_mem>>) {add = true}
      %add3A_534 = arith.constant 8 : i32
      %add3A_535 = arith.addi %add3A_503, %add3A_534 : i32
      %sub3A_536 = arith.constant 2 : i32
      %sub3A_537 = arith.subi %add3A_535, %sub3A_536 : i32
      %ge3A_538 = arith.constant 8 : i32
      %ge3A_539 = arith.cmpi sge, %sub3A_537, %ge3A_538 : i32
      %lt3A_540 = arith.constant 160 : i32
      %lt3A_541 = arith.cmpi slt, %sub3A_537, %lt3A_540 : i32
      %and3A_542 = arith.andi %ge3A_539, %lt3A_541 : i1
      %convert_element_type3A_543 = arith.extui %and3A_542 : i1 to i32
      %cond3A_544 = arith.constant 0 : i32
      %cond3A_545 = arith.cmpi ne, %convert_element_type3A_543, %cond3A_544 : i32
      scf.if %cond3A_545 {
        %dma_wait3A_638 = arith.constant 3 : i32
        %dma_wait3A_639 = arith.constant 0 : i32
        %dma_wait3A_640 = tpu.memref_slice %arg8[%dma_wait3A_638, %dma_wait3A_639] : memref<8x125xi32, #tpu.memory_space<vmem>> -> memref<1x125xi32, #tpu.memory_space<vmem>>
        %dma_wait3A_641 = tpu.memref_squeeze %dma_wait3A_640 : memref<1x125xi32, #tpu.memory_space<vmem>> -> memref<125xi32, #tpu.memory_space<vmem>>
        %dma_wait3A_642 = arith.constant 0 : i32
        %dma_wait3A_643 = arith.constant 0 : i32
        %dma_wait3A_644 = tpu.memref_slice %arg17[%dma_wait3A_642, %dma_wait3A_643] : memref<10000x64xf32, #tpu.memory_space<vmem_shared>> -> memref<10000x64xf32, #tpu.memory_space<vmem_shared>>
        tpu.wait_indirect_dma semaphore(%arg37 : memref<!tpu.dma_semaphore, #tpu.memory_space<semaphore_mem>>) src(%arg12 : memref<125x64xf32, #tpu.memory_space<vmem>>) dst(%dma_wait3A_644 : memref<10000x64xf32, #tpu.memory_space<vmem_shared>>)
        %dma_start3A_645 = arith.constant 0 : i32
        %dma_start3A_646 = tpu.memref_slice %arg7[%sub3A_537, %dma_start3A_645] : memref<160x125xi32, #tpu.memory_space<vmem>> -> memref<1x125xi32, #tpu.memory_space<vmem>>
        %dma_start3A_647 = tpu.memref_squeeze %dma_start3A_646 : memref<1x125xi32, #tpu.memory_space<vmem>> -> memref<125xi32, #tpu.memory_space<vmem>>
        %dma_start3A_648 = arith.constant 0 : i32
        %dma_start3A_649 = arith.constant 0 : i32
        %dma_start3A_650 = tpu.memref_slice %arg2[%arg0, %dma_start3A_648, %dma_start3A_649] : memref<2x10000x64xf32, #tpu.memory_space<hbm>> -> memref<1x10000x64xf32, #tpu.memory_space<hbm>>
        %dma_start3A_651 = tpu.memref_squeeze %dma_start3A_650 : memref<1x10000x64xf32, #tpu.memory_space<hbm>> -> memref<10000x64xf32, #tpu.memory_space<hbm>>
        %dma_start3A_652 = arith.constant 0 : i32
        %dma_start3A_653 = arith.constant 0 : i32
        %dma_start3A_654 = tpu.memref_slice %dma_start3A_651[%dma_start3A_652, %dma_start3A_653] : memref<10000x64xf32, #tpu.memory_space<hbm>> -> memref<10000x64xf32, #tpu.memory_space<hbm>>
        tpu.enqueue_indirect_dma source(%dma_start3A_654 : memref<10000x64xf32, #tpu.memory_space<hbm>>) target(%arg12 : memref<125x64xf32, #tpu.memory_space<vmem>>) offsets(%dma_start3A_647 : memref<125xi32, #tpu.memory_space<vmem>>) semaphore(%arg21 : memref<!tpu.dma_semaphore, #tpu.memory_space<semaphore_mem>>)
        %dma_start3A_655 = arith.constant 3 : i32
        %dma_start3A_656 = arith.constant 0 : i32
        %dma_start3A_657 = tpu.memref_slice %arg8[%dma_start3A_655, %dma_start3A_656] : memref<8x125xi32, #tpu.memory_space<vmem>> -> memref<1x125xi32, #tpu.memory_space<vmem>>
        %dma_start3A_658 = tpu.memref_squeeze %dma_start3A_657 : memref<1x125xi32, #tpu.memory_space<vmem>> -> memref<125xi32, #tpu.memory_space<vmem>>
        %dma_start3A_659 = arith.constant 0 : i32
        %dma_start3A_660 = tpu.memref_slice %arg4[%arg1, %sub3A_537, %dma_start3A_659] : memref<16x160x125xi32, #tpu.memory_space<hbm>> -> memref<1x1x125xi32, #tpu.memory_space<hbm>>
        %dma_start3A_661 = tpu.memref_squeeze %dma_start3A_660 : memref<1x1x125xi32, #tpu.memory_space<hbm>> -> memref<125xi32, #tpu.memory_space<hbm>>
        %dma_start3A_662 = arith.constant 0 : i32
        %dma_start3A_663 = tpu.memref_slice %arg8[%dma_start3A_655, %dma_start3A_662] : memref<8x125xi32, #tpu.memory_space<vmem>> -> memref<1x125xi32, #tpu.memory_space<vmem>>
        %dma_start3A_664 = tpu.memref_squeeze %dma_start3A_663 : memref<1x125xi32, #tpu.memory_space<vmem>> -> memref<125xi32, #tpu.memory_space<vmem>>
        %dma_start3A_665 = arith.constant 0 : i32
        %dma_start3A_666 = tpu.memref_slice %arg4[%arg1, %sub3A_537, %dma_start3A_665] : memref<16x160x125xi32, #tpu.memory_space<hbm>> -> memref<1x1x125xi32, #tpu.memory_space<hbm>>
        %dma_start3A_667 = tpu.memref_squeeze %dma_start3A_666 : memref<1x1x125xi32, #tpu.memory_space<hbm>> -> memref<125xi32, #tpu.memory_space<hbm>>
        tpu.enqueue_dma source(%dma_start3A_667 : memref<125xi32, #tpu.memory_space<hbm>>) target(%dma_start3A_664 : memref<125xi32, #tpu.memory_space<vmem>>) target_semaphore(%arg29 : memref<!tpu.dma_semaphore, #tpu.memory_space<semaphore_mem>>)
      } else {
      }
      %mul3A_546 = arith.constant 8 : i32
      %mul3A_547 = arith.muli %scan3A_274, %mul3A_546 : i32
      %add3A_548 = arith.constant 6 : i32
      %add3A_549 = arith.addi %mul3A_547, %add3A_548 : i32
      %dma_wait3A_550 = arith.constant 0 : i32
      %dma_wait3A_551 = tpu.memref_slice %arg7[%add3A_549, %dma_wait3A_550] : memref<160x125xi32, #tpu.memory_space<vmem>> -> memref<1x125xi32, #tpu.memory_space<vmem>>
      %dma_wait3A_552 = tpu.memref_squeeze %dma_wait3A_551 : memref<1x125xi32, #tpu.memory_space<vmem>> -> memref<125xi32, #tpu.memory_space<vmem>>
      %dma_wait3A_553 = arith.constant 0 : i32
      %dma_wait3A_554 = arith.constant 0 : i32
      %dma_wait3A_555 = tpu.memref_slice %arg2[%arg0, %dma_wait3A_553, %dma_wait3A_554] : memref<2x10000x64xf32, #tpu.memory_space<hbm>> -> memref<1x10000x64xf32, #tpu.memory_space<hbm>>
      %dma_wait3A_556 = tpu.memref_squeeze %dma_wait3A_555 : memref<1x10000x64xf32, #tpu.memory_space<hbm>> -> memref<10000x64xf32, #tpu.memory_space<hbm>>
      %dma_wait3A_557 = arith.constant 0 : i32
      %dma_wait3A_558 = arith.constant 0 : i32
      %dma_wait3A_559 = tpu.memref_slice %dma_wait3A_556[%dma_wait3A_557, %dma_wait3A_558] : memref<10000x64xf32, #tpu.memory_space<hbm>> -> memref<10000x64xf32, #tpu.memory_space<hbm>>
      tpu.wait_indirect_dma semaphore(%arg24 : memref<!tpu.dma_semaphore, #tpu.memory_space<semaphore_mem>>) src(%dma_wait3A_559 : memref<10000x64xf32, #tpu.memory_space<hbm>>) dst(%arg15 : memref<125x64xf32, #tpu.memory_space<vmem>>)
      %dma_wait3A_560 = arith.constant 6 : i32
      %dma_wait3A_561 = arith.constant 0 : i32
      %dma_wait3A_562 = tpu.memref_slice %arg8[%dma_wait3A_560, %dma_wait3A_561] : memref<8x125xi32, #tpu.memory_space<vmem>> -> memref<1x125xi32, #tpu.memory_space<vmem>>
      %dma_wait3A_563 = tpu.memref_squeeze %dma_wait3A_562 : memref<1x125xi32, #tpu.memory_space<vmem>> -> memref<125xi32, #tpu.memory_space<vmem>>
      %dma_wait3A_564 = arith.constant 0 : i32
      %dma_wait3A_565 = tpu.memref_slice %arg4[%arg1, %add3A_549, %dma_wait3A_564] : memref<16x160x125xi32, #tpu.memory_space<hbm>> -> memref<1x1x125xi32, #tpu.memory_space<hbm>>
      %dma_wait3A_566 = tpu.memref_squeeze %dma_wait3A_565 : memref<1x1x125xi32, #tpu.memory_space<hbm>> -> memref<125xi32, #tpu.memory_space<hbm>>
      %dma_wait3A_567 = arith.constant 0 : i32
      %dma_wait3A_568 = tpu.memref_slice %arg8[%dma_wait3A_560, %dma_wait3A_567] : memref<8x125xi32, #tpu.memory_space<vmem>> -> memref<1x125xi32, #tpu.memory_space<vmem>>
      %dma_wait3A_569 = tpu.memref_squeeze %dma_wait3A_568 : memref<1x125xi32, #tpu.memory_space<vmem>> -> memref<125xi32, #tpu.memory_space<vmem>>
      %dma_wait3A_570 = arith.constant 0 : i32
      %dma_wait3A_571 = tpu.memref_slice %arg4[%arg1, %add3A_549, %dma_wait3A_570] : memref<16x160x125xi32, #tpu.memory_space<hbm>> -> memref<1x1x125xi32, #tpu.memory_space<hbm>>
      %dma_wait3A_572 = tpu.memref_squeeze %dma_wait3A_571 : memref<1x1x125xi32, #tpu.memory_space<hbm>> -> memref<125xi32, #tpu.memory_space<hbm>>
      tpu.wait_dma2 semaphore(%arg32 : memref<!tpu.dma_semaphore, #tpu.memory_space<semaphore_mem>>) src(%dma_wait3A_572 : memref<125xi32, #tpu.memory_space<hbm>>) dst(%dma_wait3A_569 : memref<125xi32, #tpu.memory_space<vmem>>)
      %dma_start3A_573 = arith.constant 6 : i32
      %dma_start3A_574 = arith.constant 0 : i32
      %dma_start3A_575 = tpu.memref_slice %arg8[%dma_start3A_573, %dma_start3A_574] : memref<8x125xi32, #tpu.memory_space<vmem>> -> memref<1x125xi32, #tpu.memory_space<vmem>>
      %dma_start3A_576 = tpu.memref_squeeze %dma_start3A_575 : memref<1x125xi32, #tpu.memory_space<vmem>> -> memref<125xi32, #tpu.memory_space<vmem>>
      %dma_start3A_577 = arith.constant 0 : i32
      %dma_start3A_578 = arith.constant 0 : i32
      %dma_start3A_579 = tpu.memref_slice %arg17[%dma_start3A_577, %dma_start3A_578] : memref<10000x64xf32, #tpu.memory_space<vmem_shared>> -> memref<10000x64xf32, #tpu.memory_space<vmem_shared>>
      tpu.enqueue_indirect_dma source(%arg15 : memref<125x64xf32, #tpu.memory_space<vmem>>) target(%dma_start3A_579 : memref<10000x64xf32, #tpu.memory_space<vmem_shared>>) offsets(%dma_start3A_576 : memref<125xi32, #tpu.memory_space<vmem>>) semaphore(%arg40 : memref<!tpu.dma_semaphore, #tpu.memory_space<semaphore_mem>>) {add = true}
      %add3A_580 = arith.constant 8 : i32
      %add3A_581 = arith.addi %add3A_549, %add3A_580 : i32
      %sub3A_582 = arith.constant 2 : i32
      %sub3A_583 = arith.subi %add3A_581, %sub3A_582 : i32
      %ge3A_584 = arith.constant 8 : i32
      %ge3A_585 = arith.cmpi sge, %sub3A_583, %ge3A_584 : i32
      %lt3A_586 = arith.constant 160 : i32
      %lt3A_587 = arith.cmpi slt, %sub3A_583, %lt3A_586 : i32
      %and3A_588 = arith.andi %ge3A_585, %lt3A_587 : i1
      %convert_element_type3A_589 = arith.extui %and3A_588 : i1 to i32
      %cond3A_590 = arith.constant 0 : i32
      %cond3A_591 = arith.cmpi ne, %convert_element_type3A_589, %cond3A_590 : i32
      scf.if %cond3A_591 {
        %dma_wait3A_638 = arith.constant 4 : i32
        %dma_wait3A_639 = arith.constant 0 : i32
        %dma_wait3A_640 = tpu.memref_slice %arg8[%dma_wait3A_638, %dma_wait3A_639] : memref<8x125xi32, #tpu.memory_space<vmem>> -> memref<1x125xi32, #tpu.memory_space<vmem>>
        %dma_wait3A_641 = tpu.memref_squeeze %dma_wait3A_640 : memref<1x125xi32, #tpu.memory_space<vmem>> -> memref<125xi32, #tpu.memory_space<vmem>>
        %dma_wait3A_642 = arith.constant 0 : i32
        %dma_wait3A_643 = arith.constant 0 : i32
        %dma_wait3A_644 = tpu.memref_slice %arg17[%dma_wait3A_642, %dma_wait3A_643] : memref<10000x64xf32, #tpu.memory_space<vmem_shared>> -> memref<10000x64xf32, #tpu.memory_space<vmem_shared>>
        tpu.wait_indirect_dma semaphore(%arg38 : memref<!tpu.dma_semaphore, #tpu.memory_space<semaphore_mem>>) src(%arg13 : memref<125x64xf32, #tpu.memory_space<vmem>>) dst(%dma_wait3A_644 : memref<10000x64xf32, #tpu.memory_space<vmem_shared>>)
        %dma_start3A_645 = arith.constant 0 : i32
        %dma_start3A_646 = tpu.memref_slice %arg7[%sub3A_583, %dma_start3A_645] : memref<160x125xi32, #tpu.memory_space<vmem>> -> memref<1x125xi32, #tpu.memory_space<vmem>>
        %dma_start3A_647 = tpu.memref_squeeze %dma_start3A_646 : memref<1x125xi32, #tpu.memory_space<vmem>> -> memref<125xi32, #tpu.memory_space<vmem>>
        %dma_start3A_648 = arith.constant 0 : i32
        %dma_start3A_649 = arith.constant 0 : i32
        %dma_start3A_650 = tpu.memref_slice %arg2[%arg0, %dma_start3A_648, %dma_start3A_649] : memref<2x10000x64xf32, #tpu.memory_space<hbm>> -> memref<1x10000x64xf32, #tpu.memory_space<hbm>>
        %dma_start3A_651 = tpu.memref_squeeze %dma_start3A_650 : memref<1x10000x64xf32, #tpu.memory_space<hbm>> -> memref<10000x64xf32, #tpu.memory_space<hbm>>
        %dma_start3A_652 = arith.constant 0 : i32
        %dma_start3A_653 = arith.constant 0 : i32
        %dma_start3A_654 = tpu.memref_slice %dma_start3A_651[%dma_start3A_652, %dma_start3A_653] : memref<10000x64xf32, #tpu.memory_space<hbm>> -> memref<10000x64xf32, #tpu.memory_space<hbm>>
        tpu.enqueue_indirect_dma source(%dma_start3A_654 : memref<10000x64xf32, #tpu.memory_space<hbm>>) target(%arg13 : memref<125x64xf32, #tpu.memory_space<vmem>>) offsets(%dma_start3A_647 : memref<125xi32, #tpu.memory_space<vmem>>) semaphore(%arg22 : memref<!tpu.dma_semaphore, #tpu.memory_space<semaphore_mem>>)
        %dma_start3A_655 = arith.constant 4 : i32
        %dma_start3A_656 = arith.constant 0 : i32
        %dma_start3A_657 = tpu.memref_slice %arg8[%dma_start3A_655, %dma_start3A_656] : memref<8x125xi32, #tpu.memory_space<vmem>> -> memref<1x125xi32, #tpu.memory_space<vmem>>
        %dma_start3A_658 = tpu.memref_squeeze %dma_start3A_657 : memref<1x125xi32, #tpu.memory_space<vmem>> -> memref<125xi32, #tpu.memory_space<vmem>>
        %dma_start3A_659 = arith.constant 0 : i32
        %dma_start3A_660 = tpu.memref_slice %arg4[%arg1, %sub3A_583, %dma_start3A_659] : memref<16x160x125xi32, #tpu.memory_space<hbm>> -> memref<1x1x125xi32, #tpu.memory_space<hbm>>
        %dma_start3A_661 = tpu.memref_squeeze %dma_start3A_660 : memref<1x1x125xi32, #tpu.memory_space<hbm>> -> memref<125xi32, #tpu.memory_space<hbm>>
        %dma_start3A_662 = arith.constant 0 : i32
        %dma_start3A_663 = tpu.memref_slice %arg8[%dma_start3A_655, %dma_start3A_662] : memref<8x125xi32, #tpu.memory_space<vmem>> -> memref<1x125xi32, #tpu.memory_space<vmem>>
        %dma_start3A_664 = tpu.memref_squeeze %dma_start3A_663 : memref<1x125xi32, #tpu.memory_space<vmem>> -> memref<125xi32, #tpu.memory_space<vmem>>
        %dma_start3A_665 = arith.constant 0 : i32
        %dma_start3A_666 = tpu.memref_slice %arg4[%arg1, %sub3A_583, %dma_start3A_665] : memref<16x160x125xi32, #tpu.memory_space<hbm>> -> memref<1x1x125xi32, #tpu.memory_space<hbm>>
        %dma_start3A_667 = tpu.memref_squeeze %dma_start3A_666 : memref<1x1x125xi32, #tpu.memory_space<hbm>> -> memref<125xi32, #tpu.memory_space<hbm>>
        tpu.enqueue_dma source(%dma_start3A_667 : memref<125xi32, #tpu.memory_space<hbm>>) target(%dma_start3A_664 : memref<125xi32, #tpu.memory_space<vmem>>) target_semaphore(%arg30 : memref<!tpu.dma_semaphore, #tpu.memory_space<semaphore_mem>>)
      } else {
      }
      %mul3A_592 = arith.constant 8 : i32
      %mul3A_593 = arith.muli %scan3A_274, %mul3A_592 : i32
      %add3A_594 = arith.constant 7 : i32
      %add3A_595 = arith.addi %mul3A_593, %add3A_594 : i32
      %dma_wait3A_596 = arith.constant 0 : i32
      %dma_wait3A_597 = tpu.memref_slice %arg7[%add3A_595, %dma_wait3A_596] : memref<160x125xi32, #tpu.memory_space<vmem>> -> memref<1x125xi32, #tpu.memory_space<vmem>>
      %dma_wait3A_598 = tpu.memref_squeeze %dma_wait3A_597 : memref<1x125xi32, #tpu.memory_space<vmem>> -> memref<125xi32, #tpu.memory_space<vmem>>
      %dma_wait3A_599 = arith.constant 0 : i32
      %dma_wait3A_600 = arith.constant 0 : i32
      %dma_wait3A_601 = tpu.memref_slice %arg2[%arg0, %dma_wait3A_599, %dma_wait3A_600] : memref<2x10000x64xf32, #tpu.memory_space<hbm>> -> memref<1x10000x64xf32, #tpu.memory_space<hbm>>
      %dma_wait3A_602 = tpu.memref_squeeze %dma_wait3A_601 : memref<1x10000x64xf32, #tpu.memory_space<hbm>> -> memref<10000x64xf32, #tpu.memory_space<hbm>>
      %dma_wait3A_603 = arith.constant 0 : i32
      %dma_wait3A_604 = arith.constant 0 : i32
      %dma_wait3A_605 = tpu.memref_slice %dma_wait3A_602[%dma_wait3A_603, %dma_wait3A_604] : memref<10000x64xf32, #tpu.memory_space<hbm>> -> memref<10000x64xf32, #tpu.memory_space<hbm>>
      tpu.wait_indirect_dma semaphore(%arg25 : memref<!tpu.dma_semaphore, #tpu.memory_space<semaphore_mem>>) src(%dma_wait3A_605 : memref<10000x64xf32, #tpu.memory_space<hbm>>) dst(%arg16 : memref<125x64xf32, #tpu.memory_space<vmem>>)
      %dma_wait3A_606 = arith.constant 7 : i32
      %dma_wait3A_607 = arith.constant 0 : i32
      %dma_wait3A_608 = tpu.memref_slice %arg8[%dma_wait3A_606, %dma_wait3A_607] : memref<8x125xi32, #tpu.memory_space<vmem>> -> memref<1x125xi32, #tpu.memory_space<vmem>>
      %dma_wait3A_609 = tpu.memref_squeeze %dma_wait3A_608 : memref<1x125xi32, #tpu.memory_space<vmem>> -> memref<125xi32, #tpu.memory_space<vmem>>
      %dma_wait3A_610 = arith.constant 0 : i32
      %dma_wait3A_611 = tpu.memref_slice %arg4[%arg1, %add3A_595, %dma_wait3A_610] : memref<16x160x125xi32, #tpu.memory_space<hbm>> -> memref<1x1x125xi32, #tpu.memory_space<hbm>>
      %dma_wait3A_612 = tpu.memref_squeeze %dma_wait3A_611 : memref<1x1x125xi32, #tpu.memory_space<hbm>> -> memref<125xi32, #tpu.memory_space<hbm>>
      %dma_wait3A_613 = arith.constant 0 : i32
      %dma_wait3A_614 = tpu.memref_slice %arg8[%dma_wait3A_606, %dma_wait3A_613] : memref<8x125xi32, #tpu.memory_space<vmem>> -> memref<1x125xi32, #tpu.memory_space<vmem>>
      %dma_wait3A_615 = tpu.memref_squeeze %dma_wait3A_614 : memref<1x125xi32, #tpu.memory_space<vmem>> -> memref<125xi32, #tpu.memory_space<vmem>>
      %dma_wait3A_616 = arith.constant 0 : i32
      %dma_wait3A_617 = tpu.memref_slice %arg4[%arg1, %add3A_595, %dma_wait3A_616] : memref<16x160x125xi32, #tpu.memory_space<hbm>> -> memref<1x1x125xi32, #tpu.memory_space<hbm>>
      %dma_wait3A_618 = tpu.memref_squeeze %dma_wait3A_617 : memref<1x1x125xi32, #tpu.memory_space<hbm>> -> memref<125xi32, #tpu.memory_space<hbm>>
      tpu.wait_dma2 semaphore(%arg33 : memref<!tpu.dma_semaphore, #tpu.memory_space<semaphore_mem>>) src(%dma_wait3A_618 : memref<125xi32, #tpu.memory_space<hbm>>) dst(%dma_wait3A_615 : memref<125xi32, #tpu.memory_space<vmem>>)
      %dma_start3A_619 = arith.constant 7 : i32
      %dma_start3A_620 = arith.constant 0 : i32
      %dma_start3A_621 = tpu.memref_slice %arg8[%dma_start3A_619, %dma_start3A_620] : memref<8x125xi32, #tpu.memory_space<vmem>> -> memref<1x125xi32, #tpu.memory_space<vmem>>
      %dma_start3A_622 = tpu.memref_squeeze %dma_start3A_621 : memref<1x125xi32, #tpu.memory_space<vmem>> -> memref<125xi32, #tpu.memory_space<vmem>>
      %dma_start3A_623 = arith.constant 0 : i32
      %dma_start3A_624 = arith.constant 0 : i32
      %dma_start3A_625 = tpu.memref_slice %arg17[%dma_start3A_623, %dma_start3A_624] : memref<10000x64xf32, #tpu.memory_space<vmem_shared>> -> memref<10000x64xf32, #tpu.memory_space<vmem_shared>>
      tpu.enqueue_indirect_dma source(%arg16 : memref<125x64xf32, #tpu.memory_space<vmem>>) target(%dma_start3A_625 : memref<10000x64xf32, #tpu.memory_space<vmem_shared>>) offsets(%dma_start3A_622 : memref<125xi32, #tpu.memory_space<vmem>>) semaphore(%arg41 : memref<!tpu.dma_semaphore, #tpu.memory_space<semaphore_mem>>) {add = true}
      %add3A_626 = arith.constant 8 : i32
      %add3A_627 = arith.addi %add3A_595, %add3A_626 : i32
      %sub3A_628 = arith.constant 2 : i32
      %sub3A_629 = arith.subi %add3A_627, %sub3A_628 : i32
      %ge3A_630 = arith.constant 8 : i32
      %ge3A_631 = arith.cmpi sge, %sub3A_629, %ge3A_630 : i32
      %lt3A_632 = arith.constant 160 : i32
      %lt3A_633 = arith.cmpi slt, %sub3A_629, %lt3A_632 : i32
      %and3A_634 = arith.andi %ge3A_631, %lt3A_633 : i1
      %convert_element_type3A_635 = arith.extui %and3A_634 : i1 to i32
      %cond3A_636 = arith.constant 0 : i32
      %cond3A_637 = arith.cmpi ne, %convert_element_type3A_635, %cond3A_636 : i32
      scf.if %cond3A_637 {
        %dma_wait3A_638 = arith.constant 5 : i32
        %dma_wait3A_639 = arith.constant 0 : i32
        %dma_wait3A_640 = tpu.memref_slice %arg8[%dma_wait3A_638, %dma_wait3A_639] : memref<8x125xi32, #tpu.memory_space<vmem>> -> memref<1x125xi32, #tpu.memory_space<vmem>>
        %dma_wait3A_641 = tpu.memref_squeeze %dma_wait3A_640 : memref<1x125xi32, #tpu.memory_space<vmem>> -> memref<125xi32, #tpu.memory_space<vmem>>
        %dma_wait3A_642 = arith.constant 0 : i32
        %dma_wait3A_643 = arith.constant 0 : i32
        %dma_wait3A_644 = tpu.memref_slice %arg17[%dma_wait3A_642, %dma_wait3A_643] : memref<10000x64xf32, #tpu.memory_space<vmem_shared>> -> memref<10000x64xf32, #tpu.memory_space<vmem_shared>>
        tpu.wait_indirect_dma semaphore(%arg39 : memref<!tpu.dma_semaphore, #tpu.memory_space<semaphore_mem>>) src(%arg14 : memref<125x64xf32, #tpu.memory_space<vmem>>) dst(%dma_wait3A_644 : memref<10000x64xf32, #tpu.memory_space<vmem_shared>>)
        %dma_start3A_645 = arith.constant 0 : i32
        %dma_start3A_646 = tpu.memref_slice %arg7[%sub3A_629, %dma_start3A_645] : memref<160x125xi32, #tpu.memory_space<vmem>> -> memref<1x125xi32, #tpu.memory_space<vmem>>
        %dma_start3A_647 = tpu.memref_squeeze %dma_start3A_646 : memref<1x125xi32, #tpu.memory_space<vmem>> -> memref<125xi32, #tpu.memory_space<vmem>>
        %dma_start3A_648 = arith.constant 0 : i32
        %dma_start3A_649 = arith.constant 0 : i32
        %dma_start3A_650 = tpu.memref_slice %arg2[%arg0, %dma_start3A_648, %dma_start3A_649] : memref<2x10000x64xf32, #tpu.memory_space<hbm>> -> memref<1x10000x64xf32, #tpu.memory_space<hbm>>
        %dma_start3A_651 = tpu.memref_squeeze %dma_start3A_650 : memref<1x10000x64xf32, #tpu.memory_space<hbm>> -> memref<10000x64xf32, #tpu.memory_space<hbm>>
        %dma_start3A_652 = arith.constant 0 : i32
        %dma_start3A_653 = arith.constant 0 : i32
        %dma_start3A_654 = tpu.memref_slice %dma_start3A_651[%dma_start3A_652, %dma_start3A_653] : memref<10000x64xf32, #tpu.memory_space<hbm>> -> memref<10000x64xf32, #tpu.memory_space<hbm>>
        tpu.enqueue_indirect_dma source(%dma_start3A_654 : memref<10000x64xf32, #tpu.memory_space<hbm>>) target(%arg14 : memref<125x64xf32, #tpu.memory_space<vmem>>) offsets(%dma_start3A_647 : memref<125xi32, #tpu.memory_space<vmem>>) semaphore(%arg23 : memref<!tpu.dma_semaphore, #tpu.memory_space<semaphore_mem>>)
        %dma_start3A_655 = arith.constant 5 : i32
        %dma_start3A_656 = arith.constant 0 : i32
        %dma_start3A_657 = tpu.memref_slice %arg8[%dma_start3A_655, %dma_start3A_656] : memref<8x125xi32, #tpu.memory_space<vmem>> -> memref<1x125xi32, #tpu.memory_space<vmem>>
        %dma_start3A_658 = tpu.memref_squeeze %dma_start3A_657 : memref<1x125xi32, #tpu.memory_space<vmem>> -> memref<125xi32, #tpu.memory_space<vmem>>
        %dma_start3A_659 = arith.constant 0 : i32
        %dma_start3A_660 = tpu.memref_slice %arg4[%arg1, %sub3A_629, %dma_start3A_659] : memref<16x160x125xi32, #tpu.memory_space<hbm>> -> memref<1x1x125xi32, #tpu.memory_space<hbm>>
        %dma_start3A_661 = tpu.memref_squeeze %dma_start3A_660 : memref<1x1x125xi32, #tpu.memory_space<hbm>> -> memref<125xi32, #tpu.memory_space<hbm>>
        %dma_start3A_662 = arith.constant 0 : i32
        %dma_start3A_663 = tpu.memref_slice %arg8[%dma_start3A_655, %dma_start3A_662] : memref<8x125xi32, #tpu.memory_space<vmem>> -> memref<1x125xi32, #tpu.memory_space<vmem>>
        %dma_start3A_664 = tpu.memref_squeeze %dma_start3A_663 : memref<1x125xi32, #tpu.memory_space<vmem>> -> memref<125xi32, #tpu.memory_space<vmem>>
        %dma_start3A_665 = arith.constant 0 : i32
        %dma_start3A_666 = tpu.memref_slice %arg4[%arg1, %sub3A_629, %dma_start3A_665] : memref<16x160x125xi32, #tpu.memory_space<hbm>> -> memref<1x1x125xi32, #tpu.memory_space<hbm>>
        %dma_start3A_667 = tpu.memref_squeeze %dma_start3A_666 : memref<1x1x125xi32, #tpu.memory_space<hbm>> -> memref<125xi32, #tpu.memory_space<hbm>>
        tpu.enqueue_dma source(%dma_start3A_667 : memref<125xi32, #tpu.memory_space<hbm>>) target(%dma_start3A_664 : memref<125xi32, #tpu.memory_space<vmem>>) target_semaphore(%arg31 : memref<!tpu.dma_semaphore, #tpu.memory_space<semaphore_mem>>)
      } else {
      }
    }
    %scan3A_208 = arith.constant 20 : i32
    %dma_wait3A = arith.constant 0 : i32
    %dma_wait3A_209 = arith.constant 0 : i32
    %dma_wait3A_210 = tpu.memref_slice %arg8[%dma_wait3A, %dma_wait3A_209] : memref<8x125xi32, #tpu.memory_space<vmem>> -> memref<1x125xi32, #tpu.memory_space<vmem>>
    %dma_wait3A_211 = tpu.memref_squeeze %dma_wait3A_210 : memref<1x125xi32, #tpu.memory_space<vmem>> -> memref<125xi32, #tpu.memory_space<vmem>>
    %dma_wait3A_212 = arith.constant 0 : i32
    %dma_wait3A_213 = arith.constant 0 : i32
    %dma_wait3A_214 = tpu.memref_slice %arg17[%dma_wait3A_212, %dma_wait3A_213] : memref<10000x64xf32, #tpu.memory_space<vmem_shared>> -> memref<10000x64xf32, #tpu.memory_space<vmem_shared>>
    tpu.wait_indirect_dma semaphore(%arg34 : memref<!tpu.dma_semaphore, #tpu.memory_space<semaphore_mem>>) src(%arg9 : memref<125x64xf32, #tpu.memory_space<vmem>>) dst(%dma_wait3A_214 : memref<10000x64xf32, #tpu.memory_space<vmem_shared>>)
    %dma_wait3A_215 = arith.constant 1 : i32
    %dma_wait3A_216 = arith.constant 0 : i32
    %dma_wait3A_217 = tpu.memref_slice %arg8[%dma_wait3A_215, %dma_wait3A_216] : memref<8x125xi32, #tpu.memory_space<vmem>> -> memref<1x125xi32, #tpu.memory_space<vmem>>
    %dma_wait3A_218 = tpu.memref_squeeze %dma_wait3A_217 : memref<1x125xi32, #tpu.memory_space<vmem>> -> memref<125xi32, #tpu.memory_space<vmem>>
    %dma_wait3A_219 = arith.constant 0 : i32
    %dma_wait3A_220 = arith.constant 0 : i32
    %dma_wait3A_221 = tpu.memref_slice %arg17[%dma_wait3A_219, %dma_wait3A_220] : memref<10000x64xf32, #tpu.memory_space<vmem_shared>> -> memref<10000x64xf32, #tpu.memory_space<vmem_shared>>
    tpu.wait_indirect_dma semaphore(%arg35 : memref<!tpu.dma_semaphore, #tpu.memory_space<semaphore_mem>>) src(%arg10 : memref<125x64xf32, #tpu.memory_space<vmem>>) dst(%dma_wait3A_221 : memref<10000x64xf32, #tpu.memory_space<vmem_shared>>)
    %dma_wait3A_222 = arith.constant 2 : i32
    %dma_wait3A_223 = arith.constant 0 : i32
    %dma_wait3A_224 = tpu.memref_slice %arg8[%dma_wait3A_222, %dma_wait3A_223] : memref<8x125xi32, #tpu.memory_space<vmem>> -> memref<1x125xi32, #tpu.memory_space<vmem>>
    %dma_wait3A_225 = tpu.memref_squeeze %dma_wait3A_224 : memref<1x125xi32, #tpu.memory_space<vmem>> -> memref<125xi32, #tpu.memory_space<vmem>>
    %dma_wait3A_226 = arith.constant 0 : i32
    %dma_wait3A_227 = arith.constant 0 : i32
    %dma_wait3A_228 = tpu.memref_slice %arg17[%dma_wait3A_226, %dma_wait3A_227] : memref<10000x64xf32, #tpu.memory_space<vmem_shared>> -> memref<10000x64xf32, #tpu.memory_space<vmem_shared>>
    tpu.wait_indirect_dma semaphore(%arg36 : memref<!tpu.dma_semaphore, #tpu.memory_space<semaphore_mem>>) src(%arg11 : memref<125x64xf32, #tpu.memory_space<vmem>>) dst(%dma_wait3A_228 : memref<10000x64xf32, #tpu.memory_space<vmem_shared>>)
    %dma_wait3A_229 = arith.constant 3 : i32
    %dma_wait3A_230 = arith.constant 0 : i32
    %dma_wait3A_231 = tpu.memref_slice %arg8[%dma_wait3A_229, %dma_wait3A_230] : memref<8x125xi32, #tpu.memory_space<vmem>> -> memref<1x125xi32, #tpu.memory_space<vmem>>
    %dma_wait3A_232 = tpu.memref_squeeze %dma_wait3A_231 : memref<1x125xi32, #tpu.memory_space<vmem>> -> memref<125xi32, #tpu.memory_space<vmem>>
    %dma_wait3A_233 = arith.constant 0 : i32
    %dma_wait3A_234 = arith.constant 0 : i32
    %dma_wait3A_235 = tpu.memref_slice %arg17[%dma_wait3A_233, %dma_wait3A_234] : memref<10000x64xf32, #tpu.memory_space<vmem_shared>> -> memref<10000x64xf32, #tpu.memory_space<vmem_shared>>
    tpu.wait_indirect_dma semaphore(%arg37 : memref<!tpu.dma_semaphore, #tpu.memory_space<semaphore_mem>>) src(%arg12 : memref<125x64xf32, #tpu.memory_space<vmem>>) dst(%dma_wait3A_235 : memref<10000x64xf32, #tpu.memory_space<vmem_shared>>)
    %dma_wait3A_236 = arith.constant 4 : i32
    %dma_wait3A_237 = arith.constant 0 : i32
    %dma_wait3A_238 = tpu.memref_slice %arg8[%dma_wait3A_236, %dma_wait3A_237] : memref<8x125xi32, #tpu.memory_space<vmem>> -> memref<1x125xi32, #tpu.memory_space<vmem>>
    %dma_wait3A_239 = tpu.memref_squeeze %dma_wait3A_238 : memref<1x125xi32, #tpu.memory_space<vmem>> -> memref<125xi32, #tpu.memory_space<vmem>>
    %dma_wait3A_240 = arith.constant 0 : i32
    %dma_wait3A_241 = arith.constant 0 : i32
    %dma_wait3A_242 = tpu.memref_slice %arg17[%dma_wait3A_240, %dma_wait3A_241] : memref<10000x64xf32, #tpu.memory_space<vmem_shared>> -> memref<10000x64xf32, #tpu.memory_space<vmem_shared>>
    tpu.wait_indirect_dma semaphore(%arg38 : memref<!tpu.dma_semaphore, #tpu.memory_space<semaphore_mem>>) src(%arg13 : memref<125x64xf32, #tpu.memory_space<vmem>>) dst(%dma_wait3A_242 : memref<10000x64xf32, #tpu.memory_space<vmem_shared>>)
    %dma_wait3A_243 = arith.constant 5 : i32
    %dma_wait3A_244 = arith.constant 0 : i32
    %dma_wait3A_245 = tpu.memref_slice %arg8[%dma_wait3A_243, %dma_wait3A_244] : memref<8x125xi32, #tpu.memory_space<vmem>> -> memref<1x125xi32, #tpu.memory_space<vmem>>
    %dma_wait3A_246 = tpu.memref_squeeze %dma_wait3A_245 : memref<1x125xi32, #tpu.memory_space<vmem>> -> memref<125xi32, #tpu.memory_space<vmem>>
    %dma_wait3A_247 = arith.constant 0 : i32
    %dma_wait3A_248 = arith.constant 0 : i32
    %dma_wait3A_249 = tpu.memref_slice %arg17[%dma_wait3A_247, %dma_wait3A_248] : memref<10000x64xf32, #tpu.memory_space<vmem_shared>> -> memref<10000x64xf32, #tpu.memory_space<vmem_shared>>
    tpu.wait_indirect_dma semaphore(%arg39 : memref<!tpu.dma_semaphore, #tpu.memory_space<semaphore_mem>>) src(%arg14 : memref<125x64xf32, #tpu.memory_space<vmem>>) dst(%dma_wait3A_249 : memref<10000x64xf32, #tpu.memory_space<vmem_shared>>)
    %dma_wait3A_250 = arith.constant 6 : i32
    %dma_wait3A_251 = arith.constant 0 : i32
    %dma_wait3A_252 = tpu.memref_slice %arg8[%dma_wait3A_250, %dma_wait3A_251] : memref<8x125xi32, #tpu.memory_space<vmem>> -> memref<1x125xi32, #tpu.memory_space<vmem>>
    %dma_wait3A_253 = tpu.memref_squeeze %dma_wait3A_252 : memref<1x125xi32, #tpu.memory_space<vmem>> -> memref<125xi32, #tpu.memory_space<vmem>>
    %dma_wait3A_254 = arith.constant 0 : i32
    %dma_wait3A_255 = arith.constant 0 : i32
    %dma_wait3A_256 = tpu.memref_slice %arg17[%dma_wait3A_254, %dma_wait3A_255] : memref<10000x64xf32, #tpu.memory_space<vmem_shared>> -> memref<10000x64xf32, #tpu.memory_space<vmem_shared>>
    tpu.wait_indirect_dma semaphore(%arg40 : memref<!tpu.dma_semaphore, #tpu.memory_space<semaphore_mem>>) src(%arg15 : memref<125x64xf32, #tpu.memory_space<vmem>>) dst(%dma_wait3A_256 : memref<10000x64xf32, #tpu.memory_space<vmem_shared>>)
    %dma_wait3A_257 = arith.constant 7 : i32
    %dma_wait3A_258 = arith.constant 0 : i32
    %dma_wait3A_259 = tpu.memref_slice %arg8[%dma_wait3A_257, %dma_wait3A_258] : memref<8x125xi32, #tpu.memory_space<vmem>> -> memref<1x125xi32, #tpu.memory_space<vmem>>
    %dma_wait3A_260 = tpu.memref_squeeze %dma_wait3A_259 : memref<1x125xi32, #tpu.memory_space<vmem>> -> memref<125xi32, #tpu.memory_space<vmem>>
    %dma_wait3A_261 = arith.constant 0 : i32
    %dma_wait3A_262 = arith.constant 0 : i32
    %dma_wait3A_263 = tpu.memref_slice %arg17[%dma_wait3A_261, %dma_wait3A_262] : memref<10000x64xf32, #tpu.memory_space<vmem_shared>> -> memref<10000x64xf32, #tpu.memory_space<vmem_shared>>
    tpu.wait_indirect_dma semaphore(%arg41 : memref<!tpu.dma_semaphore, #tpu.memory_space<semaphore_mem>>) src(%arg16 : memref<125x64xf32, #tpu.memory_space<vmem>>) dst(%dma_wait3A_263 : memref<10000x64xf32, #tpu.memory_space<vmem_shared>>)
    %barrier3A_264 = arith.constant 0 : index
    tpu.barrier barrier_id(%barrier3A_264)
    %mul3A_265 = arith.constant 624 : i32
    %mul3A_266 = arith.muli %arg1, %mul3A_265 : i32
    %mul3A_267 = arith.constant 624 : i32
    %mul3A_268 = arith.muli %arg1, %mul3A_267 : i32
    "tpu.region"() ({
      %run_scoped3A = tpu.sem_alloc : memref<!tpu.dma_semaphore, #tpu.memory_space<semaphore_mem>>
      %dma_start3A_274 = tpu.memref_slice %arg6[%mul3A_268, %mul3A_0] : memref<10000x128xf32, #tpu.memory_space<hbm>> -> memref<624x64xf32, #tpu.memory_space<hbm>>
      %dma_start3A_275 = arith.constant 0 : i32
      %dma_start3A_276 = tpu.memref_slice %arg17[%mul3A_266, %dma_start3A_275] : memref<10000x64xf32, #tpu.memory_space<vmem_shared>> -> memref<624x64xf32, #tpu.memory_space<vmem_shared>>
      tpu.enqueue_dma source(%dma_start3A_276 : memref<624x64xf32, #tpu.memory_space<vmem_shared>>) target(%dma_start3A_274 : memref<624x64xf32, #tpu.memory_space<hbm>>) target_semaphore(%run_scoped3A : memref<!tpu.dma_semaphore, #tpu.memory_space<semaphore_mem>>)
      %dma_wait3A_277 = tpu.memref_slice %arg6[%mul3A_268, %mul3A_0] : memref<10000x128xf32, #tpu.memory_space<hbm>> -> memref<624x64xf32, #tpu.memory_space<hbm>>
      %dma_wait3A_278 = arith.constant 0 : i32
      %dma_wait3A_279 = tpu.memref_slice %arg17[%mul3A_266, %dma_wait3A_278] : memref<10000x64xf32, #tpu.memory_space<vmem_shared>> -> memref<624x64xf32, #tpu.memory_space<vmem_shared>>
      tpu.wait_dma2 semaphore(%run_scoped3A : memref<!tpu.dma_semaphore, #tpu.memory_space<semaphore_mem>>) src(%dma_wait3A_279 : memref<624x64xf32, #tpu.memory_space<vmem_shared>>) dst(%dma_wait3A_277 : memref<624x64xf32, #tpu.memory_space<hbm>>)
      tpu.yield
    }) : () -> ()
    %eq3A_269 = arith.constant 15 : i32
    %eq3A_270 = arith.cmpi eq, %arg1, %eq3A_269 : i32
    %convert_element_type3A_271 = arith.extui %eq3A_270 : i1 to i32
    %cond3A_272 = arith.constant 0 : i32
    %cond3A_273 = arith.cmpi ne, %convert_element_type3A_271, %cond3A_272 : i32
    scf.if %cond3A_273 {
      "tpu.region"() ({
        %run_scoped3A = tpu.sem_alloc : memref<!tpu.dma_semaphore, #tpu.memory_space<semaphore_mem>>
        %dma_start3A_274 = arith.constant 9984 : i32
        %dma_start3A_275 = tpu.memref_slice %arg6[%dma_start3A_274, %mul3A_0] : memref<10000x128xf32, #tpu.memory_space<hbm>> -> memref<16x64xf32, #tpu.memory_space<hbm>>
        %dma_start3A_276 = arith.constant 9984 : i32
        %dma_start3A_277 = arith.constant 0 : i32
        %dma_start3A_278 = tpu.memref_slice %arg17[%dma_start3A_276, %dma_start3A_277] : memref<10000x64xf32, #tpu.memory_space<vmem_shared>> -> memref<16x64xf32, #tpu.memory_space<vmem_shared>>
        tpu.enqueue_dma source(%dma_start3A_278 : memref<16x64xf32, #tpu.memory_space<vmem_shared>>) target(%dma_start3A_275 : memref<16x64xf32, #tpu.memory_space<hbm>>) target_semaphore(%run_scoped3A : memref<!tpu.dma_semaphore, #tpu.memory_space<semaphore_mem>>)
        %dma_wait3A_279 = arith.constant 9984 : i32
        %dma_wait3A_280 = tpu.memref_slice %arg6[%dma_wait3A_279, %mul3A_0] : memref<10000x128xf32, #tpu.memory_space<hbm>> -> memref<16x64xf32, #tpu.memory_space<hbm>>
        %dma_wait3A_281 = arith.constant 9984 : i32
        %dma_wait3A_282 = arith.constant 0 : i32
        %dma_wait3A_283 = tpu.memref_slice %arg17[%dma_wait3A_281, %dma_wait3A_282] : memref<10000x64xf32, #tpu.memory_space<vmem_shared>> -> memref<16x64xf32, #tpu.memory_space<vmem_shared>>
        tpu.wait_dma2 semaphore(%run_scoped3A : memref<!tpu.dma_semaphore, #tpu.memory_space<semaphore_mem>>) src(%dma_wait3A_283 : memref<16x64xf32, #tpu.memory_space<vmem_shared>>) dst(%dma_wait3A_280 : memref<16x64xf32, #tpu.memory_space<hbm>>)
        tpu.yield
      }) : () -> ()
    } else {
    }
    return
  }
}

module attributes {stable_mosaic.version = 14 : i64} {
  func.func @_prep_body(%arg0: i32, %arg1: memref<10000x128xf32, #tpu.memory_space<vmem>>, %arg2: memref<2x10000x64xf32, #tpu.memory_space<vmem>>) attributes {dimension_semantics = [#tpu.dimension_semantics<arbitrary>], iteration_bounds = array<i64: 1>, scalar_prefetch = 0 : i64, scratch_operands = 0 : i64, tpu.core_type = #tpu.core_type<tc>, window_params = [{transform_indices = @transform_0, window_bounds = array<i64: 10000, 128>}, {transform_indices = @transform_1, window_bounds = array<i64: 2, 10000, 64>}]} {
    %get3A = arith.constant 0 : index
    %get3A_0 = arith.constant 0 : index
    %get3A_1 = vector.load %arg1[%get3A, %get3A_0] : memref<10000x128xf32, #tpu.memory_space<vmem>>, vector<10000x128xf32>
    %slice3A = vector.extract_strided_slice %get3A_1 {offsets = [0, 127], sizes = [10000, 1], strides = [1, 1]} : vector<10000x128xf32> to vector<10000x1xf32>
    %slice3A_2 = vector.extract_strided_slice %get3A_1 {offsets = [0, 0], sizes = [10000, 127], strides = [1, 1]} : vector<10000x128xf32> to vector<10000x127xf32>
    %concatenate3A = tpu.concatenate %slice3A, %slice3A_2 in 1 : vector<10000x1xf32>, vector<10000x127xf32> -> vector<10000x128xf32>
    %slice3A_3 = vector.extract_strided_slice %concatenate3A {offsets = [0, 0], sizes = [10000, 64], strides = [1, 1]} : vector<10000x128xf32> to vector<10000x64xf32>
    %slice3A_4 = vector.extract_strided_slice %concatenate3A {offsets = [0, 64], sizes = [10000, 64], strides = [1, 1]} : vector<10000x128xf32> to vector<10000x64xf32>
    %stack3A = vector.shape_cast %slice3A_3 : vector<10000x64xf32> to vector<1x10000x64xf32>
    %stack3A_5 = vector.shape_cast %slice3A_4 : vector<10000x64xf32> to vector<1x10000x64xf32>
    %stack3A_6 = tpu.concatenate %stack3A, %stack3A_5 in 0 : vector<1x10000x64xf32>, vector<1x10000x64xf32> -> vector<2x10000x64xf32>
    %swap3A = arith.constant 0 : index
    %swap3A_7 = arith.constant 0 : index
    %swap3A_8 = arith.constant 0 : index
    %swap3A_9 = vector.load %arg2[%swap3A, %swap3A_7, %swap3A_8] : memref<2x10000x64xf32, #tpu.memory_space<vmem>>, vector<2x10000x64xf32>
    tpu.vector_store %arg2[%swap3A, %swap3A_7, %swap3A_8], %stack3A_6 {strides = array<i32>} : memref<2x10000x64xf32, #tpu.memory_space<vmem>>, vector<2x10000x64xf32>,
    return
  }
  func.func @transform_0(%arg0: i32) -> (i32, i32) {
    %c0_i32 = arith.constant 0 : i32
    %c0_i32_0 = arith.constant 0 : i32
    return %arg0, %c0_i32 : i32, i32
  }
  func.func @transform_1(%arg0: i32) -> (i32, i32, i32) {
    %c0_i32 = arith.constant 0 : i32
    %c0_i32_0 = arith.constant 0 : i32
    %c0_i32_1 = arith.constant 0 : i32
    return %c0_i32, %arg0, %c0_i32_0 : i32, i32, i32
  }
}

module attributes {stable_mosaic.version = 14 : i64} {
  func.func @_combine_body(%arg0: i32, %arg1: memref<10000x128xf32, #tpu.memory_space<vmem>>, %arg2: memref<10000x128xf32, #tpu.memory_space<vmem>>, %arg3: memref<10000x128xf32, #tpu.memory_space<vmem>>, %arg4: memref<2x10000x64xf32, #tpu.memory_space<vmem>>, %arg5: memref<1x128xf32, #tpu.memory_space<vmem>>) attributes {dimension_semantics = [#tpu.dimension_semantics<arbitrary>], iteration_bounds = array<i64: 1>, scalar_prefetch = 0 : i64, scratch_operands = 0 : i64, tpu.core_type = #tpu.core_type<tc>, window_params = [{transform_indices = @transform_0, window_bounds = array<i64: 10000, 128>}, {transform_indices = @transform_1, window_bounds = array<i64: 10000, 128>}, {transform_indices = @transform_2, window_bounds = array<i64: 10000, 128>}, {transform_indices = @transform_3, window_bounds = array<i64: 2, 10000, 64>}, {pipeline_mode = #tpu.pipeline_mode<synchronous>, transform_indices = @transform_4, window_bounds = array<i64: 1, 128>}]} {
    %get3A = arith.constant 0 : index
    %get3A_0 = arith.constant 0 : index
    %get3A_1 = vector.load %arg1[%get3A, %get3A_0] : memref<10000x128xf32, #tpu.memory_space<vmem>>, vector<10000x128xf32>
    %get3A_2 = arith.constant 0 : index
    %get3A_3 = arith.constant 0 : index
    %get3A_4 = vector.load %arg2[%get3A_2, %get3A_3] : memref<10000x128xf32, #tpu.memory_space<vmem>>, vector<10000x128xf32>
    %add3A = arith.addf %get3A_1, %get3A_4 : vector<10000x128xf32>
    %sign3A = tpu.bitcast %add3A : vector<10000x128xf32> -> vector<10000x128xi32>
    %sign3A_5 = arith.constant -2147483648 : i32
    %sign3A_6 = vector.broadcast %sign3A_5 : i32 to vector<10000x128xi32>
    %sign3A_7 = arith.andi %sign3A, %sign3A_6 : vector<10000x128xi32>
    %sign3A_8 = arith.constant 1065353216 : i32
    %sign3A_9 = vector.broadcast %sign3A_8 : i32 to vector<10000x128xi32>
    %sign3A_10 = arith.ori %sign3A_9, %sign3A_7 : vector<10000x128xi32>
    %sign3A_11 = tpu.bitcast %sign3A_10 : vector<10000x128xi32> -> vector<10000x128xf32>
    %sign3A_12 = math.absf %add3A : vector<10000x128xf32>
    %sign3A_13 = arith.constant 0.000000e+00 : f32
    %sign3A_14 = vector.broadcast %sign3A_13 : f32 to vector<10000x128xf32>
    %sign3A_15 = arith.cmpf ogt, %sign3A_12, %sign3A_14 : vector<10000x128xf32>
    %sign3A_16 = arith.select %sign3A_15, %sign3A_11, %add3A : vector<10000x128xi1>, vector<10000x128xf32>
    %swap3A = arith.constant 0 : index
    %swap3A_17 = arith.constant 0 : index
    %swap3A_18 = vector.load %arg3[%swap3A, %swap3A_17] : memref<10000x128xf32, #tpu.memory_space<vmem>>, vector<10000x128xf32>
    tpu.vector_store %arg3[%swap3A, %swap3A_17], %sign3A_16 {strides = array<i32>} : memref<10000x128xf32, #tpu.memory_space<vmem>>, vector<10000x128xf32>,
    %slice3A = vector.extract_strided_slice %sign3A_16 {offsets = [0, 127], sizes = [10000, 1], strides = [1, 1]} : vector<10000x128xf32> to vector<10000x1xf32>
    %slice3A_19 = vector.extract_strided_slice %sign3A_16 {offsets = [0, 0], sizes = [10000, 127], strides = [1, 1]} : vector<10000x128xf32> to vector<10000x127xf32>
    %concatenate3A = tpu.concatenate %slice3A, %slice3A_19 in 1 : vector<10000x1xf32>, vector<10000x127xf32> -> vector<10000x128xf32>
    %slice3A_20 = vector.extract_strided_slice %concatenate3A {offsets = [0, 0], sizes = [10000, 64], strides = [1, 1]} : vector<10000x128xf32> to vector<10000x64xf32>
    %slice3A_21 = vector.extract_strided_slice %concatenate3A {offsets = [0, 64], sizes = [10000, 64], strides = [1, 1]} : vector<10000x128xf32> to vector<10000x64xf32>
    %stack3A = vector.shape_cast %slice3A_20 : vector<10000x64xf32> to vector<1x10000x64xf32>
    %stack3A_22 = vector.shape_cast %slice3A_21 : vector<10000x64xf32> to vector<1x10000x64xf32>
    %stack3A_23 = tpu.concatenate %stack3A, %stack3A_22 in 0 : vector<1x10000x64xf32>, vector<1x10000x64xf32> -> vector<2x10000x64xf32>
    %swap3A_24 = arith.constant 0 : index
    %swap3A_25 = arith.constant 0 : index
    %swap3A_26 = arith.constant 0 : index
    %swap3A_27 = vector.load %arg4[%swap3A_24, %swap3A_25, %swap3A_26] : memref<2x10000x64xf32, #tpu.memory_space<vmem>>, vector<2x10000x64xf32>
    tpu.vector_store %arg4[%swap3A_24, %swap3A_25, %swap3A_26], %stack3A_23 {strides = array<i32>} : memref<2x10000x64xf32, #tpu.memory_space<vmem>>, vector<2x10000x64xf32>,
    %reduce_sum3A = arith.constant dense<0.000000e+00> : vector<128xf32>
    %reduce_sum3A_28 = vector.multi_reduction <add>, %sign3A_16, %reduce_sum3A [0] : vector<10000x128xf32> to vector<128xf32>
    %broadcast_in_dim3A = vector.shape_cast %reduce_sum3A_28 : vector<128xf32> to vector<1x128xf32>
    %get3A_29 = arith.constant 0 : index
    %get3A_30 = arith.constant 0 : index
    %get3A_31 = vector.load %arg2[%get3A_29, %get3A_30] : memref<10000x128xf32, #tpu.memory_space<vmem>>, vector<10000x128xf32>
    %reduce_sum3A_32 = arith.constant dense<0.000000e+00> : vector<128xf32>
    %reduce_sum3A_33 = vector.multi_reduction <add>, %get3A_31, %reduce_sum3A_32 [0] : vector<10000x128xf32> to vector<128xf32>
    %broadcast_in_dim3A_34 = vector.shape_cast %reduce_sum3A_33 : vector<128xf32> to vector<1x128xf32>
    %add3A_35 = arith.addf %broadcast_in_dim3A, %broadcast_in_dim3A_34 : vector<1x128xf32>
    %eq3A = arith.constant 0 : i32
    %eq3A_36 = arith.cmpi eq, %arg0, %eq3A : i32
    %convert_element_type3A = arith.extui %eq3A_36 : i1 to i32
    %cond3A = arith.constant 0 : i32
    %cond3A_37 = arith.cmpi ne, %convert_element_type3A, %cond3A : i32
    scf.if %cond3A_37 {
      %swap3A_42 = arith.constant 0 : index
      %swap3A_43 = arith.constant 0 : index
      %swap3A_44 = vector.load %arg5[%swap3A_42, %swap3A_43] : memref<1x128xf32, #tpu.memory_space<vmem>>, vector<1x128xf32>
      tpu.vector_store %arg5[%swap3A_42, %swap3A_43], %add3A_35 {strides = array<i32>} : memref<1x128xf32, #tpu.memory_space<vmem>>, vector<1x128xf32>,
    } else {
    }
    %ne3A = arith.constant 0 : i32
    %ne3A_38 = arith.cmpi ne, %arg0, %ne3A : i32
    %convert_element_type3A_39 = arith.extui %ne3A_38 : i1 to i32
    %cond3A_40 = arith.constant 0 : i32
    %cond3A_41 = arith.cmpi ne, %convert_element_type3A_39, %cond3A_40 : i32
    scf.if %cond3A_41 {
      %get3A_42 = arith.constant 0 : index
      %get3A_43 = arith.constant 0 : index
      %get3A_44 = vector.load %arg5[%get3A_42, %get3A_43] : memref<1x128xf32, #tpu.memory_space<vmem>>, vector<1x128xf32>
      %add3A_45 = arith.addf %get3A_44, %add3A_35 : vector<1x128xf32>
      %swap3A_46 = arith.constant 0 : index
      %swap3A_47 = arith.constant 0 : index
      %swap3A_48 = vector.load %arg5[%swap3A_46, %swap3A_47] : memref<1x128xf32, #tpu.memory_space<vmem>>, vector<1x128xf32>
      tpu.vector_store %arg5[%swap3A_46, %swap3A_47], %add3A_45 {strides = array<i32>} : memref<1x128xf32, #tpu.memory_space<vmem>>, vector<1x128xf32>,
    } else {
    }
    return
  }
  func.func @transform_0(%arg0: i32) -> (i32, i32) {
    %c0_i32 = arith.constant 0 : i32
    %c0_i32_0 = arith.constant 0 : i32
    return %arg0, %c0_i32 : i32, i32
  }
  func.func @transform_1(%arg0: i32) -> (i32, i32) {
    %c0_i32 = arith.constant 0 : i32
    %c0_i32_0 = arith.constant 0 : i32
    return %arg0, %c0_i32 : i32, i32
  }
  func.func @transform_2(%arg0: i32) -> (i32, i32) {
    %c0_i32 = arith.constant 0 : i32
    %c0_i32_0 = arith.constant 0 : i32
    return %arg0, %c0_i32 : i32, i32
  }
  func.func @transform_3(%arg0: i32) -> (i32, i32, i32) {
    %c0_i32 = arith.constant 0 : i32
    %c0_i32_0 = arith.constant 0 : i32
    %c0_i32_1 = arith.constant 0 : i32
    return %c0_i32, %arg0, %c0_i32_0 : i32, i32, i32
  }
  func.func @transform_4(%arg0: i32) -> (i32, i32) {
    %c0_i32 = arith.constant 0 : i32
    %c0_i32_0 = arith.constant 0 : i32
    %c0_i32_1 = arith.constant 0 : i32
    return %c0_i32, %c0_i32_0 : i32, i32
  }
}

module attributes {stable_mosaic.version = 14 : i64} {
  func.func @_combine_body(%arg0: i32, %arg1: memref<10000x128xf32, #tpu.memory_space<vmem>>, %arg2: memref<10000x128xf32, #tpu.memory_space<vmem>>, %arg3: memref<10000x128xf32, #tpu.memory_space<vmem>>, %arg4: memref<2x10000x64xf32, #tpu.memory_space<vmem>>, %arg5: memref<1x128xf32, #tpu.memory_space<vmem>>) attributes {dimension_semantics = [#tpu.dimension_semantics<arbitrary>], iteration_bounds = array<i64: 1>, scalar_prefetch = 0 : i64, scratch_operands = 0 : i64, tpu.core_type = #tpu.core_type<tc>, window_params = [{transform_indices = @transform_0, window_bounds = array<i64: 10000, 128>}, {transform_indices = @transform_1, window_bounds = array<i64: 10000, 128>}, {transform_indices = @transform_2, window_bounds = array<i64: 10000, 128>}, {transform_indices = @transform_3, window_bounds = array<i64: 2, 10000, 64>}, {pipeline_mode = #tpu.pipeline_mode<synchronous>, transform_indices = @transform_4, window_bounds = array<i64: 1, 128>}]} {
    %get3A = arith.constant 0 : index
    %get3A_0 = arith.constant 0 : index
    %get3A_1 = vector.load %arg1[%get3A, %get3A_0] : memref<10000x128xf32, #tpu.memory_space<vmem>>, vector<10000x128xf32>
    %get3A_2 = arith.constant 0 : index
    %get3A_3 = arith.constant 0 : index
    %get3A_4 = vector.load %arg2[%get3A_2, %get3A_3] : memref<10000x128xf32, #tpu.memory_space<vmem>>, vector<10000x128xf32>
    %add3A = arith.addf %get3A_1, %get3A_4 : vector<10000x128xf32>
    %sign3A = tpu.bitcast %add3A : vector<10000x128xf32> -> vector<10000x128xi32>
    %sign3A_5 = arith.constant -2147483648 : i32
    %sign3A_6 = vector.broadcast %sign3A_5 : i32 to vector<10000x128xi32>
    %sign3A_7 = arith.andi %sign3A, %sign3A_6 : vector<10000x128xi32>
    %sign3A_8 = arith.constant 1065353216 : i32
    %sign3A_9 = vector.broadcast %sign3A_8 : i32 to vector<10000x128xi32>
    %sign3A_10 = arith.ori %sign3A_9, %sign3A_7 : vector<10000x128xi32>
    %sign3A_11 = tpu.bitcast %sign3A_10 : vector<10000x128xi32> -> vector<10000x128xf32>
    %sign3A_12 = math.absf %add3A : vector<10000x128xf32>
    %sign3A_13 = arith.constant 0.000000e+00 : f32
    %sign3A_14 = vector.broadcast %sign3A_13 : f32 to vector<10000x128xf32>
    %sign3A_15 = arith.cmpf ogt, %sign3A_12, %sign3A_14 : vector<10000x128xf32>
    %sign3A_16 = arith.select %sign3A_15, %sign3A_11, %add3A : vector<10000x128xi1>, vector<10000x128xf32>
    %swap3A = arith.constant 0 : index
    %swap3A_17 = arith.constant 0 : index
    %swap3A_18 = vector.load %arg3[%swap3A, %swap3A_17] : memref<10000x128xf32, #tpu.memory_space<vmem>>, vector<10000x128xf32>
    tpu.vector_store %arg3[%swap3A, %swap3A_17], %sign3A_16 {strides = array<i32>} : memref<10000x128xf32, #tpu.memory_space<vmem>>, vector<10000x128xf32>,
    %slice3A = vector.extract_strided_slice %sign3A_16 {offsets = [0, 127], sizes = [10000, 1], strides = [1, 1]} : vector<10000x128xf32> to vector<10000x1xf32>
    %slice3A_19 = vector.extract_strided_slice %sign3A_16 {offsets = [0, 0], sizes = [10000, 127], strides = [1, 1]} : vector<10000x128xf32> to vector<10000x127xf32>
    %concatenate3A = tpu.concatenate %slice3A, %slice3A_19 in 1 : vector<10000x1xf32>, vector<10000x127xf32> -> vector<10000x128xf32>
    %slice3A_20 = vector.extract_strided_slice %concatenate3A {offsets = [0, 0], sizes = [10000, 64], strides = [1, 1]} : vector<10000x128xf32> to vector<10000x64xf32>
    %slice3A_21 = vector.extract_strided_slice %concatenate3A {offsets = [0, 64], sizes = [10000, 64], strides = [1, 1]} : vector<10000x128xf32> to vector<10000x64xf32>
    %stack3A = vector.shape_cast %slice3A_20 : vector<10000x64xf32> to vector<1x10000x64xf32>
    %stack3A_22 = vector.shape_cast %slice3A_21 : vector<10000x64xf32> to vector<1x10000x64xf32>
    %stack3A_23 = tpu.concatenate %stack3A, %stack3A_22 in 0 : vector<1x10000x64xf32>, vector<1x10000x64xf32> -> vector<2x10000x64xf32>
    %swap3A_24 = arith.constant 0 : index
    %swap3A_25 = arith.constant 0 : index
    %swap3A_26 = arith.constant 0 : index
    %swap3A_27 = vector.load %arg4[%swap3A_24, %swap3A_25, %swap3A_26] : memref<2x10000x64xf32, #tpu.memory_space<vmem>>, vector<2x10000x64xf32>
    tpu.vector_store %arg4[%swap3A_24, %swap3A_25, %swap3A_26], %stack3A_23 {strides = array<i32>} : memref<2x10000x64xf32, #tpu.memory_space<vmem>>, vector<2x10000x64xf32>,
    %reduce_sum3A = arith.constant dense<0.000000e+00> : vector<128xf32>
    %reduce_sum3A_28 = vector.multi_reduction <add>, %sign3A_16, %reduce_sum3A [0] : vector<10000x128xf32> to vector<128xf32>
    %broadcast_in_dim3A = vector.shape_cast %reduce_sum3A_28 : vector<128xf32> to vector<1x128xf32>
    %eq3A = arith.constant 0 : i32
    %eq3A_29 = arith.cmpi eq, %arg0, %eq3A : i32
    %convert_element_type3A = arith.extui %eq3A_29 : i1 to i32
    %cond3A = arith.constant 0 : i32
    %cond3A_30 = arith.cmpi ne, %convert_element_type3A, %cond3A : i32
    scf.if %cond3A_30 {
      %swap3A_35 = arith.constant 0 : index
      %swap3A_36 = arith.constant 0 : index
      %swap3A_37 = vector.load %arg5[%swap3A_35, %swap3A_36] : memref<1x128xf32, #tpu.memory_space<vmem>>, vector<1x128xf32>
      tpu.vector_store %arg5[%swap3A_35, %swap3A_36], %broadcast_in_dim3A {strides = array<i32>} : memref<1x128xf32, #tpu.memory_space<vmem>>, vector<1x128xf32>,
    } else {
    }
    %ne3A = arith.constant 0 : i32
    %ne3A_31 = arith.cmpi ne, %arg0, %ne3A : i32
    %convert_element_type3A_32 = arith.extui %ne3A_31 : i1 to i32
    %cond3A_33 = arith.constant 0 : i32
    %cond3A_34 = arith.cmpi ne, %convert_element_type3A_32, %cond3A_33 : i32
    scf.if %cond3A_34 {
      %get3A_35 = arith.constant 0 : index
      %get3A_36 = arith.constant 0 : index
      %get3A_37 = vector.load %arg5[%get3A_35, %get3A_36] : memref<1x128xf32, #tpu.memory_space<vmem>>, vector<1x128xf32>
      %add3A_38 = arith.addf %get3A_37, %broadcast_in_dim3A : vector<1x128xf32>
      %swap3A_39 = arith.constant 0 : index
      %swap3A_40 = arith.constant 0 : index
      %swap3A_41 = vector.load %arg5[%swap3A_39, %swap3A_40] : memref<1x128xf32, #tpu.memory_space<vmem>>, vector<1x128xf32>
      tpu.vector_store %arg5[%swap3A_39, %swap3A_40], %add3A_38 {strides = array<i32>} : memref<1x128xf32, #tpu.memory_space<vmem>>, vector<1x128xf32>,
    } else {
    }
    return
  }
  func.func @transform_0(%arg0: i32) -> (i32, i32) {
    %c0_i32 = arith.constant 0 : i32
    %c0_i32_0 = arith.constant 0 : i32
    return %arg0, %c0_i32 : i32, i32
  }
  func.func @transform_1(%arg0: i32) -> (i32, i32) {
    %c0_i32 = arith.constant 0 : i32
    %c0_i32_0 = arith.constant 0 : i32
    return %arg0, %c0_i32 : i32, i32
  }
  func.func @transform_2(%arg0: i32) -> (i32, i32) {
    %c0_i32 = arith.constant 0 : i32
    %c0_i32_0 = arith.constant 0 : i32
    return %arg0, %c0_i32 : i32, i32
  }
  func.func @transform_3(%arg0: i32) -> (i32, i32, i32) {
    %c0_i32 = arith.constant 0 : i32
    %c0_i32_0 = arith.constant 0 : i32
    %c0_i32_1 = arith.constant 0 : i32
    return %c0_i32, %arg0, %c0_i32_0 : i32, i32, i32
  }
  func.func @transform_4(%arg0: i32) -> (i32, i32) {
    %c0_i32 = arith.constant 0 : i32
    %c0_i32_0 = arith.constant 0 : i32
    %c0_i32_1 = arith.constant 0 : i32
    return %c0_i32, %c0_i32_0 : i32, i32
  }
}

module attributes {stable_mosaic.version = 14 : i64} {
  func.func @_combine_last_body(%arg0: i32, %arg1: memref<10000x128xf32, #tpu.memory_space<vmem>>, %arg2: memref<10000x128xf32, #tpu.memory_space<vmem>>, %arg3: memref<1x128xf32, #tpu.memory_space<vmem>>) attributes {dimension_semantics = [#tpu.dimension_semantics<arbitrary>], iteration_bounds = array<i64: 1>, scalar_prefetch = 0 : i64, scratch_operands = 0 : i64, tpu.core_type = #tpu.core_type<tc>, window_params = [{transform_indices = @transform_0, window_bounds = array<i64: 10000, 128>}, {transform_indices = @transform_1, window_bounds = array<i64: 10000, 128>}, {pipeline_mode = #tpu.pipeline_mode<synchronous>, transform_indices = @transform_2, window_bounds = array<i64: 1, 128>}]} {
    %get3A = arith.constant 0 : index
    %get3A_0 = arith.constant 0 : index
    %get3A_1 = vector.load %arg1[%get3A, %get3A_0] : memref<10000x128xf32, #tpu.memory_space<vmem>>, vector<10000x128xf32>
    %get3A_2 = arith.constant 0 : index
    %get3A_3 = arith.constant 0 : index
    %get3A_4 = vector.load %arg2[%get3A_2, %get3A_3] : memref<10000x128xf32, #tpu.memory_space<vmem>>, vector<10000x128xf32>
    %add3A = arith.addf %get3A_1, %get3A_4 : vector<10000x128xf32>
    %sign3A = tpu.bitcast %add3A : vector<10000x128xf32> -> vector<10000x128xi32>
    %sign3A_5 = arith.constant -2147483648 : i32
    %sign3A_6 = vector.broadcast %sign3A_5 : i32 to vector<10000x128xi32>
    %sign3A_7 = arith.andi %sign3A, %sign3A_6 : vector<10000x128xi32>
    %sign3A_8 = arith.constant 1065353216 : i32
    %sign3A_9 = vector.broadcast %sign3A_8 : i32 to vector<10000x128xi32>
    %sign3A_10 = arith.ori %sign3A_9, %sign3A_7 : vector<10000x128xi32>
    %sign3A_11 = tpu.bitcast %sign3A_10 : vector<10000x128xi32> -> vector<10000x128xf32>
    %sign3A_12 = math.absf %add3A : vector<10000x128xf32>
    %sign3A_13 = arith.constant 0.000000e+00 : f32
    %sign3A_14 = vector.broadcast %sign3A_13 : f32 to vector<10000x128xf32>
    %sign3A_15 = arith.cmpf ogt, %sign3A_12, %sign3A_14 : vector<10000x128xf32>
    %sign3A_16 = arith.select %sign3A_15, %sign3A_11, %add3A : vector<10000x128xi1>, vector<10000x128xf32>
    %reduce_sum3A = arith.constant dense<0.000000e+00> : vector<128xf32>
    %reduce_sum3A_17 = vector.multi_reduction <add>, %sign3A_16, %reduce_sum3A [0] : vector<10000x128xf32> to vector<128xf32>
    %broadcast_in_dim3A = vector.shape_cast %reduce_sum3A_17 : vector<128xf32> to vector<1x128xf32>
    %eq3A = arith.constant 0 : i32
    %eq3A_18 = arith.cmpi eq, %arg0, %eq3A : i32
    %convert_element_type3A = arith.extui %eq3A_18 : i1 to i32
    %cond3A = arith.constant 0 : i32
    %cond3A_19 = arith.cmpi ne, %convert_element_type3A, %cond3A : i32
    scf.if %cond3A_19 {
      %swap3A = arith.constant 0 : index
      %swap3A_24 = arith.constant 0 : index
      %swap3A_25 = vector.load %arg3[%swap3A, %swap3A_24] : memref<1x128xf32, #tpu.memory_space<vmem>>, vector<1x128xf32>
      tpu.vector_store %arg3[%swap3A, %swap3A_24], %broadcast_in_dim3A {strides = array<i32>} : memref<1x128xf32, #tpu.memory_space<vmem>>, vector<1x128xf32>,
    } else {
    }
    %ne3A = arith.constant 0 : i32
    %ne3A_20 = arith.cmpi ne, %arg0, %ne3A : i32
    %convert_element_type3A_21 = arith.extui %ne3A_20 : i1 to i32
    %cond3A_22 = arith.constant 0 : i32
    %cond3A_23 = arith.cmpi ne, %convert_element_type3A_21, %cond3A_22 : i32
    scf.if %cond3A_23 {
      %get3A_24 = arith.constant 0 : index
      %get3A_25 = arith.constant 0 : index
      %get3A_26 = vector.load %arg3[%get3A_24, %get3A_25] : memref<1x128xf32, #tpu.memory_space<vmem>>, vector<1x128xf32>
      %add3A_27 = arith.addf %get3A_26, %broadcast_in_dim3A : vector<1x128xf32>
      %swap3A = arith.constant 0 : index
      %swap3A_28 = arith.constant 0 : index
      %swap3A_29 = vector.load %arg3[%swap3A, %swap3A_28] : memref<1x128xf32, #tpu.memory_space<vmem>>, vector<1x128xf32>
      tpu.vector_store %arg3[%swap3A, %swap3A_28], %add3A_27 {strides = array<i32>} : memref<1x128xf32, #tpu.memory_space<vmem>>, vector<1x128xf32>,
    } else {
    }
    return
  }
  func.func @transform_0(%arg0: i32) -> (i32, i32) {
    %c0_i32 = arith.constant 0 : i32
    %c0_i32_0 = arith.constant 0 : i32
    return %arg0, %c0_i32 : i32, i32
  }
  func.func @transform_1(%arg0: i32) -> (i32, i32) {
    %c0_i32 = arith.constant 0 : i32
    %c0_i32_0 = arith.constant 0 : i32
    return %arg0, %c0_i32 : i32, i32
  }
  func.func @transform_2(%arg0: i32) -> (i32, i32) {
    %c0_i32 = arith.constant 0 : i32
    %c0_i32_0 = arith.constant 0 : i32
    %c0_i32_1 = arith.constant 0 : i32
    return %c0_i32, %c0_i32_0 : i32, i32
  }
}

</mosaic_0001>

<sc_bundles>
// kernel: kernel.12.cloned.1.call-start
scs
__scs_entry_jumppad:
0x0: {  	(pc) =	sbr.rel $0x88, $3  }
0x1: {  	(tag) =	ssettag $0x0;
	lr =	simm.s32 $0x1  }
0x2: {  	[smem:$0x3F9F] =	sst lr;
	_ =	strace $0xD0000000  }
0x3: {  	_ = 	snop  }
0x4: {  	_ = 	snop  }
0x5: {  	_ = 	snop  }
0x6: {  	_ = 	snop  }
0x7: {  	_ = 	snop  }
__scs_overlays_trampoline_lowered:
0x8: {  	[smem:$0x3FAE] =	sst s0  }
0x9: {  	[smem:$0x3FAF] =	sst s1  }
0xa: {  	[smem:$0x3FB0] =	sst s2  }
0xb: {  	[smem:$0x3FB1] =	sst s3  }
0xc: {  	[smem:$0x3FB2] =	sst s4  }
0xd: {  	[smem:$0x3FB3] =	sst s5  }
0xe: {  	[smem:$0x3FB4] =	sst s6  }
0xf: {  	[smem:$0x3FB5] =	sst s7  }
0x10: {  	[smem:$0x3FB6] =	sst s8  }
0x11: {  	[smem:$0x3FB7] =	sst s9;
	s0 =	simm.s32 @!p0 $0x0  }
0x12: {  	s1 =	sld [smem:$0x3F9D];
	s0 =	simm.s32 @p0 $0x1  }
0x13: {  	[smem:$0x3FB8] =	sst s0;
	s0 =	simm.s32 @!p1 $0x0  }
0x14: {  	s2 =	sld [smem:$0x3F9C];
	s0 =	simm.s32 @p1 $0x1  }
0x15: {  	[smem:$0x3FB9] =	sst s0;
	s0 =	simm.s32 @!p2 $0x0  }
0x16: {  	s3 =	sld [smem:$0x3FDB];
	s0 =	simm.s32 @p2 $0x1  }
0x17: {  	s4 =	simm.s32 $0x1BF5;
	[smem:$0x3FBB] =	sst s0  }
0x18: {  	s0 =	sld [smem:$0x3F9E];
	_ =	swait.ge [sflag:s4], $0x0  }
0x19: {  	s7 =	sld [smem:$0x3F9F]  }
0x1a: {  	s8 =	sadd.s32 $0xFFFFE003, lr  }
0x1b: {  	s9 =	sadd.s32 $0xFFFFFEF7, lr;
	s5 =	simm.s32 $0xFFFFFFFF;
	p2 =	slt.u32 s8, $0xFFFFF086  }
0x1c: {  	p1 =	slt.u32 s9, $0xF7A;
	s5 =	simm.s32 @!p2 $0x0  }
0x1d: {  	s5 =	simm.s32 @p1 $0x1;
	p0 =	seq.s32 s7, s2  }
0x1e: {  	s7 =	smul.u32 @!p0 $0xF7A, s2;
	p2 =	seq.s32 @!p0 s5, $0x0  }
0x1f: {  	s9 =	smul.u32 $0xF7A, s1;
	s8 =	simm.s32 @!p0 $0x1BF5;
	p2 =	por !p2, p0  }
0x20: {  	[sflag:s8] =	ssyncset.s32 @!p0 $0xFFFFF086;
	s6 =	sadd.s32 @!p0 s3, s7;
	s7 =	simm.s32 @!p0 $0x108  }
0x21: {  	s3 =	sadd.s32 s3, s9;
	s6 =	sadd.s32 @!p0 $0x88, s6;
	s7 =	simm.s32 @p2 $0x1082  }
0x22: {  	[simem:s7], [sflag:s8] =	dma.local @!p0 [hbm:s6], $0xF7A  }
0x23: {  	s9 =	sor.u32 $0xD0000000, s2;
	s6 =	simm.s32 $0x108;
	_ =	swait.ge @!p0 [sflag:s8], $0x0  }
0x24: {  	s3 =	sadd.s32 $0x88, s3;
	s6 =	simm.s32 @!p1 $0x1082;
	[sflag:s4] =	ssyncset.s32 $0xFFFFF086  }
0x25: {  	[simem:s6], [sflag:s4] =	dma.local [hbm:s3], $0xF7A  }
0x26: {  	[smem:$0x3F9F] =	sst s1;
	(tag) =	ssettag s2;
	_ =	strace s9  }
0x27: {  	s1 =	sld [smem:$0x3FAF]  }
0x28: {  	s2 =	sld [smem:$0x3FB0]  }
0x29: {  	s4 =	sld [smem:$0x3FB2]  }
0x2a: {  	p0 =	seq.s32 s5, $0x0;
	s5 =	sld [smem:$0x3FB3]  }
0x2b: {  	s6 =	sld [smem:$0x3FB4]  }
0x2c: {  	s7 =	sld [smem:$0x3FB5]  }
0x2d: {  	s3 =	simm.s32 $0x108;
	s8 =	sld [smem:$0x3FB6]  }
0x2e: {  	s3 =	simm.s32 @!p0 $0x1082;
	s9 =	sld [smem:$0x3FB7]  }
0x2f: {  	lr =	sadd.s32 s0, s3;
	s0 =	sld [smem:$0x3FAE]  }
0x30: {  	s3 =	sld [smem:$0x3FB1]  }
0x31: {  	[smem:$0x3FBA] =	sst s10  }
0x32: {  	s10 =	sld [smem:$0x3FB8];
	_ =	sdelay $0x3  }
0x33: {  	p0 =	seq.s32 s10, $0x1;
	s10 =	sld [smem:$0x3FBA];
	_ =	sdelay $0x3  }
0x34: {  	[smem:$0x3FBA] =	sst s10  }
0x35: {  	s10 =	sld [smem:$0x3FB9];
	_ =	sdelay $0x3  }
0x36: {  	p1 =	seq.s32 s10, $0x1;
	s10 =	sld [smem:$0x3FBA];
	_ =	sdelay $0x3  }
0x37: {  	[smem:$0x3FBA] =	sst s10  }
0x38: {  	s10 =	sld [smem:$0x3FBB]  }
0x39: {  	_ = 	snop;
	(pc) =	sbr.ind lr, $3  }
0x3a: {  	_ = 	snop  }
0x3b: {  	_ = 	snop  }
0x3c: {  	p2 =	seq.s32 s10, $0x1;
	s10 =	sld [smem:$0x3FBA]  }
0x3d: {  	_ =	shalt  }
0x3e: {  	_ =	shalt  }
0x3f: {  	_ =	shalt  }
0x40: {  	_ =	shalt  }
0x41: {  	_ =	shalt  }
0x42: {  	_ =	shalt  }
0x43: {  	_ =	shalt  }
0x44: {  	_ =	shalt  }
0x45: {  	_ =	shalt  }
0x46: {  	_ =	shalt  }
0x47: {  	_ =	shalt  }
0x48: {  	_ =	shalt  }
0x49: {  	_ =	shalt  }
0x4a: {  	_ =	shalt  }
0x4b: {  	_ =	shalt  }
0x4c: {  	_ =	shalt  }
0x4d: {  	_ =	shalt  }
0x4e: {  	_ =	shalt  }
0x4f: {  	_ =	shalt  }
0x50: {  	_ =	shalt  }
0x51: {  	_ =	shalt  }
0x52: {  	_ =	shalt  }
0x53: {  	_ =	shalt  }
0x54: {  	_ =	shalt  }
0x55: {  	_ =	shalt  }
0x56: {  	_ =	shalt  }
0x57: {  	_ =	shalt  }
0x58: {  	_ =	shalt  }
0x59: {  	_ =	shalt  }
0x5a: {  	_ =	shalt  }
0x5b: {  	_ =	shalt  }
0x5c: {  	_ =	shalt  }
0x5d: {  	_ =	shalt  }
0x5e: {  	_ =	shalt  }
0x5f: {  	_ =	shalt  }
0x60: {  	_ =	shalt  }
0x61: {  	_ =	shalt  }
0x62: {  	_ =	shalt  }
0x63: {  	_ =	shalt  }
0x64: {  	_ =	shalt  }
0x65: {  	_ =	shalt  }
0x66: {  	_ =	shalt  }
0x67: {  	_ =	shalt  }
0x68: {  	_ =	shalt  }
0x69: {  	_ =	shalt  }
0x6a: {  	_ =	shalt  }
0x6b: {  	_ =	shalt  }
0x6c: {  	_ =	shalt  }
0x6d: {  	_ =	shalt  }
0x6e: {  	_ =	shalt  }
0x6f: {  	_ =	shalt  }
0x70: {  	_ =	shalt  }
0x71: {  	_ =	shalt  }
0x72: {  	_ =	shalt  }
0x73: {  	_ =	shalt  }
0x74: {  	_ =	shalt  }
0x75: {  	_ =	shalt  }
0x76: {  	_ =	shalt  }
0x77: {  	_ =	shalt  }
0x78: {  	_ =	shalt  }
0x79: {  	_ =	shalt  }
0x7a: {  	_ =	shalt  }
0x7b: {  	_ =	shalt  }
0x7c: {  	_ =	shalt  }
0x7d: {  	_ =	shalt  }
0x7e: {  	_ =	shalt  }
0x7f: {  	_ =	shalt  }
0x80: {  	_ =	shalt  }
0x81: {  	_ =	shalt  }
0x82: {  	_ =	shalt  }
0x83: {  	_ =	shalt  }
0x84: {  	_ =	shalt  }
0x85: {  	_ =	shalt  }
0x86: {  	_ =	shalt  }
0x87: {  	_ =	shalt  }
.Lfunc_end0:
.L_simem_size_0:
called_computation.1_lowered:
.L_overlay_start_0:
0x88: {  	s2 =	sld [smem:$0x3FD9]  }
0x89: {  	s3 =	sld [smem:$0x3FFE];
	_ =	sdelay $0x1  }
0x8a: {  	s1 =	srdreg.scid  }
0x8b: {  	s0 =	sand.u32 $0x1, s1  }
0x8c: {  	s16 =	sshll.u32 s0, $0xA;
	s2 =	sadd.s32 s3, s2  }
0x8d: {  	s2 =	sadd.s32 s2, s16  }
0x8e: {  	[smem:$0x3FC6] =	sst s2  }
0x8f: {  	_ = 	snop  }
0x90: {  	(tm) =	ssettm $0x1  }
0x91: {  	s17 =	sld [smem:$0x3FFB];
	_ =	sdelay $0x3  }
0x92: {  	_ =	strace s17  }
0x93: {  	s2 =	sld [smem:$0x3FFC];
	_ =	sdelay $0x3  }
0x94: {  	_ =	strace s2  }
0x95: {  	s2 =	sld [smem:$0x3FFD];
	_ =	sdelay $0x3  }
0x96: {  	_ =	strace s2  }
0x97: {  	_ =	strace $0x8FFFFFFF  }
0x98: {  	s18 =	sld [smem:$0x3FDB];
	_ =	sdelay $0x1  }
0x99: {  	s19 =	simm.s32 $_scs_section_size  }
0x9a: {  	s4 =	simm.s32 $_size__tile_overlayer_lowered;
	s5 =	simm.s32 $_tile_overlayer_lowered  }
0x9b: {  	s22 =	simm.s32 $0x1BFF;
	s21 =	sshll.u32 s5, $0x1;
	s2 =	sadd.s32 s19, s18  }
0x9c: {  	s6 =	simm.s32 $0x0;
	s20 =	sshll.u32 s4, $0x1;
	s4 =	sadd.s32 s21, s2  }
0x9d: {  	[timem:s6], [sflag:s22] =	dma.local [hbm:s4], s20  }
0x9e: {  	_ =	swait.ge [sflag:s22], s20  }
0x9f: {  	s3 =	ssub.s32 $0x0, s20;
	[sflag:s22] =	ssyncset.done $0x0  }
0xa0: {  	[sflag:s22] =	ssyncadd.s32 s3;
	_ =	sdelay $0x1  }
0xa1: {  	s23 =	simm.s32 $0x1B8B  }
0xa2: {  	_ =	swait.ge [sflag:s23], $0x1  }
0xa3: {  	[sflag:s23] =	ssyncset.done $0x0  }
0xa4: {  	s25 =	simm.s32 $0x1B8E;
	s24 =	sld [smem:$0x3FFE];
	[sflag:s23] =	ssyncadd.s32 $0xFFFFFFFF  }
0xa5: {  	s26 =	simm.s32 $execute0_lowered;
	[smem:$0x3FD2] =	sst s25  }
0xa6: {  	s4 =	sshll.u32 s26, $0x1;
	_ =	strace $0x80000049;
	[dreg:$0x1] =	wrdreg $0xFFFFFFFF  }
0xa7: {  	s28 =	simm.s32 $_size_execute0_lowered;
	s2 =	sadd.s32 s2, s4;
	[dreg:$0x0] =	wrdreg $0x0  }
0xa8: {  	s4 =	sshll.u32 s28, $0x1;
	[dreg:$0x2] =	wrdreg s2  }
0xa9: {  	[dreg:$0x3] =	wrdreg s4  }
0xaa: {  	[dreg:$0x4] =	wrdreg $0xC0  }
0xab: {  	_ =	task [dreg:s6], $0x5FFFF  }
0xac: {  	[dreg:$0x1] =	wrdreg $0xFFFFFFFF  }
0xad: {  	[dreg:$0x0] =	wrdreg $0x60  }
0xae: {  	[dreg:$0x2] =	wrdreg s24  }
0xaf: {  	[dreg:$0x3] =	wrdreg $0x14E000  }
0xb0: {  	[dreg:$0x4] =	wrdreg $0x9  }
0xb1: {  	_ =	task.clear_ibuf [dreg:s6], $0x5FFFF;
	_ =	strace $0x90000049  }
0xb2: {  	s29 =	simm.s32 $0x9;
	_ =	strace $0x8000004B  }
0xb3: {  	_ =	swait.ge [sflag:s29], $0x1  }
0xb4: {  	[sflag:s29] =	ssyncadd.s32 $0xFFFFFFFF  }
0xb5: {  	_ =	strace $0x9000004B  }
0xb6: {  	_ =	sfence  }
0xb7: {  	s30 =	sld [smem:$0x0];
	_ =	sdelay $0x2  }
0xb8: {  	s31 =	sshll.u32 s1, $0xD;
	s1 =	sshrl.u32 s1, $0x2  }
0xb9: {  	s3 =	sand.u32 $0x4000, s31;
	s1 =	sadd.s32 s1, s30  }
0xba: {  	s0 =	sor.u32 s3, s0;
	s1 =	sshll.u32 s1, $0x11  }
0xbb: {  	s0 =	sor.u32 s1, s0  }
0xbc: {  	s0 =	sadd.s32 $0x8F2B, s0  }
0xbd: {  	[sflag:s0] =	ssyncadd.remote.s32 $0x1  }
0xbe: {  	_ =	sfence.sel $0xFFFF  }
0xbf: {  	[dreg:$0x0] =	wrdreg $0xFFFFFFFF;
	(pc) =	sbr.abs _section_cstart, $3  }
0xc0: {  	[dreg:$0x1] =	wrdreg $0xFFFFFFFF  }
0xc1: {  	_ =	task.clear_ibuf [dreg:s6], $0x2FFFF;
	_ =	strace $0x9FFFFFFF  }
0xc2: {  	(tm) =	ssettm $0x7FFFFFFF  }
0xc3: {  	_ =	shalt  }
tec
execute0_lowered:
.L_overlay_start_1:
0x0: {  	(tag) =	ssettag $0x1  }
0x1: {  	s0 =	rddreg [dreg:$0x0]  }
0x2: {  	s1 =	rddreg [dreg:$0x1];
	s2 =	srdreg.scid;
	s5 =	simm.s32 $0x0  }
0x3: {  	s3 =	stileid.u32;
	s29 =	simm.s32 $0x5200;
	s11 =	simm.s32 $0x1  }
0x4: {  	s12 =	simm.s32 $0x9;
	s13 =	simm.s32 $0x2;
	s15 =	smul.u32 $0x5000, s3  }
0x5: {  	s14 =	simm.s32 $0xA;
	s2 =	sand.u32 $0x1, s2;
	s20 =	smul.u32 $0x27000, s3  }
0x6: {  	[smem:$0x7FF] =	sst s5;
	s8 =	sadd.s32 $0x1600, s0;
	s24 =	smul.u32 $0x13800, s3  }
0x7: {  	s10 =	sadd.s32 $0x3C800, s0;
	s26 =	sadd.s32 $0x9C000, s1;
	s28 =	smul.u32 $0xA00, s3  }
0x8: {  	p0 =	sne.s32 s3, $0xF;
	s3 =	simm.s32 $0x0;
	s4 =	smul.u32 $0x13880, s2  }
0x9: {  	_ =	strace $0x8000004A;
	s6 =	ssub.s32 $0x2, s2;
	[dreg:$0x3] =	wrdreg s10  }
0xa: {  	s25 =	sshll.u32 s2, $0x6;
	[dreg:$0xe] =	wrdreg s26;
	s2 =	sshll.u32 s2, $0x3  }
0xb: {  	s10 =	simm.s32 $0x5380;
	s5 =	sshrl.u32 s15, $0x3;
	s9 =	sshrl.u32 s6, $0x1  }
0xc: {  	s15 =	simm.s32 $0x3;
	s4 =	sadd.s32 s4, s0;
	s7 =	sadd.s32 s5, s0  }
0xd: {  	s0 =	sadd.s32 $0x3DC00, s0;
	s9 =	ssub.s32 s6, s9;
	s17 =	sadd.s32 s8, s5  }
0xe: {  	s16 =	sadd.s32 $0xB600, s7;
	s6 =	sadd.s32 $0x15600, s4;
	[dreg:$0x5] =	wrdreg s17  }
0xf: {  	s18 =	sadd.s32 $0x10, s17;
	s19 =	sadd.s32 $0x20, s17;
	[dreg:$0x4] =	wrdreg s16  }
0x10: {  	s5 =	sadd.s32 $0x30, s17;
	s21 =	sadd.s32 $0x40, s17;
	[dreg:$0x6] =	wrdreg s18  }
0x11: {  	s22 =	sadd.s32 $0x50, s17;
	s23 =	sadd.s32 $0x60, s17;
	[dreg:$0x7] =	wrdreg s19  }
0x12: {  	s4 =	sshrl.u32 s20, $0x2;
	s7 =	sadd.s32 $0x70, s17;
	[dreg:$0x8] =	wrdreg s5  }
0x13: {  	s2 =	sadd.s32 s2, s0;
	s31 =	smax.u32 s9, $0x1;
	[dreg:$0x9] =	wrdreg s21  }
0x14: {  	s20 =	sadd.s32 s28, s8;
	s8 =	simm.s32 $0x19;
	[dreg:$0xa] =	wrdreg s22  }
0x15: {  	s9 =	simm.s32 $0x12EC0;
	s17 =	simm.s32 $0x5;
	[dreg:$0xb] =	wrdreg s23  }
0x16: {  	[dreg:$0xc] =	wrdreg s7;
	s4 =	sadd.s32 s4, s1;
	s30 =	sadd.s32 $0x27000, s2  }
0x17: {  	[dreg:$0x11] =	wrdreg s31;
	s22 =	simm.s32 $0x7D;
	s16 =	simm.s32 $0xB  }
.Ltmp0:
0x18: {  	s18 =	simm.s32 $0xD;
	s19 =	simm.s32 $0x7;
	(pc) =	sbr.rel .LBB2_1-.Ltmp0, $4  }
0x19: {  	s7 =	simm.s32 $0xF;
	[dreg:$0xd] =	wrdreg s4;
	s4 =	sor.u32 s25, s24  }
0x1a: {  	s21 =	simm.s32 $0x10;
	s23 =	simm.s32 $0x15;
	s4 =	sshrl.u32 s4, $0x3  }
0x1b: {  	[dreg:$0x10] =	wrdreg s30;
	s25 =	simm.s32 $0xD100;
	s0 =	sadd.s32 s0, s4  }
0x1c: {  	s24 =	simm.s32 $0x16;
	s4 =	simm.s32 $0x8;
	[dreg:$0xf] =	wrdreg s0  }
.LBB2_4:
0x1d: {  	_ =	swait.ge [sflag:s4], $0x1F40  }
0x1e: {  	[sflag:s4] =	ssyncset.done $0x0  }
0x1f: {  	[sflag:s4] =	ssyncadd.s32 $0xFFFFE0C0  }
0x20: {  	_ =	swait.ge [sflag:s21], $0x80  }
0x21: {  	s9 =	simm.s32 $0x12EC0;
	[sflag:s21] =	ssyncset.done $0x0  }
0x22: {  	s10 =	simm.s32 $0x5380;
	s0 =	simm.s32 $0x11;
	[sflag:s21] =	ssyncadd.s32 $0xFFFFFF80  }
0x23: {  	[spmem:s1] =	stream.indirect.scatter.add.f32 [tilespmem:s9], [sflag:$0x18], $0x40, s10, s22, $0xb8;
	[tilespmem:$0x1EA40] =	vst v63  }
0x24: {  	_ =	swait.ge [sflag:s0], $0x1F40  }
0x25: {  	[sflag:s0] =	ssyncset.done $0x0  }
0x26: {  	s2 =	simm.s32 $0x12;
	[sflag:s0] =	ssyncadd.s32 $0xFFFFE0C0  }
0x27: {  	_ =	swait.ge [sflag:s2], $0x1F40  }
0x28: {  	[sflag:s2] =	ssyncset.done $0x0  }
0x29: {  	s3 =	simm.s32 $0x13;
	[sflag:s2] =	ssyncadd.s32 $0xFFFFE0C0  }
0x2a: {  	_ =	swait.ge [sflag:s3], $0x1F40  }
0x2b: {  	[sflag:s3] =	ssyncset.done $0x0  }
0x2c: {  	s5 =	simm.s32 $0x14;
	[sflag:s3] =	ssyncadd.s32 $0xFFFFE0C0  }
0x2d: {  	_ =	swait.ge [sflag:s5], $0x1F40  }
0x2e: {  	[sflag:s5] =	ssyncset.done $0x0  }
0x2f: {  	[sflag:s5] =	ssyncadd.s32 $0xFFFFE0C0  }
0x30: {  	_ =	swait.ge [sflag:s23], $0x1F40  }
0x31: {  	[sflag:s23] =	ssyncset.done $0x0  }
0x32: {  	[sflag:s23] =	ssyncadd.s32 $0xFFFFE0C0  }
0x33: {  	_ =	swait.ge [sflag:s24], $0x1F40  }
0x34: {  	[sflag:s24] =	ssyncset.done $0x0  }
0x35: {  	s8 =	simm.s32 $0x17;
	[sflag:s24] =	ssyncadd.s32 $0xFFFFE0C0  }
0x36: {  	_ =	swait.ge [sflag:s8], $0x1F40  }
0x37: {  	[sflag:s8] =	ssyncset.done $0x0  }
0x38: {  	s26 =	simm.s32 $0x18;
	[sflag:s8] =	ssyncadd.s32 $0xFFFFE0C0  }
0x39: {  	_ =	swait.ge [sflag:s26], $0x1F40  }
0x3a: {  	[sflag:s26] =	ssyncset.done $0x0  }
0x3b: {  	[sflag:s26] =	ssyncadd.s32 $0xFFFFE0C0  }
0x3c: {  	[bflag:$0x0] =	sbarrier.arrive $0xFFFF  }
0x3d: {  	s28 =	rddreg [dreg:$0xf]  }
0x3e: {  	s26 =	rddreg [dreg:$0x13]  }
0x3f: {  	s8 =	simm.s32 $0x19;
	s2 =	rddreg [dreg:$0x15]  }
0x40: {  	[hbm:s28@s21], [sflag:s26] =	dma.strided [spmem:s2@s4], $0x1380, s11, $0x8   }
0x41: {  	s0 =	simm.s32 @!p0 $0x1;
	_ =	swait.ge [sflag:s8], $0x1380  }
0x42: {  	s3 =	simm.s32 @!p0 $0x8;
	[sflag:s8] =	ssyncset.done $0x0;
	s5 =	rddreg [dreg:$0x10]  }
0x43: {  	s2 =	simm.s32 @!p0 $0x10;
	s28 =	rddreg [dreg:$0x14];
	[sflag:s8] =	ssyncadd.s32 $0xFFFFEC80  }
0x44: {  	[hbm:s5@s2], [sflag:s26] =	dma.strided @!p0 [spmem:s28@s3], $0x80, s0, $0x8   }
0x45: {  	s0 =	simm.s32 @!p0 $0x19  }
0x46: {  	_ =	swait.ge @!p0 [sflag:s0], $0x80  }
0x47: {  	s30 =	rddreg [dreg:$0x12]  }
0x48: {  	s31 =	rddreg [dreg:$0x11];
	s3 =	sadd.s32 $0x1, s30  }
0x49: {  	p1 =	sne.s32 s3, s31  }
.Ltmp1:
0x4a: {  	_ = 	snop;
	(pc) =	sbr.rel @!p1 .LBB2_5-.Ltmp1, $3  }
0x4b: {  	_ =	sdelay $0x1  }
0x4c: {  	[sflag:s0] =	ssyncset.done @!p0 $0x0  }
0x4d: {  	[sflag:s0] =	ssyncadd.s32 @!p0 $0xFFFFFF80  }
.LBB2_1:
0x4e: {  	[dreg:$0x12] =	wrdreg s3  }
0x4f: {  	s0 =	simm.s32 $0x0;
	s2 =	rddreg [dreg:$0x4]  }
0x50: {  	[tilespmem:s0], [sflag:$0x19] =	stream.linear.gather [hbm4b:s2+s0], $0x5000, $0x38;
	[tilespmem:$0x1EA40] =	vst v63  }
0x51: {  	_ =	swait.ge [sflag:s8], $0x5000  }
0x52: {  	[sflag:s8] =	ssyncset.done $0x0  }
0x53: {  	s26 =	simm.s32 $0x5400;
	[sflag:s8] =	ssyncadd.s32 $0xFFFFB000  }
0x54: {  	[tilespmem:s26], [sflag:$0x1] =	stream.indirect.gather [hbm4b:s6+s22], $0x40, s0, s22, $0xb8;
	[tilespmem:$0x1EA40] =	vst v63  }
0x55: {  	s31 =	simm.s32 $0x5000;
	s30 =	rddreg [dreg:$0x5]  }
0x56: {  	[tilespmem:s31], [sflag:$0x9] =	stream.linear.gather [hbm4b:s30+s0], $0x80, $0x38;
	[tilespmem:$0x1EA40] =	vst v63  }
0x57: {  	s5 =	simm.s32 $0x80;
	s26 =	simm.s32 $0x7340  }
0x58: {  	[tilespmem:s26], [sflag:$0x2] =	stream.indirect.gather [hbm4b:s6+s22], $0x40, s5, s22, $0xb8;
	[tilespmem:$0x1EA40] =	vst v63  }
0x59: {  	s30 =	rddreg [dreg:$0x6];
	s31 =	simm.s32 $0x5080  }
0x5a: {  	[tilespmem:s31], [sflag:$0xA] =	stream.linear.gather [hbm4b:s30+s0], $0x80, $0x38;
	[tilespmem:$0x1EA40] =	vst v63  }
0x5b: {  	s5 =	simm.s32 $0x100;
	s26 =	simm.s32 $0x9280  }
0x5c: {  	[tilespmem:s26], [sflag:$0x3] =	stream.indirect.gather [hbm4b:s6+s22], $0x40, s5, s22, $0xb8;
	[tilespmem:$0x1EA40] =	vst v63  }
0x5d: {  	s30 =	rddreg [dreg:$0x7];
	s31 =	simm.s32 $0x5100  }
0x5e: {  	[tilespmem:s31], [sflag:$0xB] =	stream.linear.gather [hbm4b:s30+s0], $0x80, $0x38;
	[tilespmem:$0x1EA40] =	vst v63  }
0x5f: {  	s3 =	simm.s32 $0x180;
	s5 =	simm.s32 $0xB1C0  }
0x60: {  	[tilespmem:s5], [sflag:$0x4] =	stream.indirect.gather [hbm4b:s6+s22], $0x40, s3, s22, $0xb8;
	[tilespmem:$0x1EA40] =	vst v63  }
0x61: {  	s26 =	rddreg [dreg:$0x8];
	s30 =	simm.s32 $0x5180  }
0x62: {  	[tilespmem:s30], [sflag:$0xC] =	stream.linear.gather [hbm4b:s26+s0], $0x80, $0x38;
	[tilespmem:$0x1EA40] =	vst v63  }
0x63: {  	s31 =	simm.s32 $0x200  }
0x64: {  	[tilespmem:s25], [sflag:$0x5] =	stream.indirect.gather [hbm4b:s6+s22], $0x40, s31, s22, $0xb8;
	[tilespmem:$0x1EA40] =	vst v63  }
0x65: {  	s3 =	rddreg [dreg:$0x9]  }
0x66: {  	[tilespmem:s29], [sflag:$0xD] =	stream.linear.gather [hbm4b:s3+s0], $0x80, $0x38;
	[tilespmem:$0x1EA40] =	vst v63  }
0x67: {  	s5 =	simm.s32 $0x280;
	s26 =	simm.s32 $0xF040  }
0x68: {  	[tilespmem:s26], [sflag:$0x6] =	stream.indirect.gather [hbm4b:s6+s22], $0x40, s5, s22, $0xb8;
	[tilespmem:$0x1EA40] =	vst v63  }
0x69: {  	s30 =	rddreg [dreg:$0xa];
	s31 =	simm.s32 $0x5280  }
0x6a: {  	[tilespmem:s31], [sflag:$0xE] =	stream.linear.gather [hbm4b:s30+s0], $0x80, $0x38;
	[tilespmem:$0x1EA40] =	vst v63  }
0x6b: {  	s5 =	simm.s32 $0x300;
	s26 =	simm.s32 $0x10F80  }
0x6c: {  	[tilespmem:s26], [sflag:$0x7] =	stream.indirect.gather [hbm4b:s6+s22], $0x40, s5, s22, $0xb8;
	[tilespmem:$0x1EA40] =	vst v63  }
0x6d: {  	s30 =	rddreg [dreg:$0xb];
	s31 =	simm.s32 $0x5300  }
0x6e: {  	[tilespmem:s31], [sflag:$0xF] =	stream.linear.gather [hbm4b:s30+s0], $0x80, $0x38;
	[tilespmem:$0x1EA40] =	vst v63  }
0x6f: {  	s5 =	simm.s32 $0x380;
	s30 =	rddreg [dreg:$0xd]  }
0x70: {  	[tilespmem:s9], [sflag:$0x8] =	stream.indirect.gather [hbm4b:s6+s22], $0x40, s5, s22, $0xb8;
	[tilespmem:$0x1EA40] =	vst v63  }
0x71: {  	s26 =	stileid.u32;
	s31 =	sshrl.u32 s30, $0x3;
	s9 =	rddreg [dreg:$0xc]  }
0x72: {  	[tilespmem:s10], [sflag:$0x10] =	stream.linear.gather [hbm4b:s9+s0], $0x80, $0x38;
	[tilespmem:$0x1EA40] =	vst v63  }
0x73: {  	[dreg:$0x15] =	wrdreg s31;
	s0 =	sshll.u32 s26, $0x6  }
0x74: {  	s3 =	sor.u32 $0x1C19, s0;
	s0 =	rddreg [dreg:$0x3]  }
0x75: {  	[spmem:s31], [sflag:s3] =	dma.local [hbm:s0], $0x1380  }
0x76: {  	_ =	swait.ge [sflag:s8], $0x1380  }
0x77: {  	s2 =	rddreg [dreg:$0xe]  }
0x78: {  	[dreg:$0x13] =	wrdreg s3;
	[sflag:s8] =	ssyncset.done $0x0;
	s2 =	sshrl.u32 @!p0 s2, $0x3  }
0x79: {  	[sflag:s8] =	ssyncadd.s32 $0xFFFFEC80;
	[dreg:$0x14] =	wrdreg s2  }
0x7a: {  	[spmem:s2], [sflag:s3] =	dma.local @!p0 [hbm:s0], $0x80  }
0x7b: {  	s0 =	simm.s32 @!p0 $0x19  }
0x7c: {  	_ =	swait.ge @!p0 [sflag:s0], $0x80  }
0x7d: {  	[sflag:s0] =	ssyncset.done @!p0 $0x0  }
0x7e: {  	s28 =	simm.s32 $0xFFFFFFF8;
	[sflag:s0] =	ssyncadd.s32 @!p0 $0xFFFFFF80  }
0x7f: {  	s26 =	simm.s32 $0x680;
	s2 =	simm.s32 $0x0;
	[bflag:$0x0] =	sbarrier.arrive $0xFFFF  }
.LBB2_2:
0x80: {  	_ =	swait.ge [sflag:s11], $0x1F40  }
0x81: {  	[sflag:s11] =	ssyncset.done $0x0  }
0x82: {  	[sflag:s11] =	ssyncadd.s32 $0xFFFFE0C0  }
0x83: {  	_ =	swait.ge [sflag:s12], $0x80  }
0x84: {  	s0 =	simm.s32 $0x5400;
	[sflag:s12] =	ssyncset.done $0x0  }
0x85: {  	s3 =	simm.s32 $0x5000;
	p1 =	sgt.u32 s28, $0x97;
	[sflag:s12] =	ssyncadd.s32 $0xFFFFFF80  }
0x86: {  	[spmem:s1] =	stream.indirect.scatter.add.f32 [tilespmem:s0], [sflag:$0x11], $0x40, s3, s22, $0xb8;
	[tilespmem:$0x1EA40] =	vst v63  }
0x87: {  	s0 =	simm.s32 @!p1 $0x17  }
0x88: {  	_ =	swait.ge @!p1 [sflag:s0], $0x1F40  }
0x89: {  	s30 =	simm.s32 @!p1 $0x7D;
	[sflag:s0] =	ssyncset.done @!p1 $0x0  }
0x8a: {  	s31 =	simm.s32 @!p1 $0x10F80;
	[sflag:s0] =	ssyncadd.s32 @!p1 $0xFFFFE0C0;
	s0 =	sadd.s32 @!p1 $0xFFFFFC80, s26  }
0x8b: {  	[tilespmem:s31], [sflag:$0x7] =	stream.indirect.gather @!p1 [hbm4b:s6+s30], $0x40, s0, s30, $0xb8;
	[tilespmem:$0x1EA40] =	vst v63  }
0x8c: {  	s0 =	sadd.s32 @!p1 s2, s20  }
0x8d: {  	s30 =	simm.s32 @!p1 $0x0;
	s31 =	simm.s32 @!p1 $0x5300;
	s0 =	sadd.s32 @!p1 $0x60, s0  }
0x8e: {  	[tilespmem:s31], [sflag:$0xF] =	stream.linear.gather @!p1 [hbm4b:s0+s30], $0x80, $0x38;
	[tilespmem:$0x1EA40] =	vst v63  }
0x8f: {  	_ =	swait.ge [sflag:s13], $0x1F40  }
0x90: {  	[sflag:s13] =	ssyncset.done $0x0  }
0x91: {  	[sflag:s13] =	ssyncadd.s32 $0xFFFFE0C0  }
0x92: {  	_ =	swait.ge [sflag:s14], $0x80  }
0x93: {  	s5 =	simm.s32 $0x7340;
	p1 =	seq.s32 s2, $0x0;
	[sflag:s14] =	ssyncset.done $0x0  }
0x94: {  	s8 =	simm.s32 $0x5080;
	s0 =	simm.s32 @!p1 $0x18;
	[sflag:s14] =	ssyncadd.s32 $0xFFFFFF80  }
0x95: {  	[spmem:s1] =	stream.indirect.scatter.add.f32 [tilespmem:s5], [sflag:$0x12], $0x40, s8, s22, $0xb8;
	[tilespmem:$0x1EA40] =	vst v63  }
0x96: {  	_ =	swait.ge @!p1 [sflag:s0], $0x1F40  }
0x97: {  	s30 =	simm.s32 @!p1 $0x7D;
	[sflag:s0] =	ssyncset.done @!p1 $0x0  }
0x98: {  	s31 =	simm.s32 @!p1 $0x12EC0;
	[sflag:s0] =	ssyncadd.s32 @!p1 $0xFFFFE0C0;
	s0 =	sadd.s32 @!p1 $0xFFFFFD00, s26  }
0x99: {  	[tilespmem:s31], [sflag:$0x8] =	stream.indirect.gather @!p1 [hbm4b:s6+s30], $0x40, s0, s30, $0xb8;
	[tilespmem:$0x1EA40] =	vst v63  }
0x9a: {  	s0 =	sadd.s32 @!p1 s2, s20  }
0x9b: {  	s30 =	simm.s32 @!p1 $0x0;
	s31 =	simm.s32 @!p1 $0x5380;
	s0 =	sadd.s32 @!p1 $0x70, s0  }
0x9c: {  	[tilespmem:s31], [sflag:$0x10] =	stream.linear.gather @!p1 [hbm4b:s0+s30], $0x80, $0x38;
	[tilespmem:$0x1EA40] =	vst v63  }
0x9d: {  	_ =	swait.ge [sflag:s15], $0x1F40  }
0x9e: {  	[sflag:s15] =	ssyncset.done $0x0  }
0x9f: {  	[sflag:s15] =	ssyncadd.s32 $0xFFFFE0C0  }
0xa0: {  	_ =	swait.ge [sflag:s16], $0x80  }
0xa1: {  	s9 =	simm.s32 $0x9280;
	p1 =	seq.s32 s2, $0x980;
	[sflag:s16] =	ssyncset.done $0x0  }
0xa2: {  	s10 =	simm.s32 $0x5100;
	s0 =	simm.s32 @p1 $0x4;
	[sflag:s16] =	ssyncadd.s32 $0xFFFFFF80  }
0xa3: {  	[spmem:s1] =	stream.indirect.scatter.add.f32 [tilespmem:s9], [sflag:$0x13], $0x40, s10, s22, $0xb8;
	[tilespmem:$0x1EA40] =	vst v63  }
0xa4: {  	_ =	swait.ge @p1 [sflag:s0], $0x1F40  }
0xa5: {  	[sflag:s0] =	ssyncset.done @p1 $0x0  }
0xa6: {  	[sflag:s0] =	ssyncadd.s32 @p1 $0xFFFFE0C0;
	s0 =	simm.s32 @p1 $0xC  }
0xa7: {  	_ =	swait.ge @p1 [sflag:s0], $0x80  }
0xa8: {  	s5 =	simm.s32 @p1 $0x7D;
	[sflag:s0] =	ssyncset.done @p1 $0x0  }
0xa9: {  	s30 =	simm.s32 @p1 $0xB1C0;
	[sflag:s0] =	ssyncadd.s32 @p1 $0xFFFFFF80;
	s0 =	simm.s32 @p1 $0x5180  }
0xaa: {  	[spmem:s1] =	stream.indirect.scatter.add.f32 @p1 [tilespmem:s30], [sflag:$0x14], $0x40, s0, s5, $0xb8;
	[tilespmem:$0x1EA40] =	vst v63  }
0xab: {  	s0 =	simm.s32 @!p1 $0x11  }
0xac: {  	_ =	swait.ge @!p1 [sflag:s0], $0x1F40  }
0xad: {  	s31 =	simm.s32 @!p1 $0x5400;
	[sflag:s0] =	ssyncset.done @!p1 $0x0  }
0xae: {  	s30 =	simm.s32 @!p1 $0x7D;
	[sflag:s0] =	ssyncadd.s32 @!p1 $0xFFFFE0C0;
	s0 =	sadd.s32 @!p1 $0xFFFFFD80, s26  }
0xaf: {  	[tilespmem:s31], [sflag:$0x1] =	stream.indirect.gather @!p1 [hbm4b:s6+s30], $0x40, s0, s30, $0xb8;
	[tilespmem:$0x1EA40] =	vst v63  }
0xb0: {  	s0 =	sadd.s32 @!p1 s2, s20  }
0xb1: {  	s9 =	simm.s32 @!p1 $0x5000;
	s31 =	simm.s32 @!p1 $0x0;
	s8 =	sadd.s32 @!p1 $0x80, s0  }
0xb2: {  	[tilespmem:s9], [sflag:$0x9] =	stream.linear.gather @!p1 [hbm4b:s8+s31], $0x80, $0x38;
	[tilespmem:$0x1EA40] =	vst v63  }
0xb3: {  	s8 =	simm.s32 @!p1 $0x4  }
0xb4: {  	_ =	swait.ge @!p1 [sflag:s8], $0x1F40  }
0xb5: {  	[sflag:s8] =	ssyncset.done @!p1 $0x0  }
0xb6: {  	[sflag:s8] =	ssyncadd.s32 @!p1 $0xFFFFE0C0;
	s8 =	simm.s32 @!p1 $0xC  }
0xb7: {  	_ =	swait.ge @!p1 [sflag:s8], $0x80  }
0xb8: {  	s10 =	simm.s32 @!p1 $0x12;
	[sflag:s8] =	ssyncset.done @!p1 $0x0  }
0xb9: {  	s9 =	simm.s32 @!p1 $0xB1C0;
	[sflag:s8] =	ssyncadd.s32 @!p1 $0xFFFFFF80;
	s8 =	simm.s32 @!p1 $0x5180  }
0xba: {  	[spmem:s1] =	stream.indirect.scatter.add.f32 @!p1 [tilespmem:s9], [sflag:$0x14], $0x40, s8, s30, $0xb8;
	[tilespmem:$0x1EA40] =	vst v63  }
0xbb: {  	_ =	swait.ge @!p1 [sflag:s10], $0x1F40  }
0xbc: {  	[sflag:s10] =	ssyncset.done @!p1 $0x0  }
0xbd: {  	s3 =	simm.s32 @!p1 $0x7340;
	[sflag:s10] =	ssyncadd.s32 @!p1 $0xFFFFE0C0;
	s10 =	sadd.s32 @!p1 $0xFFFFFE00, s26  }
0xbe: {  	[tilespmem:s3], [sflag:$0x2] =	stream.indirect.gather @!p1 [hbm4b:s6+s30], $0x40, s10, s30, $0xb8;
	[tilespmem:$0x1EA40] =	vst v63  }
0xbf: {  	s3 =	sadd.s32 @!p1 $0x90, s0;
	s10 =	simm.s32 @!p1 $0x5080  }
0xc0: {  	[tilespmem:s10], [sflag:$0xA] =	stream.linear.gather @!p1 [hbm4b:s3+s31], $0x80, $0x38;
	[tilespmem:$0x1EA40] =	vst v63  }
0xc1: {  	_ =	swait.ge [sflag:s17], $0x1F40  }
0xc2: {  	[sflag:s17] =	ssyncset.done $0x0  }
0xc3: {  	[sflag:s17] =	ssyncadd.s32 $0xFFFFE0C0  }
0xc4: {  	_ =	swait.ge [sflag:s18], $0x80  }
0xc5: {  	[sflag:s18] =	ssyncset.done $0x0  }
0xc6: {  	s3 =	simm.s32 @p1 $0x6;
	[sflag:s18] =	ssyncadd.s32 $0xFFFFFF80  }
0xc7: {  	[spmem:s1] =	stream.indirect.scatter.add.f32 [tilespmem:s25], [sflag:$0x15], $0x40, s29, s22, $0xb8;
	[tilespmem:$0x1EA40] =	vst v63  }
0xc8: {  	_ =	swait.ge @p1 [sflag:s3], $0x1F40  }
0xc9: {  	[sflag:s3] =	ssyncset.done @p1 $0x0  }
0xca: {  	[sflag:s3] =	ssyncadd.s32 @p1 $0xFFFFE0C0;
	s3 =	simm.s32 @p1 $0xE  }
0xcb: {  	_ =	swait.ge @p1 [sflag:s3], $0x80  }
0xcc: {  	[sflag:s3] =	ssyncset.done @p1 $0x0  }
0xcd: {  	s10 =	simm.s32 @p1 $0xF040;
	[sflag:s3] =	ssyncadd.s32 @p1 $0xFFFFFF80;
	s3 =	simm.s32 @p1 $0x5280  }
0xce: {  	[spmem:s1] =	stream.indirect.scatter.add.f32 @p1 [tilespmem:s10], [sflag:$0x16], $0x40, s3, s5, $0xb8;
	[tilespmem:$0x1EA40] =	vst v63  }
0xcf: {  	s3 =	simm.s32 @!p1 $0x13  }
0xd0: {  	_ =	swait.ge @!p1 [sflag:s3], $0x1F40  }
0xd1: {  	[sflag:s3] =	ssyncset.done @!p1 $0x0  }
0xd2: {  	s5 =	simm.s32 @!p1 $0x9280;
	[sflag:s3] =	ssyncadd.s32 @!p1 $0xFFFFE0C0;
	s3 =	sadd.s32 @!p1 $0xFFFFFE80, s26  }
0xd3: {  	[tilespmem:s5], [sflag:$0x3] =	stream.indirect.gather @!p1 [hbm4b:s6+s30], $0x40, s3, s30, $0xb8;
	[tilespmem:$0x1EA40] =	vst v63  }
0xd4: {  	s3 =	sadd.s32 @!p1 $0xA0, s0;
	s5 =	simm.s32 @!p1 $0x5100  }
0xd5: {  	[tilespmem:s5], [sflag:$0xB] =	stream.linear.gather @!p1 [hbm4b:s3+s31], $0x80, $0x38;
	[tilespmem:$0x1EA40] =	vst v63  }
0xd6: {  	s3 =	simm.s32 @!p1 $0x6  }
0xd7: {  	_ =	swait.ge @!p1 [sflag:s3], $0x1F40  }
0xd8: {  	[sflag:s3] =	ssyncset.done @!p1 $0x0  }
0xd9: {  	[sflag:s3] =	ssyncadd.s32 @!p1 $0xFFFFE0C0;
	s3 =	simm.s32 @!p1 $0xE  }
0xda: {  	_ =	swait.ge @!p1 [sflag:s3], $0x80  }
0xdb: {  	[sflag:s3] =	ssyncset.done @!p1 $0x0  }
0xdc: {  	s5 =	simm.s32 @!p1 $0xF040;
	[sflag:s3] =	ssyncadd.s32 @!p1 $0xFFFFFF80;
	s3 =	simm.s32 @!p1 $0x5280  }
0xdd: {  	[spmem:s1] =	stream.indirect.scatter.add.f32 @!p1 [tilespmem:s5], [sflag:$0x16], $0x40, s3, s30, $0xb8;
	[tilespmem:$0x1EA40] =	vst v63  }
0xde: {  	s3 =	simm.s32 @!p1 $0x14  }
0xdf: {  	_ =	swait.ge @!p1 [sflag:s3], $0x1F40  }
0xe0: {  	[sflag:s3] =	ssyncset.done @!p1 $0x0  }
0xe1: {  	[sflag:s3] =	ssyncadd.s32 @!p1 $0xFFFFE0C0;
	s3 =	sadd.s32 @!p1 $0xFFFFFF00, s26  }
0xe2: {  	[tilespmem:s9], [sflag:$0x4] =	stream.indirect.gather @!p1 [hbm4b:s6+s30], $0x40, s3, s30, $0xb8;
	[tilespmem:$0x1EA40] =	vst v63  }
0xe3: {  	s0 =	sadd.s32 @!p1 $0xB0, s0  }
0xe4: {  	[tilespmem:s8], [sflag:$0xC] =	stream.linear.gather @!p1 [hbm4b:s0+s31], $0x80, $0x38;
	[tilespmem:$0x1EA40] =	vst v63  }
0xe5: {  	_ =	swait.ge [sflag:s19], $0x1F40  }
0xe6: {  	[sflag:s19] =	ssyncset.done $0x0  }
.Ltmp2:
0xe7: {  	[sflag:s19] =	ssyncadd.s32 $0xFFFFE0C0;
	(pc) =	sbr.rel @p1 .LBB2_4-.Ltmp2, $4  }
0xe8: {  	_ =	swait.ge [sflag:s7], $0x80  }
0xe9: {  	[sflag:s7] =	ssyncset.done $0x0  }
0xea: {  	s30 =	simm.s32 $0x10F80;
	s31 =	simm.s32 $0x5300;
	[sflag:s7] =	ssyncadd.s32 $0xFFFFFF80  }
0xeb: {  	[spmem:s1] =	stream.indirect.scatter.add.f32 [tilespmem:s30], [sflag:$0x17], $0x40, s31, s22, $0xb8;
	[tilespmem:$0x1EA40] =	vst v63  }
0xec: {  	_ =	swait.ge [sflag:s23], $0x1F40  }
0xed: {  	[sflag:s23] =	ssyncset.done $0x0  }
0xee: {  	s0 =	sadd.s32 $0xFFFFFF80, s26;
	s9 =	sadd.s32 s2, s20;
	[sflag:s23] =	ssyncadd.s32 $0xFFFFE0C0  }
0xef: {  	[tilespmem:s25], [sflag:$0x5] =	stream.indirect.gather [hbm4b:s6+s22], $0x40, s0, s22, $0xb8;
	[tilespmem:$0x1EA40] =	vst v63  }
0xf0: {  	s5 =	simm.s32 $0x0;
	s3 =	sadd.s32 $0xC0, s9  }
0xf1: {  	[tilespmem:s29], [sflag:$0xD] =	stream.linear.gather [hbm4b:s3+s5], $0x80, $0x38;
	[tilespmem:$0x1EA40] =	vst v63  }
0xf2: {  	_ =	swait.ge [sflag:s4], $0x1F40  }
0xf3: {  	[sflag:s4] =	ssyncset.done $0x0  }
0xf4: {  	[sflag:s4] =	ssyncadd.s32 $0xFFFFE0C0  }
0xf5: {  	_ =	swait.ge [sflag:s21], $0x80  }
0xf6: {  	[sflag:s21] =	ssyncset.done $0x0  }
0xf7: {  	s10 =	simm.s32 $0x12EC0;
	s8 =	simm.s32 $0x5380;
	[sflag:s21] =	ssyncadd.s32 $0xFFFFFF80  }
0xf8: {  	[spmem:s1] =	stream.indirect.scatter.add.f32 [tilespmem:s10], [sflag:$0x18], $0x40, s8, s22, $0xb8;
	[tilespmem:$0x1EA40] =	vst v63  }
0xf9: {  	_ =	swait.ge [sflag:s24], $0x1F40  }
.Ltmp3:
0xfa: {  	s30 =	simm.s32 $0xF040;
	[sflag:s24] =	ssyncset.done $0x0;
	(pc) =	sbr.rel .LBB2_2-.Ltmp3, $4  }
0xfb: {  	s31 =	simm.s32 $0x5280;
	s2 =	sadd.s32 $0x80, s2;
	[sflag:s24] =	ssyncadd.s32 $0xFFFFE0C0  }
0xfc: {  	[tilespmem:s30], [sflag:$0x6] =	stream.indirect.gather [hbm4b:s6+s22], $0x40, s26, s22, $0xb8;
	[tilespmem:$0x1EA40] =	vst v63  }
0xfd: {  	s28 =	sadd.s32 $0x8, s28;
	s0 =	sadd.s32 $0xD0, s9;
	s26 =	sadd.s32 $0x400, s26  }
0xfe: {  	[tilespmem:s31], [sflag:$0xE] =	stream.linear.gather [hbm4b:s0+s5], $0x80, $0x38;
	[tilespmem:$0x1EA40] =	vst v63  }
.LBB2_5:
0xff: {  	_ =	sfence.sel $0x180000  }
0x100: {  	[bflag:$0x0] =	sbarrier.arrive $0xFFFF  }
0x101: {  	_ =	strace $0x9000004A  }
0x102: {  	s0 =	stileid.u32;
	[bflag:$0x2] =	sbarrier.arrive $0xFFFF  }
0x103: {  	p0 =	sne.s32 s0, $0x0;
	s0 =	rddreg [dreg:$0x2]  }
0x104: {  	s0 =	sadd.s32 @!p0 $0x100000, s0  }
0x105: {  	[sflag:s0] =	ssyncadd.tile.s32 @!p0 $0x1;
	_ =	shalt  }
.Lfunc_end2:
_tile_overlayer_lowered:
.L_overlay_start_2:
0x106: {  	(tag) =	ssettag $0x2  }
0x107: {  	s0 =	rddreg [dreg:$0x0];
	s2 =	stileid.u32  }
0x108: {  	s1 =	rddreg [dreg:$0x1];
	p0 =	sne.s32 s2, $0x0  }
0x109: {  	s3 =	rddreg [dreg:$0x2];
	[bflag:$0x3] =	sbarrier.arrive $0xFFFF;
	s2 =	simm.s32 @!p0 $0x1C19  }
0x10a: {  	[timem:s3], [sflag:s2] =	dma.local @!p0 [hbm:s0], s1  }
0x10b: {  	s0 =	simm.s32 @!p0 $0x19  }
0x10c: {  	_ =	swait.ge @!p0 [sflag:s0], s1  }
0x10d: {  	s1 =	ssub.s32 @!p0 $0x0, s1;
	[sflag:s0] =	ssyncset.done @!p0 $0x0  }
0x10e: {  	[sflag:s0] =	ssyncadd.s32 @!p0 s1  }
0x10f: {  	[bflag:$0x3] =	sbarrier.arrive $0xFFFF  }
0x110: {  	_ =	shalt  }

// kernel: kernel.15.cloned.1.call-start
scs
__scs_entry_jumppad:
0x0: {  	(pc) =	sbr.rel $0x88, $3  }
0x1: {  	(tag) =	ssettag $0x0;
	lr =	simm.s32 $0x1  }
0x2: {  	[smem:$0x3F9F] =	sst lr;
	_ =	strace $0xD0000000  }
0x3: {  	_ = 	snop  }
0x4: {  	_ = 	snop  }
0x5: {  	_ = 	snop  }
0x6: {  	_ = 	snop  }
0x7: {  	_ = 	snop  }
__scs_overlays_trampoline_lowered:
0x8: {  	[smem:$0x3FAE] =	sst s0  }
0x9: {  	[smem:$0x3FAF] =	sst s1  }
0xa: {  	[smem:$0x3FB0] =	sst s2  }
0xb: {  	[smem:$0x3FB1] =	sst s3  }
0xc: {  	[smem:$0x3FB2] =	sst s4  }
0xd: {  	[smem:$0x3FB3] =	sst s5  }
0xe: {  	[smem:$0x3FB4] =	sst s6  }
0xf: {  	[smem:$0x3FB5] =	sst s7  }
0x10: {  	[smem:$0x3FB6] =	sst s8  }
0x11: {  	[smem:$0x3FB7] =	sst s9;
	s0 =	simm.s32 @!p0 $0x0  }
0x12: {  	s1 =	sld [smem:$0x3F9D];
	s0 =	simm.s32 @p0 $0x1  }
0x13: {  	[smem:$0x3FB8] =	sst s0;
	s0 =	simm.s32 @!p1 $0x0  }
0x14: {  	s2 =	sld [smem:$0x3F9C];
	s0 =	simm.s32 @p1 $0x1  }
0x15: {  	[smem:$0x3FB9] =	sst s0;
	s0 =	simm.s32 @!p2 $0x0  }
0x16: {  	s3 =	sld [smem:$0x3FDB];
	s0 =	simm.s32 @p2 $0x1  }
0x17: {  	s4 =	simm.s32 $0x1BF5;
	[smem:$0x3FBB] =	sst s0  }
0x18: {  	s0 =	sld [smem:$0x3F9E];
	_ =	swait.ge [sflag:s4], $0x0  }
0x19: {  	s7 =	sld [smem:$0x3F9F]  }
0x1a: {  	s8 =	sadd.s32 $0xFFFFE003, lr  }
0x1b: {  	s9 =	sadd.s32 $0xFFFFFEF7, lr;
	s5 =	simm.s32 $0xFFFFFFFF;
	p2 =	slt.u32 s8, $0xFFFFF086  }
0x1c: {  	p1 =	slt.u32 s9, $0xF7A;
	s5 =	simm.s32 @!p2 $0x0  }
0x1d: {  	s5 =	simm.s32 @p1 $0x1;
	p0 =	seq.s32 s7, s2  }
0x1e: {  	s7 =	smul.u32 @!p0 $0xF7A, s2;
	p2 =	seq.s32 @!p0 s5, $0x0  }
0x1f: {  	s9 =	smul.u32 $0xF7A, s1;
	s8 =	simm.s32 @!p0 $0x1BF5;
	p2 =	por !p2, p0  }
0x20: {  	[sflag:s8] =	ssyncset.s32 @!p0 $0xFFFFF086;
	s6 =	sadd.s32 @!p0 s3, s7;
	s7 =	simm.s32 @!p0 $0x108  }
0x21: {  	s3 =	sadd.s32 s3, s9;
	s6 =	sadd.s32 @!p0 $0x88, s6;
	s7 =	simm.s32 @p2 $0x1082  }
0x22: {  	[simem:s7], [sflag:s8] =	dma.local @!p0 [hbm:s6], $0xF7A  }
0x23: {  	s9 =	sor.u32 $0xD0000000, s2;
	s6 =	simm.s32 $0x108;
	_ =	swait.ge @!p0 [sflag:s8], $0x0  }
0x24: {  	s3 =	sadd.s32 $0x88, s3;
	s6 =	simm.s32 @!p1 $0x1082;
	[sflag:s4] =	ssyncset.s32 $0xFFFFF086  }
0x25: {  	[simem:s6], [sflag:s4] =	dma.local [hbm:s3], $0xF7A  }
0x26: {  	[smem:$0x3F9F] =	sst s1;
	(tag) =	ssettag s2;
	_ =	strace s9  }
0x27: {  	s1 =	sld [smem:$0x3FAF]  }
0x28: {  	s2 =	sld [smem:$0x3FB0]  }
0x29: {  	s4 =	sld [smem:$0x3FB2]  }
0x2a: {  	p0 =	seq.s32 s5, $0x0;
	s5 =	sld [smem:$0x3FB3]  }
0x2b: {  	s6 =	sld [smem:$0x3FB4]  }
0x2c: {  	s7 =	sld [smem:$0x3FB5]  }
0x2d: {  	s3 =	simm.s32 $0x108;
	s8 =	sld [smem:$0x3FB6]  }
0x2e: {  	s3 =	simm.s32 @!p0 $0x1082;
	s9 =	sld [smem:$0x3FB7]  }
0x2f: {  	lr =	sadd.s32 s0, s3;
	s0 =	sld [smem:$0x3FAE]  }
0x30: {  	s3 =	sld [smem:$0x3FB1]  }
0x31: {  	[smem:$0x3FBA] =	sst s10  }
0x32: {  	s10 =	sld [smem:$0x3FB8];
	_ =	sdelay $0x3  }
0x33: {  	p0 =	seq.s32 s10, $0x1;
	s10 =	sld [smem:$0x3FBA];
	_ =	sdelay $0x3  }
0x34: {  	[smem:$0x3FBA] =	sst s10  }
0x35: {  	s10 =	sld [smem:$0x3FB9];
	_ =	sdelay $0x3  }
0x36: {  	p1 =	seq.s32 s10, $0x1;
	s10 =	sld [smem:$0x3FBA];
	_ =	sdelay $0x3  }
0x37: {  	[smem:$0x3FBA] =	sst s10  }
0x38: {  	s10 =	sld [smem:$0x3FBB]  }
0x39: {  	_ = 	snop;
	(pc) =	sbr.ind lr, $3  }
0x3a: {  	_ = 	snop  }
0x3b: {  	_ = 	snop  }
0x3c: {  	p2 =	seq.s32 s10, $0x1;
	s10 =	sld [smem:$0x3FBA]  }
0x3d: {  	_ =	shalt  }
0x3e: {  	_ =	shalt  }
0x3f: {  	_ =	shalt  }
0x40: {  	_ =	shalt  }
0x41: {  	_ =	shalt  }
0x42: {  	_ =	shalt  }
0x43: {  	_ =	shalt  }
0x44: {  	_ =	shalt  }
0x45: {  	_ =	shalt  }
0x46: {  	_ =	shalt  }
0x47: {  	_ =	shalt  }
0x48: {  	_ =	shalt  }
0x49: {  	_ =	shalt  }
0x4a: {  	_ =	shalt  }
0x4b: {  	_ =	shalt  }
0x4c: {  	_ =	shalt  }
0x4d: {  	_ =	shalt  }
0x4e: {  	_ =	shalt  }
0x4f: {  	_ =	shalt  }
0x50: {  	_ =	shalt  }
0x51: {  	_ =	shalt  }
0x52: {  	_ =	shalt  }
0x53: {  	_ =	shalt  }
0x54: {  	_ =	shalt  }
0x55: {  	_ =	shalt  }
0x56: {  	_ =	shalt  }
0x57: {  	_ =	shalt  }
0x58: {  	_ =	shalt  }
0x59: {  	_ =	shalt  }
0x5a: {  	_ =	shalt  }
0x5b: {  	_ =	shalt  }
0x5c: {  	_ =	shalt  }
0x5d: {  	_ =	shalt  }
0x5e: {  	_ =	shalt  }
0x5f: {  	_ =	shalt  }
0x60: {  	_ =	shalt  }
0x61: {  	_ =	shalt  }
0x62: {  	_ =	shalt  }
0x63: {  	_ =	shalt  }
0x64: {  	_ =	shalt  }
0x65: {  	_ =	shalt  }
0x66: {  	_ =	shalt  }
0x67: {  	_ =	shalt  }
0x68: {  	_ =	shalt  }
0x69: {  	_ =	shalt  }
0x6a: {  	_ =	shalt  }
0x6b: {  	_ =	shalt  }
0x6c: {  	_ =	shalt  }
0x6d: {  	_ =	shalt  }
0x6e: {  	_ =	shalt  }
0x6f: {  	_ =	shalt  }
0x70: {  	_ =	shalt  }
0x71: {  	_ =	shalt  }
0x72: {  	_ =	shalt  }
0x73: {  	_ =	shalt  }
0x74: {  	_ =	shalt  }
0x75: {  	_ =	shalt  }
0x76: {  	_ =	shalt  }
0x77: {  	_ =	shalt  }
0x78: {  	_ =	shalt  }
0x79: {  	_ =	shalt  }
0x7a: {  	_ =	shalt  }
0x7b: {  	_ =	shalt  }
0x7c: {  	_ =	shalt  }
0x7d: {  	_ =	shalt  }
0x7e: {  	_ =	shalt  }
0x7f: {  	_ =	shalt  }
0x80: {  	_ =	shalt  }
0x81: {  	_ =	shalt  }
0x82: {  	_ =	shalt  }
0x83: {  	_ =	shalt  }
0x84: {  	_ =	shalt  }
0x85: {  	_ =	shalt  }
0x86: {  	_ =	shalt  }
0x87: {  	_ =	shalt  }
.Lfunc_end0:
.L_simem_size_0:
called_computation.2_lowered:
.L_overlay_start_0:
0x88: {  	s2 =	sld [smem:$0x3FD9]  }
0x89: {  	s3 =	sld [smem:$0x3FFE];
	_ =	sdelay $0x1  }
0x8a: {  	s1 =	srdreg.scid  }
0x8b: {  	s0 =	sand.u32 $0x1, s1  }
0x8c: {  	s16 =	sshll.u32 s0, $0xA;
	s2 =	sadd.s32 s3, s2  }
0x8d: {  	s2 =	sadd.s32 s2, s16  }
0x8e: {  	[smem:$0x3FC6] =	sst s2  }
0x8f: {  	_ = 	snop  }
0x90: {  	(tm) =	ssettm $0x1  }
0x91: {  	s17 =	sld [smem:$0x3FFB];
	_ =	sdelay $0x3  }
0x92: {  	_ =	strace s17  }
0x93: {  	s2 =	sld [smem:$0x3FFC];
	_ =	sdelay $0x3  }
0x94: {  	_ =	strace s2  }
0x95: {  	s2 =	sld [smem:$0x3FFD];
	_ =	sdelay $0x3  }
0x96: {  	_ =	strace s2  }
0x97: {  	_ =	strace $0x8FFFFFFF  }
0x98: {  	s18 =	sld [smem:$0x3FDB];
	_ =	sdelay $0x1  }
0x99: {  	s19 =	simm.s32 $_scs_section_size  }
0x9a: {  	s4 =	simm.s32 $_size__tile_overlayer_lowered;
	s5 =	simm.s32 $_tile_overlayer_lowered  }
0x9b: {  	s22 =	simm.s32 $0x1BFF;
	s21 =	sshll.u32 s5, $0x1;
	s2 =	sadd.s32 s19, s18  }
0x9c: {  	s6 =	simm.s32 $0x0;
	s20 =	sshll.u32 s4, $0x1;
	s4 =	sadd.s32 s21, s2  }
0x9d: {  	[timem:s6], [sflag:s22] =	dma.local [hbm:s4], s20  }
0x9e: {  	_ =	swait.ge [sflag:s22], s20  }
0x9f: {  	s3 =	ssub.s32 $0x0, s20;
	[sflag:s22] =	ssyncset.done $0x0  }
0xa0: {  	[sflag:s22] =	ssyncadd.s32 s3;
	_ =	sdelay $0x1  }
0xa1: {  	s23 =	simm.s32 $0x1B8B  }
0xa2: {  	_ =	swait.ge [sflag:s23], $0x1  }
0xa3: {  	[sflag:s23] =	ssyncset.done $0x0  }
0xa4: {  	s25 =	simm.s32 $0x1B8E;
	s24 =	sld [smem:$0x3FFE];
	[sflag:s23] =	ssyncadd.s32 $0xFFFFFFFF  }
0xa5: {  	s26 =	simm.s32 $execute0_lowered;
	[smem:$0x3FD2] =	sst s25  }
0xa6: {  	s4 =	sshll.u32 s26, $0x1;
	_ =	strace $0x8000004C;
	[dreg:$0x1] =	wrdreg $0xFFFFFFFF  }
0xa7: {  	s28 =	simm.s32 $_size_execute0_lowered;
	s2 =	sadd.s32 s2, s4;
	[dreg:$0x0] =	wrdreg $0x0  }
0xa8: {  	s4 =	sshll.u32 s28, $0x1;
	[dreg:$0x2] =	wrdreg s2  }
0xa9: {  	[dreg:$0x3] =	wrdreg s4  }
0xaa: {  	[dreg:$0x4] =	wrdreg $0xC0  }
0xab: {  	_ =	task [dreg:s6], $0x5FFFF  }
0xac: {  	[dreg:$0x1] =	wrdreg $0xFFFFFFFF  }
0xad: {  	[dreg:$0x0] =	wrdreg $0x60  }
0xae: {  	[dreg:$0x2] =	wrdreg s24  }
0xaf: {  	[dreg:$0x3] =	wrdreg $0x14E000  }
0xb0: {  	[dreg:$0x4] =	wrdreg $0x9  }
0xb1: {  	_ =	task.clear_ibuf [dreg:s6], $0x5FFFF;
	_ =	strace $0x9000004C  }
0xb2: {  	s29 =	simm.s32 $0x9;
	_ =	strace $0x8000004E  }
0xb3: {  	_ =	swait.ge [sflag:s29], $0x1  }
0xb4: {  	[sflag:s29] =	ssyncadd.s32 $0xFFFFFFFF  }
0xb5: {  	_ =	strace $0x9000004E  }
0xb6: {  	_ =	sfence  }
0xb7: {  	s30 =	sld [smem:$0x0];
	_ =	sdelay $0x2  }
0xb8: {  	s31 =	sshll.u32 s1, $0xD;
	s1 =	sshrl.u32 s1, $0x2  }
0xb9: {  	s3 =	sand.u32 $0x4000, s31;
	s1 =	sadd.s32 s1, s30  }
0xba: {  	s0 =	sor.u32 s3, s0;
	s1 =	sshll.u32 s1, $0x11  }
0xbb: {  	s0 =	sor.u32 s1, s0  }
0xbc: {  	s0 =	sadd.s32 $0x8F2B, s0  }
0xbd: {  	[sflag:s0] =	ssyncadd.remote.s32 $0x1  }
0xbe: {  	_ =	sfence.sel $0xFFFF  }
0xbf: {  	[dreg:$0x0] =	wrdreg $0xFFFFFFFF;
	(pc) =	sbr.abs _section_cstart, $3  }
0xc0: {  	[dreg:$0x1] =	wrdreg $0xFFFFFFFF  }
0xc1: {  	_ =	task.clear_ibuf [dreg:s6], $0x2FFFF;
	_ =	strace $0x9FFFFFFF  }
0xc2: {  	(tm) =	ssettm $0x7FFFFFFF  }
0xc3: {  	_ =	shalt  }
tec
execute0_lowered:
.L_overlay_start_1:
0x0: {  	(tag) =	ssettag $0x1  }
0x1: {  	s0 =	rddreg [dreg:$0x0]  }
0x2: {  	s1 =	rddreg [dreg:$0x1];
	s2 =	srdreg.scid;
	s5 =	simm.s32 $0x0  }
0x3: {  	s3 =	stileid.u32;
	s29 =	simm.s32 $0x5200;
	s11 =	simm.s32 $0x1  }
0x4: {  	s12 =	simm.s32 $0x9;
	s13 =	simm.s32 $0x2;
	s15 =	smul.u32 $0x5000, s3  }
0x5: {  	s14 =	simm.s32 $0xA;
	s2 =	sand.u32 $0x1, s2;
	s20 =	smul.u32 $0x27000, s3  }
0x6: {  	[smem:$0x7FF] =	sst s5;
	s8 =	sadd.s32 $0x1600, s0;
	s24 =	smul.u32 $0x13800, s3  }
0x7: {  	s10 =	sadd.s32 $0x3C800, s0;
	s26 =	sadd.s32 $0x9C000, s1;
	s28 =	smul.u32 $0xA00, s3  }
0x8: {  	p0 =	sne.s32 s3, $0xF;
	s3 =	simm.s32 $0x0;
	s4 =	smul.u32 $0x13880, s2  }
0x9: {  	_ =	strace $0x8000004D;
	s6 =	ssub.s32 $0x2, s2;
	[dreg:$0x3] =	wrdreg s10  }
0xa: {  	s25 =	sshll.u32 s2, $0x6;
	[dreg:$0xe] =	wrdreg s26;
	s2 =	sshll.u32 s2, $0x3  }
0xb: {  	s10 =	simm.s32 $0x5380;
	s5 =	sshrl.u32 s15, $0x3;
	s9 =	sshrl.u32 s6, $0x1  }
0xc: {  	s15 =	simm.s32 $0x3;
	s4 =	sadd.s32 s4, s0;
	s7 =	sadd.s32 s5, s0  }
0xd: {  	s0 =	sadd.s32 $0x3DC00, s0;
	s9 =	ssub.s32 s6, s9;
	s17 =	sadd.s32 s8, s5  }
0xe: {  	s16 =	sadd.s32 $0xB600, s7;
	s6 =	sadd.s32 $0x15600, s4;
	[dreg:$0x5] =	wrdreg s17  }
0xf: {  	s18 =	sadd.s32 $0x10, s17;
	s19 =	sadd.s32 $0x20, s17;
	[dreg:$0x4] =	wrdreg s16  }
0x10: {  	s5 =	sadd.s32 $0x30, s17;
	s21 =	sadd.s32 $0x40, s17;
	[dreg:$0x6] =	wrdreg s18  }
0x11: {  	s22 =	sadd.s32 $0x50, s17;
	s23 =	sadd.s32 $0x60, s17;
	[dreg:$0x7] =	wrdreg s19  }
0x12: {  	s4 =	sshrl.u32 s20, $0x2;
	s7 =	sadd.s32 $0x70, s17;
	[dreg:$0x8] =	wrdreg s5  }
0x13: {  	s2 =	sadd.s32 s2, s0;
	s31 =	smax.u32 s9, $0x1;
	[dreg:$0x9] =	wrdreg s21  }
0x14: {  	s20 =	sadd.s32 s28, s8;
	s8 =	simm.s32 $0x19;
	[dreg:$0xa] =	wrdreg s22  }
0x15: {  	s9 =	simm.s32 $0x12EC0;
	s17 =	simm.s32 $0x5;
	[dreg:$0xb] =	wrdreg s23  }
0x16: {  	[dreg:$0xc] =	wrdreg s7;
	s4 =	sadd.s32 s4, s1;
	s30 =	sadd.s32 $0x27000, s2  }
0x17: {  	[dreg:$0x11] =	wrdreg s31;
	s22 =	simm.s32 $0x7D;
	s16 =	simm.s32 $0xB  }
.Ltmp0:
0x18: {  	s18 =	simm.s32 $0xD;
	s19 =	simm.s32 $0x7;
	(pc) =	sbr.rel .LBB2_1-.Ltmp0, $4  }
0x19: {  	s7 =	simm.s32 $0xF;
	[dreg:$0xd] =	wrdreg s4;
	s4 =	sor.u32 s25, s24  }
0x1a: {  	s21 =	simm.s32 $0x10;
	s23 =	simm.s32 $0x15;
	s4 =	sshrl.u32 s4, $0x3  }
0x1b: {  	[dreg:$0x10] =	wrdreg s30;
	s25 =	simm.s32 $0xD100;
	s0 =	sadd.s32 s0, s4  }
0x1c: {  	s24 =	simm.s32 $0x16;
	s4 =	simm.s32 $0x8;
	[dreg:$0xf] =	wrdreg s0  }
.LBB2_4:
0x1d: {  	_ =	swait.ge [sflag:s4], $0x1F40  }
0x1e: {  	[sflag:s4] =	ssyncset.done $0x0  }
0x1f: {  	[sflag:s4] =	ssyncadd.s32 $0xFFFFE0C0  }
0x20: {  	_ =	swait.ge [sflag:s21], $0x80  }
0x21: {  	s9 =	simm.s32 $0x12EC0;
	[sflag:s21] =	ssyncset.done $0x0  }
0x22: {  	s10 =	simm.s32 $0x5380;
	s0 =	simm.s32 $0x11;
	[sflag:s21] =	ssyncadd.s32 $0xFFFFFF80  }
0x23: {  	[spmem:s1] =	stream.indirect.scatter.add.f32 [tilespmem:s9], [sflag:$0x18], $0x40, s10, s22, $0xb8;
	[tilespmem:$0x1EA40] =	vst v63  }
0x24: {  	_ =	swait.ge [sflag:s0], $0x1F40  }
0x25: {  	[sflag:s0] =	ssyncset.done $0x0  }
0x26: {  	s2 =	simm.s32 $0x12;
	[sflag:s0] =	ssyncadd.s32 $0xFFFFE0C0  }
0x27: {  	_ =	swait.ge [sflag:s2], $0x1F40  }
0x28: {  	[sflag:s2] =	ssyncset.done $0x0  }
0x29: {  	s3 =	simm.s32 $0x13;
	[sflag:s2] =	ssyncadd.s32 $0xFFFFE0C0  }
0x2a: {  	_ =	swait.ge [sflag:s3], $0x1F40  }
0x2b: {  	[sflag:s3] =	ssyncset.done $0x0  }
0x2c: {  	s5 =	simm.s32 $0x14;
	[sflag:s3] =	ssyncadd.s32 $0xFFFFE0C0  }
0x2d: {  	_ =	swait.ge [sflag:s5], $0x1F40  }
0x2e: {  	[sflag:s5] =	ssyncset.done $0x0  }
0x2f: {  	[sflag:s5] =	ssyncadd.s32 $0xFFFFE0C0  }
0x30: {  	_ =	swait.ge [sflag:s23], $0x1F40  }
0x31: {  	[sflag:s23] =	ssyncset.done $0x0  }
0x32: {  	[sflag:s23] =	ssyncadd.s32 $0xFFFFE0C0  }
0x33: {  	_ =	swait.ge [sflag:s24], $0x1F40  }
0x34: {  	[sflag:s24] =	ssyncset.done $0x0  }
0x35: {  	s8 =	simm.s32 $0x17;
	[sflag:s24] =	ssyncadd.s32 $0xFFFFE0C0  }
0x36: {  	_ =	swait.ge [sflag:s8], $0x1F40  }
0x37: {  	[sflag:s8] =	ssyncset.done $0x0  }
0x38: {  	s26 =	simm.s32 $0x18;
	[sflag:s8] =	ssyncadd.s32 $0xFFFFE0C0  }
0x39: {  	_ =	swait.ge [sflag:s26], $0x1F40  }
0x3a: {  	[sflag:s26] =	ssyncset.done $0x0  }
0x3b: {  	[sflag:s26] =	ssyncadd.s32 $0xFFFFE0C0  }
0x3c: {  	[bflag:$0x0] =	sbarrier.arrive $0xFFFF  }
0x3d: {  	s28 =	rddreg [dreg:$0xf]  }
0x3e: {  	s26 =	rddreg [dreg:$0x13]  }
0x3f: {  	s8 =	simm.s32 $0x19;
	s2 =	rddreg [dreg:$0x15]  }
0x40: {  	[hbm:s28@s21], [sflag:s26] =	dma.strided [spmem:s2@s4], $0x1380, s11, $0x8   }
0x41: {  	s0 =	simm.s32 @!p0 $0x1;
	_ =	swait.ge [sflag:s8], $0x1380  }
0x42: {  	s3 =	simm.s32 @!p0 $0x8;
	[sflag:s8] =	ssyncset.done $0x0;
	s5 =	rddreg [dreg:$0x10]  }
0x43: {  	s2 =	simm.s32 @!p0 $0x10;
	s28 =	rddreg [dreg:$0x14];
	[sflag:s8] =	ssyncadd.s32 $0xFFFFEC80  }
0x44: {  	[hbm:s5@s2], [sflag:s26] =	dma.strided @!p0 [spmem:s28@s3], $0x80, s0, $0x8   }
0x45: {  	s0 =	simm.s32 @!p0 $0x19  }
0x46: {  	_ =	swait.ge @!p0 [sflag:s0], $0x80  }
0x47: {  	s30 =	rddreg [dreg:$0x12]  }
0x48: {  	s31 =	rddreg [dreg:$0x11];
	s3 =	sadd.s32 $0x1, s30  }
0x49: {  	p1 =	sne.s32 s3, s31  }
.Ltmp1:
0x4a: {  	_ = 	snop;
	(pc) =	sbr.rel @!p1 .LBB2_5-.Ltmp1, $3  }
0x4b: {  	_ =	sdelay $0x1  }
0x4c: {  	[sflag:s0] =	ssyncset.done @!p0 $0x0  }
0x4d: {  	[sflag:s0] =	ssyncadd.s32 @!p0 $0xFFFFFF80  }
.LBB2_1:
0x4e: {  	[dreg:$0x12] =	wrdreg s3  }
0x4f: {  	s0 =	simm.s32 $0x0;
	s2 =	rddreg [dreg:$0x4]  }
0x50: {  	[tilespmem:s0], [sflag:$0x19] =	stream.linear.gather [hbm4b:s2+s0], $0x5000, $0x38;
	[tilespmem:$0x1EA40] =	vst v63  }
0x51: {  	_ =	swait.ge [sflag:s8], $0x5000  }
0x52: {  	[sflag:s8] =	ssyncset.done $0x0  }
0x53: {  	s26 =	simm.s32 $0x5400;
	[sflag:s8] =	ssyncadd.s32 $0xFFFFB000  }
0x54: {  	[tilespmem:s26], [sflag:$0x1] =	stream.indirect.gather [hbm4b:s6+s22], $0x40, s0, s22, $0xb8;
	[tilespmem:$0x1EA40] =	vst v63  }
0x55: {  	s31 =	simm.s32 $0x5000;
	s30 =	rddreg [dreg:$0x5]  }
0x56: {  	[tilespmem:s31], [sflag:$0x9] =	stream.linear.gather [hbm4b:s30+s0], $0x80, $0x38;
	[tilespmem:$0x1EA40] =	vst v63  }
0x57: {  	s5 =	simm.s32 $0x80;
	s26 =	simm.s32 $0x7340  }
0x58: {  	[tilespmem:s26], [sflag:$0x2] =	stream.indirect.gather [hbm4b:s6+s22], $0x40, s5, s22, $0xb8;
	[tilespmem:$0x1EA40] =	vst v63  }
0x59: {  	s30 =	rddreg [dreg:$0x6];
	s31 =	simm.s32 $0x5080  }
0x5a: {  	[tilespmem:s31], [sflag:$0xA] =	stream.linear.gather [hbm4b:s30+s0], $0x80, $0x38;
	[tilespmem:$0x1EA40] =	vst v63  }
0x5b: {  	s5 =	simm.s32 $0x100;
	s26 =	simm.s32 $0x9280  }
0x5c: {  	[tilespmem:s26], [sflag:$0x3] =	stream.indirect.gather [hbm4b:s6+s22], $0x40, s5, s22, $0xb8;
	[tilespmem:$0x1EA40] =	vst v63  }
0x5d: {  	s30 =	rddreg [dreg:$0x7];
	s31 =	simm.s32 $0x5100  }
0x5e: {  	[tilespmem:s31], [sflag:$0xB] =	stream.linear.gather [hbm4b:s30+s0], $0x80, $0x38;
	[tilespmem:$0x1EA40] =	vst v63  }
0x5f: {  	s3 =	simm.s32 $0x180;
	s5 =	simm.s32 $0xB1C0  }
0x60: {  	[tilespmem:s5], [sflag:$0x4] =	stream.indirect.gather [hbm4b:s6+s22], $0x40, s3, s22, $0xb8;
	[tilespmem:$0x1EA40] =	vst v63  }
0x61: {  	s26 =	rddreg [dreg:$0x8];
	s30 =	simm.s32 $0x5180  }
0x62: {  	[tilespmem:s30], [sflag:$0xC] =	stream.linear.gather [hbm4b:s26+s0], $0x80, $0x38;
	[tilespmem:$0x1EA40] =	vst v63  }
0x63: {  	s31 =	simm.s32 $0x200  }
0x64: {  	[tilespmem:s25], [sflag:$0x5] =	stream.indirect.gather [hbm4b:s6+s22], $0x40, s31, s22, $0xb8;
	[tilespmem:$0x1EA40] =	vst v63  }
0x65: {  	s3 =	rddreg [dreg:$0x9]  }
0x66: {  	[tilespmem:s29], [sflag:$0xD] =	stream.linear.gather [hbm4b:s3+s0], $0x80, $0x38;
	[tilespmem:$0x1EA40] =	vst v63  }
0x67: {  	s5 =	simm.s32 $0x280;
	s26 =	simm.s32 $0xF040  }
0x68: {  	[tilespmem:s26], [sflag:$0x6] =	stream.indirect.gather [hbm4b:s6+s22], $0x40, s5, s22, $0xb8;
	[tilespmem:$0x1EA40] =	vst v63  }
0x69: {  	s30 =	rddreg [dreg:$0xa];
	s31 =	simm.s32 $0x5280  }
0x6a: {  	[tilespmem:s31], [sflag:$0xE] =	stream.linear.gather [hbm4b:s30+s0], $0x80, $0x38;
	[tilespmem:$0x1EA40] =	vst v63  }
0x6b: {  	s5 =	simm.s32 $0x300;
	s26 =	simm.s32 $0x10F80  }
0x6c: {  	[tilespmem:s26], [sflag:$0x7] =	stream.indirect.gather [hbm4b:s6+s22], $0x40, s5, s22, $0xb8;
	[tilespmem:$0x1EA40] =	vst v63  }
0x6d: {  	s30 =	rddreg [dreg:$0xb];
	s31 =	simm.s32 $0x5300  }
0x6e: {  	[tilespmem:s31], [sflag:$0xF] =	stream.linear.gather [hbm4b:s30+s0], $0x80, $0x38;
	[tilespmem:$0x1EA40] =	vst v63  }
0x6f: {  	s5 =	simm.s32 $0x380;
	s30 =	rddreg [dreg:$0xd]  }
0x70: {  	[tilespmem:s9], [sflag:$0x8] =	stream.indirect.gather [hbm4b:s6+s22], $0x40, s5, s22, $0xb8;
	[tilespmem:$0x1EA40] =	vst v63  }
0x71: {  	s26 =	stileid.u32;
	s31 =	sshrl.u32 s30, $0x3;
	s9 =	rddreg [dreg:$0xc]  }
0x72: {  	[tilespmem:s10], [sflag:$0x10] =	stream.linear.gather [hbm4b:s9+s0], $0x80, $0x38;
	[tilespmem:$0x1EA40] =	vst v63  }
0x73: {  	[dreg:$0x15] =	wrdreg s31;
	s0 =	sshll.u32 s26, $0x6  }
0x74: {  	s3 =	sor.u32 $0x1C19, s0;
	s0 =	rddreg [dreg:$0x3]  }
0x75: {  	[spmem:s31], [sflag:s3] =	dma.local [hbm:s0], $0x1380  }
0x76: {  	_ =	swait.ge [sflag:s8], $0x1380  }
0x77: {  	s2 =	rddreg [dreg:$0xe]  }
0x78: {  	[dreg:$0x13] =	wrdreg s3;
	[sflag:s8] =	ssyncset.done $0x0;
	s2 =	sshrl.u32 @!p0 s2, $0x3  }
0x79: {  	[sflag:s8] =	ssyncadd.s32 $0xFFFFEC80;
	[dreg:$0x14] =	wrdreg s2  }
0x7a: {  	[spmem:s2], [sflag:s3] =	dma.local @!p0 [hbm:s0], $0x80  }
0x7b: {  	s0 =	simm.s32 @!p0 $0x19  }
0x7c: {  	_ =	swait.ge @!p0 [sflag:s0], $0x80  }
0x7d: {  	[sflag:s0] =	ssyncset.done @!p0 $0x0  }
0x7e: {  	s28 =	simm.s32 $0xFFFFFFF8;
	[sflag:s0] =	ssyncadd.s32 @!p0 $0xFFFFFF80  }
0x7f: {  	s26 =	simm.s32 $0x680;
	s2 =	simm.s32 $0x0;
	[bflag:$0x0] =	sbarrier.arrive $0xFFFF  }
.LBB2_2:
0x80: {  	_ =	swait.ge [sflag:s11], $0x1F40  }
0x81: {  	[sflag:s11] =	ssyncset.done $0x0  }
0x82: {  	[sflag:s11] =	ssyncadd.s32 $0xFFFFE0C0  }
0x83: {  	_ =	swait.ge [sflag:s12], $0x80  }
0x84: {  	s0 =	simm.s32 $0x5400;
	[sflag:s12] =	ssyncset.done $0x0  }
0x85: {  	s3 =	simm.s32 $0x5000;
	p1 =	sgt.u32 s28, $0x97;
	[sflag:s12] =	ssyncadd.s32 $0xFFFFFF80  }
0x86: {  	[spmem:s1] =	stream.indirect.scatter.add.f32 [tilespmem:s0], [sflag:$0x11], $0x40, s3, s22, $0xb8;
	[tilespmem:$0x1EA40] =	vst v63  }
0x87: {  	s0 =	simm.s32 @!p1 $0x17  }
0x88: {  	_ =	swait.ge @!p1 [sflag:s0], $0x1F40  }
0x89: {  	s30 =	simm.s32 @!p1 $0x7D;
	[sflag:s0] =	ssyncset.done @!p1 $0x0  }
0x8a: {  	s31 =	simm.s32 @!p1 $0x10F80;
	[sflag:s0] =	ssyncadd.s32 @!p1 $0xFFFFE0C0;
	s0 =	sadd.s32 @!p1 $0xFFFFFC80, s26  }
0x8b: {  	[tilespmem:s31], [sflag:$0x7] =	stream.indirect.gather @!p1 [hbm4b:s6+s30], $0x40, s0, s30, $0xb8;
	[tilespmem:$0x1EA40] =	vst v63  }
0x8c: {  	s0 =	sadd.s32 @!p1 s2, s20  }
0x8d: {  	s30 =	simm.s32 @!p1 $0x0;
	s31 =	simm.s32 @!p1 $0x5300;
	s0 =	sadd.s32 @!p1 $0x60, s0  }
0x8e: {  	[tilespmem:s31], [sflag:$0xF] =	stream.linear.gather @!p1 [hbm4b:s0+s30], $0x80, $0x38;
	[tilespmem:$0x1EA40] =	vst v63  }
0x8f: {  	_ =	swait.ge [sflag:s13], $0x1F40  }
0x90: {  	[sflag:s13] =	ssyncset.done $0x0  }
0x91: {  	[sflag:s13] =	ssyncadd.s32 $0xFFFFE0C0  }
0x92: {  	_ =	swait.ge [sflag:s14], $0x80  }
0x93: {  	s5 =	simm.s32 $0x7340;
	p1 =	seq.s32 s2, $0x0;
	[sflag:s14] =	ssyncset.done $0x0  }
0x94: {  	s8 =	simm.s32 $0x5080;
	s0 =	simm.s32 @!p1 $0x18;
	[sflag:s14] =	ssyncadd.s32 $0xFFFFFF80  }
0x95: {  	[spmem:s1] =	stream.indirect.scatter.add.f32 [tilespmem:s5], [sflag:$0x12], $0x40, s8, s22, $0xb8;
	[tilespmem:$0x1EA40] =	vst v63  }
0x96: {  	_ =	swait.ge @!p1 [sflag:s0], $0x1F40  }
0x97: {  	s30 =	simm.s32 @!p1 $0x7D;
	[sflag:s0] =	ssyncset.done @!p1 $0x0  }
0x98: {  	s31 =	simm.s32 @!p1 $0x12EC0;
	[sflag:s0] =	ssyncadd.s32 @!p1 $0xFFFFE0C0;
	s0 =	sadd.s32 @!p1 $0xFFFFFD00, s26  }
0x99: {  	[tilespmem:s31], [sflag:$0x8] =	stream.indirect.gather @!p1 [hbm4b:s6+s30], $0x40, s0, s30, $0xb8;
	[tilespmem:$0x1EA40] =	vst v63  }
0x9a: {  	s0 =	sadd.s32 @!p1 s2, s20  }
0x9b: {  	s30 =	simm.s32 @!p1 $0x0;
	s31 =	simm.s32 @!p1 $0x5380;
	s0 =	sadd.s32 @!p1 $0x70, s0  }
0x9c: {  	[tilespmem:s31], [sflag:$0x10] =	stream.linear.gather @!p1 [hbm4b:s0+s30], $0x80, $0x38;
	[tilespmem:$0x1EA40] =	vst v63  }
0x9d: {  	_ =	swait.ge [sflag:s15], $0x1F40  }
0x9e: {  	[sflag:s15] =	ssyncset.done $0x0  }
0x9f: {  	[sflag:s15] =	ssyncadd.s32 $0xFFFFE0C0  }
0xa0: {  	_ =	swait.ge [sflag:s16], $0x80  }
0xa1: {  	s9 =	simm.s32 $0x9280;
	p1 =	seq.s32 s2, $0x980;
	[sflag:s16] =	ssyncset.done $0x0  }
0xa2: {  	s10 =	simm.s32 $0x5100;
	s0 =	simm.s32 @p1 $0x4;
	[sflag:s16] =	ssyncadd.s32 $0xFFFFFF80  }
0xa3: {  	[spmem:s1] =	stream.indirect.scatter.add.f32 [tilespmem:s9], [sflag:$0x13], $0x40, s10, s22, $0xb8;
	[tilespmem:$0x1EA40] =	vst v63  }
0xa4: {  	_ =	swait.ge @p1 [sflag:s0], $0x1F40  }
0xa5: {  	[sflag:s0] =	ssyncset.done @p1 $0x0  }
0xa6: {  	[sflag:s0] =	ssyncadd.s32 @p1 $0xFFFFE0C0;
	s0 =	simm.s32 @p1 $0xC  }
0xa7: {  	_ =	swait.ge @p1 [sflag:s0], $0x80  }
0xa8: {  	s5 =	simm.s32 @p1 $0x7D;
	[sflag:s0] =	ssyncset.done @p1 $0x0  }
0xa9: {  	s30 =	simm.s32 @p1 $0xB1C0;
	[sflag:s0] =	ssyncadd.s32 @p1 $0xFFFFFF80;
	s0 =	simm.s32 @p1 $0x5180  }
0xaa: {  	[spmem:s1] =	stream.indirect.scatter.add.f32 @p1 [tilespmem:s30], [sflag:$0x14], $0x40, s0, s5, $0xb8;
	[tilespmem:$0x1EA40] =	vst v63  }
0xab: {  	s0 =	simm.s32 @!p1 $0x11  }
0xac: {  	_ =	swait.ge @!p1 [sflag:s0], $0x1F40  }
0xad: {  	s31 =	simm.s32 @!p1 $0x5400;
	[sflag:s0] =	ssyncset.done @!p1 $0x0  }
0xae: {  	s30 =	simm.s32 @!p1 $0x7D;
	[sflag:s0] =	ssyncadd.s32 @!p1 $0xFFFFE0C0;
	s0 =	sadd.s32 @!p1 $0xFFFFFD80, s26  }
0xaf: {  	[tilespmem:s31], [sflag:$0x1] =	stream.indirect.gather @!p1 [hbm4b:s6+s30], $0x40, s0, s30, $0xb8;
	[tilespmem:$0x1EA40] =	vst v63  }
0xb0: {  	s0 =	sadd.s32 @!p1 s2, s20  }
0xb1: {  	s9 =	simm.s32 @!p1 $0x5000;
	s31 =	simm.s32 @!p1 $0x0;
	s8 =	sadd.s32 @!p1 $0x80, s0  }
0xb2: {  	[tilespmem:s9], [sflag:$0x9] =	stream.linear.gather @!p1 [hbm4b:s8+s31], $0x80, $0x38;
	[tilespmem:$0x1EA40] =	vst v63  }
0xb3: {  	s8 =	simm.s32 @!p1 $0x4  }
0xb4: {  	_ =	swait.ge @!p1 [sflag:s8], $0x1F40  }
0xb5: {  	[sflag:s8] =	ssyncset.done @!p1 $0x0  }
0xb6: {  	[sflag:s8] =	ssyncadd.s32 @!p1 $0xFFFFE0C0;
	s8 =	simm.s32 @!p1 $0xC  }
0xb7: {  	_ =	swait.ge @!p1 [sflag:s8], $0x80  }
0xb8: {  	s10 =	simm.s32 @!p1 $0x12;
	[sflag:s8] =	ssyncset.done @!p1 $0x0  }
0xb9: {  	s9 =	simm.s32 @!p1 $0xB1C0;
	[sflag:s8] =	ssyncadd.s32 @!p1 $0xFFFFFF80;
	s8 =	simm.s32 @!p1 $0x5180  }
0xba: {  	[spmem:s1] =	stream.indirect.scatter.add.f32 @!p1 [tilespmem:s9], [sflag:$0x14], $0x40, s8, s30, $0xb8;
	[tilespmem:$0x1EA40] =	vst v63  }
0xbb: {  	_ =	swait.ge @!p1 [sflag:s10], $0x1F40  }
0xbc: {  	[sflag:s10] =	ssyncset.done @!p1 $0x0  }
0xbd: {  	s3 =	simm.s32 @!p1 $0x7340;
	[sflag:s10] =	ssyncadd.s32 @!p1 $0xFFFFE0C0;
	s10 =	sadd.s32 @!p1 $0xFFFFFE00, s26  }
0xbe: {  	[tilespmem:s3], [sflag:$0x2] =	stream.indirect.gather @!p1 [hbm4b:s6+s30], $0x40, s10, s30, $0xb8;
	[tilespmem:$0x1EA40] =	vst v63  }
0xbf: {  	s3 =	sadd.s32 @!p1 $0x90, s0;
	s10 =	simm.s32 @!p1 $0x5080  }
0xc0: {  	[tilespmem:s10], [sflag:$0xA] =	stream.linear.gather @!p1 [hbm4b:s3+s31], $0x80, $0x38;
	[tilespmem:$0x1EA40] =	vst v63  }
0xc1: {  	_ =	swait.ge [sflag:s17], $0x1F40  }
0xc2: {  	[sflag:s17] =	ssyncset.done $0x0  }
0xc3: {  	[sflag:s17] =	ssyncadd.s32 $0xFFFFE0C0  }
0xc4: {  	_ =	swait.ge [sflag:s18], $0x80  }
0xc5: {  	[sflag:s18] =	ssyncset.done $0x0  }
0xc6: {  	s3 =	simm.s32 @p1 $0x6;
	[sflag:s18] =	ssyncadd.s32 $0xFFFFFF80  }
0xc7: {  	[spmem:s1] =	stream.indirect.scatter.add.f32 [tilespmem:s25], [sflag:$0x15], $0x40, s29, s22, $0xb8;
	[tilespmem:$0x1EA40] =	vst v63  }
0xc8: {  	_ =	swait.ge @p1 [sflag:s3], $0x1F40  }
0xc9: {  	[sflag:s3] =	ssyncset.done @p1 $0x0  }
0xca: {  	[sflag:s3] =	ssyncadd.s32 @p1 $0xFFFFE0C0;
	s3 =	simm.s32 @p1 $0xE  }
0xcb: {  	_ =	swait.ge @p1 [sflag:s3], $0x80  }
0xcc: {  	[sflag:s3] =	ssyncset.done @p1 $0x0  }
0xcd: {  	s10 =	simm.s32 @p1 $0xF040;
	[sflag:s3] =	ssyncadd.s32 @p1 $0xFFFFFF80;
	s3 =	simm.s32 @p1 $0x5280  }
0xce: {  	[spmem:s1] =	stream.indirect.scatter.add.f32 @p1 [tilespmem:s10], [sflag:$0x16], $0x40, s3, s5, $0xb8;
	[tilespmem:$0x1EA40] =	vst v63  }
0xcf: {  	s3 =	simm.s32 @!p1 $0x13  }
0xd0: {  	_ =	swait.ge @!p1 [sflag:s3], $0x1F40  }
0xd1: {  	[sflag:s3] =	ssyncset.done @!p1 $0x0  }
0xd2: {  	s5 =	simm.s32 @!p1 $0x9280;
	[sflag:s3] =	ssyncadd.s32 @!p1 $0xFFFFE0C0;
	s3 =	sadd.s32 @!p1 $0xFFFFFE80, s26  }
0xd3: {  	[tilespmem:s5], [sflag:$0x3] =	stream.indirect.gather @!p1 [hbm4b:s6+s30], $0x40, s3, s30, $0xb8;
	[tilespmem:$0x1EA40] =	vst v63  }
0xd4: {  	s3 =	sadd.s32 @!p1 $0xA0, s0;
	s5 =	simm.s32 @!p1 $0x5100  }
0xd5: {  	[tilespmem:s5], [sflag:$0xB] =	stream.linear.gather @!p1 [hbm4b:s3+s31], $0x80, $0x38;
	[tilespmem:$0x1EA40] =	vst v63  }
0xd6: {  	s3 =	simm.s32 @!p1 $0x6  }
0xd7: {  	_ =	swait.ge @!p1 [sflag:s3], $0x1F40  }
0xd8: {  	[sflag:s3] =	ssyncset.done @!p1 $0x0  }
0xd9: {  	[sflag:s3] =	ssyncadd.s32 @!p1 $0xFFFFE0C0;
	s3 =	simm.s32 @!p1 $0xE  }
0xda: {  	_ =	swait.ge @!p1 [sflag:s3], $0x80  }
0xdb: {  	[sflag:s3] =	ssyncset.done @!p1 $0x0  }
0xdc: {  	s5 =	simm.s32 @!p1 $0xF040;
	[sflag:s3] =	ssyncadd.s32 @!p1 $0xFFFFFF80;
	s3 =	simm.s32 @!p1 $0x5280  }
0xdd: {  	[spmem:s1] =	stream.indirect.scatter.add.f32 @!p1 [tilespmem:s5], [sflag:$0x16], $0x40, s3, s30, $0xb8;
	[tilespmem:$0x1EA40] =	vst v63  }
0xde: {  	s3 =	simm.s32 @!p1 $0x14  }
0xdf: {  	_ =	swait.ge @!p1 [sflag:s3], $0x1F40  }
0xe0: {  	[sflag:s3] =	ssyncset.done @!p1 $0x0  }
0xe1: {  	[sflag:s3] =	ssyncadd.s32 @!p1 $0xFFFFE0C0;
	s3 =	sadd.s32 @!p1 $0xFFFFFF00, s26  }
0xe2: {  	[tilespmem:s9], [sflag:$0x4] =	stream.indirect.gather @!p1 [hbm4b:s6+s30], $0x40, s3, s30, $0xb8;
	[tilespmem:$0x1EA40] =	vst v63  }
0xe3: {  	s0 =	sadd.s32 @!p1 $0xB0, s0  }
0xe4: {  	[tilespmem:s8], [sflag:$0xC] =	stream.linear.gather @!p1 [hbm4b:s0+s31], $0x80, $0x38;
	[tilespmem:$0x1EA40] =	vst v63  }
0xe5: {  	_ =	swait.ge [sflag:s19], $0x1F40  }
0xe6: {  	[sflag:s19] =	ssyncset.done $0x0  }
.Ltmp2:
0xe7: {  	[sflag:s19] =	ssyncadd.s32 $0xFFFFE0C0;
	(pc) =	sbr.rel @p1 .LBB2_4-.Ltmp2, $4  }
0xe8: {  	_ =	swait.ge [sflag:s7], $0x80  }
0xe9: {  	[sflag:s7] =	ssyncset.done $0x0  }
0xea: {  	s30 =	simm.s32 $0x10F80;
	s31 =	simm.s32 $0x5300;
	[sflag:s7] =	ssyncadd.s32 $0xFFFFFF80  }
0xeb: {  	[spmem:s1] =	stream.indirect.scatter.add.f32 [tilespmem:s30], [sflag:$0x17], $0x40, s31, s22, $0xb8;
	[tilespmem:$0x1EA40] =	vst v63  }
0xec: {  	_ =	swait.ge [sflag:s23], $0x1F40  }
0xed: {  	[sflag:s23] =	ssyncset.done $0x0  }
0xee: {  	s0 =	sadd.s32 $0xFFFFFF80, s26;
	s9 =	sadd.s32 s2, s20;
	[sflag:s23] =	ssyncadd.s32 $0xFFFFE0C0  }
0xef: {  	[tilespmem:s25], [sflag:$0x5] =	stream.indirect.gather [hbm4b:s6+s22], $0x40, s0, s22, $0xb8;
	[tilespmem:$0x1EA40] =	vst v63  }
0xf0: {  	s5 =	simm.s32 $0x0;
	s3 =	sadd.s32 $0xC0, s9  }
0xf1: {  	[tilespmem:s29], [sflag:$0xD] =	stream.linear.gather [hbm4b:s3+s5], $0x80, $0x38;
	[tilespmem:$0x1EA40] =	vst v63  }
0xf2: {  	_ =	swait.ge [sflag:s4], $0x1F40  }
0xf3: {  	[sflag:s4] =	ssyncset.done $0x0  }
0xf4: {  	[sflag:s4] =	ssyncadd.s32 $0xFFFFE0C0  }
0xf5: {  	_ =	swait.ge [sflag:s21], $0x80  }
0xf6: {  	[sflag:s21] =	ssyncset.done $0x0  }
0xf7: {  	s10 =	simm.s32 $0x12EC0;
	s8 =	simm.s32 $0x5380;
	[sflag:s21] =	ssyncadd.s32 $0xFFFFFF80  }
0xf8: {  	[spmem:s1] =	stream.indirect.scatter.add.f32 [tilespmem:s10], [sflag:$0x18], $0x40, s8, s22, $0xb8;
	[tilespmem:$0x1EA40] =	vst v63  }
0xf9: {  	_ =	swait.ge [sflag:s24], $0x1F40  }
.Ltmp3:
0xfa: {  	s30 =	simm.s32 $0xF040;
	[sflag:s24] =	ssyncset.done $0x0;
	(pc) =	sbr.rel .LBB2_2-.Ltmp3, $4  }
0xfb: {  	s31 =	simm.s32 $0x5280;
	s2 =	sadd.s32 $0x80, s2;
	[sflag:s24] =	ssyncadd.s32 $0xFFFFE0C0  }
0xfc: {  	[tilespmem:s30], [sflag:$0x6] =	stream.indirect.gather [hbm4b:s6+s22], $0x40, s26, s22, $0xb8;
	[tilespmem:$0x1EA40] =	vst v63  }
0xfd: {  	s28 =	sadd.s32 $0x8, s28;
	s0 =	sadd.s32 $0xD0, s9;
	s26 =	sadd.s32 $0x400, s26  }
0xfe: {  	[tilespmem:s31], [sflag:$0xE] =	stream.linear.gather [hbm4b:s0+s5], $0x80, $0x38;
	[tilespmem:$0x1EA40] =	vst v63  }
.LBB2_5:
0xff: {  	_ =	sfence.sel $0x180000  }
0x100: {  	[bflag:$0x0] =	sbarrier.arrive $0xFFFF  }
0x101: {  	_ =	strace $0x9000004D  }
0x102: {  	s0 =	stileid.u32;
	[bflag:$0x2] =	sbarrier.arrive $0xFFFF  }
0x103: {  	p0 =	sne.s32 s0, $0x0;
	s0 =	rddreg [dreg:$0x2]  }
0x104: {  	s0 =	sadd.s32 @!p0 $0x100000, s0  }
0x105: {  	[sflag:s0] =	ssyncadd.tile.s32 @!p0 $0x1;
	_ =	shalt  }
.Lfunc_end2:
_tile_overlayer_lowered:
.L_overlay_start_2:
0x106: {  	(tag) =	ssettag $0x2  }
0x107: {  	s0 =	rddreg [dreg:$0x0];
	s2 =	stileid.u32  }
0x108: {  	s1 =	rddreg [dreg:$0x1];
	p0 =	sne.s32 s2, $0x0  }
0x109: {  	s3 =	rddreg [dreg:$0x2];
	[bflag:$0x3] =	sbarrier.arrive $0xFFFF;
	s2 =	simm.s32 @!p0 $0x1C19  }
0x10a: {  	[timem:s3], [sflag:s2] =	dma.local @!p0 [hbm:s0], s1  }
0x10b: {  	s0 =	simm.s32 @!p0 $0x19  }
0x10c: {  	_ =	swait.ge @!p0 [sflag:s0], s1  }
0x10d: {  	s1 =	ssub.s32 @!p0 $0x0, s1;
	[sflag:s0] =	ssyncset.done @!p0 $0x0  }
0x10e: {  	[sflag:s0] =	ssyncadd.s32 @!p0 s1  }
0x10f: {  	[bflag:$0x3] =	sbarrier.arrive $0xFFFF  }
0x110: {  	_ =	shalt  }

// kernel: kernel.9.cloned.1.call-start
scs
__scs_entry_jumppad:
0x0: {  	(pc) =	sbr.rel $0x88, $3  }
0x1: {  	(tag) =	ssettag $0x0;
	lr =	simm.s32 $0x1  }
0x2: {  	[smem:$0x3F9F] =	sst lr;
	_ =	strace $0xD0000000  }
0x3: {  	_ = 	snop  }
0x4: {  	_ = 	snop  }
0x5: {  	_ = 	snop  }
0x6: {  	_ = 	snop  }
0x7: {  	_ = 	snop  }
__scs_overlays_trampoline_lowered:
0x8: {  	[smem:$0x3FAE] =	sst s0  }
0x9: {  	[smem:$0x3FAF] =	sst s1  }
0xa: {  	[smem:$0x3FB0] =	sst s2  }
0xb: {  	[smem:$0x3FB1] =	sst s3  }
0xc: {  	[smem:$0x3FB2] =	sst s4  }
0xd: {  	[smem:$0x3FB3] =	sst s5  }
0xe: {  	[smem:$0x3FB4] =	sst s6  }
0xf: {  	[smem:$0x3FB5] =	sst s7  }
0x10: {  	[smem:$0x3FB6] =	sst s8  }
0x11: {  	[smem:$0x3FB7] =	sst s9;
	s0 =	simm.s32 @!p0 $0x0  }
0x12: {  	s1 =	sld [smem:$0x3F9D];
	s0 =	simm.s32 @p0 $0x1  }
0x13: {  	[smem:$0x3FB8] =	sst s0;
	s0 =	simm.s32 @!p1 $0x0  }
0x14: {  	s2 =	sld [smem:$0x3F9C];
	s0 =	simm.s32 @p1 $0x1  }
0x15: {  	[smem:$0x3FB9] =	sst s0;
	s0 =	simm.s32 @!p2 $0x0  }
0x16: {  	s3 =	sld [smem:$0x3FDB];
	s0 =	simm.s32 @p2 $0x1  }
0x17: {  	s4 =	simm.s32 $0x1BF5;
	[smem:$0x3FBB] =	sst s0  }
0x18: {  	s0 =	sld [smem:$0x3F9E];
	_ =	swait.ge [sflag:s4], $0x0  }
0x19: {  	s7 =	sld [smem:$0x3F9F]  }
0x1a: {  	s8 =	sadd.s32 $0xFFFFE003, lr  }
0x1b: {  	s9 =	sadd.s32 $0xFFFFFEF7, lr;
	s5 =	simm.s32 $0xFFFFFFFF;
	p2 =	slt.u32 s8, $0xFFFFF086  }
0x1c: {  	p1 =	slt.u32 s9, $0xF7A;
	s5 =	simm.s32 @!p2 $0x0  }
0x1d: {  	s5 =	simm.s32 @p1 $0x1;
	p0 =	seq.s32 s7, s2  }
0x1e: {  	s7 =	smul.u32 @!p0 $0xF7A, s2;
	p2 =	seq.s32 @!p0 s5, $0x0  }
0x1f: {  	s9 =	smul.u32 $0xF7A, s1;
	s8 =	simm.s32 @!p0 $0x1BF5;
	p2 =	por !p2, p0  }
0x20: {  	[sflag:s8] =	ssyncset.s32 @!p0 $0xFFFFF086;
	s6 =	sadd.s32 @!p0 s3, s7;
	s7 =	simm.s32 @!p0 $0x108  }
0x21: {  	s3 =	sadd.s32 s3, s9;
	s6 =	sadd.s32 @!p0 $0x88, s6;
	s7 =	simm.s32 @p2 $0x1082  }
0x22: {  	[simem:s7], [sflag:s8] =	dma.local @!p0 [hbm:s6], $0xF7A  }
0x23: {  	s9 =	sor.u32 $0xD0000000, s2;
	s6 =	simm.s32 $0x108;
	_ =	swait.ge @!p0 [sflag:s8], $0x0  }
0x24: {  	s3 =	sadd.s32 $0x88, s3;
	s6 =	simm.s32 @!p1 $0x1082;
	[sflag:s4] =	ssyncset.s32 $0xFFFFF086  }
0x25: {  	[simem:s6], [sflag:s4] =	dma.local [hbm:s3], $0xF7A  }
0x26: {  	[smem:$0x3F9F] =	sst s1;
	(tag) =	ssettag s2;
	_ =	strace s9  }
0x27: {  	s1 =	sld [smem:$0x3FAF]  }
0x28: {  	s2 =	sld [smem:$0x3FB0]  }
0x29: {  	s4 =	sld [smem:$0x3FB2]  }
0x2a: {  	p0 =	seq.s32 s5, $0x0;
	s5 =	sld [smem:$0x3FB3]  }
0x2b: {  	s6 =	sld [smem:$0x3FB4]  }
0x2c: {  	s7 =	sld [smem:$0x3FB5]  }
0x2d: {  	s3 =	simm.s32 $0x108;
	s8 =	sld [smem:$0x3FB6]  }
0x2e: {  	s3 =	simm.s32 @!p0 $0x1082;
	s9 =	sld [smem:$0x3FB7]  }
0x2f: {  	lr =	sadd.s32 s0, s3;
	s0 =	sld [smem:$0x3FAE]  }
0x30: {  	s3 =	sld [smem:$0x3FB1]  }
0x31: {  	[smem:$0x3FBA] =	sst s10  }
0x32: {  	s10 =	sld [smem:$0x3FB8];
	_ =	sdelay $0x3  }
0x33: {  	p0 =	seq.s32 s10, $0x1;
	s10 =	sld [smem:$0x3FBA];
	_ =	sdelay $0x3  }
0x34: {  	[smem:$0x3FBA] =	sst s10  }
0x35: {  	s10 =	sld [smem:$0x3FB9];
	_ =	sdelay $0x3  }
0x36: {  	p1 =	seq.s32 s10, $0x1;
	s10 =	sld [smem:$0x3FBA];
	_ =	sdelay $0x3  }
0x37: {  	[smem:$0x3FBA] =	sst s10  }
0x38: {  	s10 =	sld [smem:$0x3FBB]  }
0x39: {  	_ = 	snop;
	(pc) =	sbr.ind lr, $3  }
0x3a: {  	_ = 	snop  }
0x3b: {  	_ = 	snop  }
0x3c: {  	p2 =	seq.s32 s10, $0x1;
	s10 =	sld [smem:$0x3FBA]  }
0x3d: {  	_ =	shalt  }
0x3e: {  	_ =	shalt  }
0x3f: {  	_ =	shalt  }
0x40: {  	_ =	shalt  }
0x41: {  	_ =	shalt  }
0x42: {  	_ =	shalt  }
0x43: {  	_ =	shalt  }
0x44: {  	_ =	shalt  }
0x45: {  	_ =	shalt  }
0x46: {  	_ =	shalt  }
0x47: {  	_ =	shalt  }
0x48: {  	_ =	shalt  }
0x49: {  	_ =	shalt  }
0x4a: {  	_ =	shalt  }
0x4b: {  	_ =	shalt  }
0x4c: {  	_ =	shalt  }
0x4d: {  	_ =	shalt  }
0x4e: {  	_ =	shalt  }
0x4f: {  	_ =	shalt  }
0x50: {  	_ =	shalt  }
0x51: {  	_ =	shalt  }
0x52: {  	_ =	shalt  }
0x53: {  	_ =	shalt  }
0x54: {  	_ =	shalt  }
0x55: {  	_ =	shalt  }
0x56: {  	_ =	shalt  }
0x57: {  	_ =	shalt  }
0x58: {  	_ =	shalt  }
0x59: {  	_ =	shalt  }
0x5a: {  	_ =	shalt  }
0x5b: {  	_ =	shalt  }
0x5c: {  	_ =	shalt  }
0x5d: {  	_ =	shalt  }
0x5e: {  	_ =	shalt  }
0x5f: {  	_ =	shalt  }
0x60: {  	_ =	shalt  }
0x61: {  	_ =	shalt  }
0x62: {  	_ =	shalt  }
0x63: {  	_ =	shalt  }
0x64: {  	_ =	shalt  }
0x65: {  	_ =	shalt  }
0x66: {  	_ =	shalt  }
0x67: {  	_ =	shalt  }
0x68: {  	_ =	shalt  }
0x69: {  	_ =	shalt  }
0x6a: {  	_ =	shalt  }
0x6b: {  	_ =	shalt  }
0x6c: {  	_ =	shalt  }
0x6d: {  	_ =	shalt  }
0x6e: {  	_ =	shalt  }
0x6f: {  	_ =	shalt  }
0x70: {  	_ =	shalt  }
0x71: {  	_ =	shalt  }
0x72: {  	_ =	shalt  }
0x73: {  	_ =	shalt  }
0x74: {  	_ =	shalt  }
0x75: {  	_ =	shalt  }
0x76: {  	_ =	shalt  }
0x77: {  	_ =	shalt  }
0x78: {  	_ =	shalt  }
0x79: {  	_ =	shalt  }
0x7a: {  	_ =	shalt  }
0x7b: {  	_ =	shalt  }
0x7c: {  	_ =	shalt  }
0x7d: {  	_ =	shalt  }
0x7e: {  	_ =	shalt  }
0x7f: {  	_ =	shalt  }
0x80: {  	_ =	shalt  }
0x81: {  	_ =	shalt  }
0x82: {  	_ =	shalt  }
0x83: {  	_ =	shalt  }
0x84: {  	_ =	shalt  }
0x85: {  	_ =	shalt  }
0x86: {  	_ =	shalt  }
0x87: {  	_ =	shalt  }
.Lfunc_end0:
.L_simem_size_0:
called_computation_lowered:
.L_overlay_start_0:
0x88: {  	s2 =	sld [smem:$0x3FD9]  }
0x89: {  	s3 =	sld [smem:$0x3FFE];
	_ =	sdelay $0x1  }
0x8a: {  	s1 =	srdreg.scid  }
0x8b: {  	s0 =	sand.u32 $0x1, s1  }
0x8c: {  	s16 =	sshll.u32 s0, $0xA;
	s2 =	sadd.s32 s3, s2  }
0x8d: {  	s2 =	sadd.s32 s2, s16  }
0x8e: {  	[smem:$0x3FC6] =	sst s2  }
0x8f: {  	_ = 	snop  }
0x90: {  	(tm) =	ssettm $0x1  }
0x91: {  	s17 =	sld [smem:$0x3FFB];
	_ =	sdelay $0x3  }
0x92: {  	_ =	strace s17  }
0x93: {  	s2 =	sld [smem:$0x3FFC];
	_ =	sdelay $0x3  }
0x94: {  	_ =	strace s2  }
0x95: {  	s2 =	sld [smem:$0x3FFD];
	_ =	sdelay $0x3  }
0x96: {  	_ =	strace s2  }
0x97: {  	_ =	strace $0x8FFFFFFF  }
0x98: {  	s18 =	sld [smem:$0x3FDB];
	_ =	sdelay $0x1  }
0x99: {  	s19 =	simm.s32 $_scs_section_size  }
0x9a: {  	s4 =	simm.s32 $_size__tile_overlayer_lowered;
	s5 =	simm.s32 $_tile_overlayer_lowered  }
0x9b: {  	s22 =	simm.s32 $0x1BFF;
	s21 =	sshll.u32 s5, $0x1;
	s2 =	sadd.s32 s19, s18  }
0x9c: {  	s6 =	simm.s32 $0x0;
	s20 =	sshll.u32 s4, $0x1;
	s4 =	sadd.s32 s21, s2  }
0x9d: {  	[timem:s6], [sflag:s22] =	dma.local [hbm:s4], s20  }
0x9e: {  	_ =	swait.ge [sflag:s22], s20  }
0x9f: {  	s3 =	ssub.s32 $0x0, s20;
	[sflag:s22] =	ssyncset.done $0x0  }
0xa0: {  	[sflag:s22] =	ssyncadd.s32 s3;
	_ =	sdelay $0x1  }
0xa1: {  	s23 =	simm.s32 $0x1B8B  }
0xa2: {  	_ =	swait.ge [sflag:s23], $0x1  }
0xa3: {  	[sflag:s23] =	ssyncset.done $0x0  }
0xa4: {  	s25 =	simm.s32 $0x1B8E;
	s24 =	sld [smem:$0x3FFE];
	[sflag:s23] =	ssyncadd.s32 $0xFFFFFFFF  }
0xa5: {  	s26 =	simm.s32 $execute0_lowered;
	[smem:$0x3FD2] =	sst s25  }
0xa6: {  	s4 =	sshll.u32 s26, $0x1;
	_ =	strace $0x80000046;
	[dreg:$0x1] =	wrdreg $0xFFFFFFFF  }
0xa7: {  	s28 =	simm.s32 $_size_execute0_lowered;
	s2 =	sadd.s32 s2, s4;
	[dreg:$0x0] =	wrdreg $0x0  }
0xa8: {  	s4 =	sshll.u32 s28, $0x1;
	[dreg:$0x2] =	wrdreg s2  }
0xa9: {  	[dreg:$0x3] =	wrdreg s4  }
0xaa: {  	[dreg:$0x4] =	wrdreg $0xC0  }
0xab: {  	_ =	task [dreg:s6], $0x5FFFF  }
0xac: {  	[dreg:$0x1] =	wrdreg $0xFFFFFFFF  }
0xad: {  	[dreg:$0x0] =	wrdreg $0x60  }
0xae: {  	[dreg:$0x2] =	wrdreg s24  }
0xaf: {  	[dreg:$0x3] =	wrdreg $0x14E000  }
0xb0: {  	[dreg:$0x4] =	wrdreg $0x9  }
0xb1: {  	_ =	task.clear_ibuf [dreg:s6], $0x5FFFF;
	_ =	strace $0x90000046  }
0xb2: {  	s29 =	simm.s32 $0x9;
	_ =	strace $0x80000048  }
0xb3: {  	_ =	swait.ge [sflag:s29], $0x1  }
0xb4: {  	[sflag:s29] =	ssyncadd.s32 $0xFFFFFFFF  }
0xb5: {  	_ =	strace $0x90000048  }
0xb6: {  	_ =	sfence  }
0xb7: {  	s30 =	sld [smem:$0x0];
	_ =	sdelay $0x2  }
0xb8: {  	s31 =	sshll.u32 s1, $0xD;
	s1 =	sshrl.u32 s1, $0x2  }
0xb9: {  	s3 =	sand.u32 $0x4000, s31;
	s1 =	sadd.s32 s1, s30  }
0xba: {  	s0 =	sor.u32 s3, s0;
	s1 =	sshll.u32 s1, $0x11  }
0xbb: {  	s0 =	sor.u32 s1, s0  }
0xbc: {  	s0 =	sadd.s32 $0x8F2B, s0  }
0xbd: {  	[sflag:s0] =	ssyncadd.remote.s32 $0x1  }
0xbe: {  	_ =	sfence.sel $0xFFFF  }
0xbf: {  	[dreg:$0x0] =	wrdreg $0xFFFFFFFF;
	(pc) =	sbr.abs _section_cstart, $3  }
0xc0: {  	[dreg:$0x1] =	wrdreg $0xFFFFFFFF  }
0xc1: {  	_ =	task.clear_ibuf [dreg:s6], $0x2FFFF;
	_ =	strace $0x9FFFFFFF  }
0xc2: {  	(tm) =	ssettm $0x7FFFFFFF  }
0xc3: {  	_ =	shalt  }
tec
execute0_lowered:
.L_overlay_start_1:
0x0: {  	(tag) =	ssettag $0x1  }
0x1: {  	s0 =	rddreg [dreg:$0x0]  }
0x2: {  	s1 =	rddreg [dreg:$0x1];
	s2 =	srdreg.scid;
	s5 =	simm.s32 $0x0  }
0x3: {  	s3 =	stileid.u32;
	s29 =	simm.s32 $0x5200;
	s11 =	simm.s32 $0x1  }
0x4: {  	s12 =	simm.s32 $0x9;
	s13 =	simm.s32 $0x2;
	s15 =	smul.u32 $0x5000, s3  }
0x5: {  	s14 =	simm.s32 $0xA;
	s2 =	sand.u32 $0x1, s2;
	s20 =	smul.u32 $0x27000, s3  }
0x6: {  	[smem:$0x7FF] =	sst s5;
	s8 =	sadd.s32 $0x1600, s0;
	s24 =	smul.u32 $0x13800, s3  }
0x7: {  	s10 =	sadd.s32 $0x3C800, s0;
	s26 =	sadd.s32 $0x9C000, s1;
	s28 =	smul.u32 $0xA00, s3  }
0x8: {  	p0 =	sne.s32 s3, $0xF;
	s3 =	simm.s32 $0x0;
	s4 =	smul.u32 $0x13880, s2  }
0x9: {  	_ =	strace $0x80000047;
	s6 =	ssub.s32 $0x2, s2;
	[dreg:$0x3] =	wrdreg s10  }
0xa: {  	s25 =	sshll.u32 s2, $0x6;
	[dreg:$0xe] =	wrdreg s26;
	s2 =	sshll.u32 s2, $0x3  }
0xb: {  	s10 =	simm.s32 $0x5380;
	s5 =	sshrl.u32 s15, $0x3;
	s9 =	sshrl.u32 s6, $0x1  }
0xc: {  	s15 =	simm.s32 $0x3;
	s4 =	sadd.s32 s4, s0;
	s7 =	sadd.s32 s5, s0  }
0xd: {  	s0 =	sadd.s32 $0x3DC00, s0;
	s9 =	ssub.s32 s6, s9;
	s17 =	sadd.s32 s8, s5  }
0xe: {  	s16 =	sadd.s32 $0xB600, s7;
	s6 =	sadd.s32 $0x15600, s4;
	[dreg:$0x5] =	wrdreg s17  }
0xf: {  	s18 =	sadd.s32 $0x10, s17;
	s19 =	sadd.s32 $0x20, s17;
	[dreg:$0x4] =	wrdreg s16  }
0x10: {  	s5 =	sadd.s32 $0x30, s17;
	s21 =	sadd.s32 $0x40, s17;
	[dreg:$0x6] =	wrdreg s18  }
0x11: {  	s22 =	sadd.s32 $0x50, s17;
	s23 =	sadd.s32 $0x60, s17;
	[dreg:$0x7] =	wrdreg s19  }
0x12: {  	s4 =	sshrl.u32 s20, $0x2;
	s7 =	sadd.s32 $0x70, s17;
	[dreg:$0x8] =	wrdreg s5  }
0x13: {  	s2 =	sadd.s32 s2, s0;
	s31 =	smax.u32 s9, $0x1;
	[dreg:$0x9] =	wrdreg s21  }
0x14: {  	s20 =	sadd.s32 s28, s8;
	s8 =	simm.s32 $0x19;
	[dreg:$0xa] =	wrdreg s22  }
0x15: {  	s9 =	simm.s32 $0x12EC0;
	s17 =	simm.s32 $0x5;
	[dreg:$0xb] =	wrdreg s23  }
0x16: {  	[dreg:$0xc] =	wrdreg s7;
	s4 =	sadd.s32 s4, s1;
	s30 =	sadd.s32 $0x27000, s2  }
0x17: {  	[dreg:$0x11] =	wrdreg s31;
	s22 =	simm.s32 $0x7D;
	s16 =	simm.s32 $0xB  }
.Ltmp0:
0x18: {  	s18 =	simm.s32 $0xD;
	s19 =	simm.s32 $0x7;
	(pc) =	sbr.rel .LBB2_1-.Ltmp0, $4  }
0x19: {  	s7 =	simm.s32 $0xF;
	[dreg:$0xd] =	wrdreg s4;
	s4 =	sor.u32 s25, s24  }
0x1a: {  	s21 =	simm.s32 $0x10;
	s23 =	simm.s32 $0x15;
	s4 =	sshrl.u32 s4, $0x3  }
0x1b: {  	[dreg:$0x10] =	wrdreg s30;
	s25 =	simm.s32 $0xD100;
	s0 =	sadd.s32 s0, s4  }
0x1c: {  	s24 =	simm.s32 $0x16;
	s4 =	simm.s32 $0x8;
	[dreg:$0xf] =	wrdreg s0  }
.LBB2_4:
0x1d: {  	_ =	swait.ge [sflag:s4], $0x1F40  }
0x1e: {  	[sflag:s4] =	ssyncset.done $0x0  }
0x1f: {  	[sflag:s4] =	ssyncadd.s32 $0xFFFFE0C0  }
0x20: {  	_ =	swait.ge [sflag:s21], $0x80  }
0x21: {  	s9 =	simm.s32 $0x12EC0;
	[sflag:s21] =	ssyncset.done $0x0  }
0x22: {  	s10 =	simm.s32 $0x5380;
	s0 =	simm.s32 $0x11;
	[sflag:s21] =	ssyncadd.s32 $0xFFFFFF80  }
0x23: {  	[spmem:s1] =	stream.indirect.scatter.add.f32 [tilespmem:s9], [sflag:$0x18], $0x40, s10, s22, $0xb8;
	[tilespmem:$0x1EA40] =	vst v63  }
0x24: {  	_ =	swait.ge [sflag:s0], $0x1F40  }
0x25: {  	[sflag:s0] =	ssyncset.done $0x0  }
0x26: {  	s2 =	simm.s32 $0x12;
	[sflag:s0] =	ssyncadd.s32 $0xFFFFE0C0  }
0x27: {  	_ =	swait.ge [sflag:s2], $0x1F40  }
0x28: {  	[sflag:s2] =	ssyncset.done $0x0  }
0x29: {  	s3 =	simm.s32 $0x13;
	[sflag:s2] =	ssyncadd.s32 $0xFFFFE0C0  }
0x2a: {  	_ =	swait.ge [sflag:s3], $0x1F40  }
0x2b: {  	[sflag:s3] =	ssyncset.done $0x0  }
0x2c: {  	s5 =	simm.s32 $0x14;
	[sflag:s3] =	ssyncadd.s32 $0xFFFFE0C0  }
0x2d: {  	_ =	swait.ge [sflag:s5], $0x1F40  }
0x2e: {  	[sflag:s5] =	ssyncset.done $0x0  }
0x2f: {  	[sflag:s5] =	ssyncadd.s32 $0xFFFFE0C0  }
0x30: {  	_ =	swait.ge [sflag:s23], $0x1F40  }
0x31: {  	[sflag:s23] =	ssyncset.done $0x0  }
0x32: {  	[sflag:s23] =	ssyncadd.s32 $0xFFFFE0C0  }
0x33: {  	_ =	swait.ge [sflag:s24], $0x1F40  }
0x34: {  	[sflag:s24] =	ssyncset.done $0x0  }
0x35: {  	s8 =	simm.s32 $0x17;
	[sflag:s24] =	ssyncadd.s32 $0xFFFFE0C0  }
0x36: {  	_ =	swait.ge [sflag:s8], $0x1F40  }
0x37: {  	[sflag:s8] =	ssyncset.done $0x0  }
0x38: {  	s26 =	simm.s32 $0x18;
	[sflag:s8] =	ssyncadd.s32 $0xFFFFE0C0  }
0x39: {  	_ =	swait.ge [sflag:s26], $0x1F40  }
0x3a: {  	[sflag:s26] =	ssyncset.done $0x0  }
0x3b: {  	[sflag:s26] =	ssyncadd.s32 $0xFFFFE0C0  }
0x3c: {  	[bflag:$0x0] =	sbarrier.arrive $0xFFFF  }
0x3d: {  	s28 =	rddreg [dreg:$0xf]  }
0x3e: {  	s26 =	rddreg [dreg:$0x13]  }
0x3f: {  	s8 =	simm.s32 $0x19;
	s2 =	rddreg [dreg:$0x15]  }
0x40: {  	[hbm:s28@s21], [sflag:s26] =	dma.strided [spmem:s2@s4], $0x1380, s11, $0x8   }
0x41: {  	s0 =	simm.s32 @!p0 $0x1;
	_ =	swait.ge [sflag:s8], $0x1380  }
0x42: {  	s3 =	simm.s32 @!p0 $0x8;
	[sflag:s8] =	ssyncset.done $0x0;
	s5 =	rddreg [dreg:$0x10]  }
0x43: {  	s2 =	simm.s32 @!p0 $0x10;
	s28 =	rddreg [dreg:$0x14];
	[sflag:s8] =	ssyncadd.s32 $0xFFFFEC80  }
0x44: {  	[hbm:s5@s2], [sflag:s26] =	dma.strided @!p0 [spmem:s28@s3], $0x80, s0, $0x8   }
0x45: {  	s0 =	simm.s32 @!p0 $0x19  }
0x46: {  	_ =	swait.ge @!p0 [sflag:s0], $0x80  }
0x47: {  	s30 =	rddreg [dreg:$0x12]  }
0x48: {  	s31 =	rddreg [dreg:$0x11];
	s3 =	sadd.s32 $0x1, s30  }
0x49: {  	p1 =	sne.s32 s3, s31  }
.Ltmp1:
0x4a: {  	_ = 	snop;
	(pc) =	sbr.rel @!p1 .LBB2_5-.Ltmp1, $3  }
0x4b: {  	_ =	sdelay $0x1  }
0x4c: {  	[sflag:s0] =	ssyncset.done @!p0 $0x0  }
0x4d: {  	[sflag:s0] =	ssyncadd.s32 @!p0 $0xFFFFFF80  }
.LBB2_1:
0x4e: {  	[dreg:$0x12] =	wrdreg s3  }
0x4f: {  	s0 =	simm.s32 $0x0;
	s2 =	rddreg [dreg:$0x4]  }
0x50: {  	[tilespmem:s0], [sflag:$0x19] =	stream.linear.gather [hbm4b:s2+s0], $0x5000, $0x38;
	[tilespmem:$0x1EA40] =	vst v63  }
0x51: {  	_ =	swait.ge [sflag:s8], $0x5000  }
0x52: {  	[sflag:s8] =	ssyncset.done $0x0  }
0x53: {  	s26 =	simm.s32 $0x5400;
	[sflag:s8] =	ssyncadd.s32 $0xFFFFB000  }
0x54: {  	[tilespmem:s26], [sflag:$0x1] =	stream.indirect.gather [hbm4b:s6+s22], $0x40, s0, s22, $0xb8;
	[tilespmem:$0x1EA40] =	vst v63  }
0x55: {  	s31 =	simm.s32 $0x5000;
	s30 =	rddreg [dreg:$0x5]  }
0x56: {  	[tilespmem:s31], [sflag:$0x9] =	stream.linear.gather [hbm4b:s30+s0], $0x80, $0x38;
	[tilespmem:$0x1EA40] =	vst v63  }
0x57: {  	s5 =	simm.s32 $0x80;
	s26 =	simm.s32 $0x7340  }
0x58: {  	[tilespmem:s26], [sflag:$0x2] =	stream.indirect.gather [hbm4b:s6+s22], $0x40, s5, s22, $0xb8;
	[tilespmem:$0x1EA40] =	vst v63  }
0x59: {  	s30 =	rddreg [dreg:$0x6];
	s31 =	simm.s32 $0x5080  }
0x5a: {  	[tilespmem:s31], [sflag:$0xA] =	stream.linear.gather [hbm4b:s30+s0], $0x80, $0x38;
	[tilespmem:$0x1EA40] =	vst v63  }
0x5b: {  	s5 =	simm.s32 $0x100;
	s26 =	simm.s32 $0x9280  }
0x5c: {  	[tilespmem:s26], [sflag:$0x3] =	stream.indirect.gather [hbm4b:s6+s22], $0x40, s5, s22, $0xb8;
	[tilespmem:$0x1EA40] =	vst v63  }
0x5d: {  	s30 =	rddreg [dreg:$0x7];
	s31 =	simm.s32 $0x5100  }
0x5e: {  	[tilespmem:s31], [sflag:$0xB] =	stream.linear.gather [hbm4b:s30+s0], $0x80, $0x38;
	[tilespmem:$0x1EA40] =	vst v63  }
0x5f: {  	s3 =	simm.s32 $0x180;
	s5 =	simm.s32 $0xB1C0  }
0x60: {  	[tilespmem:s5], [sflag:$0x4] =	stream.indirect.gather [hbm4b:s6+s22], $0x40, s3, s22, $0xb8;
	[tilespmem:$0x1EA40] =	vst v63  }
0x61: {  	s26 =	rddreg [dreg:$0x8];
	s30 =	simm.s32 $0x5180  }
0x62: {  	[tilespmem:s30], [sflag:$0xC] =	stream.linear.gather [hbm4b:s26+s0], $0x80, $0x38;
	[tilespmem:$0x1EA40] =	vst v63  }
0x63: {  	s31 =	simm.s32 $0x200  }
0x64: {  	[tilespmem:s25], [sflag:$0x5] =	stream.indirect.gather [hbm4b:s6+s22], $0x40, s31, s22, $0xb8;
	[tilespmem:$0x1EA40] =	vst v63  }
0x65: {  	s3 =	rddreg [dreg:$0x9]  }
0x66: {  	[tilespmem:s29], [sflag:$0xD] =	stream.linear.gather [hbm4b:s3+s0], $0x80, $0x38;
	[tilespmem:$0x1EA40] =	vst v63  }
0x67: {  	s5 =	simm.s32 $0x280;
	s26 =	simm.s32 $0xF040  }
0x68: {  	[tilespmem:s26], [sflag:$0x6] =	stream.indirect.gather [hbm4b:s6+s22], $0x40, s5, s22, $0xb8;
	[tilespmem:$0x1EA40] =	vst v63  }
0x69: {  	s30 =	rddreg [dreg:$0xa];
	s31 =	simm.s32 $0x5280  }
0x6a: {  	[tilespmem:s31], [sflag:$0xE] =	stream.linear.gather [hbm4b:s30+s0], $0x80, $0x38;
	[tilespmem:$0x1EA40] =	vst v63  }
0x6b: {  	s5 =	simm.s32 $0x300;
	s26 =	simm.s32 $0x10F80  }
0x6c: {  	[tilespmem:s26], [sflag:$0x7] =	stream.indirect.gather [hbm4b:s6+s22], $0x40, s5, s22, $0xb8;
	[tilespmem:$0x1EA40] =	vst v63  }
0x6d: {  	s30 =	rddreg [dreg:$0xb];
	s31 =	simm.s32 $0x5300  }
0x6e: {  	[tilespmem:s31], [sflag:$0xF] =	stream.linear.gather [hbm4b:s30+s0], $0x80, $0x38;
	[tilespmem:$0x1EA40] =	vst v63  }
0x6f: {  	s5 =	simm.s32 $0x380;
	s30 =	rddreg [dreg:$0xd]  }
0x70: {  	[tilespmem:s9], [sflag:$0x8] =	stream.indirect.gather [hbm4b:s6+s22], $0x40, s5, s22, $0xb8;
	[tilespmem:$0x1EA40] =	vst v63  }
0x71: {  	s26 =	stileid.u32;
	s31 =	sshrl.u32 s30, $0x3;
	s9 =	rddreg [dreg:$0xc]  }
0x72: {  	[tilespmem:s10], [sflag:$0x10] =	stream.linear.gather [hbm4b:s9+s0], $0x80, $0x38;
	[tilespmem:$0x1EA40] =	vst v63  }
0x73: {  	[dreg:$0x15] =	wrdreg s31;
	s0 =	sshll.u32 s26, $0x6  }
0x74: {  	s3 =	sor.u32 $0x1C19, s0;
	s0 =	rddreg [dreg:$0x3]  }
0x75: {  	[spmem:s31], [sflag:s3] =	dma.local [hbm:s0], $0x1380  }
0x76: {  	_ =	swait.ge [sflag:s8], $0x1380  }
0x77: {  	s2 =	rddreg [dreg:$0xe]  }
0x78: {  	[dreg:$0x13] =	wrdreg s3;
	[sflag:s8] =	ssyncset.done $0x0;
	s2 =	sshrl.u32 @!p0 s2, $0x3  }
0x79: {  	[sflag:s8] =	ssyncadd.s32 $0xFFFFEC80;
	[dreg:$0x14] =	wrdreg s2  }
0x7a: {  	[spmem:s2], [sflag:s3] =	dma.local @!p0 [hbm:s0], $0x80  }
0x7b: {  	s0 =	simm.s32 @!p0 $0x19  }
0x7c: {  	_ =	swait.ge @!p0 [sflag:s0], $0x80  }
0x7d: {  	[sflag:s0] =	ssyncset.done @!p0 $0x0  }
0x7e: {  	s28 =	simm.s32 $0xFFFFFFF8;
	[sflag:s0] =	ssyncadd.s32 @!p0 $0xFFFFFF80  }
0x7f: {  	s26 =	simm.s32 $0x680;
	s2 =	simm.s32 $0x0;
	[bflag:$0x0] =	sbarrier.arrive $0xFFFF  }
.LBB2_2:
0x80: {  	_ =	swait.ge [sflag:s11], $0x1F40  }
0x81: {  	[sflag:s11] =	ssyncset.done $0x0  }
0x82: {  	[sflag:s11] =	ssyncadd.s32 $0xFFFFE0C0  }
0x83: {  	_ =	swait.ge [sflag:s12], $0x80  }
0x84: {  	s0 =	simm.s32 $0x5400;
	[sflag:s12] =	ssyncset.done $0x0  }
0x85: {  	s3 =	simm.s32 $0x5000;
	p1 =	sgt.u32 s28, $0x97;
	[sflag:s12] =	ssyncadd.s32 $0xFFFFFF80  }
0x86: {  	[spmem:s1] =	stream.indirect.scatter.add.f32 [tilespmem:s0], [sflag:$0x11], $0x40, s3, s22, $0xb8;
	[tilespmem:$0x1EA40] =	vst v63  }
0x87: {  	s0 =	simm.s32 @!p1 $0x17  }
0x88: {  	_ =	swait.ge @!p1 [sflag:s0], $0x1F40  }
0x89: {  	s30 =	simm.s32 @!p1 $0x7D;
	[sflag:s0] =	ssyncset.done @!p1 $0x0  }
0x8a: {  	s31 =	simm.s32 @!p1 $0x10F80;
	[sflag:s0] =	ssyncadd.s32 @!p1 $0xFFFFE0C0;
	s0 =	sadd.s32 @!p1 $0xFFFFFC80, s26  }
0x8b: {  	[tilespmem:s31], [sflag:$0x7] =	stream.indirect.gather @!p1 [hbm4b:s6+s30], $0x40, s0, s30, $0xb8;
	[tilespmem:$0x1EA40] =	vst v63  }
0x8c: {  	s0 =	sadd.s32 @!p1 s2, s20  }
0x8d: {  	s30 =	simm.s32 @!p1 $0x0;
	s31 =	simm.s32 @!p1 $0x5300;
	s0 =	sadd.s32 @!p1 $0x60, s0  }
0x8e: {  	[tilespmem:s31], [sflag:$0xF] =	stream.linear.gather @!p1 [hbm4b:s0+s30], $0x80, $0x38;
	[tilespmem:$0x1EA40] =	vst v63  }
0x8f: {  	_ =	swait.ge [sflag:s13], $0x1F40  }
0x90: {  	[sflag:s13] =	ssyncset.done $0x0  }
0x91: {  	[sflag:s13] =	ssyncadd.s32 $0xFFFFE0C0  }
0x92: {  	_ =	swait.ge [sflag:s14], $0x80  }
0x93: {  	s5 =	simm.s32 $0x7340;
	p1 =	seq.s32 s2, $0x0;
	[sflag:s14] =	ssyncset.done $0x0  }
0x94: {  	s8 =	simm.s32 $0x5080;
	s0 =	simm.s32 @!p1 $0x18;
	[sflag:s14] =	ssyncadd.s32 $0xFFFFFF80  }
0x95: {  	[spmem:s1] =	stream.indirect.scatter.add.f32 [tilespmem:s5], [sflag:$0x12], $0x40, s8, s22, $0xb8;
	[tilespmem:$0x1EA40] =	vst v63  }
0x96: {  	_ =	swait.ge @!p1 [sflag:s0], $0x1F40  }
0x97: {  	s30 =	simm.s32 @!p1 $0x7D;
	[sflag:s0] =	ssyncset.done @!p1 $0x0  }
0x98: {  	s31 =	simm.s32 @!p1 $0x12EC0;
	[sflag:s0] =	ssyncadd.s32 @!p1 $0xFFFFE0C0;
	s0 =	sadd.s32 @!p1 $0xFFFFFD00, s26  }
0x99: {  	[tilespmem:s31], [sflag:$0x8] =	stream.indirect.gather @!p1 [hbm4b:s6+s30], $0x40, s0, s30, $0xb8;
	[tilespmem:$0x1EA40] =	vst v63  }
0x9a: {  	s0 =	sadd.s32 @!p1 s2, s20  }
0x9b: {  	s30 =	simm.s32 @!p1 $0x0;
	s31 =	simm.s32 @!p1 $0x5380;
	s0 =	sadd.s32 @!p1 $0x70, s0  }
0x9c: {  	[tilespmem:s31], [sflag:$0x10] =	stream.linear.gather @!p1 [hbm4b:s0+s30], $0x80, $0x38;
	[tilespmem:$0x1EA40] =	vst v63  }
0x9d: {  	_ =	swait.ge [sflag:s15], $0x1F40  }
0x9e: {  	[sflag:s15] =	ssyncset.done $0x0  }
0x9f: {  	[sflag:s15] =	ssyncadd.s32 $0xFFFFE0C0  }
0xa0: {  	_ =	swait.ge [sflag:s16], $0x80  }
0xa1: {  	s9 =	simm.s32 $0x9280;
	p1 =	seq.s32 s2, $0x980;
	[sflag:s16] =	ssyncset.done $0x0  }
0xa2: {  	s10 =	simm.s32 $0x5100;
	s0 =	simm.s32 @p1 $0x4;
	[sflag:s16] =	ssyncadd.s32 $0xFFFFFF80  }
0xa3: {  	[spmem:s1] =	stream.indirect.scatter.add.f32 [tilespmem:s9], [sflag:$0x13], $0x40, s10, s22, $0xb8;
	[tilespmem:$0x1EA40] =	vst v63  }
0xa4: {  	_ =	swait.ge @p1 [sflag:s0], $0x1F40  }
0xa5: {  	[sflag:s0] =	ssyncset.done @p1 $0x0  }
0xa6: {  	[sflag:s0] =	ssyncadd.s32 @p1 $0xFFFFE0C0;
	s0 =	simm.s32 @p1 $0xC  }
0xa7: {  	_ =	swait.ge @p1 [sflag:s0], $0x80  }
0xa8: {  	s5 =	simm.s32 @p1 $0x7D;
	[sflag:s0] =	ssyncset.done @p1 $0x0  }
0xa9: {  	s30 =	simm.s32 @p1 $0xB1C0;
	[sflag:s0] =	ssyncadd.s32 @p1 $0xFFFFFF80;
	s0 =	simm.s32 @p1 $0x5180  }
0xaa: {  	[spmem:s1] =	stream.indirect.scatter.add.f32 @p1 [tilespmem:s30], [sflag:$0x14], $0x40, s0, s5, $0xb8;
	[tilespmem:$0x1EA40] =	vst v63  }
0xab: {  	s0 =	simm.s32 @!p1 $0x11  }
0xac: {  	_ =	swait.ge @!p1 [sflag:s0], $0x1F40  }
0xad: {  	s31 =	simm.s32 @!p1 $0x5400;
	[sflag:s0] =	ssyncset.done @!p1 $0x0  }
0xae: {  	s30 =	simm.s32 @!p1 $0x7D;
	[sflag:s0] =	ssyncadd.s32 @!p1 $0xFFFFE0C0;
	s0 =	sadd.s32 @!p1 $0xFFFFFD80, s26  }
0xaf: {  	[tilespmem:s31], [sflag:$0x1] =	stream.indirect.gather @!p1 [hbm4b:s6+s30], $0x40, s0, s30, $0xb8;
	[tilespmem:$0x1EA40] =	vst v63  }
0xb0: {  	s0 =	sadd.s32 @!p1 s2, s20  }
0xb1: {  	s9 =	simm.s32 @!p1 $0x5000;
	s31 =	simm.s32 @!p1 $0x0;
	s8 =	sadd.s32 @!p1 $0x80, s0  }
0xb2: {  	[tilespmem:s9], [sflag:$0x9] =	stream.linear.gather @!p1 [hbm4b:s8+s31], $0x80, $0x38;
	[tilespmem:$0x1EA40] =	vst v63  }
0xb3: {  	s8 =	simm.s32 @!p1 $0x4  }
0xb4: {  	_ =	swait.ge @!p1 [sflag:s8], $0x1F40  }
0xb5: {  	[sflag:s8] =	ssyncset.done @!p1 $0x0  }
0xb6: {  	[sflag:s8] =	ssyncadd.s32 @!p1 $0xFFFFE0C0;
	s8 =	simm.s32 @!p1 $0xC  }
0xb7: {  	_ =	swait.ge @!p1 [sflag:s8], $0x80  }
0xb8: {  	s10 =	simm.s32 @!p1 $0x12;
	[sflag:s8] =	ssyncset.done @!p1 $0x0  }
0xb9: {  	s9 =	simm.s32 @!p1 $0xB1C0;
	[sflag:s8] =	ssyncadd.s32 @!p1 $0xFFFFFF80;
	s8 =	simm.s32 @!p1 $0x5180  }
0xba: {  	[spmem:s1] =	stream.indirect.scatter.add.f32 @!p1 [tilespmem:s9], [sflag:$0x14], $0x40, s8, s30, $0xb8;
	[tilespmem:$0x1EA40] =	vst v63  }
0xbb: {  	_ =	swait.ge @!p1 [sflag:s10], $0x1F40  }
0xbc: {  	[sflag:s10] =	ssyncset.done @!p1 $0x0  }
0xbd: {  	s3 =	simm.s32 @!p1 $0x7340;
	[sflag:s10] =	ssyncadd.s32 @!p1 $0xFFFFE0C0;
	s10 =	sadd.s32 @!p1 $0xFFFFFE00, s26  }
0xbe: {  	[tilespmem:s3], [sflag:$0x2] =	stream.indirect.gather @!p1 [hbm4b:s6+s30], $0x40, s10, s30, $0xb8;
	[tilespmem:$0x1EA40] =	vst v63  }
0xbf: {  	s3 =	sadd.s32 @!p1 $0x90, s0;
	s10 =	simm.s32 @!p1 $0x5080  }
0xc0: {  	[tilespmem:s10], [sflag:$0xA] =	stream.linear.gather @!p1 [hbm4b:s3+s31], $0x80, $0x38;
	[tilespmem:$0x1EA40] =	vst v63  }
0xc1: {  	_ =	swait.ge [sflag:s17], $0x1F40  }
0xc2: {  	[sflag:s17] =	ssyncset.done $0x0  }
0xc3: {  	[sflag:s17] =	ssyncadd.s32 $0xFFFFE0C0  }
0xc4: {  	_ =	swait.ge [sflag:s18], $0x80  }
0xc5: {  	[sflag:s18] =	ssyncset.done $0x0  }
0xc6: {  	s3 =	simm.s32 @p1 $0x6;
	[sflag:s18] =	ssyncadd.s32 $0xFFFFFF80  }
0xc7: {  	[spmem:s1] =	stream.indirect.scatter.add.f32 [tilespmem:s25], [sflag:$0x15], $0x40, s29, s22, $0xb8;
	[tilespmem:$0x1EA40] =	vst v63  }
0xc8: {  	_ =	swait.ge @p1 [sflag:s3], $0x1F40  }
0xc9: {  	[sflag:s3] =	ssyncset.done @p1 $0x0  }
0xca: {  	[sflag:s3] =	ssyncadd.s32 @p1 $0xFFFFE0C0;
	s3 =	simm.s32 @p1 $0xE  }
0xcb: {  	_ =	swait.ge @p1 [sflag:s3], $0x80  }
0xcc: {  	[sflag:s3] =	ssyncset.done @p1 $0x0  }
0xcd: {  	s10 =	simm.s32 @p1 $0xF040;
	[sflag:s3] =	ssyncadd.s32 @p1 $0xFFFFFF80;
	s3 =	simm.s32 @p1 $0x5280  }
0xce: {  	[spmem:s1] =	stream.indirect.scatter.add.f32 @p1 [tilespmem:s10], [sflag:$0x16], $0x40, s3, s5, $0xb8;
	[tilespmem:$0x1EA40] =	vst v63  }
0xcf: {  	s3 =	simm.s32 @!p1 $0x13  }
0xd0: {  	_ =	swait.ge @!p1 [sflag:s3], $0x1F40  }
0xd1: {  	[sflag:s3] =	ssyncset.done @!p1 $0x0  }
0xd2: {  	s5 =	simm.s32 @!p1 $0x9280;
	[sflag:s3] =	ssyncadd.s32 @!p1 $0xFFFFE0C0;
	s3 =	sadd.s32 @!p1 $0xFFFFFE80, s26  }
0xd3: {  	[tilespmem:s5], [sflag:$0x3] =	stream.indirect.gather @!p1 [hbm4b:s6+s30], $0x40, s3, s30, $0xb8;
	[tilespmem:$0x1EA40] =	vst v63  }
0xd4: {  	s3 =	sadd.s32 @!p1 $0xA0, s0;
	s5 =	simm.s32 @!p1 $0x5100  }
0xd5: {  	[tilespmem:s5], [sflag:$0xB] =	stream.linear.gather @!p1 [hbm4b:s3+s31], $0x80, $0x38;
	[tilespmem:$0x1EA40] =	vst v63  }
0xd6: {  	s3 =	simm.s32 @!p1 $0x6  }
0xd7: {  	_ =	swait.ge @!p1 [sflag:s3], $0x1F40  }
0xd8: {  	[sflag:s3] =	ssyncset.done @!p1 $0x0  }
0xd9: {  	[sflag:s3] =	ssyncadd.s32 @!p1 $0xFFFFE0C0;
	s3 =	simm.s32 @!p1 $0xE  }
0xda: {  	_ =	swait.ge @!p1 [sflag:s3], $0x80  }
0xdb: {  	[sflag:s3] =	ssyncset.done @!p1 $0x0  }
0xdc: {  	s5 =	simm.s32 @!p1 $0xF040;
	[sflag:s3] =	ssyncadd.s32 @!p1 $0xFFFFFF80;
	s3 =	simm.s32 @!p1 $0x5280  }
0xdd: {  	[spmem:s1] =	stream.indirect.scatter.add.f32 @!p1 [tilespmem:s5], [sflag:$0x16], $0x40, s3, s30, $0xb8;
	[tilespmem:$0x1EA40] =	vst v63  }
0xde: {  	s3 =	simm.s32 @!p1 $0x14  }
0xdf: {  	_ =	swait.ge @!p1 [sflag:s3], $0x1F40  }
0xe0: {  	[sflag:s3] =	ssyncset.done @!p1 $0x0  }
0xe1: {  	[sflag:s3] =	ssyncadd.s32 @!p1 $0xFFFFE0C0;
	s3 =	sadd.s32 @!p1 $0xFFFFFF00, s26  }
0xe2: {  	[tilespmem:s9], [sflag:$0x4] =	stream.indirect.gather @!p1 [hbm4b:s6+s30], $0x40, s3, s30, $0xb8;
	[tilespmem:$0x1EA40] =	vst v63  }
0xe3: {  	s0 =	sadd.s32 @!p1 $0xB0, s0  }
0xe4: {  	[tilespmem:s8], [sflag:$0xC] =	stream.linear.gather @!p1 [hbm4b:s0+s31], $0x80, $0x38;
	[tilespmem:$0x1EA40] =	vst v63  }
0xe5: {  	_ =	swait.ge [sflag:s19], $0x1F40  }
0xe6: {  	[sflag:s19] =	ssyncset.done $0x0  }
.Ltmp2:
0xe7: {  	[sflag:s19] =	ssyncadd.s32 $0xFFFFE0C0;
	(pc) =	sbr.rel @p1 .LBB2_4-.Ltmp2, $4  }
0xe8: {  	_ =	swait.ge [sflag:s7], $0x80  }
0xe9: {  	[sflag:s7] =	ssyncset.done $0x0  }
0xea: {  	s30 =	simm.s32 $0x10F80;
	s31 =	simm.s32 $0x5300;
	[sflag:s7] =	ssyncadd.s32 $0xFFFFFF80  }
0xeb: {  	[spmem:s1] =	stream.indirect.scatter.add.f32 [tilespmem:s30], [sflag:$0x17], $0x40, s31, s22, $0xb8;
	[tilespmem:$0x1EA40] =	vst v63  }
0xec: {  	_ =	swait.ge [sflag:s23], $0x1F40  }
0xed: {  	[sflag:s23] =	ssyncset.done $0x0  }
0xee: {  	s0 =	sadd.s32 $0xFFFFFF80, s26;
	s9 =	sadd.s32 s2, s20;
	[sflag:s23] =	ssyncadd.s32 $0xFFFFE0C0  }
0xef: {  	[tilespmem:s25], [sflag:$0x5] =	stream.indirect.gather [hbm4b:s6+s22], $0x40, s0, s22, $0xb8;
	[tilespmem:$0x1EA40] =	vst v63  }
0xf0: {  	s5 =	simm.s32 $0x0;
	s3 =	sadd.s32 $0xC0, s9  }
0xf1: {  	[tilespmem:s29], [sflag:$0xD] =	stream.linear.gather [hbm4b:s3+s5], $0x80, $0x38;
	[tilespmem:$0x1EA40] =	vst v63  }
0xf2: {  	_ =	swait.ge [sflag:s4], $0x1F40  }
0xf3: {  	[sflag:s4] =	ssyncset.done $0x0  }
0xf4: {  	[sflag:s4] =	ssyncadd.s32 $0xFFFFE0C0  }
0xf5: {  	_ =	swait.ge [sflag:s21], $0x80  }
0xf6: {  	[sflag:s21] =	ssyncset.done $0x0  }
0xf7: {  	s10 =	simm.s32 $0x12EC0;
	s8 =	simm.s32 $0x5380;
	[sflag:s21] =	ssyncadd.s32 $0xFFFFFF80  }
0xf8: {  	[spmem:s1] =	stream.indirect.scatter.add.f32 [tilespmem:s10], [sflag:$0x18], $0x40, s8, s22, $0xb8;
	[tilespmem:$0x1EA40] =	vst v63  }
0xf9: {  	_ =	swait.ge [sflag:s24], $0x1F40  }
.Ltmp3:
0xfa: {  	s30 =	simm.s32 $0xF040;
	[sflag:s24] =	ssyncset.done $0x0;
	(pc) =	sbr.rel .LBB2_2-.Ltmp3, $4  }
0xfb: {  	s31 =	simm.s32 $0x5280;
	s2 =	sadd.s32 $0x80, s2;
	[sflag:s24] =	ssyncadd.s32 $0xFFFFE0C0  }
0xfc: {  	[tilespmem:s30], [sflag:$0x6] =	stream.indirect.gather [hbm4b:s6+s22], $0x40, s26, s22, $0xb8;
	[tilespmem:$0x1EA40] =	vst v63  }
0xfd: {  	s28 =	sadd.s32 $0x8, s28;
	s0 =	sadd.s32 $0xD0, s9;
	s26 =	sadd.s32 $0x400, s26  }
0xfe: {  	[tilespmem:s31], [sflag:$0xE] =	stream.linear.gather [hbm4b:s0+s5], $0x80, $0x38;
	[tilespmem:$0x1EA40] =	vst v63  }
.LBB2_5:
0xff: {  	_ =	sfence.sel $0x180000  }
0x100: {  	[bflag:$0x0] =	sbarrier.arrive $0xFFFF  }
0x101: {  	_ =	strace $0x90000047  }
0x102: {  	s0 =	stileid.u32;
	[bflag:$0x2] =	sbarrier.arrive $0xFFFF  }
0x103: {  	p0 =	sne.s32 s0, $0x0;
	s0 =	rddreg [dreg:$0x2]  }
0x104: {  	s0 =	sadd.s32 @!p0 $0x100000, s0  }
0x105: {  	[sflag:s0] =	ssyncadd.tile.s32 @!p0 $0x1;
	_ =	shalt  }
.Lfunc_end2:
_tile_overlayer_lowered:
.L_overlay_start_2:
0x106: {  	(tag) =	ssettag $0x2  }
0x107: {  	s0 =	rddreg [dreg:$0x0];
	s2 =	stileid.u32  }
0x108: {  	s1 =	rddreg [dreg:$0x1];
	p0 =	sne.s32 s2, $0x0  }
0x109: {  	s3 =	rddreg [dreg:$0x2];
	[bflag:$0x3] =	sbarrier.arrive $0xFFFF;
	s2 =	simm.s32 @!p0 $0x1C19  }
0x10a: {  	[timem:s3], [sflag:s2] =	dma.local @!p0 [hbm:s0], s1  }
0x10b: {  	s0 =	simm.s32 @!p0 $0x19  }
0x10c: {  	_ =	swait.ge @!p0 [sflag:s0], s1  }
0x10d: {  	s1 =	ssub.s32 @!p0 $0x0, s1;
	[sflag:s0] =	ssyncset.done @!p0 $0x0  }
0x10e: {  	[sflag:s0] =	ssyncadd.s32 @!p0 s1  }
0x10f: {  	[bflag:$0x3] =	sbarrier.arrive $0xFFFF  }
0x110: {  	_ =	shalt  }

</sc_bundles>
